<compile_context>
chip_gen: v7x
topology: tpu7x:2x2x1
jax: 0.10.2.dev20260603
libtpu: 0.0.44.dev20260713+nightly
codegen_flags: <defaults>
</compile_context>

<pallas_src>
import functools

import jax
import jax.numpy as jnp
from jax import lax
from jax.experimental import pallas as pl
from jax.experimental.pallas import tpu as pltpu
from jax.experimental.pallas import tpu_sc as plsc

M, C, B = 100000, 128, 16384
NC, NS = 2, 16
NW = NC * NS
BPW = B // NW
GCH = 128


def _gather_body(weights_hbm, weak_hbm, idx_hbm, wrows_out, wlrows_out,
                 idx_v, rows_v, sem):
    wid = lax.axis_index("s") * NC + lax.axis_index("c")
    base = wid * BPW
    pltpu.sync_copy(idx_hbm.at[pl.ds(base, BPW)], idx_v)
    for table, out in ((weights_hbm, wrows_out), (weak_hbm, wlrows_out)):
        handles = []
        for j in range(BPW // GCH):
            handles.append(pltpu.async_copy(
                table.at[idx_v.at[pl.ds(j * GCH, GCH)]],
                rows_v.at[pl.ds(j * GCH, GCH)], sem))
        for h in handles:
            h.wait()
        pltpu.sync_copy(rows_v, out.at[pl.ds(base, BPW)])


_gather_rows = pl.kernel(
    _gather_body,
    out_type=(jax.ShapeDtypeStruct((B, C), jnp.float32),
              jax.ShapeDtypeStruct((B, C), jnp.float32)),
    mesh=plsc.VectorSubcoreMesh(core_axis_name="c", subcore_axis_name="s"),
    cost_estimate=pl.CostEstimate(
        flops=0, transcendentals=0, bytes_accessed=34 * 1024 * 1024),
    scratch_types=[
        pltpu.VMEM((BPW,), jnp.int32),
        pltpu.VMEM((BPW, C), jnp.float32),
        pltpu.SemaphoreType.DMA,
    ],
)


_RB = 4096


def _dense_body(out_ref, tgt_ref, w_ref, wl_ref, loss_ref, nw_ref):
    x = out_ref[...]
    t = tgt_ref[...]
    w = w_ref[...]
    wl = wl_ref[...]
    m = jnp.max(x, axis=1, keepdims=True)
    xm = x - m
    lse = jnp.log(jnp.sum(jnp.exp(xm), axis=1, keepdims=True))
    logp = xm - lse
    part = jnp.sum(w * t * logp)

    @pl.when(pl.program_id(0) == 0)
    def _():
        loss_ref[0, 0] = 0.0

    loss_ref[0, 0] += -part
    nw = wl * x
    s = jnp.sum(nw.T, axis=0)
    nw_ref[...] = nw / s[:, None]


def _dense(output, targets, w_rows, wl_rows):
    bspec = pl.BlockSpec((_RB, C), lambda i: (i, 0))
    return pl.pallas_call(
        _dense_body,
        grid=(B // _RB,),
        in_specs=[bspec, bspec, bspec, bspec],
        out_specs=(
            pl.BlockSpec(memory_space=pltpu.SMEM),
            bspec,
        ),
        out_shape=(
            jax.ShapeDtypeStruct((1, 1), jnp.float32),
            jax.ShapeDtypeStruct((B, C), jnp.float32),
        ),
    )(output, targets, w_rows, wl_rows)


RPT = 3128
RPT_LAST = M - 31 * RPT
WPAD = 3152
CAP = 3408
K = 128


CH = 136
NCH = 23
SPP = 45


def _scatter_body(nw_hbm, idx_hbm, weights_hbm, out_hbm,
                  idx_v, winner_v, rows_v, bs_v, stage_r, stage_b,
                  stage_r2, stage_b2, buf_v, buf2_v, cb0, cb1, cb2, cb3,
                  sem, sem2, ci0, ci1, ci2, ci3, co0, co1, co2, co3):
    wid = lax.axis_index("s") * NC + lax.axis_index("c")
    base = wid * RPT
    rpt = jnp.where(wid == NW - 1, RPT_LAST, RPT)
    cbufs = [cb0, cb1, cb2, cb3]
    isems = [ci0, ci1, ci2, ci3]
    osems = [co0, co1, co2, co3]

    def cstart(p):
        return base + jnp.minimum(p * CH, rpt - CH)

    hin = {}
    hout = {}
    for p in range(4):
        hin[p] = pltpu.async_copy(
            weights_hbm.at[pl.ds(cstart(p), CH)], cbufs[p], isems[p])

    pltpu.sync_copy(idx_hbm, idx_v)
    lane = lax.iota(jnp.int32, 16)

    def init_body(i, _):
        winner_v[pl.ds(i * 16, 16)] = jnp.full((16,), -1, jnp.int32)
        return 0
    lax.fori_loop(0, WPAD // 16, init_body, 0)

    nxt = jnp.minimum(lane + 1, 15)

    def scan_body(i, _):
        v = idx_v[pl.ds(i * 16, 16)]
        local = v - base
        inr = (local >= 0) & (local < rpt)
        tgt = jnp.where(inr, local, RPT + lane)
        keys = tgt * 16 + lane
        ks, _ = plsc.sort_key_val(keys, lane)
        tgt_s = ks >> 4
        b_s = i * 16 + (ks & 15)
        tgt_n = ks.at[nxt].get(mode="promise_in_bounds") >> 4
        keep = ((tgt_s != tgt_n) | (lane == 15)) & (tgt_s < rpt)
        plsc.store_scatter(winner_v, [tgt_s], b_s, mask=keep)
        return 0

    for p in range(NCH):
        k = p % 4
        hin[p].wait()
        hout[p] = pltpu.async_copy(
            cbufs[k], out_hbm.at[pl.ds(cstart(p), CH)], osems[k])
        if p >= 3 and p + 1 < NCH:
            hout[p - 3].wait()
            hin[p + 1] = pltpu.async_copy(
                weights_hbm.at[pl.ds(cstart(p + 1), CH)],
                cbufs[(p + 1) % 4], isems[(p + 1) % 4])
        lo = p * SPP
        hi = min((p + 1) * SPP, B // 16)
        if lo < B // 16:
            lax.fori_loop(lo, hi, scan_body, 0)
    for p in range(NCH - 3, NCH):
        hout[p].wait()

    def comp_body(i, off):
        r = i * 16 + lane
        w = winner_v[pl.ds(i * 16, 16)]
        mgood = (w >= 0) & (r < rpt)
        plsc.store_compressed(rows_v.at[pl.ds(off, 16)], r + base, mask=mgood)
        plsc.store_compressed(bs_v.at[pl.ds(off, 16)], w, mask=mgood)
        return off + plsc.all_reduce_population_count(mgood)[0]
    n = lax.fori_loop(0, WPAD // 16, comp_body, 0)

    @pl.when(n > 0)
    def _():
        zero = jnp.zeros((16,), jnp.int32)
        row0 = plsc.load_gather(rows_v, [zero])
        b0 = plsc.load_gather(bs_v, [zero])
        for j in range(2 * K // 16):
            rows_v[pl.ds(n + j * 16, 16)] = row0
            bs_v[pl.ds(n + j * 16, 16)] = b0

        def pair_body(c, _):
            o = c * 2 * K
            for j in range(K // 16):
                stage_b[pl.ds(j * 16, 16)] = bs_v[pl.ds(o + j * 16, 16)]
                stage_r[pl.ds(j * 16, 16)] = rows_v[pl.ds(o + j * 16, 16)]
                stage_b2[pl.ds(j * 16, 16)] = bs_v[pl.ds(o + K + j * 16, 16)]
                stage_r2[pl.ds(j * 16, 16)] = rows_v[pl.ds(o + K + j * 16, 16)]
            g0 = pltpu.async_copy(nw_hbm.at[stage_b], buf_v, sem)
            g1 = pltpu.async_copy(nw_hbm.at[stage_b2], buf2_v, sem2)
            g0.wait()
            s0 = pltpu.async_copy(buf_v, out_hbm.at[stage_r], sem)
            g1.wait()
            s1 = pltpu.async_copy(buf2_v, out_hbm.at[stage_r2], sem2)
            s0.wait()
            s1.wait()
            return 0
        lax.fori_loop(0, (n + 2 * K - 1) // (2 * K), pair_body, 0)


_scatter_rows = pl.kernel(
    _scatter_body,
    out_type=jax.ShapeDtypeStruct((M, C), jnp.float32),
    mesh=plsc.VectorSubcoreMesh(core_axis_name="c", subcore_axis_name="s"),
    compiler_params=pltpu.CompilerParams(needs_layout_passes=False),
    scratch_types=[
        pltpu.VMEM((B,), jnp.int32),
        pltpu.VMEM((WPAD,), jnp.int32),
        pltpu.VMEM((CAP,), jnp.int32),
        pltpu.VMEM((CAP,), jnp.int32),
        pltpu.VMEM((K,), jnp.int32),
        pltpu.VMEM((K,), jnp.int32),
        pltpu.VMEM((K,), jnp.int32),
        pltpu.VMEM((K,), jnp.int32),
        pltpu.VMEM((K, C), jnp.float32),
        pltpu.VMEM((K, C), jnp.float32),
        pltpu.VMEM((CH, C), jnp.float32),
        pltpu.VMEM((CH, C), jnp.float32),
        pltpu.VMEM((CH, C), jnp.float32),
        pltpu.VMEM((CH, C), jnp.float32),
        pltpu.SemaphoreType.DMA,
        pltpu.SemaphoreType.DMA,
        pltpu.SemaphoreType.DMA,
        pltpu.SemaphoreType.DMA,
        pltpu.SemaphoreType.DMA,
        pltpu.SemaphoreType.DMA,
        pltpu.SemaphoreType.DMA,
        pltpu.SemaphoreType.DMA,
        pltpu.SemaphoreType.DMA,
        pltpu.SemaphoreType.DMA,
    ],
)


def kernel(output, targets, indices, weak_labels, weights):
    w_rows, wl_rows = _gather_rows(weights, weak_labels, indices)
    loss, new_weights = _dense(output, targets, w_rows, wl_rows)
    weights_new = _scatter_rows(new_weights, indices, weights)
    return loss[0, 0], weights_new

# --- scband reference (transcript-rebuilt; emitter-appended) ---
"""Pipeline reference for scband-partial-loss2-6416681141154 (READ-ONLY COPY).

The authoritative reference and input builder live on the scoring server;
editing this copy changes nothing except your own understanding.
"""

import jax, jax.numpy as jnp
import numpy as np

M, C, B = 100000, 128, 16384


def setup_inputs(seed: int = 0) -> dict:
    key = jax.random.key(seed)
    k1, k2, k3, k4 = jax.random.split(key, 4)
    weak_labels = jax.random.uniform(k1, (M, C), dtype=jnp.float32)
    weights = weak_labels / jnp.sum(weak_labels, axis=1, keepdims=True)
    output = jax.random.normal(k2, (B, C), dtype=jnp.float32)
    targets = jax.random.uniform(k3, (B, C), dtype=jnp.float32)
    indices = jax.random.randint(k4, (B,), 0, M, dtype=jnp.int32)
    return {"output": output, "targets": targets, "indices": indices,
            "weak_labels": weak_labels, "weights": weights}


def reference(output, targets, indices, weak_labels, weights):
    # p = softmax(output) (computed in the torch module; logp used in the loss)
    p = jax.nn.softmax(output, axis=1)
    logp = jax.nn.log_softmax(output, axis=1)
    # gather: weights[indices] -> [B, C]
    w_idx = jnp.take(weights, indices, axis=0)
    L = -jnp.sum(w_idx * targets * logp)
    # memory update: new per-row weights from weak_labels[indices] * detached output,
    # normalized, then scatter-overwrite into the weights table
    wl_idx = jnp.take(weak_labels, indices, axis=0)
    new_weights = wl_idx * jax.lax.stop_gradient(output)
    new_weights = new_weights / jnp.sum(new_weights, axis=1, keepdims=True)
    weights_new = weights.at[indices].set(new_weights)
    return L, weights_new


if False:  # reference __main__ guard neutralized (emitter)
    inp = setup_inputs()
    out = reference(**inp)
    print(out[0], out[1].shape)

if __name__ == "__main__":
    import jax
    _d = setup_inputs()
    print(jax.jit(kernel)(*tuple(_d.values())))

</pallas_src>

<mosaic_0001>
#map = affine_map<(d0, d1) -> (0, 0)>
#map1 = affine_map<(d0, d1) -> (0)>
module attributes {stable_mosaic.version = 14 : i64} {
  func.func @_scatter_body(%arg0: i32, %arg1: i32, %arg2: memref<16384x128xf32, #tpu.memory_space<hbm>>, %arg3: memref<16384xi32, #tpu.memory_space<hbm>>, %arg4: memref<100000x128xf32, #tpu.memory_space<hbm>>, %arg5: memref<100000x128xf32, #tpu.memory_space<hbm>>, %arg6: memref<16384xi32, #tpu.memory_space<vmem>>, %arg7: memref<3152xi32, #tpu.memory_space<vmem>>, %arg8: memref<3408xi32, #tpu.memory_space<vmem>>, %arg9: memref<3408xi32, #tpu.memory_space<vmem>>, %arg10: memref<128xi32, #tpu.memory_space<vmem>>, %arg11: memref<128xi32, #tpu.memory_space<vmem>>, %arg12: memref<128xi32, #tpu.memory_space<vmem>>, %arg13: memref<128xi32, #tpu.memory_space<vmem>>, %arg14: memref<128x128xf32, #tpu.memory_space<vmem>>, %arg15: memref<128x128xf32, #tpu.memory_space<vmem>>, %arg16: memref<136x128xf32, #tpu.memory_space<vmem>>, %arg17: memref<136x128xf32, #tpu.memory_space<vmem>>, %arg18: memref<136x128xf32, #tpu.memory_space<vmem>>, %arg19: memref<136x128xf32, #tpu.memory_space<vmem>>, %arg20: memref<!tpu.dma_semaphore, #tpu.memory_space<semaphore_mem>>, %arg21: memref<!tpu.dma_semaphore, #tpu.memory_space<semaphore_mem>>, %arg22: memref<!tpu.dma_semaphore, #tpu.memory_space<semaphore_mem>>, %arg23: memref<!tpu.dma_semaphore, #tpu.memory_space<semaphore_mem>>, %arg24: memref<!tpu.dma_semaphore, #tpu.memory_space<semaphore_mem>>, %arg25: memref<!tpu.dma_semaphore, #tpu.memory_space<semaphore_mem>>, %arg26: memref<!tpu.dma_semaphore, #tpu.memory_space<semaphore_mem>>, %arg27: memref<!tpu.dma_semaphore, #tpu.memory_space<semaphore_mem>>, %arg28: memref<!tpu.dma_semaphore, #tpu.memory_space<semaphore_mem>>, %arg29: memref<!tpu.dma_semaphore, #tpu.memory_space<semaphore_mem>>) attributes {dimension_semantics = [#tpu.dimension_semantics<core_parallel>, #tpu.dimension_semantics<subcore_parallel>], iteration_bounds = array<i64: 2, 16>, scalar_prefetch = 0 : i64, scratch_operands = 24 : i64, tpu.core_type = #tpu.core_type<sc_vector_subcore>, window_params = [{transform_indices = #map}, {transform_indices = #map1}, {transform_indices = #map}, {transform_indices = #map}]} {
    %mul3A = arith.constant 2 : i32
    %mul3A_0 = arith.muli %arg1, %mul3A : i32
    %add3A = arith.addi %mul3A_0, %arg0 : i32
    %mul3A_1 = arith.constant 3128 : i32
    %mul3A_2 = arith.muli %add3A, %mul3A_1 : i32
    %eq3A = arith.constant 31 : i32
    %eq3A_3 = arith.cmpi eq, %add3A, %eq3A : i32
    %jit3A = arith.constant 3032 : i32
    %jit3A_4 = arith.constant 3128 : i32
    %select_n3A = arith.select %eq3A_3, %jit3A, %jit3A_4 : i32
    %sub3A = arith.constant 136 : i32
    %sub3A_5 = arith.subi %select_n3A, %sub3A : i32
    %min3A = arith.constant 0 : i32
    %min3A_6 = arith.minsi %min3A, %sub3A_5 : i32
    %add3A_7 = arith.addi %mul3A_2, %min3A_6 : i32
    %dma_start3A = arith.constant 0 : i32
    %dma_start3A_8 = tpu.memref_slice %arg4[%add3A_7, %dma_start3A] : memref<100000x128xf32, #tpu.memory_space<hbm>> -> memref<136x128xf32, #tpu.memory_space<hbm>>
    %dma_start3A_9 = arith.constant 0 : i32
    %dma_start3A_10 = tpu.memref_slice %arg4[%add3A_7, %dma_start3A_9] : memref<100000x128xf32, #tpu.memory_space<hbm>> -> memref<136x128xf32, #tpu.memory_space<hbm>>
    tpu.enqueue_dma source(%dma_start3A_10 : memref<136x128xf32, #tpu.memory_space<hbm>>) target(%arg16 : memref<136x128xf32, #tpu.memory_space<vmem>>) target_semaphore(%arg22 : memref<!tpu.dma_semaphore, #tpu.memory_space<semaphore_mem>>)
    %sub3A_11 = arith.constant 136 : i32
    %sub3A_12 = arith.subi %select_n3A, %sub3A_11 : i32
    %min3A_13 = arith.constant 136 : i32
    %min3A_14 = arith.minsi %min3A_13, %sub3A_12 : i32
    %add3A_15 = arith.addi %mul3A_2, %min3A_14 : i32
    %dma_start3A_16 = arith.constant 0 : i32
    %dma_start3A_17 = tpu.memref_slice %arg4[%add3A_15, %dma_start3A_16] : memref<100000x128xf32, #tpu.memory_space<hbm>> -> memref<136x128xf32, #tpu.memory_space<hbm>>
    %dma_start3A_18 = arith.constant 0 : i32
    %dma_start3A_19 = tpu.memref_slice %arg4[%add3A_15, %dma_start3A_18] : memref<100000x128xf32, #tpu.memory_space<hbm>> -> memref<136x128xf32, #tpu.memory_space<hbm>>
    tpu.enqueue_dma source(%dma_start3A_19 : memref<136x128xf32, #tpu.memory_space<hbm>>) target(%arg17 : memref<136x128xf32, #tpu.memory_space<vmem>>) target_semaphore(%arg23 : memref<!tpu.dma_semaphore, #tpu.memory_space<semaphore_mem>>)
    %sub3A_20 = arith.constant 136 : i32
    %sub3A_21 = arith.subi %select_n3A, %sub3A_20 : i32
    %min3A_22 = arith.constant 272 : i32
    %min3A_23 = arith.minsi %min3A_22, %sub3A_21 : i32
    %add3A_24 = arith.addi %mul3A_2, %min3A_23 : i32
    %dma_start3A_25 = arith.constant 0 : i32
    %dma_start3A_26 = tpu.memref_slice %arg4[%add3A_24, %dma_start3A_25] : memref<100000x128xf32, #tpu.memory_space<hbm>> -> memref<136x128xf32, #tpu.memory_space<hbm>>
    %dma_start3A_27 = arith.constant 0 : i32
    %dma_start3A_28 = tpu.memref_slice %arg4[%add3A_24, %dma_start3A_27] : memref<100000x128xf32, #tpu.memory_space<hbm>> -> memref<136x128xf32, #tpu.memory_space<hbm>>
    tpu.enqueue_dma source(%dma_start3A_28 : memref<136x128xf32, #tpu.memory_space<hbm>>) target(%arg18 : memref<136x128xf32, #tpu.memory_space<vmem>>) target_semaphore(%arg24 : memref<!tpu.dma_semaphore, #tpu.memory_space<semaphore_mem>>)
    %sub3A_29 = arith.constant 136 : i32
    %sub3A_30 = arith.subi %select_n3A, %sub3A_29 : i32
    %min3A_31 = arith.constant 408 : i32
    %min3A_32 = arith.minsi %min3A_31, %sub3A_30 : i32
    %add3A_33 = arith.addi %mul3A_2, %min3A_32 : i32
    %dma_start3A_34 = arith.constant 0 : i32
    %dma_start3A_35 = tpu.memref_slice %arg4[%add3A_33, %dma_start3A_34] : memref<100000x128xf32, #tpu.memory_space<hbm>> -> memref<136x128xf32, #tpu.memory_space<hbm>>
    %dma_start3A_36 = arith.constant 0 : i32
    %dma_start3A_37 = tpu.memref_slice %arg4[%add3A_33, %dma_start3A_36] : memref<100000x128xf32, #tpu.memory_space<hbm>> -> memref<136x128xf32, #tpu.memory_space<hbm>>
    tpu.enqueue_dma source(%dma_start3A_37 : memref<136x128xf32, #tpu.memory_space<hbm>>) target(%arg19 : memref<136x128xf32, #tpu.memory_space<vmem>>) target_semaphore(%arg25 : memref<!tpu.dma_semaphore, #tpu.memory_space<semaphore_mem>>)
    "tpu.region"() ({
      %run_scoped3A = tpu.sem_alloc : memref<!tpu.dma_semaphore, #tpu.memory_space<semaphore_mem>>
      tpu.enqueue_dma source(%arg3 : memref<16384xi32, #tpu.memory_space<hbm>>) target(%arg6 : memref<16384xi32, #tpu.memory_space<vmem>>) target_semaphore(%run_scoped3A : memref<!tpu.dma_semaphore, #tpu.memory_space<semaphore_mem>>)
      tpu.wait_dma2 semaphore(%run_scoped3A : memref<!tpu.dma_semaphore, #tpu.memory_space<semaphore_mem>>) src(%arg3 : memref<16384xi32, #tpu.memory_space<hbm>>) dst(%arg6 : memref<16384xi32, #tpu.memory_space<vmem>>)
      tpu.yield
    }) : () -> ()
    %iota3A = tpu.iota {dimensions = array<i32: 0>} : vector<16xi32>
    %scan3A = arith.constant 0 : i32
    %scan3A_38 = arith.constant 0 : i32
    %scan3A_39 = arith.constant 197 : i32
    %scan3A_40 = arith.addi %scan3A_38, %scan3A_39 : i32
    %scan3A_41 = arith.constant 1 : i32
    %scan3A_42 = scf.for %scan3A_777 = %scan3A_38 to %scan3A_40 step %scan3A_41 iter_args(%scan3A_778 = %scan3A) -> (i32)  : i32 {
      %broadcast_in_dim3A = arith.constant -1 : i32
      %broadcast_in_dim3A_779 = vector.broadcast %broadcast_in_dim3A : i32 to vector<16xi32>
      %mul3A_780 = arith.constant 16 : i32
      %mul3A_781 = arith.muli %scan3A_777, %mul3A_780 : i32
      %swap3A = arith.index_cast %mul3A_781 : i32 to index
      %swap3A_782 = tpu.vector_load %arg7[%swap3A] {strides = array<i32>} : memref<3152xi32, #tpu.memory_space<vmem>>, vector<16xi32>,
      tpu.vector_store %arg7[%swap3A], %broadcast_in_dim3A_779 {strides = array<i32>} : memref<3152xi32, #tpu.memory_space<vmem>>, vector<16xi32>,
      %scan3A_783 = arith.constant 0 : i32
      scf.yield %scan3A_783 : i32
    }
    %scan3A_43 = arith.constant 197 : i32
    %add3A_44 = arith.constant 1 : i32
    %add3A_45 = vector.broadcast %add3A_44 : i32 to vector<16xi32>
    %add3A_46 = arith.addi %iota3A, %add3A_45 : vector<16xi32>
    %min3A_47 = arith.constant 15 : i32
    %min3A_48 = vector.broadcast %min3A_47 : i32 to vector<16xi32>
    %min3A_49 = arith.minsi %add3A_46, %min3A_48 : vector<16xi32>
    %dma_wait3A = arith.constant 0 : i32
    %dma_wait3A_50 = tpu.memref_slice %arg4[%add3A_7, %dma_wait3A] : memref<100000x128xf32, #tpu.memory_space<hbm>> -> memref<136x128xf32, #tpu.memory_space<hbm>>
    %dma_wait3A_51 = arith.constant 0 : i32
    %dma_wait3A_52 = tpu.memref_slice %arg4[%add3A_7, %dma_wait3A_51] : memref<100000x128xf32, #tpu.memory_space<hbm>> -> memref<136x128xf32, #tpu.memory_space<hbm>>
    tpu.wait_dma2 semaphore(%arg22 : memref<!tpu.dma_semaphore, #tpu.memory_space<semaphore_mem>>) src(%dma_wait3A_52 : memref<136x128xf32, #tpu.memory_space<hbm>>) dst(%arg16 : memref<136x128xf32, #tpu.memory_space<vmem>>)
    %sub3A_53 = arith.constant 136 : i32
    %sub3A_54 = arith.subi %select_n3A, %sub3A_53 : i32
    %min3A_55 = arith.constant 0 : i32
    %min3A_56 = arith.minsi %min3A_55, %sub3A_54 : i32
    %add3A_57 = arith.addi %mul3A_2, %min3A_56 : i32
    %dma_start3A_58 = arith.constant 0 : i32
    %dma_start3A_59 = tpu.memref_slice %arg5[%add3A_57, %dma_start3A_58] : memref<100000x128xf32, #tpu.memory_space<hbm>> -> memref<136x128xf32, #tpu.memory_space<hbm>>
    %dma_start3A_60 = arith.constant 0 : i32
    %dma_start3A_61 = tpu.memref_slice %arg5[%add3A_57, %dma_start3A_60] : memref<100000x128xf32, #tpu.memory_space<hbm>> -> memref<136x128xf32, #tpu.memory_space<hbm>>
    tpu.enqueue_dma source(%arg16 : memref<136x128xf32, #tpu.memory_space<vmem>>) target(%dma_start3A_61 : memref<136x128xf32, #tpu.memory_space<hbm>>) target_semaphore(%arg26 : memref<!tpu.dma_semaphore, #tpu.memory_space<semaphore_mem>>)
    %scan3A_62 = arith.constant 0 : i32
    %scan3A_63 = arith.constant 0 : i32
    %scan3A_64 = arith.constant 45 : i32
    %scan3A_65 = arith.addi %scan3A_63, %scan3A_64 : i32
    %scan3A_66 = arith.constant 1 : i32
    %scan3A_67 = scf.for %scan3A_777 = %scan3A_63 to %scan3A_65 step %scan3A_66 iter_args(%scan3A_778 = %scan3A_62) -> (i32)  : i32 {
      %mul3A_779 = arith.constant 16 : i32
      %mul3A_780 = arith.muli %scan3A_777, %mul3A_779 : i32
      %get3A = arith.index_cast %mul3A_780 : i32 to index
      %get3A_781 = tpu.vector_load %arg6[%get3A] {strides = array<i32>} : memref<16384xi32, #tpu.memory_space<vmem>>, vector<16xi32>,
      %sub3A_782 = vector.broadcast %mul3A_2 : i32 to vector<16xi32>
      %sub3A_783 = arith.subi %get3A_781, %sub3A_782 : vector<16xi32>
      %ge3A = arith.constant 0 : i32
      %ge3A_784 = vector.broadcast %ge3A : i32 to vector<16xi32>
      %ge3A_785 = arith.cmpi sge, %sub3A_783, %ge3A_784 : vector<16xi32>
      %lt3A = vector.broadcast %select_n3A : i32 to vector<16xi32>
      %lt3A_786 = arith.cmpi slt, %sub3A_783, %lt3A : vector<16xi32>
      %and3A = arith.andi %ge3A_785, %lt3A_786 : vector<16xi1>
      %add3A_787 = arith.constant 3128 : i32
      %add3A_788 = vector.broadcast %add3A_787 : i32 to vector<16xi32>
      %add3A_789 = arith.addi %add3A_788, %iota3A : vector<16xi32>
      %select_n3A_790 = arith.select %and3A, %sub3A_783, %add3A_789 : vector<16xi1>, vector<16xi32>
      %mul3A_791 = arith.constant 16 : i32
      %mul3A_792 = vector.broadcast %mul3A_791 : i32 to vector<16xi32>
      %mul3A_793 = arith.muli %select_n3A_790, %mul3A_792 : vector<16xi32>
      %add3A_794 = arith.addi %mul3A_793, %iota3A : vector<16xi32>
      %masked_sort3A = arith.constant dense<true> : vector<16xi1>
      %masked_sort3A_795 = arith.constant -2147483648 : i32
      %masked_sort3A_796 = vector.broadcast %masked_sort3A_795 : i32 to vector<16xi32>
      %masked_sort3A_797 = arith.xori %add3A_794, %masked_sort3A_796 : vector<16xi32>
      %masked_sort3A_798, %masked_sort3A_799, %masked_sort3A_800 = tpu.sort %masked_sort3A_797, %iota3A masked %masked_sort3A : (vector<16xi32>, vector<16xi32>, vector<16xi1>) -> (vector<16xi1>, vector<16xi32>, vector<16xi32>)
      %masked_sort3A_801 = arith.xori %masked_sort3A_799, %masked_sort3A_796 : vector<16xi32>
      %shift_right_arithmetic3A = arith.constant 4 : i32
      %shift_right_arithmetic3A_802 = vector.broadcast %shift_right_arithmetic3A : i32 to vector<16xi32>
      %shift_right_arithmetic3A_803 = arith.shrsi %masked_sort3A_801, %shift_right_arithmetic3A_802 : vector<16xi32>
      %mul3A_804 = arith.constant 16 : i32
      %mul3A_805 = arith.muli %scan3A_777, %mul3A_804 : i32
      %and3A_806 = arith.constant 15 : i32
      %and3A_807 = vector.broadcast %and3A_806 : i32 to vector<16xi32>
      %and3A_808 = arith.andi %masked_sort3A_801, %and3A_807 : vector<16xi32>
      %add3A_809 = vector.broadcast %mul3A_805 : i32 to vector<16xi32>
      %add3A_810 = arith.addi %add3A_809, %and3A_808 : vector<16xi32>
      %lt3A_811 = arith.constant 0 : i32
      %lt3A_812 = vector.broadcast %lt3A_811 : i32 to vector<16xi32>
      %lt3A_813 = arith.cmpi slt, %min3A_49, %lt3A_812 : vector<16xi32>
      %add3A_814 = arith.constant 16 : i32
      %add3A_815 = vector.broadcast %add3A_814 : i32 to vector<16xi32>
      %add3A_816 = arith.addi %min3A_49, %add3A_815 : vector<16xi32>
      %select_n3A_817 = arith.select %lt3A_813, %add3A_816, %min3A_49 : vector<16xi1>, vector<16xi32>
      %broadcast_in_dim3A = vector.shape_cast %select_n3A_817 : vector<16xi32> to vector<16x1xi32>
      %gather3A = vector.shape_cast %broadcast_in_dim3A : vector<16x1xi32> to vector<16xi32>
      %gather3A_818 = tpu.dynamic_gather %masked_sort3A_801[%gather3A] in [0] : vector<16xi32>, vector<16xi32> -> vector<16xi32>
      %shift_right_arithmetic3A_819 = arith.constant 4 : i32
      %shift_right_arithmetic3A_820 = vector.broadcast %shift_right_arithmetic3A_819 : i32 to vector<16xi32>
      %shift_right_arithmetic3A_821 = arith.shrsi %gather3A_818, %shift_right_arithmetic3A_820 : vector<16xi32>
      %ne3A = arith.cmpi ne, %shift_right_arithmetic3A_803, %shift_right_arithmetic3A_821 : vector<16xi32>
      %eq3A_822 = arith.constant 15 : i32
      %eq3A_823 = vector.broadcast %eq3A_822 : i32 to vector<16xi32>
      %eq3A_824 = arith.cmpi eq, %iota3A, %eq3A_823 : vector<16xi32>
      %or3A = arith.ori %ne3A, %eq3A_824 : vector<16xi1>
      %lt3A_825 = vector.broadcast %select_n3A : i32 to vector<16xi32>
      %lt3A_826 = arith.cmpi slt, %shift_right_arithmetic3A_803, %lt3A_825 : vector<16xi32>
      %and3A_827 = arith.andi %or3A, %lt3A_826 : vector<16xi1>
      tpu.vector_store_idx %arg7[%shift_right_arithmetic3A_803], %add3A_810 masked %and3A_827 : memref<3152xi32, #tpu.memory_space<vmem>>[vector<16xi32>], vector<16xi32>, vector<16xi1>
      %scan3A_828 = arith.constant 0 : i32
      scf.yield %scan3A_828 : i32
    }
    %scan3A_68 = arith.constant 45 : i32
    %dma_wait3A_69 = arith.constant 0 : i32
    %dma_wait3A_70 = tpu.memref_slice %arg4[%add3A_15, %dma_wait3A_69] : memref<100000x128xf32, #tpu.memory_space<hbm>> -> memref<136x128xf32, #tpu.memory_space<hbm>>
    %dma_wait3A_71 = arith.constant 0 : i32
    %dma_wait3A_72 = tpu.memref_slice %arg4[%add3A_15, %dma_wait3A_71] : memref<100000x128xf32, #tpu.memory_space<hbm>> -> memref<136x128xf32, #tpu.memory_space<hbm>>
    tpu.wait_dma2 semaphore(%arg23 : memref<!tpu.dma_semaphore, #tpu.memory_space<semaphore_mem>>) src(%dma_wait3A_72 : memref<136x128xf32, #tpu.memory_space<hbm>>) dst(%arg17 : memref<136x128xf32, #tpu.memory_space<vmem>>)
    %sub3A_73 = arith.constant 136 : i32
    %sub3A_74 = arith.subi %select_n3A, %sub3A_73 : i32
    %min3A_75 = arith.constant 136 : i32
    %min3A_76 = arith.minsi %min3A_75, %sub3A_74 : i32
    %add3A_77 = arith.addi %mul3A_2, %min3A_76 : i32
    %dma_start3A_78 = arith.constant 0 : i32
    %dma_start3A_79 = tpu.memref_slice %arg5[%add3A_77, %dma_start3A_78] : memref<100000x128xf32, #tpu.memory_space<hbm>> -> memref<136x128xf32, #tpu.memory_space<hbm>>
    %dma_start3A_80 = arith.constant 0 : i32
    %dma_start3A_81 = tpu.memref_slice %arg5[%add3A_77, %dma_start3A_80] : memref<100000x128xf32, #tpu.memory_space<hbm>> -> memref<136x128xf32, #tpu.memory_space<hbm>>
    tpu.enqueue_dma source(%arg17 : memref<136x128xf32, #tpu.memory_space<vmem>>) target(%dma_start3A_81 : memref<136x128xf32, #tpu.memory_space<hbm>>) target_semaphore(%arg27 : memref<!tpu.dma_semaphore, #tpu.memory_space<semaphore_mem>>)
    %scan3A_82 = arith.constant 0 : i32
    %scan3A_83 = arith.constant 45 : i32
    %scan3A_84 = arith.constant 45 : i32
    %scan3A_85 = arith.addi %scan3A_83, %scan3A_84 : i32
    %scan3A_86 = arith.constant 1 : i32
    %scan3A_87 = scf.for %scan3A_777 = %scan3A_83 to %scan3A_85 step %scan3A_86 iter_args(%scan3A_778 = %scan3A_82) -> (i32)  : i32 {
      %mul3A_779 = arith.constant 16 : i32
      %mul3A_780 = arith.muli %scan3A_777, %mul3A_779 : i32
      %get3A = arith.index_cast %mul3A_780 : i32 to index
      %get3A_781 = tpu.vector_load %arg6[%get3A] {strides = array<i32>} : memref<16384xi32, #tpu.memory_space<vmem>>, vector<16xi32>,
      %sub3A_782 = vector.broadcast %mul3A_2 : i32 to vector<16xi32>
      %sub3A_783 = arith.subi %get3A_781, %sub3A_782 : vector<16xi32>
      %ge3A = arith.constant 0 : i32
      %ge3A_784 = vector.broadcast %ge3A : i32 to vector<16xi32>
      %ge3A_785 = arith.cmpi sge, %sub3A_783, %ge3A_784 : vector<16xi32>
      %lt3A = vector.broadcast %select_n3A : i32 to vector<16xi32>
      %lt3A_786 = arith.cmpi slt, %sub3A_783, %lt3A : vector<16xi32>
      %and3A = arith.andi %ge3A_785, %lt3A_786 : vector<16xi1>
      %add3A_787 = arith.constant 3128 : i32
      %add3A_788 = vector.broadcast %add3A_787 : i32 to vector<16xi32>
      %add3A_789 = arith.addi %add3A_788, %iota3A : vector<16xi32>
      %select_n3A_790 = arith.select %and3A, %sub3A_783, %add3A_789 : vector<16xi1>, vector<16xi32>
      %mul3A_791 = arith.constant 16 : i32
      %mul3A_792 = vector.broadcast %mul3A_791 : i32 to vector<16xi32>
      %mul3A_793 = arith.muli %select_n3A_790, %mul3A_792 : vector<16xi32>
      %add3A_794 = arith.addi %mul3A_793, %iota3A : vector<16xi32>
      %masked_sort3A = arith.constant dense<true> : vector<16xi1>
      %masked_sort3A_795 = arith.constant -2147483648 : i32
      %masked_sort3A_796 = vector.broadcast %masked_sort3A_795 : i32 to vector<16xi32>
      %masked_sort3A_797 = arith.xori %add3A_794, %masked_sort3A_796 : vector<16xi32>
      %masked_sort3A_798, %masked_sort3A_799, %masked_sort3A_800 = tpu.sort %masked_sort3A_797, %iota3A masked %masked_sort3A : (vector<16xi32>, vector<16xi32>, vector<16xi1>) -> (vector<16xi1>, vector<16xi32>, vector<16xi32>)
      %masked_sort3A_801 = arith.xori %masked_sort3A_799, %masked_sort3A_796 : vector<16xi32>
      %shift_right_arithmetic3A = arith.constant 4 : i32
      %shift_right_arithmetic3A_802 = vector.broadcast %shift_right_arithmetic3A : i32 to vector<16xi32>
      %shift_right_arithmetic3A_803 = arith.shrsi %masked_sort3A_801, %shift_right_arithmetic3A_802 : vector<16xi32>
      %mul3A_804 = arith.constant 16 : i32
      %mul3A_805 = arith.muli %scan3A_777, %mul3A_804 : i32
      %and3A_806 = arith.constant 15 : i32
      %and3A_807 = vector.broadcast %and3A_806 : i32 to vector<16xi32>
      %and3A_808 = arith.andi %masked_sort3A_801, %and3A_807 : vector<16xi32>
      %add3A_809 = vector.broadcast %mul3A_805 : i32 to vector<16xi32>
      %add3A_810 = arith.addi %add3A_809, %and3A_808 : vector<16xi32>
      %lt3A_811 = arith.constant 0 : i32
      %lt3A_812 = vector.broadcast %lt3A_811 : i32 to vector<16xi32>
      %lt3A_813 = arith.cmpi slt, %min3A_49, %lt3A_812 : vector<16xi32>
      %add3A_814 = arith.constant 16 : i32
      %add3A_815 = vector.broadcast %add3A_814 : i32 to vector<16xi32>
      %add3A_816 = arith.addi %min3A_49, %add3A_815 : vector<16xi32>
      %select_n3A_817 = arith.select %lt3A_813, %add3A_816, %min3A_49 : vector<16xi1>, vector<16xi32>
      %broadcast_in_dim3A = vector.shape_cast %select_n3A_817 : vector<16xi32> to vector<16x1xi32>
      %gather3A = vector.shape_cast %broadcast_in_dim3A : vector<16x1xi32> to vector<16xi32>
      %gather3A_818 = tpu.dynamic_gather %masked_sort3A_801[%gather3A] in [0] : vector<16xi32>, vector<16xi32> -> vector<16xi32>
      %shift_right_arithmetic3A_819 = arith.constant 4 : i32
      %shift_right_arithmetic3A_820 = vector.broadcast %shift_right_arithmetic3A_819 : i32 to vector<16xi32>
      %shift_right_arithmetic3A_821 = arith.shrsi %gather3A_818, %shift_right_arithmetic3A_820 : vector<16xi32>
      %ne3A = arith.cmpi ne, %shift_right_arithmetic3A_803, %shift_right_arithmetic3A_821 : vector<16xi32>
      %eq3A_822 = arith.constant 15 : i32
      %eq3A_823 = vector.broadcast %eq3A_822 : i32 to vector<16xi32>
      %eq3A_824 = arith.cmpi eq, %iota3A, %eq3A_823 : vector<16xi32>
      %or3A = arith.ori %ne3A, %eq3A_824 : vector<16xi1>
      %lt3A_825 = vector.broadcast %select_n3A : i32 to vector<16xi32>
      %lt3A_826 = arith.cmpi slt, %shift_right_arithmetic3A_803, %lt3A_825 : vector<16xi32>
      %and3A_827 = arith.andi %or3A, %lt3A_826 : vector<16xi1>
      tpu.vector_store_idx %arg7[%shift_right_arithmetic3A_803], %add3A_810 masked %and3A_827 : memref<3152xi32, #tpu.memory_space<vmem>>[vector<16xi32>], vector<16xi32>, vector<16xi1>
      %scan3A_828 = arith.constant 0 : i32
      scf.yield %scan3A_828 : i32
    }
    %scan3A_88 = arith.constant 45 : i32
    %dma_wait3A_89 = arith.constant 0 : i32
    %dma_wait3A_90 = tpu.memref_slice %arg4[%add3A_24, %dma_wait3A_89] : memref<100000x128xf32, #tpu.memory_space<hbm>> -> memref<136x128xf32, #tpu.memory_space<hbm>>
    %dma_wait3A_91 = arith.constant 0 : i32
    %dma_wait3A_92 = tpu.memref_slice %arg4[%add3A_24, %dma_wait3A_91] : memref<100000x128xf32, #tpu.memory_space<hbm>> -> memref<136x128xf32, #tpu.memory_space<hbm>>
    tpu.wait_dma2 semaphore(%arg24 : memref<!tpu.dma_semaphore, #tpu.memory_space<semaphore_mem>>) src(%dma_wait3A_92 : memref<136x128xf32, #tpu.memory_space<hbm>>) dst(%arg18 : memref<136x128xf32, #tpu.memory_space<vmem>>)
    %sub3A_93 = arith.constant 136 : i32
    %sub3A_94 = arith.subi %select_n3A, %sub3A_93 : i32
    %min3A_95 = arith.constant 272 : i32
    %min3A_96 = arith.minsi %min3A_95, %sub3A_94 : i32
    %add3A_97 = arith.addi %mul3A_2, %min3A_96 : i32
    %dma_start3A_98 = arith.constant 0 : i32
    %dma_start3A_99 = tpu.memref_slice %arg5[%add3A_97, %dma_start3A_98] : memref<100000x128xf32, #tpu.memory_space<hbm>> -> memref<136x128xf32, #tpu.memory_space<hbm>>
    %dma_start3A_100 = arith.constant 0 : i32
    %dma_start3A_101 = tpu.memref_slice %arg5[%add3A_97, %dma_start3A_100] : memref<100000x128xf32, #tpu.memory_space<hbm>> -> memref<136x128xf32, #tpu.memory_space<hbm>>
    tpu.enqueue_dma source(%arg18 : memref<136x128xf32, #tpu.memory_space<vmem>>) target(%dma_start3A_101 : memref<136x128xf32, #tpu.memory_space<hbm>>) target_semaphore(%arg28 : memref<!tpu.dma_semaphore, #tpu.memory_space<semaphore_mem>>)
    %scan3A_102 = arith.constant 0 : i32
    %scan3A_103 = arith.constant 90 : i32
    %scan3A_104 = arith.constant 45 : i32
    %scan3A_105 = arith.addi %scan3A_103, %scan3A_104 : i32
    %scan3A_106 = arith.constant 1 : i32
    %scan3A_107 = scf.for %scan3A_777 = %scan3A_103 to %scan3A_105 step %scan3A_106 iter_args(%scan3A_778 = %scan3A_102) -> (i32)  : i32 {
      %mul3A_779 = arith.constant 16 : i32
      %mul3A_780 = arith.muli %scan3A_777, %mul3A_779 : i32
      %get3A = arith.index_cast %mul3A_780 : i32 to index
      %get3A_781 = tpu.vector_load %arg6[%get3A] {strides = array<i32>} : memref<16384xi32, #tpu.memory_space<vmem>>, vector<16xi32>,
      %sub3A_782 = vector.broadcast %mul3A_2 : i32 to vector<16xi32>
      %sub3A_783 = arith.subi %get3A_781, %sub3A_782 : vector<16xi32>
      %ge3A = arith.constant 0 : i32
      %ge3A_784 = vector.broadcast %ge3A : i32 to vector<16xi32>
      %ge3A_785 = arith.cmpi sge, %sub3A_783, %ge3A_784 : vector<16xi32>
      %lt3A = vector.broadcast %select_n3A : i32 to vector<16xi32>
      %lt3A_786 = arith.cmpi slt, %sub3A_783, %lt3A : vector<16xi32>
      %and3A = arith.andi %ge3A_785, %lt3A_786 : vector<16xi1>
      %add3A_787 = arith.constant 3128 : i32
      %add3A_788 = vector.broadcast %add3A_787 : i32 to vector<16xi32>
      %add3A_789 = arith.addi %add3A_788, %iota3A : vector<16xi32>
      %select_n3A_790 = arith.select %and3A, %sub3A_783, %add3A_789 : vector<16xi1>, vector<16xi32>
      %mul3A_791 = arith.constant 16 : i32
      %mul3A_792 = vector.broadcast %mul3A_791 : i32 to vector<16xi32>
      %mul3A_793 = arith.muli %select_n3A_790, %mul3A_792 : vector<16xi32>
      %add3A_794 = arith.addi %mul3A_793, %iota3A : vector<16xi32>
      %masked_sort3A = arith.constant dense<true> : vector<16xi1>
      %masked_sort3A_795 = arith.constant -2147483648 : i32
      %masked_sort3A_796 = vector.broadcast %masked_sort3A_795 : i32 to vector<16xi32>
      %masked_sort3A_797 = arith.xori %add3A_794, %masked_sort3A_796 : vector<16xi32>
      %masked_sort3A_798, %masked_sort3A_799, %masked_sort3A_800 = tpu.sort %masked_sort3A_797, %iota3A masked %masked_sort3A : (vector<16xi32>, vector<16xi32>, vector<16xi1>) -> (vector<16xi1>, vector<16xi32>, vector<16xi32>)
      %masked_sort3A_801 = arith.xori %masked_sort3A_799, %masked_sort3A_796 : vector<16xi32>
      %shift_right_arithmetic3A = arith.constant 4 : i32
      %shift_right_arithmetic3A_802 = vector.broadcast %shift_right_arithmetic3A : i32 to vector<16xi32>
      %shift_right_arithmetic3A_803 = arith.shrsi %masked_sort3A_801, %shift_right_arithmetic3A_802 : vector<16xi32>
      %mul3A_804 = arith.constant 16 : i32
      %mul3A_805 = arith.muli %scan3A_777, %mul3A_804 : i32
      %and3A_806 = arith.constant 15 : i32
      %and3A_807 = vector.broadcast %and3A_806 : i32 to vector<16xi32>
      %and3A_808 = arith.andi %masked_sort3A_801, %and3A_807 : vector<16xi32>
      %add3A_809 = vector.broadcast %mul3A_805 : i32 to vector<16xi32>
      %add3A_810 = arith.addi %add3A_809, %and3A_808 : vector<16xi32>
      %lt3A_811 = arith.constant 0 : i32
      %lt3A_812 = vector.broadcast %lt3A_811 : i32 to vector<16xi32>
      %lt3A_813 = arith.cmpi slt, %min3A_49, %lt3A_812 : vector<16xi32>
      %add3A_814 = arith.constant 16 : i32
      %add3A_815 = vector.broadcast %add3A_814 : i32 to vector<16xi32>
      %add3A_816 = arith.addi %min3A_49, %add3A_815 : vector<16xi32>
      %select_n3A_817 = arith.select %lt3A_813, %add3A_816, %min3A_49 : vector<16xi1>, vector<16xi32>
      %broadcast_in_dim3A = vector.shape_cast %select_n3A_817 : vector<16xi32> to vector<16x1xi32>
      %gather3A = vector.shape_cast %broadcast_in_dim3A : vector<16x1xi32> to vector<16xi32>
      %gather3A_818 = tpu.dynamic_gather %masked_sort3A_801[%gather3A] in [0] : vector<16xi32>, vector<16xi32> -> vector<16xi32>
      %shift_right_arithmetic3A_819 = arith.constant 4 : i32
      %shift_right_arithmetic3A_820 = vector.broadcast %shift_right_arithmetic3A_819 : i32 to vector<16xi32>
      %shift_right_arithmetic3A_821 = arith.shrsi %gather3A_818, %shift_right_arithmetic3A_820 : vector<16xi32>
      %ne3A = arith.cmpi ne, %shift_right_arithmetic3A_803, %shift_right_arithmetic3A_821 : vector<16xi32>
      %eq3A_822 = arith.constant 15 : i32
      %eq3A_823 = vector.broadcast %eq3A_822 : i32 to vector<16xi32>
      %eq3A_824 = arith.cmpi eq, %iota3A, %eq3A_823 : vector<16xi32>
      %or3A = arith.ori %ne3A, %eq3A_824 : vector<16xi1>
      %lt3A_825 = vector.broadcast %select_n3A : i32 to vector<16xi32>
      %lt3A_826 = arith.cmpi slt, %shift_right_arithmetic3A_803, %lt3A_825 : vector<16xi32>
      %and3A_827 = arith.andi %or3A, %lt3A_826 : vector<16xi1>
      tpu.vector_store_idx %arg7[%shift_right_arithmetic3A_803], %add3A_810 masked %and3A_827 : memref<3152xi32, #tpu.memory_space<vmem>>[vector<16xi32>], vector<16xi32>, vector<16xi1>
      %scan3A_828 = arith.constant 0 : i32
      scf.yield %scan3A_828 : i32
    }
    %scan3A_108 = arith.constant 45 : i32
    %dma_wait3A_109 = arith.constant 0 : i32
    %dma_wait3A_110 = tpu.memref_slice %arg4[%add3A_33, %dma_wait3A_109] : memref<100000x128xf32, #tpu.memory_space<hbm>> -> memref<136x128xf32, #tpu.memory_space<hbm>>
    %dma_wait3A_111 = arith.constant 0 : i32
    %dma_wait3A_112 = tpu.memref_slice %arg4[%add3A_33, %dma_wait3A_111] : memref<100000x128xf32, #tpu.memory_space<hbm>> -> memref<136x128xf32, #tpu.memory_space<hbm>>
    tpu.wait_dma2 semaphore(%arg25 : memref<!tpu.dma_semaphore, #tpu.memory_space<semaphore_mem>>) src(%dma_wait3A_112 : memref<136x128xf32, #tpu.memory_space<hbm>>) dst(%arg19 : memref<136x128xf32, #tpu.memory_space<vmem>>)
    %sub3A_113 = arith.constant 136 : i32
    %sub3A_114 = arith.subi %select_n3A, %sub3A_113 : i32
    %min3A_115 = arith.constant 408 : i32
    %min3A_116 = arith.minsi %min3A_115, %sub3A_114 : i32
    %add3A_117 = arith.addi %mul3A_2, %min3A_116 : i32
    %dma_start3A_118 = arith.constant 0 : i32
    %dma_start3A_119 = tpu.memref_slice %arg5[%add3A_117, %dma_start3A_118] : memref<100000x128xf32, #tpu.memory_space<hbm>> -> memref<136x128xf32, #tpu.memory_space<hbm>>
    %dma_start3A_120 = arith.constant 0 : i32
    %dma_start3A_121 = tpu.memref_slice %arg5[%add3A_117, %dma_start3A_120] : memref<100000x128xf32, #tpu.memory_space<hbm>> -> memref<136x128xf32, #tpu.memory_space<hbm>>
    tpu.enqueue_dma source(%arg19 : memref<136x128xf32, #tpu.memory_space<vmem>>) target(%dma_start3A_121 : memref<136x128xf32, #tpu.memory_space<hbm>>) target_semaphore(%arg29 : memref<!tpu.dma_semaphore, #tpu.memory_space<semaphore_mem>>)
    %dma_wait3A_122 = arith.constant 0 : i32
    %dma_wait3A_123 = tpu.memref_slice %arg5[%add3A_57, %dma_wait3A_122] : memref<100000x128xf32, #tpu.memory_space<hbm>> -> memref<136x128xf32, #tpu.memory_space<hbm>>
    %dma_wait3A_124 = arith.constant 0 : i32
    %dma_wait3A_125 = tpu.memref_slice %arg5[%add3A_57, %dma_wait3A_124] : memref<100000x128xf32, #tpu.memory_space<hbm>> -> memref<136x128xf32, #tpu.memory_space<hbm>>
    tpu.wait_dma2 semaphore(%arg26 : memref<!tpu.dma_semaphore, #tpu.memory_space<semaphore_mem>>) src(%arg16 : memref<136x128xf32, #tpu.memory_space<vmem>>) dst(%dma_wait3A_125 : memref<136x128xf32, #tpu.memory_space<hbm>>)
    %sub3A_126 = arith.constant 136 : i32
    %sub3A_127 = arith.subi %select_n3A, %sub3A_126 : i32
    %min3A_128 = arith.constant 544 : i32
    %min3A_129 = arith.minsi %min3A_128, %sub3A_127 : i32
    %add3A_130 = arith.addi %mul3A_2, %min3A_129 : i32
    %dma_start3A_131 = arith.constant 0 : i32
    %dma_start3A_132 = tpu.memref_slice %arg4[%add3A_130, %dma_start3A_131] : memref<100000x128xf32, #tpu.memory_space<hbm>> -> memref<136x128xf32, #tpu.memory_space<hbm>>
    %dma_start3A_133 = arith.constant 0 : i32
    %dma_start3A_134 = tpu.memref_slice %arg4[%add3A_130, %dma_start3A_133] : memref<100000x128xf32, #tpu.memory_space<hbm>> -> memref<136x128xf32, #tpu.memory_space<hbm>>
    tpu.enqueue_dma source(%dma_start3A_134 : memref<136x128xf32, #tpu.memory_space<hbm>>) target(%arg16 : memref<136x128xf32, #tpu.memory_space<vmem>>) target_semaphore(%arg22 : memref<!tpu.dma_semaphore, #tpu.memory_space<semaphore_mem>>)
    %scan3A_135 = arith.constant 0 : i32
    %scan3A_136 = arith.constant 135 : i32
    %scan3A_137 = arith.constant 45 : i32
    %scan3A_138 = arith.addi %scan3A_136, %scan3A_137 : i32
    %scan3A_139 = arith.constant 1 : i32
    %scan3A_140 = scf.for %scan3A_777 = %scan3A_136 to %scan3A_138 step %scan3A_139 iter_args(%scan3A_778 = %scan3A_135) -> (i32)  : i32 {
      %mul3A_779 = arith.constant 16 : i32
      %mul3A_780 = arith.muli %scan3A_777, %mul3A_779 : i32
      %get3A = arith.index_cast %mul3A_780 : i32 to index
      %get3A_781 = tpu.vector_load %arg6[%get3A] {strides = array<i32>} : memref<16384xi32, #tpu.memory_space<vmem>>, vector<16xi32>,
      %sub3A_782 = vector.broadcast %mul3A_2 : i32 to vector<16xi32>
      %sub3A_783 = arith.subi %get3A_781, %sub3A_782 : vector<16xi32>
      %ge3A = arith.constant 0 : i32
      %ge3A_784 = vector.broadcast %ge3A : i32 to vector<16xi32>
      %ge3A_785 = arith.cmpi sge, %sub3A_783, %ge3A_784 : vector<16xi32>
      %lt3A = vector.broadcast %select_n3A : i32 to vector<16xi32>
      %lt3A_786 = arith.cmpi slt, %sub3A_783, %lt3A : vector<16xi32>
      %and3A = arith.andi %ge3A_785, %lt3A_786 : vector<16xi1>
      %add3A_787 = arith.constant 3128 : i32
      %add3A_788 = vector.broadcast %add3A_787 : i32 to vector<16xi32>
      %add3A_789 = arith.addi %add3A_788, %iota3A : vector<16xi32>
      %select_n3A_790 = arith.select %and3A, %sub3A_783, %add3A_789 : vector<16xi1>, vector<16xi32>
      %mul3A_791 = arith.constant 16 : i32
      %mul3A_792 = vector.broadcast %mul3A_791 : i32 to vector<16xi32>
      %mul3A_793 = arith.muli %select_n3A_790, %mul3A_792 : vector<16xi32>
      %add3A_794 = arith.addi %mul3A_793, %iota3A : vector<16xi32>
      %masked_sort3A = arith.constant dense<true> : vector<16xi1>
      %masked_sort3A_795 = arith.constant -2147483648 : i32
      %masked_sort3A_796 = vector.broadcast %masked_sort3A_795 : i32 to vector<16xi32>
      %masked_sort3A_797 = arith.xori %add3A_794, %masked_sort3A_796 : vector<16xi32>
      %masked_sort3A_798, %masked_sort3A_799, %masked_sort3A_800 = tpu.sort %masked_sort3A_797, %iota3A masked %masked_sort3A : (vector<16xi32>, vector<16xi32>, vector<16xi1>) -> (vector<16xi1>, vector<16xi32>, vector<16xi32>)
      %masked_sort3A_801 = arith.xori %masked_sort3A_799, %masked_sort3A_796 : vector<16xi32>
      %shift_right_arithmetic3A = arith.constant 4 : i32
      %shift_right_arithmetic3A_802 = vector.broadcast %shift_right_arithmetic3A : i32 to vector<16xi32>
      %shift_right_arithmetic3A_803 = arith.shrsi %masked_sort3A_801, %shift_right_arithmetic3A_802 : vector<16xi32>
      %mul3A_804 = arith.constant 16 : i32
      %mul3A_805 = arith.muli %scan3A_777, %mul3A_804 : i32
      %and3A_806 = arith.constant 15 : i32
      %and3A_807 = vector.broadcast %and3A_806 : i32 to vector<16xi32>
      %and3A_808 = arith.andi %masked_sort3A_801, %and3A_807 : vector<16xi32>
      %add3A_809 = vector.broadcast %mul3A_805 : i32 to vector<16xi32>
      %add3A_810 = arith.addi %add3A_809, %and3A_808 : vector<16xi32>
      %lt3A_811 = arith.constant 0 : i32
      %lt3A_812 = vector.broadcast %lt3A_811 : i32 to vector<16xi32>
      %lt3A_813 = arith.cmpi slt, %min3A_49, %lt3A_812 : vector<16xi32>
      %add3A_814 = arith.constant 16 : i32
      %add3A_815 = vector.broadcast %add3A_814 : i32 to vector<16xi32>
      %add3A_816 = arith.addi %min3A_49, %add3A_815 : vector<16xi32>
      %select_n3A_817 = arith.select %lt3A_813, %add3A_816, %min3A_49 : vector<16xi1>, vector<16xi32>
      %broadcast_in_dim3A = vector.shape_cast %select_n3A_817 : vector<16xi32> to vector<16x1xi32>
      %gather3A = vector.shape_cast %broadcast_in_dim3A : vector<16x1xi32> to vector<16xi32>
      %gather3A_818 = tpu.dynamic_gather %masked_sort3A_801[%gather3A] in [0] : vector<16xi32>, vector<16xi32> -> vector<16xi32>
      %shift_right_arithmetic3A_819 = arith.constant 4 : i32
      %shift_right_arithmetic3A_820 = vector.broadcast %shift_right_arithmetic3A_819 : i32 to vector<16xi32>
      %shift_right_arithmetic3A_821 = arith.shrsi %gather3A_818, %shift_right_arithmetic3A_820 : vector<16xi32>
      %ne3A = arith.cmpi ne, %shift_right_arithmetic3A_803, %shift_right_arithmetic3A_821 : vector<16xi32>
      %eq3A_822 = arith.constant 15 : i32
      %eq3A_823 = vector.broadcast %eq3A_822 : i32 to vector<16xi32>
      %eq3A_824 = arith.cmpi eq, %iota3A, %eq3A_823 : vector<16xi32>
      %or3A = arith.ori %ne3A, %eq3A_824 : vector<16xi1>
      %lt3A_825 = vector.broadcast %select_n3A : i32 to vector<16xi32>
      %lt3A_826 = arith.cmpi slt, %shift_right_arithmetic3A_803, %lt3A_825 : vector<16xi32>
      %and3A_827 = arith.andi %or3A, %lt3A_826 : vector<16xi1>
      tpu.vector_store_idx %arg7[%shift_right_arithmetic3A_803], %add3A_810 masked %and3A_827 : memref<3152xi32, #tpu.memory_space<vmem>>[vector<16xi32>], vector<16xi32>, vector<16xi1>
      %scan3A_828 = arith.constant 0 : i32
      scf.yield %scan3A_828 : i32
    }
    %scan3A_141 = arith.constant 45 : i32
    %dma_wait3A_142 = arith.constant 0 : i32
    %dma_wait3A_143 = tpu.memref_slice %arg4[%add3A_130, %dma_wait3A_142] : memref<100000x128xf32, #tpu.memory_space<hbm>> -> memref<136x128xf32, #tpu.memory_space<hbm>>
    %dma_wait3A_144 = arith.constant 0 : i32
    %dma_wait3A_145 = tpu.memref_slice %arg4[%add3A_130, %dma_wait3A_144] : memref<100000x128xf32, #tpu.memory_space<hbm>> -> memref<136x128xf32, #tpu.memory_space<hbm>>
    tpu.wait_dma2 semaphore(%arg22 : memref<!tpu.dma_semaphore, #tpu.memory_space<semaphore_mem>>) src(%dma_wait3A_145 : memref<136x128xf32, #tpu.memory_space<hbm>>) dst(%arg16 : memref<136x128xf32, #tpu.memory_space<vmem>>)
    %sub3A_146 = arith.constant 136 : i32
    %sub3A_147 = arith.subi %select_n3A, %sub3A_146 : i32
    %min3A_148 = arith.constant 544 : i32
    %min3A_149 = arith.minsi %min3A_148, %sub3A_147 : i32
    %add3A_150 = arith.addi %mul3A_2, %min3A_149 : i32
    %dma_start3A_151 = arith.constant 0 : i32
    %dma_start3A_152 = tpu.memref_slice %arg5[%add3A_150, %dma_start3A_151] : memref<100000x128xf32, #tpu.memory_space<hbm>> -> memref<136x128xf32, #tpu.memory_space<hbm>>
    %dma_start3A_153 = arith.constant 0 : i32
    %dma_start3A_154 = tpu.memref_slice %arg5[%add3A_150, %dma_start3A_153] : memref<100000x128xf32, #tpu.memory_space<hbm>> -> memref<136x128xf32, #tpu.memory_space<hbm>>
    tpu.enqueue_dma source(%arg16 : memref<136x128xf32, #tpu.memory_space<vmem>>) target(%dma_start3A_154 : memref<136x128xf32, #tpu.memory_space<hbm>>) target_semaphore(%arg26 : memref<!tpu.dma_semaphore, #tpu.memory_space<semaphore_mem>>)
    %dma_wait3A_155 = arith.constant 0 : i32
    %dma_wait3A_156 = tpu.memref_slice %arg5[%add3A_77, %dma_wait3A_155] : memref<100000x128xf32, #tpu.memory_space<hbm>> -> memref<136x128xf32, #tpu.memory_space<hbm>>
    %dma_wait3A_157 = arith.constant 0 : i32
    %dma_wait3A_158 = tpu.memref_slice %arg5[%add3A_77, %dma_wait3A_157] : memref<100000x128xf32, #tpu.memory_space<hbm>> -> memref<136x128xf32, #tpu.memory_space<hbm>>
    tpu.wait_dma2 semaphore(%arg27 : memref<!tpu.dma_semaphore, #tpu.memory_space<semaphore_mem>>) src(%arg17 : memref<136x128xf32, #tpu.memory_space<vmem>>) dst(%dma_wait3A_158 : memref<136x128xf32, #tpu.memory_space<hbm>>)
    %sub3A_159 = arith.constant 136 : i32
    %sub3A_160 = arith.subi %select_n3A, %sub3A_159 : i32
    %min3A_161 = arith.constant 680 : i32
    %min3A_162 = arith.minsi %min3A_161, %sub3A_160 : i32
    %add3A_163 = arith.addi %mul3A_2, %min3A_162 : i32
    %dma_start3A_164 = arith.constant 0 : i32
    %dma_start3A_165 = tpu.memref_slice %arg4[%add3A_163, %dma_start3A_164] : memref<100000x128xf32, #tpu.memory_space<hbm>> -> memref<136x128xf32, #tpu.memory_space<hbm>>
    %dma_start3A_166 = arith.constant 0 : i32
    %dma_start3A_167 = tpu.memref_slice %arg4[%add3A_163, %dma_start3A_166] : memref<100000x128xf32, #tpu.memory_space<hbm>> -> memref<136x128xf32, #tpu.memory_space<hbm>>
    tpu.enqueue_dma source(%dma_start3A_167 : memref<136x128xf32, #tpu.memory_space<hbm>>) target(%arg17 : memref<136x128xf32, #tpu.memory_space<vmem>>) target_semaphore(%arg23 : memref<!tpu.dma_semaphore, #tpu.memory_space<semaphore_mem>>)
    %scan3A_168 = arith.constant 0 : i32
    %scan3A_169 = arith.constant 180 : i32
    %scan3A_170 = arith.constant 45 : i32
    %scan3A_171 = arith.addi %scan3A_169, %scan3A_170 : i32
    %scan3A_172 = arith.constant 1 : i32
    %scan3A_173 = scf.for %scan3A_777 = %scan3A_169 to %scan3A_171 step %scan3A_172 iter_args(%scan3A_778 = %scan3A_168) -> (i32)  : i32 {
      %mul3A_779 = arith.constant 16 : i32
      %mul3A_780 = arith.muli %scan3A_777, %mul3A_779 : i32
      %get3A = arith.index_cast %mul3A_780 : i32 to index
      %get3A_781 = tpu.vector_load %arg6[%get3A] {strides = array<i32>} : memref<16384xi32, #tpu.memory_space<vmem>>, vector<16xi32>,
      %sub3A_782 = vector.broadcast %mul3A_2 : i32 to vector<16xi32>
      %sub3A_783 = arith.subi %get3A_781, %sub3A_782 : vector<16xi32>
      %ge3A = arith.constant 0 : i32
      %ge3A_784 = vector.broadcast %ge3A : i32 to vector<16xi32>
      %ge3A_785 = arith.cmpi sge, %sub3A_783, %ge3A_784 : vector<16xi32>
      %lt3A = vector.broadcast %select_n3A : i32 to vector<16xi32>
      %lt3A_786 = arith.cmpi slt, %sub3A_783, %lt3A : vector<16xi32>
      %and3A = arith.andi %ge3A_785, %lt3A_786 : vector<16xi1>
      %add3A_787 = arith.constant 3128 : i32
      %add3A_788 = vector.broadcast %add3A_787 : i32 to vector<16xi32>
      %add3A_789 = arith.addi %add3A_788, %iota3A : vector<16xi32>
      %select_n3A_790 = arith.select %and3A, %sub3A_783, %add3A_789 : vector<16xi1>, vector<16xi32>
      %mul3A_791 = arith.constant 16 : i32
      %mul3A_792 = vector.broadcast %mul3A_791 : i32 to vector<16xi32>
      %mul3A_793 = arith.muli %select_n3A_790, %mul3A_792 : vector<16xi32>
      %add3A_794 = arith.addi %mul3A_793, %iota3A : vector<16xi32>
      %masked_sort3A = arith.constant dense<true> : vector<16xi1>
      %masked_sort3A_795 = arith.constant -2147483648 : i32
      %masked_sort3A_796 = vector.broadcast %masked_sort3A_795 : i32 to vector<16xi32>
      %masked_sort3A_797 = arith.xori %add3A_794, %masked_sort3A_796 : vector<16xi32>
      %masked_sort3A_798, %masked_sort3A_799, %masked_sort3A_800 = tpu.sort %masked_sort3A_797, %iota3A masked %masked_sort3A : (vector<16xi32>, vector<16xi32>, vector<16xi1>) -> (vector<16xi1>, vector<16xi32>, vector<16xi32>)
      %masked_sort3A_801 = arith.xori %masked_sort3A_799, %masked_sort3A_796 : vector<16xi32>
      %shift_right_arithmetic3A = arith.constant 4 : i32
      %shift_right_arithmetic3A_802 = vector.broadcast %shift_right_arithmetic3A : i32 to vector<16xi32>
      %shift_right_arithmetic3A_803 = arith.shrsi %masked_sort3A_801, %shift_right_arithmetic3A_802 : vector<16xi32>
      %mul3A_804 = arith.constant 16 : i32
      %mul3A_805 = arith.muli %scan3A_777, %mul3A_804 : i32
      %and3A_806 = arith.constant 15 : i32
      %and3A_807 = vector.broadcast %and3A_806 : i32 to vector<16xi32>
      %and3A_808 = arith.andi %masked_sort3A_801, %and3A_807 : vector<16xi32>
      %add3A_809 = vector.broadcast %mul3A_805 : i32 to vector<16xi32>
      %add3A_810 = arith.addi %add3A_809, %and3A_808 : vector<16xi32>
      %lt3A_811 = arith.constant 0 : i32
      %lt3A_812 = vector.broadcast %lt3A_811 : i32 to vector<16xi32>
      %lt3A_813 = arith.cmpi slt, %min3A_49, %lt3A_812 : vector<16xi32>
      %add3A_814 = arith.constant 16 : i32
      %add3A_815 = vector.broadcast %add3A_814 : i32 to vector<16xi32>
      %add3A_816 = arith.addi %min3A_49, %add3A_815 : vector<16xi32>
      %select_n3A_817 = arith.select %lt3A_813, %add3A_816, %min3A_49 : vector<16xi1>, vector<16xi32>
      %broadcast_in_dim3A = vector.shape_cast %select_n3A_817 : vector<16xi32> to vector<16x1xi32>
      %gather3A = vector.shape_cast %broadcast_in_dim3A : vector<16x1xi32> to vector<16xi32>
      %gather3A_818 = tpu.dynamic_gather %masked_sort3A_801[%gather3A] in [0] : vector<16xi32>, vector<16xi32> -> vector<16xi32>
      %shift_right_arithmetic3A_819 = arith.constant 4 : i32
      %shift_right_arithmetic3A_820 = vector.broadcast %shift_right_arithmetic3A_819 : i32 to vector<16xi32>
      %shift_right_arithmetic3A_821 = arith.shrsi %gather3A_818, %shift_right_arithmetic3A_820 : vector<16xi32>
      %ne3A = arith.cmpi ne, %shift_right_arithmetic3A_803, %shift_right_arithmetic3A_821 : vector<16xi32>
      %eq3A_822 = arith.constant 15 : i32
      %eq3A_823 = vector.broadcast %eq3A_822 : i32 to vector<16xi32>
      %eq3A_824 = arith.cmpi eq, %iota3A, %eq3A_823 : vector<16xi32>
      %or3A = arith.ori %ne3A, %eq3A_824 : vector<16xi1>
      %lt3A_825 = vector.broadcast %select_n3A : i32 to vector<16xi32>
      %lt3A_826 = arith.cmpi slt, %shift_right_arithmetic3A_803, %lt3A_825 : vector<16xi32>
      %and3A_827 = arith.andi %or3A, %lt3A_826 : vector<16xi1>
      tpu.vector_store_idx %arg7[%shift_right_arithmetic3A_803], %add3A_810 masked %and3A_827 : memref<3152xi32, #tpu.memory_space<vmem>>[vector<16xi32>], vector<16xi32>, vector<16xi1>
      %scan3A_828 = arith.constant 0 : i32
      scf.yield %scan3A_828 : i32
    }
    %scan3A_174 = arith.constant 45 : i32
    %dma_wait3A_175 = arith.constant 0 : i32
    %dma_wait3A_176 = tpu.memref_slice %arg4[%add3A_163, %dma_wait3A_175] : memref<100000x128xf32, #tpu.memory_space<hbm>> -> memref<136x128xf32, #tpu.memory_space<hbm>>
    %dma_wait3A_177 = arith.constant 0 : i32
    %dma_wait3A_178 = tpu.memref_slice %arg4[%add3A_163, %dma_wait3A_177] : memref<100000x128xf32, #tpu.memory_space<hbm>> -> memref<136x128xf32, #tpu.memory_space<hbm>>
    tpu.wait_dma2 semaphore(%arg23 : memref<!tpu.dma_semaphore, #tpu.memory_space<semaphore_mem>>) src(%dma_wait3A_178 : memref<136x128xf32, #tpu.memory_space<hbm>>) dst(%arg17 : memref<136x128xf32, #tpu.memory_space<vmem>>)
    %sub3A_179 = arith.constant 136 : i32
    %sub3A_180 = arith.subi %select_n3A, %sub3A_179 : i32
    %min3A_181 = arith.constant 680 : i32
    %min3A_182 = arith.minsi %min3A_181, %sub3A_180 : i32
    %add3A_183 = arith.addi %mul3A_2, %min3A_182 : i32
    %dma_start3A_184 = arith.constant 0 : i32
    %dma_start3A_185 = tpu.memref_slice %arg5[%add3A_183, %dma_start3A_184] : memref<100000x128xf32, #tpu.memory_space<hbm>> -> memref<136x128xf32, #tpu.memory_space<hbm>>
    %dma_start3A_186 = arith.constant 0 : i32
    %dma_start3A_187 = tpu.memref_slice %arg5[%add3A_183, %dma_start3A_186] : memref<100000x128xf32, #tpu.memory_space<hbm>> -> memref<136x128xf32, #tpu.memory_space<hbm>>
    tpu.enqueue_dma source(%arg17 : memref<136x128xf32, #tpu.memory_space<vmem>>) target(%dma_start3A_187 : memref<136x128xf32, #tpu.memory_space<hbm>>) target_semaphore(%arg27 : memref<!tpu.dma_semaphore, #tpu.memory_space<semaphore_mem>>)
    %dma_wait3A_188 = arith.constant 0 : i32
    %dma_wait3A_189 = tpu.memref_slice %arg5[%add3A_97, %dma_wait3A_188] : memref<100000x128xf32, #tpu.memory_space<hbm>> -> memref<136x128xf32, #tpu.memory_space<hbm>>
    %dma_wait3A_190 = arith.constant 0 : i32
    %dma_wait3A_191 = tpu.memref_slice %arg5[%add3A_97, %dma_wait3A_190] : memref<100000x128xf32, #tpu.memory_space<hbm>> -> memref<136x128xf32, #tpu.memory_space<hbm>>
    tpu.wait_dma2 semaphore(%arg28 : memref<!tpu.dma_semaphore, #tpu.memory_space<semaphore_mem>>) src(%arg18 : memref<136x128xf32, #tpu.memory_space<vmem>>) dst(%dma_wait3A_191 : memref<136x128xf32, #tpu.memory_space<hbm>>)
    %sub3A_192 = arith.constant 136 : i32
    %sub3A_193 = arith.subi %select_n3A, %sub3A_192 : i32
    %min3A_194 = arith.constant 816 : i32
    %min3A_195 = arith.minsi %min3A_194, %sub3A_193 : i32
    %add3A_196 = arith.addi %mul3A_2, %min3A_195 : i32
    %dma_start3A_197 = arith.constant 0 : i32
    %dma_start3A_198 = tpu.memref_slice %arg4[%add3A_196, %dma_start3A_197] : memref<100000x128xf32, #tpu.memory_space<hbm>> -> memref<136x128xf32, #tpu.memory_space<hbm>>
    %dma_start3A_199 = arith.constant 0 : i32
    %dma_start3A_200 = tpu.memref_slice %arg4[%add3A_196, %dma_start3A_199] : memref<100000x128xf32, #tpu.memory_space<hbm>> -> memref<136x128xf32, #tpu.memory_space<hbm>>
    tpu.enqueue_dma source(%dma_start3A_200 : memref<136x128xf32, #tpu.memory_space<hbm>>) target(%arg18 : memref<136x128xf32, #tpu.memory_space<vmem>>) target_semaphore(%arg24 : memref<!tpu.dma_semaphore, #tpu.memory_space<semaphore_mem>>)
    %scan3A_201 = arith.constant 0 : i32
    %scan3A_202 = arith.constant 225 : i32
    %scan3A_203 = arith.constant 45 : i32
    %scan3A_204 = arith.addi %scan3A_202, %scan3A_203 : i32
    %scan3A_205 = arith.constant 1 : i32
    %scan3A_206 = scf.for %scan3A_777 = %scan3A_202 to %scan3A_204 step %scan3A_205 iter_args(%scan3A_778 = %scan3A_201) -> (i32)  : i32 {
      %mul3A_779 = arith.constant 16 : i32
      %mul3A_780 = arith.muli %scan3A_777, %mul3A_779 : i32
      %get3A = arith.index_cast %mul3A_780 : i32 to index
      %get3A_781 = tpu.vector_load %arg6[%get3A] {strides = array<i32>} : memref<16384xi32, #tpu.memory_space<vmem>>, vector<16xi32>,
      %sub3A_782 = vector.broadcast %mul3A_2 : i32 to vector<16xi32>
      %sub3A_783 = arith.subi %get3A_781, %sub3A_782 : vector<16xi32>
      %ge3A = arith.constant 0 : i32
      %ge3A_784 = vector.broadcast %ge3A : i32 to vector<16xi32>
      %ge3A_785 = arith.cmpi sge, %sub3A_783, %ge3A_784 : vector<16xi32>
      %lt3A = vector.broadcast %select_n3A : i32 to vector<16xi32>
      %lt3A_786 = arith.cmpi slt, %sub3A_783, %lt3A : vector<16xi32>
      %and3A = arith.andi %ge3A_785, %lt3A_786 : vector<16xi1>
      %add3A_787 = arith.constant 3128 : i32
      %add3A_788 = vector.broadcast %add3A_787 : i32 to vector<16xi32>
      %add3A_789 = arith.addi %add3A_788, %iota3A : vector<16xi32>
      %select_n3A_790 = arith.select %and3A, %sub3A_783, %add3A_789 : vector<16xi1>, vector<16xi32>
      %mul3A_791 = arith.constant 16 : i32
      %mul3A_792 = vector.broadcast %mul3A_791 : i32 to vector<16xi32>
      %mul3A_793 = arith.muli %select_n3A_790, %mul3A_792 : vector<16xi32>
      %add3A_794 = arith.addi %mul3A_793, %iota3A : vector<16xi32>
      %masked_sort3A = arith.constant dense<true> : vector<16xi1>
      %masked_sort3A_795 = arith.constant -2147483648 : i32
      %masked_sort3A_796 = vector.broadcast %masked_sort3A_795 : i32 to vector<16xi32>
      %masked_sort3A_797 = arith.xori %add3A_794, %masked_sort3A_796 : vector<16xi32>
      %masked_sort3A_798, %masked_sort3A_799, %masked_sort3A_800 = tpu.sort %masked_sort3A_797, %iota3A masked %masked_sort3A : (vector<16xi32>, vector<16xi32>, vector<16xi1>) -> (vector<16xi1>, vector<16xi32>, vector<16xi32>)
      %masked_sort3A_801 = arith.xori %masked_sort3A_799, %masked_sort3A_796 : vector<16xi32>
      %shift_right_arithmetic3A = arith.constant 4 : i32
      %shift_right_arithmetic3A_802 = vector.broadcast %shift_right_arithmetic3A : i32 to vector<16xi32>
      %shift_right_arithmetic3A_803 = arith.shrsi %masked_sort3A_801, %shift_right_arithmetic3A_802 : vector<16xi32>
      %mul3A_804 = arith.constant 16 : i32
      %mul3A_805 = arith.muli %scan3A_777, %mul3A_804 : i32
      %and3A_806 = arith.constant 15 : i32
      %and3A_807 = vector.broadcast %and3A_806 : i32 to vector<16xi32>
      %and3A_808 = arith.andi %masked_sort3A_801, %and3A_807 : vector<16xi32>
      %add3A_809 = vector.broadcast %mul3A_805 : i32 to vector<16xi32>
      %add3A_810 = arith.addi %add3A_809, %and3A_808 : vector<16xi32>
      %lt3A_811 = arith.constant 0 : i32
      %lt3A_812 = vector.broadcast %lt3A_811 : i32 to vector<16xi32>
      %lt3A_813 = arith.cmpi slt, %min3A_49, %lt3A_812 : vector<16xi32>
      %add3A_814 = arith.constant 16 : i32
      %add3A_815 = vector.broadcast %add3A_814 : i32 to vector<16xi32>
      %add3A_816 = arith.addi %min3A_49, %add3A_815 : vector<16xi32>
      %select_n3A_817 = arith.select %lt3A_813, %add3A_816, %min3A_49 : vector<16xi1>, vector<16xi32>
      %broadcast_in_dim3A = vector.shape_cast %select_n3A_817 : vector<16xi32> to vector<16x1xi32>
      %gather3A = vector.shape_cast %broadcast_in_dim3A : vector<16x1xi32> to vector<16xi32>
      %gather3A_818 = tpu.dynamic_gather %masked_sort3A_801[%gather3A] in [0] : vector<16xi32>, vector<16xi32> -> vector<16xi32>
      %shift_right_arithmetic3A_819 = arith.constant 4 : i32
      %shift_right_arithmetic3A_820 = vector.broadcast %shift_right_arithmetic3A_819 : i32 to vector<16xi32>
      %shift_right_arithmetic3A_821 = arith.shrsi %gather3A_818, %shift_right_arithmetic3A_820 : vector<16xi32>
      %ne3A = arith.cmpi ne, %shift_right_arithmetic3A_803, %shift_right_arithmetic3A_821 : vector<16xi32>
      %eq3A_822 = arith.constant 15 : i32
      %eq3A_823 = vector.broadcast %eq3A_822 : i32 to vector<16xi32>
      %eq3A_824 = arith.cmpi eq, %iota3A, %eq3A_823 : vector<16xi32>
      %or3A = arith.ori %ne3A, %eq3A_824 : vector<16xi1>
      %lt3A_825 = vector.broadcast %select_n3A : i32 to vector<16xi32>
      %lt3A_826 = arith.cmpi slt, %shift_right_arithmetic3A_803, %lt3A_825 : vector<16xi32>
      %and3A_827 = arith.andi %or3A, %lt3A_826 : vector<16xi1>
      tpu.vector_store_idx %arg7[%shift_right_arithmetic3A_803], %add3A_810 masked %and3A_827 : memref<3152xi32, #tpu.memory_space<vmem>>[vector<16xi32>], vector<16xi32>, vector<16xi1>
      %scan3A_828 = arith.constant 0 : i32
      scf.yield %scan3A_828 : i32
    }
    %scan3A_207 = arith.constant 45 : i32
    %dma_wait3A_208 = arith.constant 0 : i32
    %dma_wait3A_209 = tpu.memref_slice %arg4[%add3A_196, %dma_wait3A_208] : memref<100000x128xf32, #tpu.memory_space<hbm>> -> memref<136x128xf32, #tpu.memory_space<hbm>>
    %dma_wait3A_210 = arith.constant 0 : i32
    %dma_wait3A_211 = tpu.memref_slice %arg4[%add3A_196, %dma_wait3A_210] : memref<100000x128xf32, #tpu.memory_space<hbm>> -> memref<136x128xf32, #tpu.memory_space<hbm>>
    tpu.wait_dma2 semaphore(%arg24 : memref<!tpu.dma_semaphore, #tpu.memory_space<semaphore_mem>>) src(%dma_wait3A_211 : memref<136x128xf32, #tpu.memory_space<hbm>>) dst(%arg18 : memref<136x128xf32, #tpu.memory_space<vmem>>)
    %sub3A_212 = arith.constant 136 : i32
    %sub3A_213 = arith.subi %select_n3A, %sub3A_212 : i32
    %min3A_214 = arith.constant 816 : i32
    %min3A_215 = arith.minsi %min3A_214, %sub3A_213 : i32
    %add3A_216 = arith.addi %mul3A_2, %min3A_215 : i32
    %dma_start3A_217 = arith.constant 0 : i32
    %dma_start3A_218 = tpu.memref_slice %arg5[%add3A_216, %dma_start3A_217] : memref<100000x128xf32, #tpu.memory_space<hbm>> -> memref<136x128xf32, #tpu.memory_space<hbm>>
    %dma_start3A_219 = arith.constant 0 : i32
    %dma_start3A_220 = tpu.memref_slice %arg5[%add3A_216, %dma_start3A_219] : memref<100000x128xf32, #tpu.memory_space<hbm>> -> memref<136x128xf32, #tpu.memory_space<hbm>>
    tpu.enqueue_dma source(%arg18 : memref<136x128xf32, #tpu.memory_space<vmem>>) target(%dma_start3A_220 : memref<136x128xf32, #tpu.memory_space<hbm>>) target_semaphore(%arg28 : memref<!tpu.dma_semaphore, #tpu.memory_space<semaphore_mem>>)
    %dma_wait3A_221 = arith.constant 0 : i32
    %dma_wait3A_222 = tpu.memref_slice %arg5[%add3A_117, %dma_wait3A_221] : memref<100000x128xf32, #tpu.memory_space<hbm>> -> memref<136x128xf32, #tpu.memory_space<hbm>>
    %dma_wait3A_223 = arith.constant 0 : i32
    %dma_wait3A_224 = tpu.memref_slice %arg5[%add3A_117, %dma_wait3A_223] : memref<100000x128xf32, #tpu.memory_space<hbm>> -> memref<136x128xf32, #tpu.memory_space<hbm>>
    tpu.wait_dma2 semaphore(%arg29 : memref<!tpu.dma_semaphore, #tpu.memory_space<semaphore_mem>>) src(%arg19 : memref<136x128xf32, #tpu.memory_space<vmem>>) dst(%dma_wait3A_224 : memref<136x128xf32, #tpu.memory_space<hbm>>)
    %sub3A_225 = arith.constant 136 : i32
    %sub3A_226 = arith.subi %select_n3A, %sub3A_225 : i32
    %min3A_227 = arith.constant 952 : i32
    %min3A_228 = arith.minsi %min3A_227, %sub3A_226 : i32
    %add3A_229 = arith.addi %mul3A_2, %min3A_228 : i32
    %dma_start3A_230 = arith.constant 0 : i32
    %dma_start3A_231 = tpu.memref_slice %arg4[%add3A_229, %dma_start3A_230] : memref<100000x128xf32, #tpu.memory_space<hbm>> -> memref<136x128xf32, #tpu.memory_space<hbm>>
    %dma_start3A_232 = arith.constant 0 : i32
    %dma_start3A_233 = tpu.memref_slice %arg4[%add3A_229, %dma_start3A_232] : memref<100000x128xf32, #tpu.memory_space<hbm>> -> memref<136x128xf32, #tpu.memory_space<hbm>>
    tpu.enqueue_dma source(%dma_start3A_233 : memref<136x128xf32, #tpu.memory_space<hbm>>) target(%arg19 : memref<136x128xf32, #tpu.memory_space<vmem>>) target_semaphore(%arg25 : memref<!tpu.dma_semaphore, #tpu.memory_space<semaphore_mem>>)
    %scan3A_234 = arith.constant 0 : i32
    %scan3A_235 = arith.constant 270 : i32
    %scan3A_236 = arith.constant 45 : i32
    %scan3A_237 = arith.addi %scan3A_235, %scan3A_236 : i32
    %scan3A_238 = arith.constant 1 : i32
    %scan3A_239 = scf.for %scan3A_777 = %scan3A_235 to %scan3A_237 step %scan3A_238 iter_args(%scan3A_778 = %scan3A_234) -> (i32)  : i32 {
      %mul3A_779 = arith.constant 16 : i32
      %mul3A_780 = arith.muli %scan3A_777, %mul3A_779 : i32
      %get3A = arith.index_cast %mul3A_780 : i32 to index
      %get3A_781 = tpu.vector_load %arg6[%get3A] {strides = array<i32>} : memref<16384xi32, #tpu.memory_space<vmem>>, vector<16xi32>,
      %sub3A_782 = vector.broadcast %mul3A_2 : i32 to vector<16xi32>
      %sub3A_783 = arith.subi %get3A_781, %sub3A_782 : vector<16xi32>
      %ge3A = arith.constant 0 : i32
      %ge3A_784 = vector.broadcast %ge3A : i32 to vector<16xi32>
      %ge3A_785 = arith.cmpi sge, %sub3A_783, %ge3A_784 : vector<16xi32>
      %lt3A = vector.broadcast %select_n3A : i32 to vector<16xi32>
      %lt3A_786 = arith.cmpi slt, %sub3A_783, %lt3A : vector<16xi32>
      %and3A = arith.andi %ge3A_785, %lt3A_786 : vector<16xi1>
      %add3A_787 = arith.constant 3128 : i32
      %add3A_788 = vector.broadcast %add3A_787 : i32 to vector<16xi32>
      %add3A_789 = arith.addi %add3A_788, %iota3A : vector<16xi32>
      %select_n3A_790 = arith.select %and3A, %sub3A_783, %add3A_789 : vector<16xi1>, vector<16xi32>
      %mul3A_791 = arith.constant 16 : i32
      %mul3A_792 = vector.broadcast %mul3A_791 : i32 to vector<16xi32>
      %mul3A_793 = arith.muli %select_n3A_790, %mul3A_792 : vector<16xi32>
      %add3A_794 = arith.addi %mul3A_793, %iota3A : vector<16xi32>
      %masked_sort3A = arith.constant dense<true> : vector<16xi1>
      %masked_sort3A_795 = arith.constant -2147483648 : i32
      %masked_sort3A_796 = vector.broadcast %masked_sort3A_795 : i32 to vector<16xi32>
      %masked_sort3A_797 = arith.xori %add3A_794, %masked_sort3A_796 : vector<16xi32>
      %masked_sort3A_798, %masked_sort3A_799, %masked_sort3A_800 = tpu.sort %masked_sort3A_797, %iota3A masked %masked_sort3A : (vector<16xi32>, vector<16xi32>, vector<16xi1>) -> (vector<16xi1>, vector<16xi32>, vector<16xi32>)
      %masked_sort3A_801 = arith.xori %masked_sort3A_799, %masked_sort3A_796 : vector<16xi32>
      %shift_right_arithmetic3A = arith.constant 4 : i32
      %shift_right_arithmetic3A_802 = vector.broadcast %shift_right_arithmetic3A : i32 to vector<16xi32>
      %shift_right_arithmetic3A_803 = arith.shrsi %masked_sort3A_801, %shift_right_arithmetic3A_802 : vector<16xi32>
      %mul3A_804 = arith.constant 16 : i32
      %mul3A_805 = arith.muli %scan3A_777, %mul3A_804 : i32
      %and3A_806 = arith.constant 15 : i32
      %and3A_807 = vector.broadcast %and3A_806 : i32 to vector<16xi32>
      %and3A_808 = arith.andi %masked_sort3A_801, %and3A_807 : vector<16xi32>
      %add3A_809 = vector.broadcast %mul3A_805 : i32 to vector<16xi32>
      %add3A_810 = arith.addi %add3A_809, %and3A_808 : vector<16xi32>
      %lt3A_811 = arith.constant 0 : i32
      %lt3A_812 = vector.broadcast %lt3A_811 : i32 to vector<16xi32>
      %lt3A_813 = arith.cmpi slt, %min3A_49, %lt3A_812 : vector<16xi32>
      %add3A_814 = arith.constant 16 : i32
      %add3A_815 = vector.broadcast %add3A_814 : i32 to vector<16xi32>
      %add3A_816 = arith.addi %min3A_49, %add3A_815 : vector<16xi32>
      %select_n3A_817 = arith.select %lt3A_813, %add3A_816, %min3A_49 : vector<16xi1>, vector<16xi32>
      %broadcast_in_dim3A = vector.shape_cast %select_n3A_817 : vector<16xi32> to vector<16x1xi32>
      %gather3A = vector.shape_cast %broadcast_in_dim3A : vector<16x1xi32> to vector<16xi32>
      %gather3A_818 = tpu.dynamic_gather %masked_sort3A_801[%gather3A] in [0] : vector<16xi32>, vector<16xi32> -> vector<16xi32>
      %shift_right_arithmetic3A_819 = arith.constant 4 : i32
      %shift_right_arithmetic3A_820 = vector.broadcast %shift_right_arithmetic3A_819 : i32 to vector<16xi32>
      %shift_right_arithmetic3A_821 = arith.shrsi %gather3A_818, %shift_right_arithmetic3A_820 : vector<16xi32>
      %ne3A = arith.cmpi ne, %shift_right_arithmetic3A_803, %shift_right_arithmetic3A_821 : vector<16xi32>
      %eq3A_822 = arith.constant 15 : i32
      %eq3A_823 = vector.broadcast %eq3A_822 : i32 to vector<16xi32>
      %eq3A_824 = arith.cmpi eq, %iota3A, %eq3A_823 : vector<16xi32>
      %or3A = arith.ori %ne3A, %eq3A_824 : vector<16xi1>
      %lt3A_825 = vector.broadcast %select_n3A : i32 to vector<16xi32>
      %lt3A_826 = arith.cmpi slt, %shift_right_arithmetic3A_803, %lt3A_825 : vector<16xi32>
      %and3A_827 = arith.andi %or3A, %lt3A_826 : vector<16xi1>
      tpu.vector_store_idx %arg7[%shift_right_arithmetic3A_803], %add3A_810 masked %and3A_827 : memref<3152xi32, #tpu.memory_space<vmem>>[vector<16xi32>], vector<16xi32>, vector<16xi1>
      %scan3A_828 = arith.constant 0 : i32
      scf.yield %scan3A_828 : i32
    }
    %scan3A_240 = arith.constant 45 : i32
    %dma_wait3A_241 = arith.constant 0 : i32
    %dma_wait3A_242 = tpu.memref_slice %arg4[%add3A_229, %dma_wait3A_241] : memref<100000x128xf32, #tpu.memory_space<hbm>> -> memref<136x128xf32, #tpu.memory_space<hbm>>
    %dma_wait3A_243 = arith.constant 0 : i32
    %dma_wait3A_244 = tpu.memref_slice %arg4[%add3A_229, %dma_wait3A_243] : memref<100000x128xf32, #tpu.memory_space<hbm>> -> memref<136x128xf32, #tpu.memory_space<hbm>>
    tpu.wait_dma2 semaphore(%arg25 : memref<!tpu.dma_semaphore, #tpu.memory_space<semaphore_mem>>) src(%dma_wait3A_244 : memref<136x128xf32, #tpu.memory_space<hbm>>) dst(%arg19 : memref<136x128xf32, #tpu.memory_space<vmem>>)
    %sub3A_245 = arith.constant 136 : i32
    %sub3A_246 = arith.subi %select_n3A, %sub3A_245 : i32
    %min3A_247 = arith.constant 952 : i32
    %min3A_248 = arith.minsi %min3A_247, %sub3A_246 : i32
    %add3A_249 = arith.addi %mul3A_2, %min3A_248 : i32
    %dma_start3A_250 = arith.constant 0 : i32
    %dma_start3A_251 = tpu.memref_slice %arg5[%add3A_249, %dma_start3A_250] : memref<100000x128xf32, #tpu.memory_space<hbm>> -> memref<136x128xf32, #tpu.memory_space<hbm>>
    %dma_start3A_252 = arith.constant 0 : i32
    %dma_start3A_253 = tpu.memref_slice %arg5[%add3A_249, %dma_start3A_252] : memref<100000x128xf32, #tpu.memory_space<hbm>> -> memref<136x128xf32, #tpu.memory_space<hbm>>
    tpu.enqueue_dma source(%arg19 : memref<136x128xf32, #tpu.memory_space<vmem>>) target(%dma_start3A_253 : memref<136x128xf32, #tpu.memory_space<hbm>>) target_semaphore(%arg29 : memref<!tpu.dma_semaphore, #tpu.memory_space<semaphore_mem>>)
    %dma_wait3A_254 = arith.constant 0 : i32
    %dma_wait3A_255 = tpu.memref_slice %arg5[%add3A_150, %dma_wait3A_254] : memref<100000x128xf32, #tpu.memory_space<hbm>> -> memref<136x128xf32, #tpu.memory_space<hbm>>
    %dma_wait3A_256 = arith.constant 0 : i32
    %dma_wait3A_257 = tpu.memref_slice %arg5[%add3A_150, %dma_wait3A_256] : memref<100000x128xf32, #tpu.memory_space<hbm>> -> memref<136x128xf32, #tpu.memory_space<hbm>>
    tpu.wait_dma2 semaphore(%arg26 : memref<!tpu.dma_semaphore, #tpu.memory_space<semaphore_mem>>) src(%arg16 : memref<136x128xf32, #tpu.memory_space<vmem>>) dst(%dma_wait3A_257 : memref<136x128xf32, #tpu.memory_space<hbm>>)
    %sub3A_258 = arith.constant 136 : i32
    %sub3A_259 = arith.subi %select_n3A, %sub3A_258 : i32
    %min3A_260 = arith.constant 1088 : i32
    %min3A_261 = arith.minsi %min3A_260, %sub3A_259 : i32
    %add3A_262 = arith.addi %mul3A_2, %min3A_261 : i32
    %dma_start3A_263 = arith.constant 0 : i32
    %dma_start3A_264 = tpu.memref_slice %arg4[%add3A_262, %dma_start3A_263] : memref<100000x128xf32, #tpu.memory_space<hbm>> -> memref<136x128xf32, #tpu.memory_space<hbm>>
    %dma_start3A_265 = arith.constant 0 : i32
    %dma_start3A_266 = tpu.memref_slice %arg4[%add3A_262, %dma_start3A_265] : memref<100000x128xf32, #tpu.memory_space<hbm>> -> memref<136x128xf32, #tpu.memory_space<hbm>>
    tpu.enqueue_dma source(%dma_start3A_266 : memref<136x128xf32, #tpu.memory_space<hbm>>) target(%arg16 : memref<136x128xf32, #tpu.memory_space<vmem>>) target_semaphore(%arg22 : memref<!tpu.dma_semaphore, #tpu.memory_space<semaphore_mem>>)
    %scan3A_267 = arith.constant 0 : i32
    %scan3A_268 = arith.constant 315 : i32
    %scan3A_269 = arith.constant 45 : i32
    %scan3A_270 = arith.addi %scan3A_268, %scan3A_269 : i32
    %scan3A_271 = arith.constant 1 : i32
    %scan3A_272 = scf.for %scan3A_777 = %scan3A_268 to %scan3A_270 step %scan3A_271 iter_args(%scan3A_778 = %scan3A_267) -> (i32)  : i32 {
      %mul3A_779 = arith.constant 16 : i32
      %mul3A_780 = arith.muli %scan3A_777, %mul3A_779 : i32
      %get3A = arith.index_cast %mul3A_780 : i32 to index
      %get3A_781 = tpu.vector_load %arg6[%get3A] {strides = array<i32>} : memref<16384xi32, #tpu.memory_space<vmem>>, vector<16xi32>,
      %sub3A_782 = vector.broadcast %mul3A_2 : i32 to vector<16xi32>
      %sub3A_783 = arith.subi %get3A_781, %sub3A_782 : vector<16xi32>
      %ge3A = arith.constant 0 : i32
      %ge3A_784 = vector.broadcast %ge3A : i32 to vector<16xi32>
      %ge3A_785 = arith.cmpi sge, %sub3A_783, %ge3A_784 : vector<16xi32>
      %lt3A = vector.broadcast %select_n3A : i32 to vector<16xi32>
      %lt3A_786 = arith.cmpi slt, %sub3A_783, %lt3A : vector<16xi32>
      %and3A = arith.andi %ge3A_785, %lt3A_786 : vector<16xi1>
      %add3A_787 = arith.constant 3128 : i32
      %add3A_788 = vector.broadcast %add3A_787 : i32 to vector<16xi32>
      %add3A_789 = arith.addi %add3A_788, %iota3A : vector<16xi32>
      %select_n3A_790 = arith.select %and3A, %sub3A_783, %add3A_789 : vector<16xi1>, vector<16xi32>
      %mul3A_791 = arith.constant 16 : i32
      %mul3A_792 = vector.broadcast %mul3A_791 : i32 to vector<16xi32>
      %mul3A_793 = arith.muli %select_n3A_790, %mul3A_792 : vector<16xi32>
      %add3A_794 = arith.addi %mul3A_793, %iota3A : vector<16xi32>
      %masked_sort3A = arith.constant dense<true> : vector<16xi1>
      %masked_sort3A_795 = arith.constant -2147483648 : i32
      %masked_sort3A_796 = vector.broadcast %masked_sort3A_795 : i32 to vector<16xi32>
      %masked_sort3A_797 = arith.xori %add3A_794, %masked_sort3A_796 : vector<16xi32>
      %masked_sort3A_798, %masked_sort3A_799, %masked_sort3A_800 = tpu.sort %masked_sort3A_797, %iota3A masked %masked_sort3A : (vector<16xi32>, vector<16xi32>, vector<16xi1>) -> (vector<16xi1>, vector<16xi32>, vector<16xi32>)
      %masked_sort3A_801 = arith.xori %masked_sort3A_799, %masked_sort3A_796 : vector<16xi32>
      %shift_right_arithmetic3A = arith.constant 4 : i32
      %shift_right_arithmetic3A_802 = vector.broadcast %shift_right_arithmetic3A : i32 to vector<16xi32>
      %shift_right_arithmetic3A_803 = arith.shrsi %masked_sort3A_801, %shift_right_arithmetic3A_802 : vector<16xi32>
      %mul3A_804 = arith.constant 16 : i32
      %mul3A_805 = arith.muli %scan3A_777, %mul3A_804 : i32
      %and3A_806 = arith.constant 15 : i32
      %and3A_807 = vector.broadcast %and3A_806 : i32 to vector<16xi32>
      %and3A_808 = arith.andi %masked_sort3A_801, %and3A_807 : vector<16xi32>
      %add3A_809 = vector.broadcast %mul3A_805 : i32 to vector<16xi32>
      %add3A_810 = arith.addi %add3A_809, %and3A_808 : vector<16xi32>
      %lt3A_811 = arith.constant 0 : i32
      %lt3A_812 = vector.broadcast %lt3A_811 : i32 to vector<16xi32>
      %lt3A_813 = arith.cmpi slt, %min3A_49, %lt3A_812 : vector<16xi32>
      %add3A_814 = arith.constant 16 : i32
      %add3A_815 = vector.broadcast %add3A_814 : i32 to vector<16xi32>
      %add3A_816 = arith.addi %min3A_49, %add3A_815 : vector<16xi32>
      %select_n3A_817 = arith.select %lt3A_813, %add3A_816, %min3A_49 : vector<16xi1>, vector<16xi32>
      %broadcast_in_dim3A = vector.shape_cast %select_n3A_817 : vector<16xi32> to vector<16x1xi32>
      %gather3A = vector.shape_cast %broadcast_in_dim3A : vector<16x1xi32> to vector<16xi32>
      %gather3A_818 = tpu.dynamic_gather %masked_sort3A_801[%gather3A] in [0] : vector<16xi32>, vector<16xi32> -> vector<16xi32>
      %shift_right_arithmetic3A_819 = arith.constant 4 : i32
      %shift_right_arithmetic3A_820 = vector.broadcast %shift_right_arithmetic3A_819 : i32 to vector<16xi32>
      %shift_right_arithmetic3A_821 = arith.shrsi %gather3A_818, %shift_right_arithmetic3A_820 : vector<16xi32>
      %ne3A = arith.cmpi ne, %shift_right_arithmetic3A_803, %shift_right_arithmetic3A_821 : vector<16xi32>
      %eq3A_822 = arith.constant 15 : i32
      %eq3A_823 = vector.broadcast %eq3A_822 : i32 to vector<16xi32>
      %eq3A_824 = arith.cmpi eq, %iota3A, %eq3A_823 : vector<16xi32>
      %or3A = arith.ori %ne3A, %eq3A_824 : vector<16xi1>
      %lt3A_825 = vector.broadcast %select_n3A : i32 to vector<16xi32>
      %lt3A_826 = arith.cmpi slt, %shift_right_arithmetic3A_803, %lt3A_825 : vector<16xi32>
      %and3A_827 = arith.andi %or3A, %lt3A_826 : vector<16xi1>
      tpu.vector_store_idx %arg7[%shift_right_arithmetic3A_803], %add3A_810 masked %and3A_827 : memref<3152xi32, #tpu.memory_space<vmem>>[vector<16xi32>], vector<16xi32>, vector<16xi1>
      %scan3A_828 = arith.constant 0 : i32
      scf.yield %scan3A_828 : i32
    }
    %scan3A_273 = arith.constant 45 : i32
    %dma_wait3A_274 = arith.constant 0 : i32
    %dma_wait3A_275 = tpu.memref_slice %arg4[%add3A_262, %dma_wait3A_274] : memref<100000x128xf32, #tpu.memory_space<hbm>> -> memref<136x128xf32, #tpu.memory_space<hbm>>
    %dma_wait3A_276 = arith.constant 0 : i32
    %dma_wait3A_277 = tpu.memref_slice %arg4[%add3A_262, %dma_wait3A_276] : memref<100000x128xf32, #tpu.memory_space<hbm>> -> memref<136x128xf32, #tpu.memory_space<hbm>>
    tpu.wait_dma2 semaphore(%arg22 : memref<!tpu.dma_semaphore, #tpu.memory_space<semaphore_mem>>) src(%dma_wait3A_277 : memref<136x128xf32, #tpu.memory_space<hbm>>) dst(%arg16 : memref<136x128xf32, #tpu.memory_space<vmem>>)
    %sub3A_278 = arith.constant 136 : i32
    %sub3A_279 = arith.subi %select_n3A, %sub3A_278 : i32
    %min3A_280 = arith.constant 1088 : i32
    %min3A_281 = arith.minsi %min3A_280, %sub3A_279 : i32
    %add3A_282 = arith.addi %mul3A_2, %min3A_281 : i32
    %dma_start3A_283 = arith.constant 0 : i32
    %dma_start3A_284 = tpu.memref_slice %arg5[%add3A_282, %dma_start3A_283] : memref<100000x128xf32, #tpu.memory_space<hbm>> -> memref<136x128xf32, #tpu.memory_space<hbm>>
    %dma_start3A_285 = arith.constant 0 : i32
    %dma_start3A_286 = tpu.memref_slice %arg5[%add3A_282, %dma_start3A_285] : memref<100000x128xf32, #tpu.memory_space<hbm>> -> memref<136x128xf32, #tpu.memory_space<hbm>>
    tpu.enqueue_dma source(%arg16 : memref<136x128xf32, #tpu.memory_space<vmem>>) target(%dma_start3A_286 : memref<136x128xf32, #tpu.memory_space<hbm>>) target_semaphore(%arg26 : memref<!tpu.dma_semaphore, #tpu.memory_space<semaphore_mem>>)
    %dma_wait3A_287 = arith.constant 0 : i32
    %dma_wait3A_288 = tpu.memref_slice %arg5[%add3A_183, %dma_wait3A_287] : memref<100000x128xf32, #tpu.memory_space<hbm>> -> memref<136x128xf32, #tpu.memory_space<hbm>>
    %dma_wait3A_289 = arith.constant 0 : i32
    %dma_wait3A_290 = tpu.memref_slice %arg5[%add3A_183, %dma_wait3A_289] : memref<100000x128xf32, #tpu.memory_space<hbm>> -> memref<136x128xf32, #tpu.memory_space<hbm>>
    tpu.wait_dma2 semaphore(%arg27 : memref<!tpu.dma_semaphore, #tpu.memory_space<semaphore_mem>>) src(%arg17 : memref<136x128xf32, #tpu.memory_space<vmem>>) dst(%dma_wait3A_290 : memref<136x128xf32, #tpu.memory_space<hbm>>)
    %sub3A_291 = arith.constant 136 : i32
    %sub3A_292 = arith.subi %select_n3A, %sub3A_291 : i32
    %min3A_293 = arith.constant 1224 : i32
    %min3A_294 = arith.minsi %min3A_293, %sub3A_292 : i32
    %add3A_295 = arith.addi %mul3A_2, %min3A_294 : i32
    %dma_start3A_296 = arith.constant 0 : i32
    %dma_start3A_297 = tpu.memref_slice %arg4[%add3A_295, %dma_start3A_296] : memref<100000x128xf32, #tpu.memory_space<hbm>> -> memref<136x128xf32, #tpu.memory_space<hbm>>
    %dma_start3A_298 = arith.constant 0 : i32
    %dma_start3A_299 = tpu.memref_slice %arg4[%add3A_295, %dma_start3A_298] : memref<100000x128xf32, #tpu.memory_space<hbm>> -> memref<136x128xf32, #tpu.memory_space<hbm>>
    tpu.enqueue_dma source(%dma_start3A_299 : memref<136x128xf32, #tpu.memory_space<hbm>>) target(%arg17 : memref<136x128xf32, #tpu.memory_space<vmem>>) target_semaphore(%arg23 : memref<!tpu.dma_semaphore, #tpu.memory_space<semaphore_mem>>)
    %scan3A_300 = arith.constant 0 : i32
    %scan3A_301 = arith.constant 360 : i32
    %scan3A_302 = arith.constant 45 : i32
    %scan3A_303 = arith.addi %scan3A_301, %scan3A_302 : i32
    %scan3A_304 = arith.constant 1 : i32
    %scan3A_305 = scf.for %scan3A_777 = %scan3A_301 to %scan3A_303 step %scan3A_304 iter_args(%scan3A_778 = %scan3A_300) -> (i32)  : i32 {
      %mul3A_779 = arith.constant 16 : i32
      %mul3A_780 = arith.muli %scan3A_777, %mul3A_779 : i32
      %get3A = arith.index_cast %mul3A_780 : i32 to index
      %get3A_781 = tpu.vector_load %arg6[%get3A] {strides = array<i32>} : memref<16384xi32, #tpu.memory_space<vmem>>, vector<16xi32>,
      %sub3A_782 = vector.broadcast %mul3A_2 : i32 to vector<16xi32>
      %sub3A_783 = arith.subi %get3A_781, %sub3A_782 : vector<16xi32>
      %ge3A = arith.constant 0 : i32
      %ge3A_784 = vector.broadcast %ge3A : i32 to vector<16xi32>
      %ge3A_785 = arith.cmpi sge, %sub3A_783, %ge3A_784 : vector<16xi32>
      %lt3A = vector.broadcast %select_n3A : i32 to vector<16xi32>
      %lt3A_786 = arith.cmpi slt, %sub3A_783, %lt3A : vector<16xi32>
      %and3A = arith.andi %ge3A_785, %lt3A_786 : vector<16xi1>
      %add3A_787 = arith.constant 3128 : i32
      %add3A_788 = vector.broadcast %add3A_787 : i32 to vector<16xi32>
      %add3A_789 = arith.addi %add3A_788, %iota3A : vector<16xi32>
      %select_n3A_790 = arith.select %and3A, %sub3A_783, %add3A_789 : vector<16xi1>, vector<16xi32>
      %mul3A_791 = arith.constant 16 : i32
      %mul3A_792 = vector.broadcast %mul3A_791 : i32 to vector<16xi32>
      %mul3A_793 = arith.muli %select_n3A_790, %mul3A_792 : vector<16xi32>
      %add3A_794 = arith.addi %mul3A_793, %iota3A : vector<16xi32>
      %masked_sort3A = arith.constant dense<true> : vector<16xi1>
      %masked_sort3A_795 = arith.constant -2147483648 : i32
      %masked_sort3A_796 = vector.broadcast %masked_sort3A_795 : i32 to vector<16xi32>
      %masked_sort3A_797 = arith.xori %add3A_794, %masked_sort3A_796 : vector<16xi32>
      %masked_sort3A_798, %masked_sort3A_799, %masked_sort3A_800 = tpu.sort %masked_sort3A_797, %iota3A masked %masked_sort3A : (vector<16xi32>, vector<16xi32>, vector<16xi1>) -> (vector<16xi1>, vector<16xi32>, vector<16xi32>)
      %masked_sort3A_801 = arith.xori %masked_sort3A_799, %masked_sort3A_796 : vector<16xi32>
      %shift_right_arithmetic3A = arith.constant 4 : i32
      %shift_right_arithmetic3A_802 = vector.broadcast %shift_right_arithmetic3A : i32 to vector<16xi32>
      %shift_right_arithmetic3A_803 = arith.shrsi %masked_sort3A_801, %shift_right_arithmetic3A_802 : vector<16xi32>
      %mul3A_804 = arith.constant 16 : i32
      %mul3A_805 = arith.muli %scan3A_777, %mul3A_804 : i32
      %and3A_806 = arith.constant 15 : i32
      %and3A_807 = vector.broadcast %and3A_806 : i32 to vector<16xi32>
      %and3A_808 = arith.andi %masked_sort3A_801, %and3A_807 : vector<16xi32>
      %add3A_809 = vector.broadcast %mul3A_805 : i32 to vector<16xi32>
      %add3A_810 = arith.addi %add3A_809, %and3A_808 : vector<16xi32>
      %lt3A_811 = arith.constant 0 : i32
      %lt3A_812 = vector.broadcast %lt3A_811 : i32 to vector<16xi32>
      %lt3A_813 = arith.cmpi slt, %min3A_49, %lt3A_812 : vector<16xi32>
      %add3A_814 = arith.constant 16 : i32
      %add3A_815 = vector.broadcast %add3A_814 : i32 to vector<16xi32>
      %add3A_816 = arith.addi %min3A_49, %add3A_815 : vector<16xi32>
      %select_n3A_817 = arith.select %lt3A_813, %add3A_816, %min3A_49 : vector<16xi1>, vector<16xi32>
      %broadcast_in_dim3A = vector.shape_cast %select_n3A_817 : vector<16xi32> to vector<16x1xi32>
      %gather3A = vector.shape_cast %broadcast_in_dim3A : vector<16x1xi32> to vector<16xi32>
      %gather3A_818 = tpu.dynamic_gather %masked_sort3A_801[%gather3A] in [0] : vector<16xi32>, vector<16xi32> -> vector<16xi32>
      %shift_right_arithmetic3A_819 = arith.constant 4 : i32
      %shift_right_arithmetic3A_820 = vector.broadcast %shift_right_arithmetic3A_819 : i32 to vector<16xi32>
      %shift_right_arithmetic3A_821 = arith.shrsi %gather3A_818, %shift_right_arithmetic3A_820 : vector<16xi32>
      %ne3A = arith.cmpi ne, %shift_right_arithmetic3A_803, %shift_right_arithmetic3A_821 : vector<16xi32>
      %eq3A_822 = arith.constant 15 : i32
      %eq3A_823 = vector.broadcast %eq3A_822 : i32 to vector<16xi32>
      %eq3A_824 = arith.cmpi eq, %iota3A, %eq3A_823 : vector<16xi32>
      %or3A = arith.ori %ne3A, %eq3A_824 : vector<16xi1>
      %lt3A_825 = vector.broadcast %select_n3A : i32 to vector<16xi32>
      %lt3A_826 = arith.cmpi slt, %shift_right_arithmetic3A_803, %lt3A_825 : vector<16xi32>
      %and3A_827 = arith.andi %or3A, %lt3A_826 : vector<16xi1>
      tpu.vector_store_idx %arg7[%shift_right_arithmetic3A_803], %add3A_810 masked %and3A_827 : memref<3152xi32, #tpu.memory_space<vmem>>[vector<16xi32>], vector<16xi32>, vector<16xi1>
      %scan3A_828 = arith.constant 0 : i32
      scf.yield %scan3A_828 : i32
    }
    %scan3A_306 = arith.constant 45 : i32
    %dma_wait3A_307 = arith.constant 0 : i32
    %dma_wait3A_308 = tpu.memref_slice %arg4[%add3A_295, %dma_wait3A_307] : memref<100000x128xf32, #tpu.memory_space<hbm>> -> memref<136x128xf32, #tpu.memory_space<hbm>>
    %dma_wait3A_309 = arith.constant 0 : i32
    %dma_wait3A_310 = tpu.memref_slice %arg4[%add3A_295, %dma_wait3A_309] : memref<100000x128xf32, #tpu.memory_space<hbm>> -> memref<136x128xf32, #tpu.memory_space<hbm>>
    tpu.wait_dma2 semaphore(%arg23 : memref<!tpu.dma_semaphore, #tpu.memory_space<semaphore_mem>>) src(%dma_wait3A_310 : memref<136x128xf32, #tpu.memory_space<hbm>>) dst(%arg17 : memref<136x128xf32, #tpu.memory_space<vmem>>)
    %sub3A_311 = arith.constant 136 : i32
    %sub3A_312 = arith.subi %select_n3A, %sub3A_311 : i32
    %min3A_313 = arith.constant 1224 : i32
    %min3A_314 = arith.minsi %min3A_313, %sub3A_312 : i32
    %add3A_315 = arith.addi %mul3A_2, %min3A_314 : i32
    %dma_start3A_316 = arith.constant 0 : i32
    %dma_start3A_317 = tpu.memref_slice %arg5[%add3A_315, %dma_start3A_316] : memref<100000x128xf32, #tpu.memory_space<hbm>> -> memref<136x128xf32, #tpu.memory_space<hbm>>
    %dma_start3A_318 = arith.constant 0 : i32
    %dma_start3A_319 = tpu.memref_slice %arg5[%add3A_315, %dma_start3A_318] : memref<100000x128xf32, #tpu.memory_space<hbm>> -> memref<136x128xf32, #tpu.memory_space<hbm>>
    tpu.enqueue_dma source(%arg17 : memref<136x128xf32, #tpu.memory_space<vmem>>) target(%dma_start3A_319 : memref<136x128xf32, #tpu.memory_space<hbm>>) target_semaphore(%arg27 : memref<!tpu.dma_semaphore, #tpu.memory_space<semaphore_mem>>)
    %dma_wait3A_320 = arith.constant 0 : i32
    %dma_wait3A_321 = tpu.memref_slice %arg5[%add3A_216, %dma_wait3A_320] : memref<100000x128xf32, #tpu.memory_space<hbm>> -> memref<136x128xf32, #tpu.memory_space<hbm>>
    %dma_wait3A_322 = arith.constant 0 : i32
    %dma_wait3A_323 = tpu.memref_slice %arg5[%add3A_216, %dma_wait3A_322] : memref<100000x128xf32, #tpu.memory_space<hbm>> -> memref<136x128xf32, #tpu.memory_space<hbm>>
    tpu.wait_dma2 semaphore(%arg28 : memref<!tpu.dma_semaphore, #tpu.memory_space<semaphore_mem>>) src(%arg18 : memref<136x128xf32, #tpu.memory_space<vmem>>) dst(%dma_wait3A_323 : memref<136x128xf32, #tpu.memory_space<hbm>>)
    %sub3A_324 = arith.constant 136 : i32
    %sub3A_325 = arith.subi %select_n3A, %sub3A_324 : i32
    %min3A_326 = arith.constant 1360 : i32
    %min3A_327 = arith.minsi %min3A_326, %sub3A_325 : i32
    %add3A_328 = arith.addi %mul3A_2, %min3A_327 : i32
    %dma_start3A_329 = arith.constant 0 : i32
    %dma_start3A_330 = tpu.memref_slice %arg4[%add3A_328, %dma_start3A_329] : memref<100000x128xf32, #tpu.memory_space<hbm>> -> memref<136x128xf32, #tpu.memory_space<hbm>>
    %dma_start3A_331 = arith.constant 0 : i32
    %dma_start3A_332 = tpu.memref_slice %arg4[%add3A_328, %dma_start3A_331] : memref<100000x128xf32, #tpu.memory_space<hbm>> -> memref<136x128xf32, #tpu.memory_space<hbm>>
    tpu.enqueue_dma source(%dma_start3A_332 : memref<136x128xf32, #tpu.memory_space<hbm>>) target(%arg18 : memref<136x128xf32, #tpu.memory_space<vmem>>) target_semaphore(%arg24 : memref<!tpu.dma_semaphore, #tpu.memory_space<semaphore_mem>>)
    %scan3A_333 = arith.constant 0 : i32
    %scan3A_334 = arith.constant 405 : i32
    %scan3A_335 = arith.constant 45 : i32
    %scan3A_336 = arith.addi %scan3A_334, %scan3A_335 : i32
    %scan3A_337 = arith.constant 1 : i32
    %scan3A_338 = scf.for %scan3A_777 = %scan3A_334 to %scan3A_336 step %scan3A_337 iter_args(%scan3A_778 = %scan3A_333) -> (i32)  : i32 {
      %mul3A_779 = arith.constant 16 : i32
      %mul3A_780 = arith.muli %scan3A_777, %mul3A_779 : i32
      %get3A = arith.index_cast %mul3A_780 : i32 to index
      %get3A_781 = tpu.vector_load %arg6[%get3A] {strides = array<i32>} : memref<16384xi32, #tpu.memory_space<vmem>>, vector<16xi32>,
      %sub3A_782 = vector.broadcast %mul3A_2 : i32 to vector<16xi32>
      %sub3A_783 = arith.subi %get3A_781, %sub3A_782 : vector<16xi32>
      %ge3A = arith.constant 0 : i32
      %ge3A_784 = vector.broadcast %ge3A : i32 to vector<16xi32>
      %ge3A_785 = arith.cmpi sge, %sub3A_783, %ge3A_784 : vector<16xi32>
      %lt3A = vector.broadcast %select_n3A : i32 to vector<16xi32>
      %lt3A_786 = arith.cmpi slt, %sub3A_783, %lt3A : vector<16xi32>
      %and3A = arith.andi %ge3A_785, %lt3A_786 : vector<16xi1>
      %add3A_787 = arith.constant 3128 : i32
      %add3A_788 = vector.broadcast %add3A_787 : i32 to vector<16xi32>
      %add3A_789 = arith.addi %add3A_788, %iota3A : vector<16xi32>
      %select_n3A_790 = arith.select %and3A, %sub3A_783, %add3A_789 : vector<16xi1>, vector<16xi32>
      %mul3A_791 = arith.constant 16 : i32
      %mul3A_792 = vector.broadcast %mul3A_791 : i32 to vector<16xi32>
      %mul3A_793 = arith.muli %select_n3A_790, %mul3A_792 : vector<16xi32>
      %add3A_794 = arith.addi %mul3A_793, %iota3A : vector<16xi32>
      %masked_sort3A = arith.constant dense<true> : vector<16xi1>
      %masked_sort3A_795 = arith.constant -2147483648 : i32
      %masked_sort3A_796 = vector.broadcast %masked_sort3A_795 : i32 to vector<16xi32>
      %masked_sort3A_797 = arith.xori %add3A_794, %masked_sort3A_796 : vector<16xi32>
      %masked_sort3A_798, %masked_sort3A_799, %masked_sort3A_800 = tpu.sort %masked_sort3A_797, %iota3A masked %masked_sort3A : (vector<16xi32>, vector<16xi32>, vector<16xi1>) -> (vector<16xi1>, vector<16xi32>, vector<16xi32>)
      %masked_sort3A_801 = arith.xori %masked_sort3A_799, %masked_sort3A_796 : vector<16xi32>
      %shift_right_arithmetic3A = arith.constant 4 : i32
      %shift_right_arithmetic3A_802 = vector.broadcast %shift_right_arithmetic3A : i32 to vector<16xi32>
      %shift_right_arithmetic3A_803 = arith.shrsi %masked_sort3A_801, %shift_right_arithmetic3A_802 : vector<16xi32>
      %mul3A_804 = arith.constant 16 : i32
      %mul3A_805 = arith.muli %scan3A_777, %mul3A_804 : i32
      %and3A_806 = arith.constant 15 : i32
      %and3A_807 = vector.broadcast %and3A_806 : i32 to vector<16xi32>
      %and3A_808 = arith.andi %masked_sort3A_801, %and3A_807 : vector<16xi32>
      %add3A_809 = vector.broadcast %mul3A_805 : i32 to vector<16xi32>
      %add3A_810 = arith.addi %add3A_809, %and3A_808 : vector<16xi32>
      %lt3A_811 = arith.constant 0 : i32
      %lt3A_812 = vector.broadcast %lt3A_811 : i32 to vector<16xi32>
      %lt3A_813 = arith.cmpi slt, %min3A_49, %lt3A_812 : vector<16xi32>
      %add3A_814 = arith.constant 16 : i32
      %add3A_815 = vector.broadcast %add3A_814 : i32 to vector<16xi32>
      %add3A_816 = arith.addi %min3A_49, %add3A_815 : vector<16xi32>
      %select_n3A_817 = arith.select %lt3A_813, %add3A_816, %min3A_49 : vector<16xi1>, vector<16xi32>
      %broadcast_in_dim3A = vector.shape_cast %select_n3A_817 : vector<16xi32> to vector<16x1xi32>
      %gather3A = vector.shape_cast %broadcast_in_dim3A : vector<16x1xi32> to vector<16xi32>
      %gather3A_818 = tpu.dynamic_gather %masked_sort3A_801[%gather3A] in [0] : vector<16xi32>, vector<16xi32> -> vector<16xi32>
      %shift_right_arithmetic3A_819 = arith.constant 4 : i32
      %shift_right_arithmetic3A_820 = vector.broadcast %shift_right_arithmetic3A_819 : i32 to vector<16xi32>
      %shift_right_arithmetic3A_821 = arith.shrsi %gather3A_818, %shift_right_arithmetic3A_820 : vector<16xi32>
      %ne3A = arith.cmpi ne, %shift_right_arithmetic3A_803, %shift_right_arithmetic3A_821 : vector<16xi32>
      %eq3A_822 = arith.constant 15 : i32
      %eq3A_823 = vector.broadcast %eq3A_822 : i32 to vector<16xi32>
      %eq3A_824 = arith.cmpi eq, %iota3A, %eq3A_823 : vector<16xi32>
      %or3A = arith.ori %ne3A, %eq3A_824 : vector<16xi1>
      %lt3A_825 = vector.broadcast %select_n3A : i32 to vector<16xi32>
      %lt3A_826 = arith.cmpi slt, %shift_right_arithmetic3A_803, %lt3A_825 : vector<16xi32>
      %and3A_827 = arith.andi %or3A, %lt3A_826 : vector<16xi1>
      tpu.vector_store_idx %arg7[%shift_right_arithmetic3A_803], %add3A_810 masked %and3A_827 : memref<3152xi32, #tpu.memory_space<vmem>>[vector<16xi32>], vector<16xi32>, vector<16xi1>
      %scan3A_828 = arith.constant 0 : i32
      scf.yield %scan3A_828 : i32
    }
    %scan3A_339 = arith.constant 45 : i32
    %dma_wait3A_340 = arith.constant 0 : i32
    %dma_wait3A_341 = tpu.memref_slice %arg4[%add3A_328, %dma_wait3A_340] : memref<100000x128xf32, #tpu.memory_space<hbm>> -> memref<136x128xf32, #tpu.memory_space<hbm>>
    %dma_wait3A_342 = arith.constant 0 : i32
    %dma_wait3A_343 = tpu.memref_slice %arg4[%add3A_328, %dma_wait3A_342] : memref<100000x128xf32, #tpu.memory_space<hbm>> -> memref<136x128xf32, #tpu.memory_space<hbm>>
    tpu.wait_dma2 semaphore(%arg24 : memref<!tpu.dma_semaphore, #tpu.memory_space<semaphore_mem>>) src(%dma_wait3A_343 : memref<136x128xf32, #tpu.memory_space<hbm>>) dst(%arg18 : memref<136x128xf32, #tpu.memory_space<vmem>>)
    %sub3A_344 = arith.constant 136 : i32
    %sub3A_345 = arith.subi %select_n3A, %sub3A_344 : i32
    %min3A_346 = arith.constant 1360 : i32
    %min3A_347 = arith.minsi %min3A_346, %sub3A_345 : i32
    %add3A_348 = arith.addi %mul3A_2, %min3A_347 : i32
    %dma_start3A_349 = arith.constant 0 : i32
    %dma_start3A_350 = tpu.memref_slice %arg5[%add3A_348, %dma_start3A_349] : memref<100000x128xf32, #tpu.memory_space<hbm>> -> memref<136x128xf32, #tpu.memory_space<hbm>>
    %dma_start3A_351 = arith.constant 0 : i32
    %dma_start3A_352 = tpu.memref_slice %arg5[%add3A_348, %dma_start3A_351] : memref<100000x128xf32, #tpu.memory_space<hbm>> -> memref<136x128xf32, #tpu.memory_space<hbm>>
    tpu.enqueue_dma source(%arg18 : memref<136x128xf32, #tpu.memory_space<vmem>>) target(%dma_start3A_352 : memref<136x128xf32, #tpu.memory_space<hbm>>) target_semaphore(%arg28 : memref<!tpu.dma_semaphore, #tpu.memory_space<semaphore_mem>>)
    %dma_wait3A_353 = arith.constant 0 : i32
    %dma_wait3A_354 = tpu.memref_slice %arg5[%add3A_249, %dma_wait3A_353] : memref<100000x128xf32, #tpu.memory_space<hbm>> -> memref<136x128xf32, #tpu.memory_space<hbm>>
    %dma_wait3A_355 = arith.constant 0 : i32
    %dma_wait3A_356 = tpu.memref_slice %arg5[%add3A_249, %dma_wait3A_355] : memref<100000x128xf32, #tpu.memory_space<hbm>> -> memref<136x128xf32, #tpu.memory_space<hbm>>
    tpu.wait_dma2 semaphore(%arg29 : memref<!tpu.dma_semaphore, #tpu.memory_space<semaphore_mem>>) src(%arg19 : memref<136x128xf32, #tpu.memory_space<vmem>>) dst(%dma_wait3A_356 : memref<136x128xf32, #tpu.memory_space<hbm>>)
    %sub3A_357 = arith.constant 136 : i32
    %sub3A_358 = arith.subi %select_n3A, %sub3A_357 : i32
    %min3A_359 = arith.constant 1496 : i32
    %min3A_360 = arith.minsi %min3A_359, %sub3A_358 : i32
    %add3A_361 = arith.addi %mul3A_2, %min3A_360 : i32
    %dma_start3A_362 = arith.constant 0 : i32
    %dma_start3A_363 = tpu.memref_slice %arg4[%add3A_361, %dma_start3A_362] : memref<100000x128xf32, #tpu.memory_space<hbm>> -> memref<136x128xf32, #tpu.memory_space<hbm>>
    %dma_start3A_364 = arith.constant 0 : i32
    %dma_start3A_365 = tpu.memref_slice %arg4[%add3A_361, %dma_start3A_364] : memref<100000x128xf32, #tpu.memory_space<hbm>> -> memref<136x128xf32, #tpu.memory_space<hbm>>
    tpu.enqueue_dma source(%dma_start3A_365 : memref<136x128xf32, #tpu.memory_space<hbm>>) target(%arg19 : memref<136x128xf32, #tpu.memory_space<vmem>>) target_semaphore(%arg25 : memref<!tpu.dma_semaphore, #tpu.memory_space<semaphore_mem>>)
    %scan3A_366 = arith.constant 0 : i32
    %scan3A_367 = arith.constant 450 : i32
    %scan3A_368 = arith.constant 45 : i32
    %scan3A_369 = arith.addi %scan3A_367, %scan3A_368 : i32
    %scan3A_370 = arith.constant 1 : i32
    %scan3A_371 = scf.for %scan3A_777 = %scan3A_367 to %scan3A_369 step %scan3A_370 iter_args(%scan3A_778 = %scan3A_366) -> (i32)  : i32 {
      %mul3A_779 = arith.constant 16 : i32
      %mul3A_780 = arith.muli %scan3A_777, %mul3A_779 : i32
      %get3A = arith.index_cast %mul3A_780 : i32 to index
      %get3A_781 = tpu.vector_load %arg6[%get3A] {strides = array<i32>} : memref<16384xi32, #tpu.memory_space<vmem>>, vector<16xi32>,
      %sub3A_782 = vector.broadcast %mul3A_2 : i32 to vector<16xi32>
      %sub3A_783 = arith.subi %get3A_781, %sub3A_782 : vector<16xi32>
      %ge3A = arith.constant 0 : i32
      %ge3A_784 = vector.broadcast %ge3A : i32 to vector<16xi32>
      %ge3A_785 = arith.cmpi sge, %sub3A_783, %ge3A_784 : vector<16xi32>
      %lt3A = vector.broadcast %select_n3A : i32 to vector<16xi32>
      %lt3A_786 = arith.cmpi slt, %sub3A_783, %lt3A : vector<16xi32>
      %and3A = arith.andi %ge3A_785, %lt3A_786 : vector<16xi1>
      %add3A_787 = arith.constant 3128 : i32
      %add3A_788 = vector.broadcast %add3A_787 : i32 to vector<16xi32>
      %add3A_789 = arith.addi %add3A_788, %iota3A : vector<16xi32>
      %select_n3A_790 = arith.select %and3A, %sub3A_783, %add3A_789 : vector<16xi1>, vector<16xi32>
      %mul3A_791 = arith.constant 16 : i32
      %mul3A_792 = vector.broadcast %mul3A_791 : i32 to vector<16xi32>
      %mul3A_793 = arith.muli %select_n3A_790, %mul3A_792 : vector<16xi32>
      %add3A_794 = arith.addi %mul3A_793, %iota3A : vector<16xi32>
      %masked_sort3A = arith.constant dense<true> : vector<16xi1>
      %masked_sort3A_795 = arith.constant -2147483648 : i32
      %masked_sort3A_796 = vector.broadcast %masked_sort3A_795 : i32 to vector<16xi32>
      %masked_sort3A_797 = arith.xori %add3A_794, %masked_sort3A_796 : vector<16xi32>
      %masked_sort3A_798, %masked_sort3A_799, %masked_sort3A_800 = tpu.sort %masked_sort3A_797, %iota3A masked %masked_sort3A : (vector<16xi32>, vector<16xi32>, vector<16xi1>) -> (vector<16xi1>, vector<16xi32>, vector<16xi32>)
      %masked_sort3A_801 = arith.xori %masked_sort3A_799, %masked_sort3A_796 : vector<16xi32>
      %shift_right_arithmetic3A = arith.constant 4 : i32
      %shift_right_arithmetic3A_802 = vector.broadcast %shift_right_arithmetic3A : i32 to vector<16xi32>
      %shift_right_arithmetic3A_803 = arith.shrsi %masked_sort3A_801, %shift_right_arithmetic3A_802 : vector<16xi32>
      %mul3A_804 = arith.constant 16 : i32
      %mul3A_805 = arith.muli %scan3A_777, %mul3A_804 : i32
      %and3A_806 = arith.constant 15 : i32
      %and3A_807 = vector.broadcast %and3A_806 : i32 to vector<16xi32>
      %and3A_808 = arith.andi %masked_sort3A_801, %and3A_807 : vector<16xi32>
      %add3A_809 = vector.broadcast %mul3A_805 : i32 to vector<16xi32>
      %add3A_810 = arith.addi %add3A_809, %and3A_808 : vector<16xi32>
      %lt3A_811 = arith.constant 0 : i32
      %lt3A_812 = vector.broadcast %lt3A_811 : i32 to vector<16xi32>
      %lt3A_813 = arith.cmpi slt, %min3A_49, %lt3A_812 : vector<16xi32>
      %add3A_814 = arith.constant 16 : i32
      %add3A_815 = vector.broadcast %add3A_814 : i32 to vector<16xi32>
      %add3A_816 = arith.addi %min3A_49, %add3A_815 : vector<16xi32>
      %select_n3A_817 = arith.select %lt3A_813, %add3A_816, %min3A_49 : vector<16xi1>, vector<16xi32>
      %broadcast_in_dim3A = vector.shape_cast %select_n3A_817 : vector<16xi32> to vector<16x1xi32>
      %gather3A = vector.shape_cast %broadcast_in_dim3A : vector<16x1xi32> to vector<16xi32>
      %gather3A_818 = tpu.dynamic_gather %masked_sort3A_801[%gather3A] in [0] : vector<16xi32>, vector<16xi32> -> vector<16xi32>
      %shift_right_arithmetic3A_819 = arith.constant 4 : i32
      %shift_right_arithmetic3A_820 = vector.broadcast %shift_right_arithmetic3A_819 : i32 to vector<16xi32>
      %shift_right_arithmetic3A_821 = arith.shrsi %gather3A_818, %shift_right_arithmetic3A_820 : vector<16xi32>
      %ne3A = arith.cmpi ne, %shift_right_arithmetic3A_803, %shift_right_arithmetic3A_821 : vector<16xi32>
      %eq3A_822 = arith.constant 15 : i32
      %eq3A_823 = vector.broadcast %eq3A_822 : i32 to vector<16xi32>
      %eq3A_824 = arith.cmpi eq, %iota3A, %eq3A_823 : vector<16xi32>
      %or3A = arith.ori %ne3A, %eq3A_824 : vector<16xi1>
      %lt3A_825 = vector.broadcast %select_n3A : i32 to vector<16xi32>
      %lt3A_826 = arith.cmpi slt, %shift_right_arithmetic3A_803, %lt3A_825 : vector<16xi32>
      %and3A_827 = arith.andi %or3A, %lt3A_826 : vector<16xi1>
      tpu.vector_store_idx %arg7[%shift_right_arithmetic3A_803], %add3A_810 masked %and3A_827 : memref<3152xi32, #tpu.memory_space<vmem>>[vector<16xi32>], vector<16xi32>, vector<16xi1>
      %scan3A_828 = arith.constant 0 : i32
      scf.yield %scan3A_828 : i32
    }
    %scan3A_372 = arith.constant 45 : i32
    %dma_wait3A_373 = arith.constant 0 : i32
    %dma_wait3A_374 = tpu.memref_slice %arg4[%add3A_361, %dma_wait3A_373] : memref<100000x128xf32, #tpu.memory_space<hbm>> -> memref<136x128xf32, #tpu.memory_space<hbm>>
    %dma_wait3A_375 = arith.constant 0 : i32
    %dma_wait3A_376 = tpu.memref_slice %arg4[%add3A_361, %dma_wait3A_375] : memref<100000x128xf32, #tpu.memory_space<hbm>> -> memref<136x128xf32, #tpu.memory_space<hbm>>
    tpu.wait_dma2 semaphore(%arg25 : memref<!tpu.dma_semaphore, #tpu.memory_space<semaphore_mem>>) src(%dma_wait3A_376 : memref<136x128xf32, #tpu.memory_space<hbm>>) dst(%arg19 : memref<136x128xf32, #tpu.memory_space<vmem>>)
    %sub3A_377 = arith.constant 136 : i32
    %sub3A_378 = arith.subi %select_n3A, %sub3A_377 : i32
    %min3A_379 = arith.constant 1496 : i32
    %min3A_380 = arith.minsi %min3A_379, %sub3A_378 : i32
    %add3A_381 = arith.addi %mul3A_2, %min3A_380 : i32
    %dma_start3A_382 = arith.constant 0 : i32
    %dma_start3A_383 = tpu.memref_slice %arg5[%add3A_381, %dma_start3A_382] : memref<100000x128xf32, #tpu.memory_space<hbm>> -> memref<136x128xf32, #tpu.memory_space<hbm>>
    %dma_start3A_384 = arith.constant 0 : i32
    %dma_start3A_385 = tpu.memref_slice %arg5[%add3A_381, %dma_start3A_384] : memref<100000x128xf32, #tpu.memory_space<hbm>> -> memref<136x128xf32, #tpu.memory_space<hbm>>
    tpu.enqueue_dma source(%arg19 : memref<136x128xf32, #tpu.memory_space<vmem>>) target(%dma_start3A_385 : memref<136x128xf32, #tpu.memory_space<hbm>>) target_semaphore(%arg29 : memref<!tpu.dma_semaphore, #tpu.memory_space<semaphore_mem>>)
    %dma_wait3A_386 = arith.constant 0 : i32
    %dma_wait3A_387 = tpu.memref_slice %arg5[%add3A_282, %dma_wait3A_386] : memref<100000x128xf32, #tpu.memory_space<hbm>> -> memref<136x128xf32, #tpu.memory_space<hbm>>
    %dma_wait3A_388 = arith.constant 0 : i32
    %dma_wait3A_389 = tpu.memref_slice %arg5[%add3A_282, %dma_wait3A_388] : memref<100000x128xf32, #tpu.memory_space<hbm>> -> memref<136x128xf32, #tpu.memory_space<hbm>>
    tpu.wait_dma2 semaphore(%arg26 : memref<!tpu.dma_semaphore, #tpu.memory_space<semaphore_mem>>) src(%arg16 : memref<136x128xf32, #tpu.memory_space<vmem>>) dst(%dma_wait3A_389 : memref<136x128xf32, #tpu.memory_space<hbm>>)
    %sub3A_390 = arith.constant 136 : i32
    %sub3A_391 = arith.subi %select_n3A, %sub3A_390 : i32
    %min3A_392 = arith.constant 1632 : i32
    %min3A_393 = arith.minsi %min3A_392, %sub3A_391 : i32
    %add3A_394 = arith.addi %mul3A_2, %min3A_393 : i32
    %dma_start3A_395 = arith.constant 0 : i32
    %dma_start3A_396 = tpu.memref_slice %arg4[%add3A_394, %dma_start3A_395] : memref<100000x128xf32, #tpu.memory_space<hbm>> -> memref<136x128xf32, #tpu.memory_space<hbm>>
    %dma_start3A_397 = arith.constant 0 : i32
    %dma_start3A_398 = tpu.memref_slice %arg4[%add3A_394, %dma_start3A_397] : memref<100000x128xf32, #tpu.memory_space<hbm>> -> memref<136x128xf32, #tpu.memory_space<hbm>>
    tpu.enqueue_dma source(%dma_start3A_398 : memref<136x128xf32, #tpu.memory_space<hbm>>) target(%arg16 : memref<136x128xf32, #tpu.memory_space<vmem>>) target_semaphore(%arg22 : memref<!tpu.dma_semaphore, #tpu.memory_space<semaphore_mem>>)
    %scan3A_399 = arith.constant 0 : i32
    %scan3A_400 = arith.constant 495 : i32
    %scan3A_401 = arith.constant 45 : i32
    %scan3A_402 = arith.addi %scan3A_400, %scan3A_401 : i32
    %scan3A_403 = arith.constant 1 : i32
    %scan3A_404 = scf.for %scan3A_777 = %scan3A_400 to %scan3A_402 step %scan3A_403 iter_args(%scan3A_778 = %scan3A_399) -> (i32)  : i32 {
      %mul3A_779 = arith.constant 16 : i32
      %mul3A_780 = arith.muli %scan3A_777, %mul3A_779 : i32
      %get3A = arith.index_cast %mul3A_780 : i32 to index
      %get3A_781 = tpu.vector_load %arg6[%get3A] {strides = array<i32>} : memref<16384xi32, #tpu.memory_space<vmem>>, vector<16xi32>,
      %sub3A_782 = vector.broadcast %mul3A_2 : i32 to vector<16xi32>
      %sub3A_783 = arith.subi %get3A_781, %sub3A_782 : vector<16xi32>
      %ge3A = arith.constant 0 : i32
      %ge3A_784 = vector.broadcast %ge3A : i32 to vector<16xi32>
      %ge3A_785 = arith.cmpi sge, %sub3A_783, %ge3A_784 : vector<16xi32>
      %lt3A = vector.broadcast %select_n3A : i32 to vector<16xi32>
      %lt3A_786 = arith.cmpi slt, %sub3A_783, %lt3A : vector<16xi32>
      %and3A = arith.andi %ge3A_785, %lt3A_786 : vector<16xi1>
      %add3A_787 = arith.constant 3128 : i32
      %add3A_788 = vector.broadcast %add3A_787 : i32 to vector<16xi32>
      %add3A_789 = arith.addi %add3A_788, %iota3A : vector<16xi32>
      %select_n3A_790 = arith.select %and3A, %sub3A_783, %add3A_789 : vector<16xi1>, vector<16xi32>
      %mul3A_791 = arith.constant 16 : i32
      %mul3A_792 = vector.broadcast %mul3A_791 : i32 to vector<16xi32>
      %mul3A_793 = arith.muli %select_n3A_790, %mul3A_792 : vector<16xi32>
      %add3A_794 = arith.addi %mul3A_793, %iota3A : vector<16xi32>
      %masked_sort3A = arith.constant dense<true> : vector<16xi1>
      %masked_sort3A_795 = arith.constant -2147483648 : i32
      %masked_sort3A_796 = vector.broadcast %masked_sort3A_795 : i32 to vector<16xi32>
      %masked_sort3A_797 = arith.xori %add3A_794, %masked_sort3A_796 : vector<16xi32>
      %masked_sort3A_798, %masked_sort3A_799, %masked_sort3A_800 = tpu.sort %masked_sort3A_797, %iota3A masked %masked_sort3A : (vector<16xi32>, vector<16xi32>, vector<16xi1>) -> (vector<16xi1>, vector<16xi32>, vector<16xi32>)
      %masked_sort3A_801 = arith.xori %masked_sort3A_799, %masked_sort3A_796 : vector<16xi32>
      %shift_right_arithmetic3A = arith.constant 4 : i32
      %shift_right_arithmetic3A_802 = vector.broadcast %shift_right_arithmetic3A : i32 to vector<16xi32>
      %shift_right_arithmetic3A_803 = arith.shrsi %masked_sort3A_801, %shift_right_arithmetic3A_802 : vector<16xi32>
      %mul3A_804 = arith.constant 16 : i32
      %mul3A_805 = arith.muli %scan3A_777, %mul3A_804 : i32
      %and3A_806 = arith.constant 15 : i32
      %and3A_807 = vector.broadcast %and3A_806 : i32 to vector<16xi32>
      %and3A_808 = arith.andi %masked_sort3A_801, %and3A_807 : vector<16xi32>
      %add3A_809 = vector.broadcast %mul3A_805 : i32 to vector<16xi32>
      %add3A_810 = arith.addi %add3A_809, %and3A_808 : vector<16xi32>
      %lt3A_811 = arith.constant 0 : i32
      %lt3A_812 = vector.broadcast %lt3A_811 : i32 to vector<16xi32>
      %lt3A_813 = arith.cmpi slt, %min3A_49, %lt3A_812 : vector<16xi32>
      %add3A_814 = arith.constant 16 : i32
      %add3A_815 = vector.broadcast %add3A_814 : i32 to vector<16xi32>
      %add3A_816 = arith.addi %min3A_49, %add3A_815 : vector<16xi32>
      %select_n3A_817 = arith.select %lt3A_813, %add3A_816, %min3A_49 : vector<16xi1>, vector<16xi32>
      %broadcast_in_dim3A = vector.shape_cast %select_n3A_817 : vector<16xi32> to vector<16x1xi32>
      %gather3A = vector.shape_cast %broadcast_in_dim3A : vector<16x1xi32> to vector<16xi32>
      %gather3A_818 = tpu.dynamic_gather %masked_sort3A_801[%gather3A] in [0] : vector<16xi32>, vector<16xi32> -> vector<16xi32>
      %shift_right_arithmetic3A_819 = arith.constant 4 : i32
      %shift_right_arithmetic3A_820 = vector.broadcast %shift_right_arithmetic3A_819 : i32 to vector<16xi32>
      %shift_right_arithmetic3A_821 = arith.shrsi %gather3A_818, %shift_right_arithmetic3A_820 : vector<16xi32>
      %ne3A = arith.cmpi ne, %shift_right_arithmetic3A_803, %shift_right_arithmetic3A_821 : vector<16xi32>
      %eq3A_822 = arith.constant 15 : i32
      %eq3A_823 = vector.broadcast %eq3A_822 : i32 to vector<16xi32>
      %eq3A_824 = arith.cmpi eq, %iota3A, %eq3A_823 : vector<16xi32>
      %or3A = arith.ori %ne3A, %eq3A_824 : vector<16xi1>
      %lt3A_825 = vector.broadcast %select_n3A : i32 to vector<16xi32>
      %lt3A_826 = arith.cmpi slt, %shift_right_arithmetic3A_803, %lt3A_825 : vector<16xi32>
      %and3A_827 = arith.andi %or3A, %lt3A_826 : vector<16xi1>
      tpu.vector_store_idx %arg7[%shift_right_arithmetic3A_803], %add3A_810 masked %and3A_827 : memref<3152xi32, #tpu.memory_space<vmem>>[vector<16xi32>], vector<16xi32>, vector<16xi1>
      %scan3A_828 = arith.constant 0 : i32
      scf.yield %scan3A_828 : i32
    }
    %scan3A_405 = arith.constant 45 : i32
    %dma_wait3A_406 = arith.constant 0 : i32
    %dma_wait3A_407 = tpu.memref_slice %arg4[%add3A_394, %dma_wait3A_406] : memref<100000x128xf32, #tpu.memory_space<hbm>> -> memref<136x128xf32, #tpu.memory_space<hbm>>
    %dma_wait3A_408 = arith.constant 0 : i32
    %dma_wait3A_409 = tpu.memref_slice %arg4[%add3A_394, %dma_wait3A_408] : memref<100000x128xf32, #tpu.memory_space<hbm>> -> memref<136x128xf32, #tpu.memory_space<hbm>>
    tpu.wait_dma2 semaphore(%arg22 : memref<!tpu.dma_semaphore, #tpu.memory_space<semaphore_mem>>) src(%dma_wait3A_409 : memref<136x128xf32, #tpu.memory_space<hbm>>) dst(%arg16 : memref<136x128xf32, #tpu.memory_space<vmem>>)
    %sub3A_410 = arith.constant 136 : i32
    %sub3A_411 = arith.subi %select_n3A, %sub3A_410 : i32
    %min3A_412 = arith.constant 1632 : i32
    %min3A_413 = arith.minsi %min3A_412, %sub3A_411 : i32
    %add3A_414 = arith.addi %mul3A_2, %min3A_413 : i32
    %dma_start3A_415 = arith.constant 0 : i32
    %dma_start3A_416 = tpu.memref_slice %arg5[%add3A_414, %dma_start3A_415] : memref<100000x128xf32, #tpu.memory_space<hbm>> -> memref<136x128xf32, #tpu.memory_space<hbm>>
    %dma_start3A_417 = arith.constant 0 : i32
    %dma_start3A_418 = tpu.memref_slice %arg5[%add3A_414, %dma_start3A_417] : memref<100000x128xf32, #tpu.memory_space<hbm>> -> memref<136x128xf32, #tpu.memory_space<hbm>>
    tpu.enqueue_dma source(%arg16 : memref<136x128xf32, #tpu.memory_space<vmem>>) target(%dma_start3A_418 : memref<136x128xf32, #tpu.memory_space<hbm>>) target_semaphore(%arg26 : memref<!tpu.dma_semaphore, #tpu.memory_space<semaphore_mem>>)
    %dma_wait3A_419 = arith.constant 0 : i32
    %dma_wait3A_420 = tpu.memref_slice %arg5[%add3A_315, %dma_wait3A_419] : memref<100000x128xf32, #tpu.memory_space<hbm>> -> memref<136x128xf32, #tpu.memory_space<hbm>>
    %dma_wait3A_421 = arith.constant 0 : i32
    %dma_wait3A_422 = tpu.memref_slice %arg5[%add3A_315, %dma_wait3A_421] : memref<100000x128xf32, #tpu.memory_space<hbm>> -> memref<136x128xf32, #tpu.memory_space<hbm>>
    tpu.wait_dma2 semaphore(%arg27 : memref<!tpu.dma_semaphore, #tpu.memory_space<semaphore_mem>>) src(%arg17 : memref<136x128xf32, #tpu.memory_space<vmem>>) dst(%dma_wait3A_422 : memref<136x128xf32, #tpu.memory_space<hbm>>)
    %sub3A_423 = arith.constant 136 : i32
    %sub3A_424 = arith.subi %select_n3A, %sub3A_423 : i32
    %min3A_425 = arith.constant 1768 : i32
    %min3A_426 = arith.minsi %min3A_425, %sub3A_424 : i32
    %add3A_427 = arith.addi %mul3A_2, %min3A_426 : i32
    %dma_start3A_428 = arith.constant 0 : i32
    %dma_start3A_429 = tpu.memref_slice %arg4[%add3A_427, %dma_start3A_428] : memref<100000x128xf32, #tpu.memory_space<hbm>> -> memref<136x128xf32, #tpu.memory_space<hbm>>
    %dma_start3A_430 = arith.constant 0 : i32
    %dma_start3A_431 = tpu.memref_slice %arg4[%add3A_427, %dma_start3A_430] : memref<100000x128xf32, #tpu.memory_space<hbm>> -> memref<136x128xf32, #tpu.memory_space<hbm>>
    tpu.enqueue_dma source(%dma_start3A_431 : memref<136x128xf32, #tpu.memory_space<hbm>>) target(%arg17 : memref<136x128xf32, #tpu.memory_space<vmem>>) target_semaphore(%arg23 : memref<!tpu.dma_semaphore, #tpu.memory_space<semaphore_mem>>)
    %scan3A_432 = arith.constant 0 : i32
    %scan3A_433 = arith.constant 540 : i32
    %scan3A_434 = arith.constant 45 : i32
    %scan3A_435 = arith.addi %scan3A_433, %scan3A_434 : i32
    %scan3A_436 = arith.constant 1 : i32
    %scan3A_437 = scf.for %scan3A_777 = %scan3A_433 to %scan3A_435 step %scan3A_436 iter_args(%scan3A_778 = %scan3A_432) -> (i32)  : i32 {
      %mul3A_779 = arith.constant 16 : i32
      %mul3A_780 = arith.muli %scan3A_777, %mul3A_779 : i32
      %get3A = arith.index_cast %mul3A_780 : i32 to index
      %get3A_781 = tpu.vector_load %arg6[%get3A] {strides = array<i32>} : memref<16384xi32, #tpu.memory_space<vmem>>, vector<16xi32>,
      %sub3A_782 = vector.broadcast %mul3A_2 : i32 to vector<16xi32>
      %sub3A_783 = arith.subi %get3A_781, %sub3A_782 : vector<16xi32>
      %ge3A = arith.constant 0 : i32
      %ge3A_784 = vector.broadcast %ge3A : i32 to vector<16xi32>
      %ge3A_785 = arith.cmpi sge, %sub3A_783, %ge3A_784 : vector<16xi32>
      %lt3A = vector.broadcast %select_n3A : i32 to vector<16xi32>
      %lt3A_786 = arith.cmpi slt, %sub3A_783, %lt3A : vector<16xi32>
      %and3A = arith.andi %ge3A_785, %lt3A_786 : vector<16xi1>
      %add3A_787 = arith.constant 3128 : i32
      %add3A_788 = vector.broadcast %add3A_787 : i32 to vector<16xi32>
      %add3A_789 = arith.addi %add3A_788, %iota3A : vector<16xi32>
      %select_n3A_790 = arith.select %and3A, %sub3A_783, %add3A_789 : vector<16xi1>, vector<16xi32>
      %mul3A_791 = arith.constant 16 : i32
      %mul3A_792 = vector.broadcast %mul3A_791 : i32 to vector<16xi32>
      %mul3A_793 = arith.muli %select_n3A_790, %mul3A_792 : vector<16xi32>
      %add3A_794 = arith.addi %mul3A_793, %iota3A : vector<16xi32>
      %masked_sort3A = arith.constant dense<true> : vector<16xi1>
      %masked_sort3A_795 = arith.constant -2147483648 : i32
      %masked_sort3A_796 = vector.broadcast %masked_sort3A_795 : i32 to vector<16xi32>
      %masked_sort3A_797 = arith.xori %add3A_794, %masked_sort3A_796 : vector<16xi32>
      %masked_sort3A_798, %masked_sort3A_799, %masked_sort3A_800 = tpu.sort %masked_sort3A_797, %iota3A masked %masked_sort3A : (vector<16xi32>, vector<16xi32>, vector<16xi1>) -> (vector<16xi1>, vector<16xi32>, vector<16xi32>)
      %masked_sort3A_801 = arith.xori %masked_sort3A_799, %masked_sort3A_796 : vector<16xi32>
      %shift_right_arithmetic3A = arith.constant 4 : i32
      %shift_right_arithmetic3A_802 = vector.broadcast %shift_right_arithmetic3A : i32 to vector<16xi32>
      %shift_right_arithmetic3A_803 = arith.shrsi %masked_sort3A_801, %shift_right_arithmetic3A_802 : vector<16xi32>
      %mul3A_804 = arith.constant 16 : i32
      %mul3A_805 = arith.muli %scan3A_777, %mul3A_804 : i32
      %and3A_806 = arith.constant 15 : i32
      %and3A_807 = vector.broadcast %and3A_806 : i32 to vector<16xi32>
      %and3A_808 = arith.andi %masked_sort3A_801, %and3A_807 : vector<16xi32>
      %add3A_809 = vector.broadcast %mul3A_805 : i32 to vector<16xi32>
      %add3A_810 = arith.addi %add3A_809, %and3A_808 : vector<16xi32>
      %lt3A_811 = arith.constant 0 : i32
      %lt3A_812 = vector.broadcast %lt3A_811 : i32 to vector<16xi32>
      %lt3A_813 = arith.cmpi slt, %min3A_49, %lt3A_812 : vector<16xi32>
      %add3A_814 = arith.constant 16 : i32
      %add3A_815 = vector.broadcast %add3A_814 : i32 to vector<16xi32>
      %add3A_816 = arith.addi %min3A_49, %add3A_815 : vector<16xi32>
      %select_n3A_817 = arith.select %lt3A_813, %add3A_816, %min3A_49 : vector<16xi1>, vector<16xi32>
      %broadcast_in_dim3A = vector.shape_cast %select_n3A_817 : vector<16xi32> to vector<16x1xi32>
      %gather3A = vector.shape_cast %broadcast_in_dim3A : vector<16x1xi32> to vector<16xi32>
      %gather3A_818 = tpu.dynamic_gather %masked_sort3A_801[%gather3A] in [0] : vector<16xi32>, vector<16xi32> -> vector<16xi32>
      %shift_right_arithmetic3A_819 = arith.constant 4 : i32
      %shift_right_arithmetic3A_820 = vector.broadcast %shift_right_arithmetic3A_819 : i32 to vector<16xi32>
      %shift_right_arithmetic3A_821 = arith.shrsi %gather3A_818, %shift_right_arithmetic3A_820 : vector<16xi32>
      %ne3A = arith.cmpi ne, %shift_right_arithmetic3A_803, %shift_right_arithmetic3A_821 : vector<16xi32>
      %eq3A_822 = arith.constant 15 : i32
      %eq3A_823 = vector.broadcast %eq3A_822 : i32 to vector<16xi32>
      %eq3A_824 = arith.cmpi eq, %iota3A, %eq3A_823 : vector<16xi32>
      %or3A = arith.ori %ne3A, %eq3A_824 : vector<16xi1>
      %lt3A_825 = vector.broadcast %select_n3A : i32 to vector<16xi32>
      %lt3A_826 = arith.cmpi slt, %shift_right_arithmetic3A_803, %lt3A_825 : vector<16xi32>
      %and3A_827 = arith.andi %or3A, %lt3A_826 : vector<16xi1>
      tpu.vector_store_idx %arg7[%shift_right_arithmetic3A_803], %add3A_810 masked %and3A_827 : memref<3152xi32, #tpu.memory_space<vmem>>[vector<16xi32>], vector<16xi32>, vector<16xi1>
      %scan3A_828 = arith.constant 0 : i32
      scf.yield %scan3A_828 : i32
    }
    %scan3A_438 = arith.constant 45 : i32
    %dma_wait3A_439 = arith.constant 0 : i32
    %dma_wait3A_440 = tpu.memref_slice %arg4[%add3A_427, %dma_wait3A_439] : memref<100000x128xf32, #tpu.memory_space<hbm>> -> memref<136x128xf32, #tpu.memory_space<hbm>>
    %dma_wait3A_441 = arith.constant 0 : i32
    %dma_wait3A_442 = tpu.memref_slice %arg4[%add3A_427, %dma_wait3A_441] : memref<100000x128xf32, #tpu.memory_space<hbm>> -> memref<136x128xf32, #tpu.memory_space<hbm>>
    tpu.wait_dma2 semaphore(%arg23 : memref<!tpu.dma_semaphore, #tpu.memory_space<semaphore_mem>>) src(%dma_wait3A_442 : memref<136x128xf32, #tpu.memory_space<hbm>>) dst(%arg17 : memref<136x128xf32, #tpu.memory_space<vmem>>)
    %sub3A_443 = arith.constant 136 : i32
    %sub3A_444 = arith.subi %select_n3A, %sub3A_443 : i32
    %min3A_445 = arith.constant 1768 : i32
    %min3A_446 = arith.minsi %min3A_445, %sub3A_444 : i32
    %add3A_447 = arith.addi %mul3A_2, %min3A_446 : i32
    %dma_start3A_448 = arith.constant 0 : i32
    %dma_start3A_449 = tpu.memref_slice %arg5[%add3A_447, %dma_start3A_448] : memref<100000x128xf32, #tpu.memory_space<hbm>> -> memref<136x128xf32, #tpu.memory_space<hbm>>
    %dma_start3A_450 = arith.constant 0 : i32
    %dma_start3A_451 = tpu.memref_slice %arg5[%add3A_447, %dma_start3A_450] : memref<100000x128xf32, #tpu.memory_space<hbm>> -> memref<136x128xf32, #tpu.memory_space<hbm>>
    tpu.enqueue_dma source(%arg17 : memref<136x128xf32, #tpu.memory_space<vmem>>) target(%dma_start3A_451 : memref<136x128xf32, #tpu.memory_space<hbm>>) target_semaphore(%arg27 : memref<!tpu.dma_semaphore, #tpu.memory_space<semaphore_mem>>)
    %dma_wait3A_452 = arith.constant 0 : i32
    %dma_wait3A_453 = tpu.memref_slice %arg5[%add3A_348, %dma_wait3A_452] : memref<100000x128xf32, #tpu.memory_space<hbm>> -> memref<136x128xf32, #tpu.memory_space<hbm>>
    %dma_wait3A_454 = arith.constant 0 : i32
    %dma_wait3A_455 = tpu.memref_slice %arg5[%add3A_348, %dma_wait3A_454] : memref<100000x128xf32, #tpu.memory_space<hbm>> -> memref<136x128xf32, #tpu.memory_space<hbm>>
    tpu.wait_dma2 semaphore(%arg28 : memref<!tpu.dma_semaphore, #tpu.memory_space<semaphore_mem>>) src(%arg18 : memref<136x128xf32, #tpu.memory_space<vmem>>) dst(%dma_wait3A_455 : memref<136x128xf32, #tpu.memory_space<hbm>>)
    %sub3A_456 = arith.constant 136 : i32
    %sub3A_457 = arith.subi %select_n3A, %sub3A_456 : i32
    %min3A_458 = arith.constant 1904 : i32
    %min3A_459 = arith.minsi %min3A_458, %sub3A_457 : i32
    %add3A_460 = arith.addi %mul3A_2, %min3A_459 : i32
    %dma_start3A_461 = arith.constant 0 : i32
    %dma_start3A_462 = tpu.memref_slice %arg4[%add3A_460, %dma_start3A_461] : memref<100000x128xf32, #tpu.memory_space<hbm>> -> memref<136x128xf32, #tpu.memory_space<hbm>>
    %dma_start3A_463 = arith.constant 0 : i32
    %dma_start3A_464 = tpu.memref_slice %arg4[%add3A_460, %dma_start3A_463] : memref<100000x128xf32, #tpu.memory_space<hbm>> -> memref<136x128xf32, #tpu.memory_space<hbm>>
    tpu.enqueue_dma source(%dma_start3A_464 : memref<136x128xf32, #tpu.memory_space<hbm>>) target(%arg18 : memref<136x128xf32, #tpu.memory_space<vmem>>) target_semaphore(%arg24 : memref<!tpu.dma_semaphore, #tpu.memory_space<semaphore_mem>>)
    %scan3A_465 = arith.constant 0 : i32
    %scan3A_466 = arith.constant 585 : i32
    %scan3A_467 = arith.constant 45 : i32
    %scan3A_468 = arith.addi %scan3A_466, %scan3A_467 : i32
    %scan3A_469 = arith.constant 1 : i32
    %scan3A_470 = scf.for %scan3A_777 = %scan3A_466 to %scan3A_468 step %scan3A_469 iter_args(%scan3A_778 = %scan3A_465) -> (i32)  : i32 {
      %mul3A_779 = arith.constant 16 : i32
      %mul3A_780 = arith.muli %scan3A_777, %mul3A_779 : i32
      %get3A = arith.index_cast %mul3A_780 : i32 to index
      %get3A_781 = tpu.vector_load %arg6[%get3A] {strides = array<i32>} : memref<16384xi32, #tpu.memory_space<vmem>>, vector<16xi32>,
      %sub3A_782 = vector.broadcast %mul3A_2 : i32 to vector<16xi32>
      %sub3A_783 = arith.subi %get3A_781, %sub3A_782 : vector<16xi32>
      %ge3A = arith.constant 0 : i32
      %ge3A_784 = vector.broadcast %ge3A : i32 to vector<16xi32>
      %ge3A_785 = arith.cmpi sge, %sub3A_783, %ge3A_784 : vector<16xi32>
      %lt3A = vector.broadcast %select_n3A : i32 to vector<16xi32>
      %lt3A_786 = arith.cmpi slt, %sub3A_783, %lt3A : vector<16xi32>
      %and3A = arith.andi %ge3A_785, %lt3A_786 : vector<16xi1>
      %add3A_787 = arith.constant 3128 : i32
      %add3A_788 = vector.broadcast %add3A_787 : i32 to vector<16xi32>
      %add3A_789 = arith.addi %add3A_788, %iota3A : vector<16xi32>
      %select_n3A_790 = arith.select %and3A, %sub3A_783, %add3A_789 : vector<16xi1>, vector<16xi32>
      %mul3A_791 = arith.constant 16 : i32
      %mul3A_792 = vector.broadcast %mul3A_791 : i32 to vector<16xi32>
      %mul3A_793 = arith.muli %select_n3A_790, %mul3A_792 : vector<16xi32>
      %add3A_794 = arith.addi %mul3A_793, %iota3A : vector<16xi32>
      %masked_sort3A = arith.constant dense<true> : vector<16xi1>
      %masked_sort3A_795 = arith.constant -2147483648 : i32
      %masked_sort3A_796 = vector.broadcast %masked_sort3A_795 : i32 to vector<16xi32>
      %masked_sort3A_797 = arith.xori %add3A_794, %masked_sort3A_796 : vector<16xi32>
      %masked_sort3A_798, %masked_sort3A_799, %masked_sort3A_800 = tpu.sort %masked_sort3A_797, %iota3A masked %masked_sort3A : (vector<16xi32>, vector<16xi32>, vector<16xi1>) -> (vector<16xi1>, vector<16xi32>, vector<16xi32>)
      %masked_sort3A_801 = arith.xori %masked_sort3A_799, %masked_sort3A_796 : vector<16xi32>
      %shift_right_arithmetic3A = arith.constant 4 : i32
      %shift_right_arithmetic3A_802 = vector.broadcast %shift_right_arithmetic3A : i32 to vector<16xi32>
      %shift_right_arithmetic3A_803 = arith.shrsi %masked_sort3A_801, %shift_right_arithmetic3A_802 : vector<16xi32>
      %mul3A_804 = arith.constant 16 : i32
      %mul3A_805 = arith.muli %scan3A_777, %mul3A_804 : i32
      %and3A_806 = arith.constant 15 : i32
      %and3A_807 = vector.broadcast %and3A_806 : i32 to vector<16xi32>
      %and3A_808 = arith.andi %masked_sort3A_801, %and3A_807 : vector<16xi32>
      %add3A_809 = vector.broadcast %mul3A_805 : i32 to vector<16xi32>
      %add3A_810 = arith.addi %add3A_809, %and3A_808 : vector<16xi32>
      %lt3A_811 = arith.constant 0 : i32
      %lt3A_812 = vector.broadcast %lt3A_811 : i32 to vector<16xi32>
      %lt3A_813 = arith.cmpi slt, %min3A_49, %lt3A_812 : vector<16xi32>
      %add3A_814 = arith.constant 16 : i32
      %add3A_815 = vector.broadcast %add3A_814 : i32 to vector<16xi32>
      %add3A_816 = arith.addi %min3A_49, %add3A_815 : vector<16xi32>
      %select_n3A_817 = arith.select %lt3A_813, %add3A_816, %min3A_49 : vector<16xi1>, vector<16xi32>
      %broadcast_in_dim3A = vector.shape_cast %select_n3A_817 : vector<16xi32> to vector<16x1xi32>
      %gather3A = vector.shape_cast %broadcast_in_dim3A : vector<16x1xi32> to vector<16xi32>
      %gather3A_818 = tpu.dynamic_gather %masked_sort3A_801[%gather3A] in [0] : vector<16xi32>, vector<16xi32> -> vector<16xi32>
      %shift_right_arithmetic3A_819 = arith.constant 4 : i32
      %shift_right_arithmetic3A_820 = vector.broadcast %shift_right_arithmetic3A_819 : i32 to vector<16xi32>
      %shift_right_arithmetic3A_821 = arith.shrsi %gather3A_818, %shift_right_arithmetic3A_820 : vector<16xi32>
      %ne3A = arith.cmpi ne, %shift_right_arithmetic3A_803, %shift_right_arithmetic3A_821 : vector<16xi32>
      %eq3A_822 = arith.constant 15 : i32
      %eq3A_823 = vector.broadcast %eq3A_822 : i32 to vector<16xi32>
      %eq3A_824 = arith.cmpi eq, %iota3A, %eq3A_823 : vector<16xi32>
      %or3A = arith.ori %ne3A, %eq3A_824 : vector<16xi1>
      %lt3A_825 = vector.broadcast %select_n3A : i32 to vector<16xi32>
      %lt3A_826 = arith.cmpi slt, %shift_right_arithmetic3A_803, %lt3A_825 : vector<16xi32>
      %and3A_827 = arith.andi %or3A, %lt3A_826 : vector<16xi1>
      tpu.vector_store_idx %arg7[%shift_right_arithmetic3A_803], %add3A_810 masked %and3A_827 : memref<3152xi32, #tpu.memory_space<vmem>>[vector<16xi32>], vector<16xi32>, vector<16xi1>
      %scan3A_828 = arith.constant 0 : i32
      scf.yield %scan3A_828 : i32
    }
    %scan3A_471 = arith.constant 45 : i32
    %dma_wait3A_472 = arith.constant 0 : i32
    %dma_wait3A_473 = tpu.memref_slice %arg4[%add3A_460, %dma_wait3A_472] : memref<100000x128xf32, #tpu.memory_space<hbm>> -> memref<136x128xf32, #tpu.memory_space<hbm>>
    %dma_wait3A_474 = arith.constant 0 : i32
    %dma_wait3A_475 = tpu.memref_slice %arg4[%add3A_460, %dma_wait3A_474] : memref<100000x128xf32, #tpu.memory_space<hbm>> -> memref<136x128xf32, #tpu.memory_space<hbm>>
    tpu.wait_dma2 semaphore(%arg24 : memref<!tpu.dma_semaphore, #tpu.memory_space<semaphore_mem>>) src(%dma_wait3A_475 : memref<136x128xf32, #tpu.memory_space<hbm>>) dst(%arg18 : memref<136x128xf32, #tpu.memory_space<vmem>>)
    %sub3A_476 = arith.constant 136 : i32
    %sub3A_477 = arith.subi %select_n3A, %sub3A_476 : i32
    %min3A_478 = arith.constant 1904 : i32
    %min3A_479 = arith.minsi %min3A_478, %sub3A_477 : i32
    %add3A_480 = arith.addi %mul3A_2, %min3A_479 : i32
    %dma_start3A_481 = arith.constant 0 : i32
    %dma_start3A_482 = tpu.memref_slice %arg5[%add3A_480, %dma_start3A_481] : memref<100000x128xf32, #tpu.memory_space<hbm>> -> memref<136x128xf32, #tpu.memory_space<hbm>>
    %dma_start3A_483 = arith.constant 0 : i32
    %dma_start3A_484 = tpu.memref_slice %arg5[%add3A_480, %dma_start3A_483] : memref<100000x128xf32, #tpu.memory_space<hbm>> -> memref<136x128xf32, #tpu.memory_space<hbm>>
    tpu.enqueue_dma source(%arg18 : memref<136x128xf32, #tpu.memory_space<vmem>>) target(%dma_start3A_484 : memref<136x128xf32, #tpu.memory_space<hbm>>) target_semaphore(%arg28 : memref<!tpu.dma_semaphore, #tpu.memory_space<semaphore_mem>>)
    %dma_wait3A_485 = arith.constant 0 : i32
    %dma_wait3A_486 = tpu.memref_slice %arg5[%add3A_381, %dma_wait3A_485] : memref<100000x128xf32, #tpu.memory_space<hbm>> -> memref<136x128xf32, #tpu.memory_space<hbm>>
    %dma_wait3A_487 = arith.constant 0 : i32
    %dma_wait3A_488 = tpu.memref_slice %arg5[%add3A_381, %dma_wait3A_487] : memref<100000x128xf32, #tpu.memory_space<hbm>> -> memref<136x128xf32, #tpu.memory_space<hbm>>
    tpu.wait_dma2 semaphore(%arg29 : memref<!tpu.dma_semaphore, #tpu.memory_space<semaphore_mem>>) src(%arg19 : memref<136x128xf32, #tpu.memory_space<vmem>>) dst(%dma_wait3A_488 : memref<136x128xf32, #tpu.memory_space<hbm>>)
    %sub3A_489 = arith.constant 136 : i32
    %sub3A_490 = arith.subi %select_n3A, %sub3A_489 : i32
    %min3A_491 = arith.constant 2040 : i32
    %min3A_492 = arith.minsi %min3A_491, %sub3A_490 : i32
    %add3A_493 = arith.addi %mul3A_2, %min3A_492 : i32
    %dma_start3A_494 = arith.constant 0 : i32
    %dma_start3A_495 = tpu.memref_slice %arg4[%add3A_493, %dma_start3A_494] : memref<100000x128xf32, #tpu.memory_space<hbm>> -> memref<136x128xf32, #tpu.memory_space<hbm>>
    %dma_start3A_496 = arith.constant 0 : i32
    %dma_start3A_497 = tpu.memref_slice %arg4[%add3A_493, %dma_start3A_496] : memref<100000x128xf32, #tpu.memory_space<hbm>> -> memref<136x128xf32, #tpu.memory_space<hbm>>
    tpu.enqueue_dma source(%dma_start3A_497 : memref<136x128xf32, #tpu.memory_space<hbm>>) target(%arg19 : memref<136x128xf32, #tpu.memory_space<vmem>>) target_semaphore(%arg25 : memref<!tpu.dma_semaphore, #tpu.memory_space<semaphore_mem>>)
    %scan3A_498 = arith.constant 0 : i32
    %scan3A_499 = arith.constant 630 : i32
    %scan3A_500 = arith.constant 45 : i32
    %scan3A_501 = arith.addi %scan3A_499, %scan3A_500 : i32
    %scan3A_502 = arith.constant 1 : i32
    %scan3A_503 = scf.for %scan3A_777 = %scan3A_499 to %scan3A_501 step %scan3A_502 iter_args(%scan3A_778 = %scan3A_498) -> (i32)  : i32 {
      %mul3A_779 = arith.constant 16 : i32
      %mul3A_780 = arith.muli %scan3A_777, %mul3A_779 : i32
      %get3A = arith.index_cast %mul3A_780 : i32 to index
      %get3A_781 = tpu.vector_load %arg6[%get3A] {strides = array<i32>} : memref<16384xi32, #tpu.memory_space<vmem>>, vector<16xi32>,
      %sub3A_782 = vector.broadcast %mul3A_2 : i32 to vector<16xi32>
      %sub3A_783 = arith.subi %get3A_781, %sub3A_782 : vector<16xi32>
      %ge3A = arith.constant 0 : i32
      %ge3A_784 = vector.broadcast %ge3A : i32 to vector<16xi32>
      %ge3A_785 = arith.cmpi sge, %sub3A_783, %ge3A_784 : vector<16xi32>
      %lt3A = vector.broadcast %select_n3A : i32 to vector<16xi32>
      %lt3A_786 = arith.cmpi slt, %sub3A_783, %lt3A : vector<16xi32>
      %and3A = arith.andi %ge3A_785, %lt3A_786 : vector<16xi1>
      %add3A_787 = arith.constant 3128 : i32
      %add3A_788 = vector.broadcast %add3A_787 : i32 to vector<16xi32>
      %add3A_789 = arith.addi %add3A_788, %iota3A : vector<16xi32>
      %select_n3A_790 = arith.select %and3A, %sub3A_783, %add3A_789 : vector<16xi1>, vector<16xi32>
      %mul3A_791 = arith.constant 16 : i32
      %mul3A_792 = vector.broadcast %mul3A_791 : i32 to vector<16xi32>
      %mul3A_793 = arith.muli %select_n3A_790, %mul3A_792 : vector<16xi32>
      %add3A_794 = arith.addi %mul3A_793, %iota3A : vector<16xi32>
      %masked_sort3A = arith.constant dense<true> : vector<16xi1>
      %masked_sort3A_795 = arith.constant -2147483648 : i32
      %masked_sort3A_796 = vector.broadcast %masked_sort3A_795 : i32 to vector<16xi32>
      %masked_sort3A_797 = arith.xori %add3A_794, %masked_sort3A_796 : vector<16xi32>
      %masked_sort3A_798, %masked_sort3A_799, %masked_sort3A_800 = tpu.sort %masked_sort3A_797, %iota3A masked %masked_sort3A : (vector<16xi32>, vector<16xi32>, vector<16xi1>) -> (vector<16xi1>, vector<16xi32>, vector<16xi32>)
      %masked_sort3A_801 = arith.xori %masked_sort3A_799, %masked_sort3A_796 : vector<16xi32>
      %shift_right_arithmetic3A = arith.constant 4 : i32
      %shift_right_arithmetic3A_802 = vector.broadcast %shift_right_arithmetic3A : i32 to vector<16xi32>
      %shift_right_arithmetic3A_803 = arith.shrsi %masked_sort3A_801, %shift_right_arithmetic3A_802 : vector<16xi32>
      %mul3A_804 = arith.constant 16 : i32
      %mul3A_805 = arith.muli %scan3A_777, %mul3A_804 : i32
      %and3A_806 = arith.constant 15 : i32
      %and3A_807 = vector.broadcast %and3A_806 : i32 to vector<16xi32>
      %and3A_808 = arith.andi %masked_sort3A_801, %and3A_807 : vector<16xi32>
      %add3A_809 = vector.broadcast %mul3A_805 : i32 to vector<16xi32>
      %add3A_810 = arith.addi %add3A_809, %and3A_808 : vector<16xi32>
      %lt3A_811 = arith.constant 0 : i32
      %lt3A_812 = vector.broadcast %lt3A_811 : i32 to vector<16xi32>
      %lt3A_813 = arith.cmpi slt, %min3A_49, %lt3A_812 : vector<16xi32>
      %add3A_814 = arith.constant 16 : i32
      %add3A_815 = vector.broadcast %add3A_814 : i32 to vector<16xi32>
      %add3A_816 = arith.addi %min3A_49, %add3A_815 : vector<16xi32>
      %select_n3A_817 = arith.select %lt3A_813, %add3A_816, %min3A_49 : vector<16xi1>, vector<16xi32>
      %broadcast_in_dim3A = vector.shape_cast %select_n3A_817 : vector<16xi32> to vector<16x1xi32>
      %gather3A = vector.shape_cast %broadcast_in_dim3A : vector<16x1xi32> to vector<16xi32>
      %gather3A_818 = tpu.dynamic_gather %masked_sort3A_801[%gather3A] in [0] : vector<16xi32>, vector<16xi32> -> vector<16xi32>
      %shift_right_arithmetic3A_819 = arith.constant 4 : i32
      %shift_right_arithmetic3A_820 = vector.broadcast %shift_right_arithmetic3A_819 : i32 to vector<16xi32>
      %shift_right_arithmetic3A_821 = arith.shrsi %gather3A_818, %shift_right_arithmetic3A_820 : vector<16xi32>
      %ne3A = arith.cmpi ne, %shift_right_arithmetic3A_803, %shift_right_arithmetic3A_821 : vector<16xi32>
      %eq3A_822 = arith.constant 15 : i32
      %eq3A_823 = vector.broadcast %eq3A_822 : i32 to vector<16xi32>
      %eq3A_824 = arith.cmpi eq, %iota3A, %eq3A_823 : vector<16xi32>
      %or3A = arith.ori %ne3A, %eq3A_824 : vector<16xi1>
      %lt3A_825 = vector.broadcast %select_n3A : i32 to vector<16xi32>
      %lt3A_826 = arith.cmpi slt, %shift_right_arithmetic3A_803, %lt3A_825 : vector<16xi32>
      %and3A_827 = arith.andi %or3A, %lt3A_826 : vector<16xi1>
      tpu.vector_store_idx %arg7[%shift_right_arithmetic3A_803], %add3A_810 masked %and3A_827 : memref<3152xi32, #tpu.memory_space<vmem>>[vector<16xi32>], vector<16xi32>, vector<16xi1>
      %scan3A_828 = arith.constant 0 : i32
      scf.yield %scan3A_828 : i32
    }
    %scan3A_504 = arith.constant 45 : i32
    %dma_wait3A_505 = arith.constant 0 : i32
    %dma_wait3A_506 = tpu.memref_slice %arg4[%add3A_493, %dma_wait3A_505] : memref<100000x128xf32, #tpu.memory_space<hbm>> -> memref<136x128xf32, #tpu.memory_space<hbm>>
    %dma_wait3A_507 = arith.constant 0 : i32
    %dma_wait3A_508 = tpu.memref_slice %arg4[%add3A_493, %dma_wait3A_507] : memref<100000x128xf32, #tpu.memory_space<hbm>> -> memref<136x128xf32, #tpu.memory_space<hbm>>
    tpu.wait_dma2 semaphore(%arg25 : memref<!tpu.dma_semaphore, #tpu.memory_space<semaphore_mem>>) src(%dma_wait3A_508 : memref<136x128xf32, #tpu.memory_space<hbm>>) dst(%arg19 : memref<136x128xf32, #tpu.memory_space<vmem>>)
    %sub3A_509 = arith.constant 136 : i32
    %sub3A_510 = arith.subi %select_n3A, %sub3A_509 : i32
    %min3A_511 = arith.constant 2040 : i32
    %min3A_512 = arith.minsi %min3A_511, %sub3A_510 : i32
    %add3A_513 = arith.addi %mul3A_2, %min3A_512 : i32
    %dma_start3A_514 = arith.constant 0 : i32
    %dma_start3A_515 = tpu.memref_slice %arg5[%add3A_513, %dma_start3A_514] : memref<100000x128xf32, #tpu.memory_space<hbm>> -> memref<136x128xf32, #tpu.memory_space<hbm>>
    %dma_start3A_516 = arith.constant 0 : i32
    %dma_start3A_517 = tpu.memref_slice %arg5[%add3A_513, %dma_start3A_516] : memref<100000x128xf32, #tpu.memory_space<hbm>> -> memref<136x128xf32, #tpu.memory_space<hbm>>
    tpu.enqueue_dma source(%arg19 : memref<136x128xf32, #tpu.memory_space<vmem>>) target(%dma_start3A_517 : memref<136x128xf32, #tpu.memory_space<hbm>>) target_semaphore(%arg29 : memref<!tpu.dma_semaphore, #tpu.memory_space<semaphore_mem>>)
    %dma_wait3A_518 = arith.constant 0 : i32
    %dma_wait3A_519 = tpu.memref_slice %arg5[%add3A_414, %dma_wait3A_518] : memref<100000x128xf32, #tpu.memory_space<hbm>> -> memref<136x128xf32, #tpu.memory_space<hbm>>
    %dma_wait3A_520 = arith.constant 0 : i32
    %dma_wait3A_521 = tpu.memref_slice %arg5[%add3A_414, %dma_wait3A_520] : memref<100000x128xf32, #tpu.memory_space<hbm>> -> memref<136x128xf32, #tpu.memory_space<hbm>>
    tpu.wait_dma2 semaphore(%arg26 : memref<!tpu.dma_semaphore, #tpu.memory_space<semaphore_mem>>) src(%arg16 : memref<136x128xf32, #tpu.memory_space<vmem>>) dst(%dma_wait3A_521 : memref<136x128xf32, #tpu.memory_space<hbm>>)
    %sub3A_522 = arith.constant 136 : i32
    %sub3A_523 = arith.subi %select_n3A, %sub3A_522 : i32
    %min3A_524 = arith.constant 2176 : i32
    %min3A_525 = arith.minsi %min3A_524, %sub3A_523 : i32
    %add3A_526 = arith.addi %mul3A_2, %min3A_525 : i32
    %dma_start3A_527 = arith.constant 0 : i32
    %dma_start3A_528 = tpu.memref_slice %arg4[%add3A_526, %dma_start3A_527] : memref<100000x128xf32, #tpu.memory_space<hbm>> -> memref<136x128xf32, #tpu.memory_space<hbm>>
    %dma_start3A_529 = arith.constant 0 : i32
    %dma_start3A_530 = tpu.memref_slice %arg4[%add3A_526, %dma_start3A_529] : memref<100000x128xf32, #tpu.memory_space<hbm>> -> memref<136x128xf32, #tpu.memory_space<hbm>>
    tpu.enqueue_dma source(%dma_start3A_530 : memref<136x128xf32, #tpu.memory_space<hbm>>) target(%arg16 : memref<136x128xf32, #tpu.memory_space<vmem>>) target_semaphore(%arg22 : memref<!tpu.dma_semaphore, #tpu.memory_space<semaphore_mem>>)
    %scan3A_531 = arith.constant 0 : i32
    %scan3A_532 = arith.constant 675 : i32
    %scan3A_533 = arith.constant 45 : i32
    %scan3A_534 = arith.addi %scan3A_532, %scan3A_533 : i32
    %scan3A_535 = arith.constant 1 : i32
    %scan3A_536 = scf.for %scan3A_777 = %scan3A_532 to %scan3A_534 step %scan3A_535 iter_args(%scan3A_778 = %scan3A_531) -> (i32)  : i32 {
      %mul3A_779 = arith.constant 16 : i32
      %mul3A_780 = arith.muli %scan3A_777, %mul3A_779 : i32
      %get3A = arith.index_cast %mul3A_780 : i32 to index
      %get3A_781 = tpu.vector_load %arg6[%get3A] {strides = array<i32>} : memref<16384xi32, #tpu.memory_space<vmem>>, vector<16xi32>,
      %sub3A_782 = vector.broadcast %mul3A_2 : i32 to vector<16xi32>
      %sub3A_783 = arith.subi %get3A_781, %sub3A_782 : vector<16xi32>
      %ge3A = arith.constant 0 : i32
      %ge3A_784 = vector.broadcast %ge3A : i32 to vector<16xi32>
      %ge3A_785 = arith.cmpi sge, %sub3A_783, %ge3A_784 : vector<16xi32>
      %lt3A = vector.broadcast %select_n3A : i32 to vector<16xi32>
      %lt3A_786 = arith.cmpi slt, %sub3A_783, %lt3A : vector<16xi32>
      %and3A = arith.andi %ge3A_785, %lt3A_786 : vector<16xi1>
      %add3A_787 = arith.constant 3128 : i32
      %add3A_788 = vector.broadcast %add3A_787 : i32 to vector<16xi32>
      %add3A_789 = arith.addi %add3A_788, %iota3A : vector<16xi32>
      %select_n3A_790 = arith.select %and3A, %sub3A_783, %add3A_789 : vector<16xi1>, vector<16xi32>
      %mul3A_791 = arith.constant 16 : i32
      %mul3A_792 = vector.broadcast %mul3A_791 : i32 to vector<16xi32>
      %mul3A_793 = arith.muli %select_n3A_790, %mul3A_792 : vector<16xi32>
      %add3A_794 = arith.addi %mul3A_793, %iota3A : vector<16xi32>
      %masked_sort3A = arith.constant dense<true> : vector<16xi1>
      %masked_sort3A_795 = arith.constant -2147483648 : i32
      %masked_sort3A_796 = vector.broadcast %masked_sort3A_795 : i32 to vector<16xi32>
      %masked_sort3A_797 = arith.xori %add3A_794, %masked_sort3A_796 : vector<16xi32>
      %masked_sort3A_798, %masked_sort3A_799, %masked_sort3A_800 = tpu.sort %masked_sort3A_797, %iota3A masked %masked_sort3A : (vector<16xi32>, vector<16xi32>, vector<16xi1>) -> (vector<16xi1>, vector<16xi32>, vector<16xi32>)
      %masked_sort3A_801 = arith.xori %masked_sort3A_799, %masked_sort3A_796 : vector<16xi32>
      %shift_right_arithmetic3A = arith.constant 4 : i32
      %shift_right_arithmetic3A_802 = vector.broadcast %shift_right_arithmetic3A : i32 to vector<16xi32>
      %shift_right_arithmetic3A_803 = arith.shrsi %masked_sort3A_801, %shift_right_arithmetic3A_802 : vector<16xi32>
      %mul3A_804 = arith.constant 16 : i32
      %mul3A_805 = arith.muli %scan3A_777, %mul3A_804 : i32
      %and3A_806 = arith.constant 15 : i32
      %and3A_807 = vector.broadcast %and3A_806 : i32 to vector<16xi32>
      %and3A_808 = arith.andi %masked_sort3A_801, %and3A_807 : vector<16xi32>
      %add3A_809 = vector.broadcast %mul3A_805 : i32 to vector<16xi32>
      %add3A_810 = arith.addi %add3A_809, %and3A_808 : vector<16xi32>
      %lt3A_811 = arith.constant 0 : i32
      %lt3A_812 = vector.broadcast %lt3A_811 : i32 to vector<16xi32>
      %lt3A_813 = arith.cmpi slt, %min3A_49, %lt3A_812 : vector<16xi32>
      %add3A_814 = arith.constant 16 : i32
      %add3A_815 = vector.broadcast %add3A_814 : i32 to vector<16xi32>
      %add3A_816 = arith.addi %min3A_49, %add3A_815 : vector<16xi32>
      %select_n3A_817 = arith.select %lt3A_813, %add3A_816, %min3A_49 : vector<16xi1>, vector<16xi32>
      %broadcast_in_dim3A = vector.shape_cast %select_n3A_817 : vector<16xi32> to vector<16x1xi32>
      %gather3A = vector.shape_cast %broadcast_in_dim3A : vector<16x1xi32> to vector<16xi32>
      %gather3A_818 = tpu.dynamic_gather %masked_sort3A_801[%gather3A] in [0] : vector<16xi32>, vector<16xi32> -> vector<16xi32>
      %shift_right_arithmetic3A_819 = arith.constant 4 : i32
      %shift_right_arithmetic3A_820 = vector.broadcast %shift_right_arithmetic3A_819 : i32 to vector<16xi32>
      %shift_right_arithmetic3A_821 = arith.shrsi %gather3A_818, %shift_right_arithmetic3A_820 : vector<16xi32>
      %ne3A = arith.cmpi ne, %shift_right_arithmetic3A_803, %shift_right_arithmetic3A_821 : vector<16xi32>
      %eq3A_822 = arith.constant 15 : i32
      %eq3A_823 = vector.broadcast %eq3A_822 : i32 to vector<16xi32>
      %eq3A_824 = arith.cmpi eq, %iota3A, %eq3A_823 : vector<16xi32>
      %or3A = arith.ori %ne3A, %eq3A_824 : vector<16xi1>
      %lt3A_825 = vector.broadcast %select_n3A : i32 to vector<16xi32>
      %lt3A_826 = arith.cmpi slt, %shift_right_arithmetic3A_803, %lt3A_825 : vector<16xi32>
      %and3A_827 = arith.andi %or3A, %lt3A_826 : vector<16xi1>
      tpu.vector_store_idx %arg7[%shift_right_arithmetic3A_803], %add3A_810 masked %and3A_827 : memref<3152xi32, #tpu.memory_space<vmem>>[vector<16xi32>], vector<16xi32>, vector<16xi1>
      %scan3A_828 = arith.constant 0 : i32
      scf.yield %scan3A_828 : i32
    }
    %scan3A_537 = arith.constant 45 : i32
    %dma_wait3A_538 = arith.constant 0 : i32
    %dma_wait3A_539 = tpu.memref_slice %arg4[%add3A_526, %dma_wait3A_538] : memref<100000x128xf32, #tpu.memory_space<hbm>> -> memref<136x128xf32, #tpu.memory_space<hbm>>
    %dma_wait3A_540 = arith.constant 0 : i32
    %dma_wait3A_541 = tpu.memref_slice %arg4[%add3A_526, %dma_wait3A_540] : memref<100000x128xf32, #tpu.memory_space<hbm>> -> memref<136x128xf32, #tpu.memory_space<hbm>>
    tpu.wait_dma2 semaphore(%arg22 : memref<!tpu.dma_semaphore, #tpu.memory_space<semaphore_mem>>) src(%dma_wait3A_541 : memref<136x128xf32, #tpu.memory_space<hbm>>) dst(%arg16 : memref<136x128xf32, #tpu.memory_space<vmem>>)
    %sub3A_542 = arith.constant 136 : i32
    %sub3A_543 = arith.subi %select_n3A, %sub3A_542 : i32
    %min3A_544 = arith.constant 2176 : i32
    %min3A_545 = arith.minsi %min3A_544, %sub3A_543 : i32
    %add3A_546 = arith.addi %mul3A_2, %min3A_545 : i32
    %dma_start3A_547 = arith.constant 0 : i32
    %dma_start3A_548 = tpu.memref_slice %arg5[%add3A_546, %dma_start3A_547] : memref<100000x128xf32, #tpu.memory_space<hbm>> -> memref<136x128xf32, #tpu.memory_space<hbm>>
    %dma_start3A_549 = arith.constant 0 : i32
    %dma_start3A_550 = tpu.memref_slice %arg5[%add3A_546, %dma_start3A_549] : memref<100000x128xf32, #tpu.memory_space<hbm>> -> memref<136x128xf32, #tpu.memory_space<hbm>>
    tpu.enqueue_dma source(%arg16 : memref<136x128xf32, #tpu.memory_space<vmem>>) target(%dma_start3A_550 : memref<136x128xf32, #tpu.memory_space<hbm>>) target_semaphore(%arg26 : memref<!tpu.dma_semaphore, #tpu.memory_space<semaphore_mem>>)
    %dma_wait3A_551 = arith.constant 0 : i32
    %dma_wait3A_552 = tpu.memref_slice %arg5[%add3A_447, %dma_wait3A_551] : memref<100000x128xf32, #tpu.memory_space<hbm>> -> memref<136x128xf32, #tpu.memory_space<hbm>>
    %dma_wait3A_553 = arith.constant 0 : i32
    %dma_wait3A_554 = tpu.memref_slice %arg5[%add3A_447, %dma_wait3A_553] : memref<100000x128xf32, #tpu.memory_space<hbm>> -> memref<136x128xf32, #tpu.memory_space<hbm>>
    tpu.wait_dma2 semaphore(%arg27 : memref<!tpu.dma_semaphore, #tpu.memory_space<semaphore_mem>>) src(%arg17 : memref<136x128xf32, #tpu.memory_space<vmem>>) dst(%dma_wait3A_554 : memref<136x128xf32, #tpu.memory_space<hbm>>)
    %sub3A_555 = arith.constant 136 : i32
    %sub3A_556 = arith.subi %select_n3A, %sub3A_555 : i32
    %min3A_557 = arith.constant 2312 : i32
    %min3A_558 = arith.minsi %min3A_557, %sub3A_556 : i32
    %add3A_559 = arith.addi %mul3A_2, %min3A_558 : i32
    %dma_start3A_560 = arith.constant 0 : i32
    %dma_start3A_561 = tpu.memref_slice %arg4[%add3A_559, %dma_start3A_560] : memref<100000x128xf32, #tpu.memory_space<hbm>> -> memref<136x128xf32, #tpu.memory_space<hbm>>
    %dma_start3A_562 = arith.constant 0 : i32
    %dma_start3A_563 = tpu.memref_slice %arg4[%add3A_559, %dma_start3A_562] : memref<100000x128xf32, #tpu.memory_space<hbm>> -> memref<136x128xf32, #tpu.memory_space<hbm>>
    tpu.enqueue_dma source(%dma_start3A_563 : memref<136x128xf32, #tpu.memory_space<hbm>>) target(%arg17 : memref<136x128xf32, #tpu.memory_space<vmem>>) target_semaphore(%arg23 : memref<!tpu.dma_semaphore, #tpu.memory_space<semaphore_mem>>)
    %scan3A_564 = arith.constant 0 : i32
    %scan3A_565 = arith.constant 720 : i32
    %scan3A_566 = arith.constant 45 : i32
    %scan3A_567 = arith.addi %scan3A_565, %scan3A_566 : i32
    %scan3A_568 = arith.constant 1 : i32
    %scan3A_569 = scf.for %scan3A_777 = %scan3A_565 to %scan3A_567 step %scan3A_568 iter_args(%scan3A_778 = %scan3A_564) -> (i32)  : i32 {
      %mul3A_779 = arith.constant 16 : i32
      %mul3A_780 = arith.muli %scan3A_777, %mul3A_779 : i32
      %get3A = arith.index_cast %mul3A_780 : i32 to index
      %get3A_781 = tpu.vector_load %arg6[%get3A] {strides = array<i32>} : memref<16384xi32, #tpu.memory_space<vmem>>, vector<16xi32>,
      %sub3A_782 = vector.broadcast %mul3A_2 : i32 to vector<16xi32>
      %sub3A_783 = arith.subi %get3A_781, %sub3A_782 : vector<16xi32>
      %ge3A = arith.constant 0 : i32
      %ge3A_784 = vector.broadcast %ge3A : i32 to vector<16xi32>
      %ge3A_785 = arith.cmpi sge, %sub3A_783, %ge3A_784 : vector<16xi32>
      %lt3A = vector.broadcast %select_n3A : i32 to vector<16xi32>
      %lt3A_786 = arith.cmpi slt, %sub3A_783, %lt3A : vector<16xi32>
      %and3A = arith.andi %ge3A_785, %lt3A_786 : vector<16xi1>
      %add3A_787 = arith.constant 3128 : i32
      %add3A_788 = vector.broadcast %add3A_787 : i32 to vector<16xi32>
      %add3A_789 = arith.addi %add3A_788, %iota3A : vector<16xi32>
      %select_n3A_790 = arith.select %and3A, %sub3A_783, %add3A_789 : vector<16xi1>, vector<16xi32>
      %mul3A_791 = arith.constant 16 : i32
      %mul3A_792 = vector.broadcast %mul3A_791 : i32 to vector<16xi32>
      %mul3A_793 = arith.muli %select_n3A_790, %mul3A_792 : vector<16xi32>
      %add3A_794 = arith.addi %mul3A_793, %iota3A : vector<16xi32>
      %masked_sort3A = arith.constant dense<true> : vector<16xi1>
      %masked_sort3A_795 = arith.constant -2147483648 : i32
      %masked_sort3A_796 = vector.broadcast %masked_sort3A_795 : i32 to vector<16xi32>
      %masked_sort3A_797 = arith.xori %add3A_794, %masked_sort3A_796 : vector<16xi32>
      %masked_sort3A_798, %masked_sort3A_799, %masked_sort3A_800 = tpu.sort %masked_sort3A_797, %iota3A masked %masked_sort3A : (vector<16xi32>, vector<16xi32>, vector<16xi1>) -> (vector<16xi1>, vector<16xi32>, vector<16xi32>)
      %masked_sort3A_801 = arith.xori %masked_sort3A_799, %masked_sort3A_796 : vector<16xi32>
      %shift_right_arithmetic3A = arith.constant 4 : i32
      %shift_right_arithmetic3A_802 = vector.broadcast %shift_right_arithmetic3A : i32 to vector<16xi32>
      %shift_right_arithmetic3A_803 = arith.shrsi %masked_sort3A_801, %shift_right_arithmetic3A_802 : vector<16xi32>
      %mul3A_804 = arith.constant 16 : i32
      %mul3A_805 = arith.muli %scan3A_777, %mul3A_804 : i32
      %and3A_806 = arith.constant 15 : i32
      %and3A_807 = vector.broadcast %and3A_806 : i32 to vector<16xi32>
      %and3A_808 = arith.andi %masked_sort3A_801, %and3A_807 : vector<16xi32>
      %add3A_809 = vector.broadcast %mul3A_805 : i32 to vector<16xi32>
      %add3A_810 = arith.addi %add3A_809, %and3A_808 : vector<16xi32>
      %lt3A_811 = arith.constant 0 : i32
      %lt3A_812 = vector.broadcast %lt3A_811 : i32 to vector<16xi32>
      %lt3A_813 = arith.cmpi slt, %min3A_49, %lt3A_812 : vector<16xi32>
      %add3A_814 = arith.constant 16 : i32
      %add3A_815 = vector.broadcast %add3A_814 : i32 to vector<16xi32>
      %add3A_816 = arith.addi %min3A_49, %add3A_815 : vector<16xi32>
      %select_n3A_817 = arith.select %lt3A_813, %add3A_816, %min3A_49 : vector<16xi1>, vector<16xi32>
      %broadcast_in_dim3A = vector.shape_cast %select_n3A_817 : vector<16xi32> to vector<16x1xi32>
      %gather3A = vector.shape_cast %broadcast_in_dim3A : vector<16x1xi32> to vector<16xi32>
      %gather3A_818 = tpu.dynamic_gather %masked_sort3A_801[%gather3A] in [0] : vector<16xi32>, vector<16xi32> -> vector<16xi32>
      %shift_right_arithmetic3A_819 = arith.constant 4 : i32
      %shift_right_arithmetic3A_820 = vector.broadcast %shift_right_arithmetic3A_819 : i32 to vector<16xi32>
      %shift_right_arithmetic3A_821 = arith.shrsi %gather3A_818, %shift_right_arithmetic3A_820 : vector<16xi32>
      %ne3A = arith.cmpi ne, %shift_right_arithmetic3A_803, %shift_right_arithmetic3A_821 : vector<16xi32>
      %eq3A_822 = arith.constant 15 : i32
      %eq3A_823 = vector.broadcast %eq3A_822 : i32 to vector<16xi32>
      %eq3A_824 = arith.cmpi eq, %iota3A, %eq3A_823 : vector<16xi32>
      %or3A = arith.ori %ne3A, %eq3A_824 : vector<16xi1>
      %lt3A_825 = vector.broadcast %select_n3A : i32 to vector<16xi32>
      %lt3A_826 = arith.cmpi slt, %shift_right_arithmetic3A_803, %lt3A_825 : vector<16xi32>
      %and3A_827 = arith.andi %or3A, %lt3A_826 : vector<16xi1>
      tpu.vector_store_idx %arg7[%shift_right_arithmetic3A_803], %add3A_810 masked %and3A_827 : memref<3152xi32, #tpu.memory_space<vmem>>[vector<16xi32>], vector<16xi32>, vector<16xi1>
      %scan3A_828 = arith.constant 0 : i32
      scf.yield %scan3A_828 : i32
    }
    %scan3A_570 = arith.constant 45 : i32
    %dma_wait3A_571 = arith.constant 0 : i32
    %dma_wait3A_572 = tpu.memref_slice %arg4[%add3A_559, %dma_wait3A_571] : memref<100000x128xf32, #tpu.memory_space<hbm>> -> memref<136x128xf32, #tpu.memory_space<hbm>>
    %dma_wait3A_573 = arith.constant 0 : i32
    %dma_wait3A_574 = tpu.memref_slice %arg4[%add3A_559, %dma_wait3A_573] : memref<100000x128xf32, #tpu.memory_space<hbm>> -> memref<136x128xf32, #tpu.memory_space<hbm>>
    tpu.wait_dma2 semaphore(%arg23 : memref<!tpu.dma_semaphore, #tpu.memory_space<semaphore_mem>>) src(%dma_wait3A_574 : memref<136x128xf32, #tpu.memory_space<hbm>>) dst(%arg17 : memref<136x128xf32, #tpu.memory_space<vmem>>)
    %sub3A_575 = arith.constant 136 : i32
    %sub3A_576 = arith.subi %select_n3A, %sub3A_575 : i32
    %min3A_577 = arith.constant 2312 : i32
    %min3A_578 = arith.minsi %min3A_577, %sub3A_576 : i32
    %add3A_579 = arith.addi %mul3A_2, %min3A_578 : i32
    %dma_start3A_580 = arith.constant 0 : i32
    %dma_start3A_581 = tpu.memref_slice %arg5[%add3A_579, %dma_start3A_580] : memref<100000x128xf32, #tpu.memory_space<hbm>> -> memref<136x128xf32, #tpu.memory_space<hbm>>
    %dma_start3A_582 = arith.constant 0 : i32
    %dma_start3A_583 = tpu.memref_slice %arg5[%add3A_579, %dma_start3A_582] : memref<100000x128xf32, #tpu.memory_space<hbm>> -> memref<136x128xf32, #tpu.memory_space<hbm>>
    tpu.enqueue_dma source(%arg17 : memref<136x128xf32, #tpu.memory_space<vmem>>) target(%dma_start3A_583 : memref<136x128xf32, #tpu.memory_space<hbm>>) target_semaphore(%arg27 : memref<!tpu.dma_semaphore, #tpu.memory_space<semaphore_mem>>)
    %dma_wait3A_584 = arith.constant 0 : i32
    %dma_wait3A_585 = tpu.memref_slice %arg5[%add3A_480, %dma_wait3A_584] : memref<100000x128xf32, #tpu.memory_space<hbm>> -> memref<136x128xf32, #tpu.memory_space<hbm>>
    %dma_wait3A_586 = arith.constant 0 : i32
    %dma_wait3A_587 = tpu.memref_slice %arg5[%add3A_480, %dma_wait3A_586] : memref<100000x128xf32, #tpu.memory_space<hbm>> -> memref<136x128xf32, #tpu.memory_space<hbm>>
    tpu.wait_dma2 semaphore(%arg28 : memref<!tpu.dma_semaphore, #tpu.memory_space<semaphore_mem>>) src(%arg18 : memref<136x128xf32, #tpu.memory_space<vmem>>) dst(%dma_wait3A_587 : memref<136x128xf32, #tpu.memory_space<hbm>>)
    %sub3A_588 = arith.constant 136 : i32
    %sub3A_589 = arith.subi %select_n3A, %sub3A_588 : i32
    %min3A_590 = arith.constant 2448 : i32
    %min3A_591 = arith.minsi %min3A_590, %sub3A_589 : i32
    %add3A_592 = arith.addi %mul3A_2, %min3A_591 : i32
    %dma_start3A_593 = arith.constant 0 : i32
    %dma_start3A_594 = tpu.memref_slice %arg4[%add3A_592, %dma_start3A_593] : memref<100000x128xf32, #tpu.memory_space<hbm>> -> memref<136x128xf32, #tpu.memory_space<hbm>>
    %dma_start3A_595 = arith.constant 0 : i32
    %dma_start3A_596 = tpu.memref_slice %arg4[%add3A_592, %dma_start3A_595] : memref<100000x128xf32, #tpu.memory_space<hbm>> -> memref<136x128xf32, #tpu.memory_space<hbm>>
    tpu.enqueue_dma source(%dma_start3A_596 : memref<136x128xf32, #tpu.memory_space<hbm>>) target(%arg18 : memref<136x128xf32, #tpu.memory_space<vmem>>) target_semaphore(%arg24 : memref<!tpu.dma_semaphore, #tpu.memory_space<semaphore_mem>>)
    %scan3A_597 = arith.constant 0 : i32
    %scan3A_598 = arith.constant 765 : i32
    %scan3A_599 = arith.constant 45 : i32
    %scan3A_600 = arith.addi %scan3A_598, %scan3A_599 : i32
    %scan3A_601 = arith.constant 1 : i32
    %scan3A_602 = scf.for %scan3A_777 = %scan3A_598 to %scan3A_600 step %scan3A_601 iter_args(%scan3A_778 = %scan3A_597) -> (i32)  : i32 {
      %mul3A_779 = arith.constant 16 : i32
      %mul3A_780 = arith.muli %scan3A_777, %mul3A_779 : i32
      %get3A = arith.index_cast %mul3A_780 : i32 to index
      %get3A_781 = tpu.vector_load %arg6[%get3A] {strides = array<i32>} : memref<16384xi32, #tpu.memory_space<vmem>>, vector<16xi32>,
      %sub3A_782 = vector.broadcast %mul3A_2 : i32 to vector<16xi32>
      %sub3A_783 = arith.subi %get3A_781, %sub3A_782 : vector<16xi32>
      %ge3A = arith.constant 0 : i32
      %ge3A_784 = vector.broadcast %ge3A : i32 to vector<16xi32>
      %ge3A_785 = arith.cmpi sge, %sub3A_783, %ge3A_784 : vector<16xi32>
      %lt3A = vector.broadcast %select_n3A : i32 to vector<16xi32>
      %lt3A_786 = arith.cmpi slt, %sub3A_783, %lt3A : vector<16xi32>
      %and3A = arith.andi %ge3A_785, %lt3A_786 : vector<16xi1>
      %add3A_787 = arith.constant 3128 : i32
      %add3A_788 = vector.broadcast %add3A_787 : i32 to vector<16xi32>
      %add3A_789 = arith.addi %add3A_788, %iota3A : vector<16xi32>
      %select_n3A_790 = arith.select %and3A, %sub3A_783, %add3A_789 : vector<16xi1>, vector<16xi32>
      %mul3A_791 = arith.constant 16 : i32
      %mul3A_792 = vector.broadcast %mul3A_791 : i32 to vector<16xi32>
      %mul3A_793 = arith.muli %select_n3A_790, %mul3A_792 : vector<16xi32>
      %add3A_794 = arith.addi %mul3A_793, %iota3A : vector<16xi32>
      %masked_sort3A = arith.constant dense<true> : vector<16xi1>
      %masked_sort3A_795 = arith.constant -2147483648 : i32
      %masked_sort3A_796 = vector.broadcast %masked_sort3A_795 : i32 to vector<16xi32>
      %masked_sort3A_797 = arith.xori %add3A_794, %masked_sort3A_796 : vector<16xi32>
      %masked_sort3A_798, %masked_sort3A_799, %masked_sort3A_800 = tpu.sort %masked_sort3A_797, %iota3A masked %masked_sort3A : (vector<16xi32>, vector<16xi32>, vector<16xi1>) -> (vector<16xi1>, vector<16xi32>, vector<16xi32>)
      %masked_sort3A_801 = arith.xori %masked_sort3A_799, %masked_sort3A_796 : vector<16xi32>
      %shift_right_arithmetic3A = arith.constant 4 : i32
      %shift_right_arithmetic3A_802 = vector.broadcast %shift_right_arithmetic3A : i32 to vector<16xi32>
      %shift_right_arithmetic3A_803 = arith.shrsi %masked_sort3A_801, %shift_right_arithmetic3A_802 : vector<16xi32>
      %mul3A_804 = arith.constant 16 : i32
      %mul3A_805 = arith.muli %scan3A_777, %mul3A_804 : i32
      %and3A_806 = arith.constant 15 : i32
      %and3A_807 = vector.broadcast %and3A_806 : i32 to vector<16xi32>
      %and3A_808 = arith.andi %masked_sort3A_801, %and3A_807 : vector<16xi32>
      %add3A_809 = vector.broadcast %mul3A_805 : i32 to vector<16xi32>
      %add3A_810 = arith.addi %add3A_809, %and3A_808 : vector<16xi32>
      %lt3A_811 = arith.constant 0 : i32
      %lt3A_812 = vector.broadcast %lt3A_811 : i32 to vector<16xi32>
      %lt3A_813 = arith.cmpi slt, %min3A_49, %lt3A_812 : vector<16xi32>
      %add3A_814 = arith.constant 16 : i32
      %add3A_815 = vector.broadcast %add3A_814 : i32 to vector<16xi32>
      %add3A_816 = arith.addi %min3A_49, %add3A_815 : vector<16xi32>
      %select_n3A_817 = arith.select %lt3A_813, %add3A_816, %min3A_49 : vector<16xi1>, vector<16xi32>
      %broadcast_in_dim3A = vector.shape_cast %select_n3A_817 : vector<16xi32> to vector<16x1xi32>
      %gather3A = vector.shape_cast %broadcast_in_dim3A : vector<16x1xi32> to vector<16xi32>
      %gather3A_818 = tpu.dynamic_gather %masked_sort3A_801[%gather3A] in [0] : vector<16xi32>, vector<16xi32> -> vector<16xi32>
      %shift_right_arithmetic3A_819 = arith.constant 4 : i32
      %shift_right_arithmetic3A_820 = vector.broadcast %shift_right_arithmetic3A_819 : i32 to vector<16xi32>
      %shift_right_arithmetic3A_821 = arith.shrsi %gather3A_818, %shift_right_arithmetic3A_820 : vector<16xi32>
      %ne3A = arith.cmpi ne, %shift_right_arithmetic3A_803, %shift_right_arithmetic3A_821 : vector<16xi32>
      %eq3A_822 = arith.constant 15 : i32
      %eq3A_823 = vector.broadcast %eq3A_822 : i32 to vector<16xi32>
      %eq3A_824 = arith.cmpi eq, %iota3A, %eq3A_823 : vector<16xi32>
      %or3A = arith.ori %ne3A, %eq3A_824 : vector<16xi1>
      %lt3A_825 = vector.broadcast %select_n3A : i32 to vector<16xi32>
      %lt3A_826 = arith.cmpi slt, %shift_right_arithmetic3A_803, %lt3A_825 : vector<16xi32>
      %and3A_827 = arith.andi %or3A, %lt3A_826 : vector<16xi1>
      tpu.vector_store_idx %arg7[%shift_right_arithmetic3A_803], %add3A_810 masked %and3A_827 : memref<3152xi32, #tpu.memory_space<vmem>>[vector<16xi32>], vector<16xi32>, vector<16xi1>
      %scan3A_828 = arith.constant 0 : i32
      scf.yield %scan3A_828 : i32
    }
    %scan3A_603 = arith.constant 45 : i32
    %dma_wait3A_604 = arith.constant 0 : i32
    %dma_wait3A_605 = tpu.memref_slice %arg4[%add3A_592, %dma_wait3A_604] : memref<100000x128xf32, #tpu.memory_space<hbm>> -> memref<136x128xf32, #tpu.memory_space<hbm>>
    %dma_wait3A_606 = arith.constant 0 : i32
    %dma_wait3A_607 = tpu.memref_slice %arg4[%add3A_592, %dma_wait3A_606] : memref<100000x128xf32, #tpu.memory_space<hbm>> -> memref<136x128xf32, #tpu.memory_space<hbm>>
    tpu.wait_dma2 semaphore(%arg24 : memref<!tpu.dma_semaphore, #tpu.memory_space<semaphore_mem>>) src(%dma_wait3A_607 : memref<136x128xf32, #tpu.memory_space<hbm>>) dst(%arg18 : memref<136x128xf32, #tpu.memory_space<vmem>>)
    %sub3A_608 = arith.constant 136 : i32
    %sub3A_609 = arith.subi %select_n3A, %sub3A_608 : i32
    %min3A_610 = arith.constant 2448 : i32
    %min3A_611 = arith.minsi %min3A_610, %sub3A_609 : i32
    %add3A_612 = arith.addi %mul3A_2, %min3A_611 : i32
    %dma_start3A_613 = arith.constant 0 : i32
    %dma_start3A_614 = tpu.memref_slice %arg5[%add3A_612, %dma_start3A_613] : memref<100000x128xf32, #tpu.memory_space<hbm>> -> memref<136x128xf32, #tpu.memory_space<hbm>>
    %dma_start3A_615 = arith.constant 0 : i32
    %dma_start3A_616 = tpu.memref_slice %arg5[%add3A_612, %dma_start3A_615] : memref<100000x128xf32, #tpu.memory_space<hbm>> -> memref<136x128xf32, #tpu.memory_space<hbm>>
    tpu.enqueue_dma source(%arg18 : memref<136x128xf32, #tpu.memory_space<vmem>>) target(%dma_start3A_616 : memref<136x128xf32, #tpu.memory_space<hbm>>) target_semaphore(%arg28 : memref<!tpu.dma_semaphore, #tpu.memory_space<semaphore_mem>>)
    %dma_wait3A_617 = arith.constant 0 : i32
    %dma_wait3A_618 = tpu.memref_slice %arg5[%add3A_513, %dma_wait3A_617] : memref<100000x128xf32, #tpu.memory_space<hbm>> -> memref<136x128xf32, #tpu.memory_space<hbm>>
    %dma_wait3A_619 = arith.constant 0 : i32
    %dma_wait3A_620 = tpu.memref_slice %arg5[%add3A_513, %dma_wait3A_619] : memref<100000x128xf32, #tpu.memory_space<hbm>> -> memref<136x128xf32, #tpu.memory_space<hbm>>
    tpu.wait_dma2 semaphore(%arg29 : memref<!tpu.dma_semaphore, #tpu.memory_space<semaphore_mem>>) src(%arg19 : memref<136x128xf32, #tpu.memory_space<vmem>>) dst(%dma_wait3A_620 : memref<136x128xf32, #tpu.memory_space<hbm>>)
    %sub3A_621 = arith.constant 136 : i32
    %sub3A_622 = arith.subi %select_n3A, %sub3A_621 : i32
    %min3A_623 = arith.constant 2584 : i32
    %min3A_624 = arith.minsi %min3A_623, %sub3A_622 : i32
    %add3A_625 = arith.addi %mul3A_2, %min3A_624 : i32
    %dma_start3A_626 = arith.constant 0 : i32
    %dma_start3A_627 = tpu.memref_slice %arg4[%add3A_625, %dma_start3A_626] : memref<100000x128xf32, #tpu.memory_space<hbm>> -> memref<136x128xf32, #tpu.memory_space<hbm>>
    %dma_start3A_628 = arith.constant 0 : i32
    %dma_start3A_629 = tpu.memref_slice %arg4[%add3A_625, %dma_start3A_628] : memref<100000x128xf32, #tpu.memory_space<hbm>> -> memref<136x128xf32, #tpu.memory_space<hbm>>
    tpu.enqueue_dma source(%dma_start3A_629 : memref<136x128xf32, #tpu.memory_space<hbm>>) target(%arg19 : memref<136x128xf32, #tpu.memory_space<vmem>>) target_semaphore(%arg25 : memref<!tpu.dma_semaphore, #tpu.memory_space<semaphore_mem>>)
    %scan3A_630 = arith.constant 0 : i32
    %scan3A_631 = arith.constant 810 : i32
    %scan3A_632 = arith.constant 45 : i32
    %scan3A_633 = arith.addi %scan3A_631, %scan3A_632 : i32
    %scan3A_634 = arith.constant 1 : i32
    %scan3A_635 = scf.for %scan3A_777 = %scan3A_631 to %scan3A_633 step %scan3A_634 iter_args(%scan3A_778 = %scan3A_630) -> (i32)  : i32 {
      %mul3A_779 = arith.constant 16 : i32
      %mul3A_780 = arith.muli %scan3A_777, %mul3A_779 : i32
      %get3A = arith.index_cast %mul3A_780 : i32 to index
      %get3A_781 = tpu.vector_load %arg6[%get3A] {strides = array<i32>} : memref<16384xi32, #tpu.memory_space<vmem>>, vector<16xi32>,
      %sub3A_782 = vector.broadcast %mul3A_2 : i32 to vector<16xi32>
      %sub3A_783 = arith.subi %get3A_781, %sub3A_782 : vector<16xi32>
      %ge3A = arith.constant 0 : i32
      %ge3A_784 = vector.broadcast %ge3A : i32 to vector<16xi32>
      %ge3A_785 = arith.cmpi sge, %sub3A_783, %ge3A_784 : vector<16xi32>
      %lt3A = vector.broadcast %select_n3A : i32 to vector<16xi32>
      %lt3A_786 = arith.cmpi slt, %sub3A_783, %lt3A : vector<16xi32>
      %and3A = arith.andi %ge3A_785, %lt3A_786 : vector<16xi1>
      %add3A_787 = arith.constant 3128 : i32
      %add3A_788 = vector.broadcast %add3A_787 : i32 to vector<16xi32>
      %add3A_789 = arith.addi %add3A_788, %iota3A : vector<16xi32>
      %select_n3A_790 = arith.select %and3A, %sub3A_783, %add3A_789 : vector<16xi1>, vector<16xi32>
      %mul3A_791 = arith.constant 16 : i32
      %mul3A_792 = vector.broadcast %mul3A_791 : i32 to vector<16xi32>
      %mul3A_793 = arith.muli %select_n3A_790, %mul3A_792 : vector<16xi32>
      %add3A_794 = arith.addi %mul3A_793, %iota3A : vector<16xi32>
      %masked_sort3A = arith.constant dense<true> : vector<16xi1>
      %masked_sort3A_795 = arith.constant -2147483648 : i32
      %masked_sort3A_796 = vector.broadcast %masked_sort3A_795 : i32 to vector<16xi32>
      %masked_sort3A_797 = arith.xori %add3A_794, %masked_sort3A_796 : vector<16xi32>
      %masked_sort3A_798, %masked_sort3A_799, %masked_sort3A_800 = tpu.sort %masked_sort3A_797, %iota3A masked %masked_sort3A : (vector<16xi32>, vector<16xi32>, vector<16xi1>) -> (vector<16xi1>, vector<16xi32>, vector<16xi32>)
      %masked_sort3A_801 = arith.xori %masked_sort3A_799, %masked_sort3A_796 : vector<16xi32>
      %shift_right_arithmetic3A = arith.constant 4 : i32
      %shift_right_arithmetic3A_802 = vector.broadcast %shift_right_arithmetic3A : i32 to vector<16xi32>
      %shift_right_arithmetic3A_803 = arith.shrsi %masked_sort3A_801, %shift_right_arithmetic3A_802 : vector<16xi32>
      %mul3A_804 = arith.constant 16 : i32
      %mul3A_805 = arith.muli %scan3A_777, %mul3A_804 : i32
      %and3A_806 = arith.constant 15 : i32
      %and3A_807 = vector.broadcast %and3A_806 : i32 to vector<16xi32>
      %and3A_808 = arith.andi %masked_sort3A_801, %and3A_807 : vector<16xi32>
      %add3A_809 = vector.broadcast %mul3A_805 : i32 to vector<16xi32>
      %add3A_810 = arith.addi %add3A_809, %and3A_808 : vector<16xi32>
      %lt3A_811 = arith.constant 0 : i32
      %lt3A_812 = vector.broadcast %lt3A_811 : i32 to vector<16xi32>
      %lt3A_813 = arith.cmpi slt, %min3A_49, %lt3A_812 : vector<16xi32>
      %add3A_814 = arith.constant 16 : i32
      %add3A_815 = vector.broadcast %add3A_814 : i32 to vector<16xi32>
      %add3A_816 = arith.addi %min3A_49, %add3A_815 : vector<16xi32>
      %select_n3A_817 = arith.select %lt3A_813, %add3A_816, %min3A_49 : vector<16xi1>, vector<16xi32>
      %broadcast_in_dim3A = vector.shape_cast %select_n3A_817 : vector<16xi32> to vector<16x1xi32>
      %gather3A = vector.shape_cast %broadcast_in_dim3A : vector<16x1xi32> to vector<16xi32>
      %gather3A_818 = tpu.dynamic_gather %masked_sort3A_801[%gather3A] in [0] : vector<16xi32>, vector<16xi32> -> vector<16xi32>
      %shift_right_arithmetic3A_819 = arith.constant 4 : i32
      %shift_right_arithmetic3A_820 = vector.broadcast %shift_right_arithmetic3A_819 : i32 to vector<16xi32>
      %shift_right_arithmetic3A_821 = arith.shrsi %gather3A_818, %shift_right_arithmetic3A_820 : vector<16xi32>
      %ne3A = arith.cmpi ne, %shift_right_arithmetic3A_803, %shift_right_arithmetic3A_821 : vector<16xi32>
      %eq3A_822 = arith.constant 15 : i32
      %eq3A_823 = vector.broadcast %eq3A_822 : i32 to vector<16xi32>
      %eq3A_824 = arith.cmpi eq, %iota3A, %eq3A_823 : vector<16xi32>
      %or3A = arith.ori %ne3A, %eq3A_824 : vector<16xi1>
      %lt3A_825 = vector.broadcast %select_n3A : i32 to vector<16xi32>
      %lt3A_826 = arith.cmpi slt, %shift_right_arithmetic3A_803, %lt3A_825 : vector<16xi32>
      %and3A_827 = arith.andi %or3A, %lt3A_826 : vector<16xi1>
      tpu.vector_store_idx %arg7[%shift_right_arithmetic3A_803], %add3A_810 masked %and3A_827 : memref<3152xi32, #tpu.memory_space<vmem>>[vector<16xi32>], vector<16xi32>, vector<16xi1>
      %scan3A_828 = arith.constant 0 : i32
      scf.yield %scan3A_828 : i32
    }
    %scan3A_636 = arith.constant 45 : i32
    %dma_wait3A_637 = arith.constant 0 : i32
    %dma_wait3A_638 = tpu.memref_slice %arg4[%add3A_625, %dma_wait3A_637] : memref<100000x128xf32, #tpu.memory_space<hbm>> -> memref<136x128xf32, #tpu.memory_space<hbm>>
    %dma_wait3A_639 = arith.constant 0 : i32
    %dma_wait3A_640 = tpu.memref_slice %arg4[%add3A_625, %dma_wait3A_639] : memref<100000x128xf32, #tpu.memory_space<hbm>> -> memref<136x128xf32, #tpu.memory_space<hbm>>
    tpu.wait_dma2 semaphore(%arg25 : memref<!tpu.dma_semaphore, #tpu.memory_space<semaphore_mem>>) src(%dma_wait3A_640 : memref<136x128xf32, #tpu.memory_space<hbm>>) dst(%arg19 : memref<136x128xf32, #tpu.memory_space<vmem>>)
    %sub3A_641 = arith.constant 136 : i32
    %sub3A_642 = arith.subi %select_n3A, %sub3A_641 : i32
    %min3A_643 = arith.constant 2584 : i32
    %min3A_644 = arith.minsi %min3A_643, %sub3A_642 : i32
    %add3A_645 = arith.addi %mul3A_2, %min3A_644 : i32
    %dma_start3A_646 = arith.constant 0 : i32
    %dma_start3A_647 = tpu.memref_slice %arg5[%add3A_645, %dma_start3A_646] : memref<100000x128xf32, #tpu.memory_space<hbm>> -> memref<136x128xf32, #tpu.memory_space<hbm>>
    %dma_start3A_648 = arith.constant 0 : i32
    %dma_start3A_649 = tpu.memref_slice %arg5[%add3A_645, %dma_start3A_648] : memref<100000x128xf32, #tpu.memory_space<hbm>> -> memref<136x128xf32, #tpu.memory_space<hbm>>
    tpu.enqueue_dma source(%arg19 : memref<136x128xf32, #tpu.memory_space<vmem>>) target(%dma_start3A_649 : memref<136x128xf32, #tpu.memory_space<hbm>>) target_semaphore(%arg29 : memref<!tpu.dma_semaphore, #tpu.memory_space<semaphore_mem>>)
    %dma_wait3A_650 = arith.constant 0 : i32
    %dma_wait3A_651 = tpu.memref_slice %arg5[%add3A_546, %dma_wait3A_650] : memref<100000x128xf32, #tpu.memory_space<hbm>> -> memref<136x128xf32, #tpu.memory_space<hbm>>
    %dma_wait3A_652 = arith.constant 0 : i32
    %dma_wait3A_653 = tpu.memref_slice %arg5[%add3A_546, %dma_wait3A_652] : memref<100000x128xf32, #tpu.memory_space<hbm>> -> memref<136x128xf32, #tpu.memory_space<hbm>>
    tpu.wait_dma2 semaphore(%arg26 : memref<!tpu.dma_semaphore, #tpu.memory_space<semaphore_mem>>) src(%arg16 : memref<136x128xf32, #tpu.memory_space<vmem>>) dst(%dma_wait3A_653 : memref<136x128xf32, #tpu.memory_space<hbm>>)
    %sub3A_654 = arith.constant 136 : i32
    %sub3A_655 = arith.subi %select_n3A, %sub3A_654 : i32
    %min3A_656 = arith.constant 2720 : i32
    %min3A_657 = arith.minsi %min3A_656, %sub3A_655 : i32
    %add3A_658 = arith.addi %mul3A_2, %min3A_657 : i32
    %dma_start3A_659 = arith.constant 0 : i32
    %dma_start3A_660 = tpu.memref_slice %arg4[%add3A_658, %dma_start3A_659] : memref<100000x128xf32, #tpu.memory_space<hbm>> -> memref<136x128xf32, #tpu.memory_space<hbm>>
    %dma_start3A_661 = arith.constant 0 : i32
    %dma_start3A_662 = tpu.memref_slice %arg4[%add3A_658, %dma_start3A_661] : memref<100000x128xf32, #tpu.memory_space<hbm>> -> memref<136x128xf32, #tpu.memory_space<hbm>>
    tpu.enqueue_dma source(%dma_start3A_662 : memref<136x128xf32, #tpu.memory_space<hbm>>) target(%arg16 : memref<136x128xf32, #tpu.memory_space<vmem>>) target_semaphore(%arg22 : memref<!tpu.dma_semaphore, #tpu.memory_space<semaphore_mem>>)
    %scan3A_663 = arith.constant 0 : i32
    %scan3A_664 = arith.constant 855 : i32
    %scan3A_665 = arith.constant 45 : i32
    %scan3A_666 = arith.addi %scan3A_664, %scan3A_665 : i32
    %scan3A_667 = arith.constant 1 : i32
    %scan3A_668 = scf.for %scan3A_777 = %scan3A_664 to %scan3A_666 step %scan3A_667 iter_args(%scan3A_778 = %scan3A_663) -> (i32)  : i32 {
      %mul3A_779 = arith.constant 16 : i32
      %mul3A_780 = arith.muli %scan3A_777, %mul3A_779 : i32
      %get3A = arith.index_cast %mul3A_780 : i32 to index
      %get3A_781 = tpu.vector_load %arg6[%get3A] {strides = array<i32>} : memref<16384xi32, #tpu.memory_space<vmem>>, vector<16xi32>,
      %sub3A_782 = vector.broadcast %mul3A_2 : i32 to vector<16xi32>
      %sub3A_783 = arith.subi %get3A_781, %sub3A_782 : vector<16xi32>
      %ge3A = arith.constant 0 : i32
      %ge3A_784 = vector.broadcast %ge3A : i32 to vector<16xi32>
      %ge3A_785 = arith.cmpi sge, %sub3A_783, %ge3A_784 : vector<16xi32>
      %lt3A = vector.broadcast %select_n3A : i32 to vector<16xi32>
      %lt3A_786 = arith.cmpi slt, %sub3A_783, %lt3A : vector<16xi32>
      %and3A = arith.andi %ge3A_785, %lt3A_786 : vector<16xi1>
      %add3A_787 = arith.constant 3128 : i32
      %add3A_788 = vector.broadcast %add3A_787 : i32 to vector<16xi32>
      %add3A_789 = arith.addi %add3A_788, %iota3A : vector<16xi32>
      %select_n3A_790 = arith.select %and3A, %sub3A_783, %add3A_789 : vector<16xi1>, vector<16xi32>
      %mul3A_791 = arith.constant 16 : i32
      %mul3A_792 = vector.broadcast %mul3A_791 : i32 to vector<16xi32>
      %mul3A_793 = arith.muli %select_n3A_790, %mul3A_792 : vector<16xi32>
      %add3A_794 = arith.addi %mul3A_793, %iota3A : vector<16xi32>
      %masked_sort3A = arith.constant dense<true> : vector<16xi1>
      %masked_sort3A_795 = arith.constant -2147483648 : i32
      %masked_sort3A_796 = vector.broadcast %masked_sort3A_795 : i32 to vector<16xi32>
      %masked_sort3A_797 = arith.xori %add3A_794, %masked_sort3A_796 : vector<16xi32>
      %masked_sort3A_798, %masked_sort3A_799, %masked_sort3A_800 = tpu.sort %masked_sort3A_797, %iota3A masked %masked_sort3A : (vector<16xi32>, vector<16xi32>, vector<16xi1>) -> (vector<16xi1>, vector<16xi32>, vector<16xi32>)
      %masked_sort3A_801 = arith.xori %masked_sort3A_799, %masked_sort3A_796 : vector<16xi32>
      %shift_right_arithmetic3A = arith.constant 4 : i32
      %shift_right_arithmetic3A_802 = vector.broadcast %shift_right_arithmetic3A : i32 to vector<16xi32>
      %shift_right_arithmetic3A_803 = arith.shrsi %masked_sort3A_801, %shift_right_arithmetic3A_802 : vector<16xi32>
      %mul3A_804 = arith.constant 16 : i32
      %mul3A_805 = arith.muli %scan3A_777, %mul3A_804 : i32
      %and3A_806 = arith.constant 15 : i32
      %and3A_807 = vector.broadcast %and3A_806 : i32 to vector<16xi32>
      %and3A_808 = arith.andi %masked_sort3A_801, %and3A_807 : vector<16xi32>
      %add3A_809 = vector.broadcast %mul3A_805 : i32 to vector<16xi32>
      %add3A_810 = arith.addi %add3A_809, %and3A_808 : vector<16xi32>
      %lt3A_811 = arith.constant 0 : i32
      %lt3A_812 = vector.broadcast %lt3A_811 : i32 to vector<16xi32>
      %lt3A_813 = arith.cmpi slt, %min3A_49, %lt3A_812 : vector<16xi32>
      %add3A_814 = arith.constant 16 : i32
      %add3A_815 = vector.broadcast %add3A_814 : i32 to vector<16xi32>
      %add3A_816 = arith.addi %min3A_49, %add3A_815 : vector<16xi32>
      %select_n3A_817 = arith.select %lt3A_813, %add3A_816, %min3A_49 : vector<16xi1>, vector<16xi32>
      %broadcast_in_dim3A = vector.shape_cast %select_n3A_817 : vector<16xi32> to vector<16x1xi32>
      %gather3A = vector.shape_cast %broadcast_in_dim3A : vector<16x1xi32> to vector<16xi32>
      %gather3A_818 = tpu.dynamic_gather %masked_sort3A_801[%gather3A] in [0] : vector<16xi32>, vector<16xi32> -> vector<16xi32>
      %shift_right_arithmetic3A_819 = arith.constant 4 : i32
      %shift_right_arithmetic3A_820 = vector.broadcast %shift_right_arithmetic3A_819 : i32 to vector<16xi32>
      %shift_right_arithmetic3A_821 = arith.shrsi %gather3A_818, %shift_right_arithmetic3A_820 : vector<16xi32>
      %ne3A = arith.cmpi ne, %shift_right_arithmetic3A_803, %shift_right_arithmetic3A_821 : vector<16xi32>
      %eq3A_822 = arith.constant 15 : i32
      %eq3A_823 = vector.broadcast %eq3A_822 : i32 to vector<16xi32>
      %eq3A_824 = arith.cmpi eq, %iota3A, %eq3A_823 : vector<16xi32>
      %or3A = arith.ori %ne3A, %eq3A_824 : vector<16xi1>
      %lt3A_825 = vector.broadcast %select_n3A : i32 to vector<16xi32>
      %lt3A_826 = arith.cmpi slt, %shift_right_arithmetic3A_803, %lt3A_825 : vector<16xi32>
      %and3A_827 = arith.andi %or3A, %lt3A_826 : vector<16xi1>
      tpu.vector_store_idx %arg7[%shift_right_arithmetic3A_803], %add3A_810 masked %and3A_827 : memref<3152xi32, #tpu.memory_space<vmem>>[vector<16xi32>], vector<16xi32>, vector<16xi1>
      %scan3A_828 = arith.constant 0 : i32
      scf.yield %scan3A_828 : i32
    }
    %scan3A_669 = arith.constant 45 : i32
    %dma_wait3A_670 = arith.constant 0 : i32
    %dma_wait3A_671 = tpu.memref_slice %arg4[%add3A_658, %dma_wait3A_670] : memref<100000x128xf32, #tpu.memory_space<hbm>> -> memref<136x128xf32, #tpu.memory_space<hbm>>
    %dma_wait3A_672 = arith.constant 0 : i32
    %dma_wait3A_673 = tpu.memref_slice %arg4[%add3A_658, %dma_wait3A_672] : memref<100000x128xf32, #tpu.memory_space<hbm>> -> memref<136x128xf32, #tpu.memory_space<hbm>>
    tpu.wait_dma2 semaphore(%arg22 : memref<!tpu.dma_semaphore, #tpu.memory_space<semaphore_mem>>) src(%dma_wait3A_673 : memref<136x128xf32, #tpu.memory_space<hbm>>) dst(%arg16 : memref<136x128xf32, #tpu.memory_space<vmem>>)
    %sub3A_674 = arith.constant 136 : i32
    %sub3A_675 = arith.subi %select_n3A, %sub3A_674 : i32
    %min3A_676 = arith.constant 2720 : i32
    %min3A_677 = arith.minsi %min3A_676, %sub3A_675 : i32
    %add3A_678 = arith.addi %mul3A_2, %min3A_677 : i32
    %dma_start3A_679 = arith.constant 0 : i32
    %dma_start3A_680 = tpu.memref_slice %arg5[%add3A_678, %dma_start3A_679] : memref<100000x128xf32, #tpu.memory_space<hbm>> -> memref<136x128xf32, #tpu.memory_space<hbm>>
    %dma_start3A_681 = arith.constant 0 : i32
    %dma_start3A_682 = tpu.memref_slice %arg5[%add3A_678, %dma_start3A_681] : memref<100000x128xf32, #tpu.memory_space<hbm>> -> memref<136x128xf32, #tpu.memory_space<hbm>>
    tpu.enqueue_dma source(%arg16 : memref<136x128xf32, #tpu.memory_space<vmem>>) target(%dma_start3A_682 : memref<136x128xf32, #tpu.memory_space<hbm>>) target_semaphore(%arg26 : memref<!tpu.dma_semaphore, #tpu.memory_space<semaphore_mem>>)
    %dma_wait3A_683 = arith.constant 0 : i32
    %dma_wait3A_684 = tpu.memref_slice %arg5[%add3A_579, %dma_wait3A_683] : memref<100000x128xf32, #tpu.memory_space<hbm>> -> memref<136x128xf32, #tpu.memory_space<hbm>>
    %dma_wait3A_685 = arith.constant 0 : i32
    %dma_wait3A_686 = tpu.memref_slice %arg5[%add3A_579, %dma_wait3A_685] : memref<100000x128xf32, #tpu.memory_space<hbm>> -> memref<136x128xf32, #tpu.memory_space<hbm>>
    tpu.wait_dma2 semaphore(%arg27 : memref<!tpu.dma_semaphore, #tpu.memory_space<semaphore_mem>>) src(%arg17 : memref<136x128xf32, #tpu.memory_space<vmem>>) dst(%dma_wait3A_686 : memref<136x128xf32, #tpu.memory_space<hbm>>)
    %sub3A_687 = arith.constant 136 : i32
    %sub3A_688 = arith.subi %select_n3A, %sub3A_687 : i32
    %min3A_689 = arith.constant 2856 : i32
    %min3A_690 = arith.minsi %min3A_689, %sub3A_688 : i32
    %add3A_691 = arith.addi %mul3A_2, %min3A_690 : i32
    %dma_start3A_692 = arith.constant 0 : i32
    %dma_start3A_693 = tpu.memref_slice %arg4[%add3A_691, %dma_start3A_692] : memref<100000x128xf32, #tpu.memory_space<hbm>> -> memref<136x128xf32, #tpu.memory_space<hbm>>
    %dma_start3A_694 = arith.constant 0 : i32
    %dma_start3A_695 = tpu.memref_slice %arg4[%add3A_691, %dma_start3A_694] : memref<100000x128xf32, #tpu.memory_space<hbm>> -> memref<136x128xf32, #tpu.memory_space<hbm>>
    tpu.enqueue_dma source(%dma_start3A_695 : memref<136x128xf32, #tpu.memory_space<hbm>>) target(%arg17 : memref<136x128xf32, #tpu.memory_space<vmem>>) target_semaphore(%arg23 : memref<!tpu.dma_semaphore, #tpu.memory_space<semaphore_mem>>)
    %scan3A_696 = arith.constant 0 : i32
    %scan3A_697 = arith.constant 900 : i32
    %scan3A_698 = arith.constant 45 : i32
    %scan3A_699 = arith.addi %scan3A_697, %scan3A_698 : i32
    %scan3A_700 = arith.constant 1 : i32
    %scan3A_701 = scf.for %scan3A_777 = %scan3A_697 to %scan3A_699 step %scan3A_700 iter_args(%scan3A_778 = %scan3A_696) -> (i32)  : i32 {
      %mul3A_779 = arith.constant 16 : i32
      %mul3A_780 = arith.muli %scan3A_777, %mul3A_779 : i32
      %get3A = arith.index_cast %mul3A_780 : i32 to index
      %get3A_781 = tpu.vector_load %arg6[%get3A] {strides = array<i32>} : memref<16384xi32, #tpu.memory_space<vmem>>, vector<16xi32>,
      %sub3A_782 = vector.broadcast %mul3A_2 : i32 to vector<16xi32>
      %sub3A_783 = arith.subi %get3A_781, %sub3A_782 : vector<16xi32>
      %ge3A = arith.constant 0 : i32
      %ge3A_784 = vector.broadcast %ge3A : i32 to vector<16xi32>
      %ge3A_785 = arith.cmpi sge, %sub3A_783, %ge3A_784 : vector<16xi32>
      %lt3A = vector.broadcast %select_n3A : i32 to vector<16xi32>
      %lt3A_786 = arith.cmpi slt, %sub3A_783, %lt3A : vector<16xi32>
      %and3A = arith.andi %ge3A_785, %lt3A_786 : vector<16xi1>
      %add3A_787 = arith.constant 3128 : i32
      %add3A_788 = vector.broadcast %add3A_787 : i32 to vector<16xi32>
      %add3A_789 = arith.addi %add3A_788, %iota3A : vector<16xi32>
      %select_n3A_790 = arith.select %and3A, %sub3A_783, %add3A_789 : vector<16xi1>, vector<16xi32>
      %mul3A_791 = arith.constant 16 : i32
      %mul3A_792 = vector.broadcast %mul3A_791 : i32 to vector<16xi32>
      %mul3A_793 = arith.muli %select_n3A_790, %mul3A_792 : vector<16xi32>
      %add3A_794 = arith.addi %mul3A_793, %iota3A : vector<16xi32>
      %masked_sort3A = arith.constant dense<true> : vector<16xi1>
      %masked_sort3A_795 = arith.constant -2147483648 : i32
      %masked_sort3A_796 = vector.broadcast %masked_sort3A_795 : i32 to vector<16xi32>
      %masked_sort3A_797 = arith.xori %add3A_794, %masked_sort3A_796 : vector<16xi32>
      %masked_sort3A_798, %masked_sort3A_799, %masked_sort3A_800 = tpu.sort %masked_sort3A_797, %iota3A masked %masked_sort3A : (vector<16xi32>, vector<16xi32>, vector<16xi1>) -> (vector<16xi1>, vector<16xi32>, vector<16xi32>)
      %masked_sort3A_801 = arith.xori %masked_sort3A_799, %masked_sort3A_796 : vector<16xi32>
      %shift_right_arithmetic3A = arith.constant 4 : i32
      %shift_right_arithmetic3A_802 = vector.broadcast %shift_right_arithmetic3A : i32 to vector<16xi32>
      %shift_right_arithmetic3A_803 = arith.shrsi %masked_sort3A_801, %shift_right_arithmetic3A_802 : vector<16xi32>
      %mul3A_804 = arith.constant 16 : i32
      %mul3A_805 = arith.muli %scan3A_777, %mul3A_804 : i32
      %and3A_806 = arith.constant 15 : i32
      %and3A_807 = vector.broadcast %and3A_806 : i32 to vector<16xi32>
      %and3A_808 = arith.andi %masked_sort3A_801, %and3A_807 : vector<16xi32>
      %add3A_809 = vector.broadcast %mul3A_805 : i32 to vector<16xi32>
      %add3A_810 = arith.addi %add3A_809, %and3A_808 : vector<16xi32>
      %lt3A_811 = arith.constant 0 : i32
      %lt3A_812 = vector.broadcast %lt3A_811 : i32 to vector<16xi32>
      %lt3A_813 = arith.cmpi slt, %min3A_49, %lt3A_812 : vector<16xi32>
      %add3A_814 = arith.constant 16 : i32
      %add3A_815 = vector.broadcast %add3A_814 : i32 to vector<16xi32>
      %add3A_816 = arith.addi %min3A_49, %add3A_815 : vector<16xi32>
      %select_n3A_817 = arith.select %lt3A_813, %add3A_816, %min3A_49 : vector<16xi1>, vector<16xi32>
      %broadcast_in_dim3A = vector.shape_cast %select_n3A_817 : vector<16xi32> to vector<16x1xi32>
      %gather3A = vector.shape_cast %broadcast_in_dim3A : vector<16x1xi32> to vector<16xi32>
      %gather3A_818 = tpu.dynamic_gather %masked_sort3A_801[%gather3A] in [0] : vector<16xi32>, vector<16xi32> -> vector<16xi32>
      %shift_right_arithmetic3A_819 = arith.constant 4 : i32
      %shift_right_arithmetic3A_820 = vector.broadcast %shift_right_arithmetic3A_819 : i32 to vector<16xi32>
      %shift_right_arithmetic3A_821 = arith.shrsi %gather3A_818, %shift_right_arithmetic3A_820 : vector<16xi32>
      %ne3A = arith.cmpi ne, %shift_right_arithmetic3A_803, %shift_right_arithmetic3A_821 : vector<16xi32>
      %eq3A_822 = arith.constant 15 : i32
      %eq3A_823 = vector.broadcast %eq3A_822 : i32 to vector<16xi32>
      %eq3A_824 = arith.cmpi eq, %iota3A, %eq3A_823 : vector<16xi32>
      %or3A = arith.ori %ne3A, %eq3A_824 : vector<16xi1>
      %lt3A_825 = vector.broadcast %select_n3A : i32 to vector<16xi32>
      %lt3A_826 = arith.cmpi slt, %shift_right_arithmetic3A_803, %lt3A_825 : vector<16xi32>
      %and3A_827 = arith.andi %or3A, %lt3A_826 : vector<16xi1>
      tpu.vector_store_idx %arg7[%shift_right_arithmetic3A_803], %add3A_810 masked %and3A_827 : memref<3152xi32, #tpu.memory_space<vmem>>[vector<16xi32>], vector<16xi32>, vector<16xi1>
      %scan3A_828 = arith.constant 0 : i32
      scf.yield %scan3A_828 : i32
    }
    %scan3A_702 = arith.constant 45 : i32
    %dma_wait3A_703 = arith.constant 0 : i32
    %dma_wait3A_704 = tpu.memref_slice %arg4[%add3A_691, %dma_wait3A_703] : memref<100000x128xf32, #tpu.memory_space<hbm>> -> memref<136x128xf32, #tpu.memory_space<hbm>>
    %dma_wait3A_705 = arith.constant 0 : i32
    %dma_wait3A_706 = tpu.memref_slice %arg4[%add3A_691, %dma_wait3A_705] : memref<100000x128xf32, #tpu.memory_space<hbm>> -> memref<136x128xf32, #tpu.memory_space<hbm>>
    tpu.wait_dma2 semaphore(%arg23 : memref<!tpu.dma_semaphore, #tpu.memory_space<semaphore_mem>>) src(%dma_wait3A_706 : memref<136x128xf32, #tpu.memory_space<hbm>>) dst(%arg17 : memref<136x128xf32, #tpu.memory_space<vmem>>)
    %sub3A_707 = arith.constant 136 : i32
    %sub3A_708 = arith.subi %select_n3A, %sub3A_707 : i32
    %min3A_709 = arith.constant 2856 : i32
    %min3A_710 = arith.minsi %min3A_709, %sub3A_708 : i32
    %add3A_711 = arith.addi %mul3A_2, %min3A_710 : i32
    %dma_start3A_712 = arith.constant 0 : i32
    %dma_start3A_713 = tpu.memref_slice %arg5[%add3A_711, %dma_start3A_712] : memref<100000x128xf32, #tpu.memory_space<hbm>> -> memref<136x128xf32, #tpu.memory_space<hbm>>
    %dma_start3A_714 = arith.constant 0 : i32
    %dma_start3A_715 = tpu.memref_slice %arg5[%add3A_711, %dma_start3A_714] : memref<100000x128xf32, #tpu.memory_space<hbm>> -> memref<136x128xf32, #tpu.memory_space<hbm>>
    tpu.enqueue_dma source(%arg17 : memref<136x128xf32, #tpu.memory_space<vmem>>) target(%dma_start3A_715 : memref<136x128xf32, #tpu.memory_space<hbm>>) target_semaphore(%arg27 : memref<!tpu.dma_semaphore, #tpu.memory_space<semaphore_mem>>)
    %dma_wait3A_716 = arith.constant 0 : i32
    %dma_wait3A_717 = tpu.memref_slice %arg5[%add3A_612, %dma_wait3A_716] : memref<100000x128xf32, #tpu.memory_space<hbm>> -> memref<136x128xf32, #tpu.memory_space<hbm>>
    %dma_wait3A_718 = arith.constant 0 : i32
    %dma_wait3A_719 = tpu.memref_slice %arg5[%add3A_612, %dma_wait3A_718] : memref<100000x128xf32, #tpu.memory_space<hbm>> -> memref<136x128xf32, #tpu.memory_space<hbm>>
    tpu.wait_dma2 semaphore(%arg28 : memref<!tpu.dma_semaphore, #tpu.memory_space<semaphore_mem>>) src(%arg18 : memref<136x128xf32, #tpu.memory_space<vmem>>) dst(%dma_wait3A_719 : memref<136x128xf32, #tpu.memory_space<hbm>>)
    %sub3A_720 = arith.constant 136 : i32
    %sub3A_721 = arith.subi %select_n3A, %sub3A_720 : i32
    %min3A_722 = arith.constant 2992 : i32
    %min3A_723 = arith.minsi %min3A_722, %sub3A_721 : i32
    %add3A_724 = arith.addi %mul3A_2, %min3A_723 : i32
    %dma_start3A_725 = arith.constant 0 : i32
    %dma_start3A_726 = tpu.memref_slice %arg4[%add3A_724, %dma_start3A_725] : memref<100000x128xf32, #tpu.memory_space<hbm>> -> memref<136x128xf32, #tpu.memory_space<hbm>>
    %dma_start3A_727 = arith.constant 0 : i32
    %dma_start3A_728 = tpu.memref_slice %arg4[%add3A_724, %dma_start3A_727] : memref<100000x128xf32, #tpu.memory_space<hbm>> -> memref<136x128xf32, #tpu.memory_space<hbm>>
    tpu.enqueue_dma source(%dma_start3A_728 : memref<136x128xf32, #tpu.memory_space<hbm>>) target(%arg18 : memref<136x128xf32, #tpu.memory_space<vmem>>) target_semaphore(%arg24 : memref<!tpu.dma_semaphore, #tpu.memory_space<semaphore_mem>>)
    %scan3A_729 = arith.constant 0 : i32
    %scan3A_730 = arith.constant 945 : i32
    %scan3A_731 = arith.constant 45 : i32
    %scan3A_732 = arith.addi %scan3A_730, %scan3A_731 : i32
    %scan3A_733 = arith.constant 1 : i32
    %scan3A_734 = scf.for %scan3A_777 = %scan3A_730 to %scan3A_732 step %scan3A_733 iter_args(%scan3A_778 = %scan3A_729) -> (i32)  : i32 {
      %mul3A_779 = arith.constant 16 : i32
      %mul3A_780 = arith.muli %scan3A_777, %mul3A_779 : i32
      %get3A = arith.index_cast %mul3A_780 : i32 to index
      %get3A_781 = tpu.vector_load %arg6[%get3A] {strides = array<i32>} : memref<16384xi32, #tpu.memory_space<vmem>>, vector<16xi32>,
      %sub3A_782 = vector.broadcast %mul3A_2 : i32 to vector<16xi32>
      %sub3A_783 = arith.subi %get3A_781, %sub3A_782 : vector<16xi32>
      %ge3A = arith.constant 0 : i32
      %ge3A_784 = vector.broadcast %ge3A : i32 to vector<16xi32>
      %ge3A_785 = arith.cmpi sge, %sub3A_783, %ge3A_784 : vector<16xi32>
      %lt3A = vector.broadcast %select_n3A : i32 to vector<16xi32>
      %lt3A_786 = arith.cmpi slt, %sub3A_783, %lt3A : vector<16xi32>
      %and3A = arith.andi %ge3A_785, %lt3A_786 : vector<16xi1>
      %add3A_787 = arith.constant 3128 : i32
      %add3A_788 = vector.broadcast %add3A_787 : i32 to vector<16xi32>
      %add3A_789 = arith.addi %add3A_788, %iota3A : vector<16xi32>
      %select_n3A_790 = arith.select %and3A, %sub3A_783, %add3A_789 : vector<16xi1>, vector<16xi32>
      %mul3A_791 = arith.constant 16 : i32
      %mul3A_792 = vector.broadcast %mul3A_791 : i32 to vector<16xi32>
      %mul3A_793 = arith.muli %select_n3A_790, %mul3A_792 : vector<16xi32>
      %add3A_794 = arith.addi %mul3A_793, %iota3A : vector<16xi32>
      %masked_sort3A = arith.constant dense<true> : vector<16xi1>
      %masked_sort3A_795 = arith.constant -2147483648 : i32
      %masked_sort3A_796 = vector.broadcast %masked_sort3A_795 : i32 to vector<16xi32>
      %masked_sort3A_797 = arith.xori %add3A_794, %masked_sort3A_796 : vector<16xi32>
      %masked_sort3A_798, %masked_sort3A_799, %masked_sort3A_800 = tpu.sort %masked_sort3A_797, %iota3A masked %masked_sort3A : (vector<16xi32>, vector<16xi32>, vector<16xi1>) -> (vector<16xi1>, vector<16xi32>, vector<16xi32>)
      %masked_sort3A_801 = arith.xori %masked_sort3A_799, %masked_sort3A_796 : vector<16xi32>
      %shift_right_arithmetic3A = arith.constant 4 : i32
      %shift_right_arithmetic3A_802 = vector.broadcast %shift_right_arithmetic3A : i32 to vector<16xi32>
      %shift_right_arithmetic3A_803 = arith.shrsi %masked_sort3A_801, %shift_right_arithmetic3A_802 : vector<16xi32>
      %mul3A_804 = arith.constant 16 : i32
      %mul3A_805 = arith.muli %scan3A_777, %mul3A_804 : i32
      %and3A_806 = arith.constant 15 : i32
      %and3A_807 = vector.broadcast %and3A_806 : i32 to vector<16xi32>
      %and3A_808 = arith.andi %masked_sort3A_801, %and3A_807 : vector<16xi32>
      %add3A_809 = vector.broadcast %mul3A_805 : i32 to vector<16xi32>
      %add3A_810 = arith.addi %add3A_809, %and3A_808 : vector<16xi32>
      %lt3A_811 = arith.constant 0 : i32
      %lt3A_812 = vector.broadcast %lt3A_811 : i32 to vector<16xi32>
      %lt3A_813 = arith.cmpi slt, %min3A_49, %lt3A_812 : vector<16xi32>
      %add3A_814 = arith.constant 16 : i32
      %add3A_815 = vector.broadcast %add3A_814 : i32 to vector<16xi32>
      %add3A_816 = arith.addi %min3A_49, %add3A_815 : vector<16xi32>
      %select_n3A_817 = arith.select %lt3A_813, %add3A_816, %min3A_49 : vector<16xi1>, vector<16xi32>
      %broadcast_in_dim3A = vector.shape_cast %select_n3A_817 : vector<16xi32> to vector<16x1xi32>
      %gather3A = vector.shape_cast %broadcast_in_dim3A : vector<16x1xi32> to vector<16xi32>
      %gather3A_818 = tpu.dynamic_gather %masked_sort3A_801[%gather3A] in [0] : vector<16xi32>, vector<16xi32> -> vector<16xi32>
      %shift_right_arithmetic3A_819 = arith.constant 4 : i32
      %shift_right_arithmetic3A_820 = vector.broadcast %shift_right_arithmetic3A_819 : i32 to vector<16xi32>
      %shift_right_arithmetic3A_821 = arith.shrsi %gather3A_818, %shift_right_arithmetic3A_820 : vector<16xi32>
      %ne3A = arith.cmpi ne, %shift_right_arithmetic3A_803, %shift_right_arithmetic3A_821 : vector<16xi32>
      %eq3A_822 = arith.constant 15 : i32
      %eq3A_823 = vector.broadcast %eq3A_822 : i32 to vector<16xi32>
      %eq3A_824 = arith.cmpi eq, %iota3A, %eq3A_823 : vector<16xi32>
      %or3A = arith.ori %ne3A, %eq3A_824 : vector<16xi1>
      %lt3A_825 = vector.broadcast %select_n3A : i32 to vector<16xi32>
      %lt3A_826 = arith.cmpi slt, %shift_right_arithmetic3A_803, %lt3A_825 : vector<16xi32>
      %and3A_827 = arith.andi %or3A, %lt3A_826 : vector<16xi1>
      tpu.vector_store_idx %arg7[%shift_right_arithmetic3A_803], %add3A_810 masked %and3A_827 : memref<3152xi32, #tpu.memory_space<vmem>>[vector<16xi32>], vector<16xi32>, vector<16xi1>
      %scan3A_828 = arith.constant 0 : i32
      scf.yield %scan3A_828 : i32
    }
    %scan3A_735 = arith.constant 45 : i32
    %dma_wait3A_736 = arith.constant 0 : i32
    %dma_wait3A_737 = tpu.memref_slice %arg4[%add3A_724, %dma_wait3A_736] : memref<100000x128xf32, #tpu.memory_space<hbm>> -> memref<136x128xf32, #tpu.memory_space<hbm>>
    %dma_wait3A_738 = arith.constant 0 : i32
    %dma_wait3A_739 = tpu.memref_slice %arg4[%add3A_724, %dma_wait3A_738] : memref<100000x128xf32, #tpu.memory_space<hbm>> -> memref<136x128xf32, #tpu.memory_space<hbm>>
    tpu.wait_dma2 semaphore(%arg24 : memref<!tpu.dma_semaphore, #tpu.memory_space<semaphore_mem>>) src(%dma_wait3A_739 : memref<136x128xf32, #tpu.memory_space<hbm>>) dst(%arg18 : memref<136x128xf32, #tpu.memory_space<vmem>>)
    %sub3A_740 = arith.constant 136 : i32
    %sub3A_741 = arith.subi %select_n3A, %sub3A_740 : i32
    %min3A_742 = arith.constant 2992 : i32
    %min3A_743 = arith.minsi %min3A_742, %sub3A_741 : i32
    %add3A_744 = arith.addi %mul3A_2, %min3A_743 : i32
    %dma_start3A_745 = arith.constant 0 : i32
    %dma_start3A_746 = tpu.memref_slice %arg5[%add3A_744, %dma_start3A_745] : memref<100000x128xf32, #tpu.memory_space<hbm>> -> memref<136x128xf32, #tpu.memory_space<hbm>>
    %dma_start3A_747 = arith.constant 0 : i32
    %dma_start3A_748 = tpu.memref_slice %arg5[%add3A_744, %dma_start3A_747] : memref<100000x128xf32, #tpu.memory_space<hbm>> -> memref<136x128xf32, #tpu.memory_space<hbm>>
    tpu.enqueue_dma source(%arg18 : memref<136x128xf32, #tpu.memory_space<vmem>>) target(%dma_start3A_748 : memref<136x128xf32, #tpu.memory_space<hbm>>) target_semaphore(%arg28 : memref<!tpu.dma_semaphore, #tpu.memory_space<semaphore_mem>>)
    %scan3A_749 = arith.constant 0 : i32
    %scan3A_750 = arith.constant 990 : i32
    %scan3A_751 = arith.constant 34 : i32
    %scan3A_752 = arith.addi %scan3A_750, %scan3A_751 : i32
    %scan3A_753 = arith.constant 1 : i32
    %scan3A_754 = scf.for %scan3A_777 = %scan3A_750 to %scan3A_752 step %scan3A_753 iter_args(%scan3A_778 = %scan3A_749) -> (i32)  : i32 {
      %mul3A_779 = arith.constant 16 : i32
      %mul3A_780 = arith.muli %scan3A_777, %mul3A_779 : i32
      %get3A = arith.index_cast %mul3A_780 : i32 to index
      %get3A_781 = tpu.vector_load %arg6[%get3A] {strides = array<i32>} : memref<16384xi32, #tpu.memory_space<vmem>>, vector<16xi32>,
      %sub3A_782 = vector.broadcast %mul3A_2 : i32 to vector<16xi32>
      %sub3A_783 = arith.subi %get3A_781, %sub3A_782 : vector<16xi32>
      %ge3A = arith.constant 0 : i32
      %ge3A_784 = vector.broadcast %ge3A : i32 to vector<16xi32>
      %ge3A_785 = arith.cmpi sge, %sub3A_783, %ge3A_784 : vector<16xi32>
      %lt3A = vector.broadcast %select_n3A : i32 to vector<16xi32>
      %lt3A_786 = arith.cmpi slt, %sub3A_783, %lt3A : vector<16xi32>
      %and3A = arith.andi %ge3A_785, %lt3A_786 : vector<16xi1>
      %add3A_787 = arith.constant 3128 : i32
      %add3A_788 = vector.broadcast %add3A_787 : i32 to vector<16xi32>
      %add3A_789 = arith.addi %add3A_788, %iota3A : vector<16xi32>
      %select_n3A_790 = arith.select %and3A, %sub3A_783, %add3A_789 : vector<16xi1>, vector<16xi32>
      %mul3A_791 = arith.constant 16 : i32
      %mul3A_792 = vector.broadcast %mul3A_791 : i32 to vector<16xi32>
      %mul3A_793 = arith.muli %select_n3A_790, %mul3A_792 : vector<16xi32>
      %add3A_794 = arith.addi %mul3A_793, %iota3A : vector<16xi32>
      %masked_sort3A = arith.constant dense<true> : vector<16xi1>
      %masked_sort3A_795 = arith.constant -2147483648 : i32
      %masked_sort3A_796 = vector.broadcast %masked_sort3A_795 : i32 to vector<16xi32>
      %masked_sort3A_797 = arith.xori %add3A_794, %masked_sort3A_796 : vector<16xi32>
      %masked_sort3A_798, %masked_sort3A_799, %masked_sort3A_800 = tpu.sort %masked_sort3A_797, %iota3A masked %masked_sort3A : (vector<16xi32>, vector<16xi32>, vector<16xi1>) -> (vector<16xi1>, vector<16xi32>, vector<16xi32>)
      %masked_sort3A_801 = arith.xori %masked_sort3A_799, %masked_sort3A_796 : vector<16xi32>
      %shift_right_arithmetic3A = arith.constant 4 : i32
      %shift_right_arithmetic3A_802 = vector.broadcast %shift_right_arithmetic3A : i32 to vector<16xi32>
      %shift_right_arithmetic3A_803 = arith.shrsi %masked_sort3A_801, %shift_right_arithmetic3A_802 : vector<16xi32>
      %mul3A_804 = arith.constant 16 : i32
      %mul3A_805 = arith.muli %scan3A_777, %mul3A_804 : i32
      %and3A_806 = arith.constant 15 : i32
      %and3A_807 = vector.broadcast %and3A_806 : i32 to vector<16xi32>
      %and3A_808 = arith.andi %masked_sort3A_801, %and3A_807 : vector<16xi32>
      %add3A_809 = vector.broadcast %mul3A_805 : i32 to vector<16xi32>
      %add3A_810 = arith.addi %add3A_809, %and3A_808 : vector<16xi32>
      %lt3A_811 = arith.constant 0 : i32
      %lt3A_812 = vector.broadcast %lt3A_811 : i32 to vector<16xi32>
      %lt3A_813 = arith.cmpi slt, %min3A_49, %lt3A_812 : vector<16xi32>
      %add3A_814 = arith.constant 16 : i32
      %add3A_815 = vector.broadcast %add3A_814 : i32 to vector<16xi32>
      %add3A_816 = arith.addi %min3A_49, %add3A_815 : vector<16xi32>
      %select_n3A_817 = arith.select %lt3A_813, %add3A_816, %min3A_49 : vector<16xi1>, vector<16xi32>
      %broadcast_in_dim3A = vector.shape_cast %select_n3A_817 : vector<16xi32> to vector<16x1xi32>
      %gather3A = vector.shape_cast %broadcast_in_dim3A : vector<16x1xi32> to vector<16xi32>
      %gather3A_818 = tpu.dynamic_gather %masked_sort3A_801[%gather3A] in [0] : vector<16xi32>, vector<16xi32> -> vector<16xi32>
      %shift_right_arithmetic3A_819 = arith.constant 4 : i32
      %shift_right_arithmetic3A_820 = vector.broadcast %shift_right_arithmetic3A_819 : i32 to vector<16xi32>
      %shift_right_arithmetic3A_821 = arith.shrsi %gather3A_818, %shift_right_arithmetic3A_820 : vector<16xi32>
      %ne3A = arith.cmpi ne, %shift_right_arithmetic3A_803, %shift_right_arithmetic3A_821 : vector<16xi32>
      %eq3A_822 = arith.constant 15 : i32
      %eq3A_823 = vector.broadcast %eq3A_822 : i32 to vector<16xi32>
      %eq3A_824 = arith.cmpi eq, %iota3A, %eq3A_823 : vector<16xi32>
      %or3A = arith.ori %ne3A, %eq3A_824 : vector<16xi1>
      %lt3A_825 = vector.broadcast %select_n3A : i32 to vector<16xi32>
      %lt3A_826 = arith.cmpi slt, %shift_right_arithmetic3A_803, %lt3A_825 : vector<16xi32>
      %and3A_827 = arith.andi %or3A, %lt3A_826 : vector<16xi1>
      tpu.vector_store_idx %arg7[%shift_right_arithmetic3A_803], %add3A_810 masked %and3A_827 : memref<3152xi32, #tpu.memory_space<vmem>>[vector<16xi32>], vector<16xi32>, vector<16xi1>
      %scan3A_828 = arith.constant 0 : i32
      scf.yield %scan3A_828 : i32
    }
    %scan3A_755 = arith.constant 34 : i32
    %dma_wait3A_756 = arith.constant 0 : i32
    %dma_wait3A_757 = tpu.memref_slice %arg5[%add3A_678, %dma_wait3A_756] : memref<100000x128xf32, #tpu.memory_space<hbm>> -> memref<136x128xf32, #tpu.memory_space<hbm>>
    %dma_wait3A_758 = arith.constant 0 : i32
    %dma_wait3A_759 = tpu.memref_slice %arg5[%add3A_678, %dma_wait3A_758] : memref<100000x128xf32, #tpu.memory_space<hbm>> -> memref<136x128xf32, #tpu.memory_space<hbm>>
    tpu.wait_dma2 semaphore(%arg26 : memref<!tpu.dma_semaphore, #tpu.memory_space<semaphore_mem>>) src(%arg16 : memref<136x128xf32, #tpu.memory_space<vmem>>) dst(%dma_wait3A_759 : memref<136x128xf32, #tpu.memory_space<hbm>>)
    %dma_wait3A_760 = arith.constant 0 : i32
    %dma_wait3A_761 = tpu.memref_slice %arg5[%add3A_711, %dma_wait3A_760] : memref<100000x128xf32, #tpu.memory_space<hbm>> -> memref<136x128xf32, #tpu.memory_space<hbm>>
    %dma_wait3A_762 = arith.constant 0 : i32
    %dma_wait3A_763 = tpu.memref_slice %arg5[%add3A_711, %dma_wait3A_762] : memref<100000x128xf32, #tpu.memory_space<hbm>> -> memref<136x128xf32, #tpu.memory_space<hbm>>
    tpu.wait_dma2 semaphore(%arg27 : memref<!tpu.dma_semaphore, #tpu.memory_space<semaphore_mem>>) src(%arg17 : memref<136x128xf32, #tpu.memory_space<vmem>>) dst(%dma_wait3A_763 : memref<136x128xf32, #tpu.memory_space<hbm>>)
    %dma_wait3A_764 = arith.constant 0 : i32
    %dma_wait3A_765 = tpu.memref_slice %arg5[%add3A_744, %dma_wait3A_764] : memref<100000x128xf32, #tpu.memory_space<hbm>> -> memref<136x128xf32, #tpu.memory_space<hbm>>
    %dma_wait3A_766 = arith.constant 0 : i32
    %dma_wait3A_767 = tpu.memref_slice %arg5[%add3A_744, %dma_wait3A_766] : memref<100000x128xf32, #tpu.memory_space<hbm>> -> memref<136x128xf32, #tpu.memory_space<hbm>>
    tpu.wait_dma2 semaphore(%arg28 : memref<!tpu.dma_semaphore, #tpu.memory_space<semaphore_mem>>) src(%arg18 : memref<136x128xf32, #tpu.memory_space<vmem>>) dst(%dma_wait3A_767 : memref<136x128xf32, #tpu.memory_space<hbm>>)
    %scan3A_768 = arith.constant 0 : i32
    %scan3A_769 = arith.constant 0 : i32
    %scan3A_770 = arith.constant 197 : i32
    %scan3A_771 = arith.addi %scan3A_769, %scan3A_770 : i32
    %scan3A_772 = arith.constant 1 : i32
    %scan3A_773 = scf.for %scan3A_777 = %scan3A_769 to %scan3A_771 step %scan3A_772 iter_args(%scan3A_778 = %scan3A_768) -> (i32)  : i32 {
      %mul3A_779 = arith.constant 16 : i32
      %mul3A_780 = arith.muli %scan3A_777, %mul3A_779 : i32
      %add3A_781 = vector.broadcast %mul3A_780 : i32 to vector<16xi32>
      %add3A_782 = arith.addi %add3A_781, %iota3A : vector<16xi32>
      %mul3A_783 = arith.constant 16 : i32
      %mul3A_784 = arith.muli %scan3A_777, %mul3A_783 : i32
      %get3A = arith.index_cast %mul3A_784 : i32 to index
      %get3A_785 = tpu.vector_load %arg7[%get3A] {strides = array<i32>} : memref<3152xi32, #tpu.memory_space<vmem>>, vector<16xi32>,
      %ge3A = arith.constant 0 : i32
      %ge3A_786 = vector.broadcast %ge3A : i32 to vector<16xi32>
      %ge3A_787 = arith.cmpi sge, %get3A_785, %ge3A_786 : vector<16xi32>
      %lt3A = vector.broadcast %select_n3A : i32 to vector<16xi32>
      %lt3A_788 = arith.cmpi slt, %add3A_782, %lt3A : vector<16xi32>
      %and3A = arith.andi %ge3A_787, %lt3A_788 : vector<16xi1>
      %add3A_789 = vector.broadcast %mul3A_2 : i32 to vector<16xi32>
      %add3A_790 = arith.addi %add3A_782, %add3A_789 : vector<16xi32>
      %swap3A = arith.index_cast %scan3A_778 : i32 to index
      %swap3A_791 = tpu.vector_load %arg8[%swap3A] masked %and3A {strides = array<i32>} : memref<3408xi32, #tpu.memory_space<vmem>>, vector<16xi32>, vector<16xi1>
      tpu.vector_store %arg8[%swap3A], %add3A_790 masked %and3A {strides = array<i32>} : memref<3408xi32, #tpu.memory_space<vmem>>, vector<16xi32>, vector<16xi1>
      %swap3A_792 = arith.index_cast %scan3A_778 : i32 to index
      %swap3A_793 = tpu.vector_load %arg9[%swap3A_792] masked %and3A {strides = array<i32>} : memref<3408xi32, #tpu.memory_space<vmem>>, vector<16xi32>, vector<16xi1>
      tpu.vector_store %arg9[%swap3A_792], %get3A_785 masked %and3A {strides = array<i32>} : memref<3408xi32, #tpu.memory_space<vmem>>, vector<16xi32>, vector<16xi1>
      %all_reduce_population_count3A = tpu.all_reduce %and3A {dim = 0 : i64, kind = #tpu.reduction_kind<sum>} : vector<16xi1> -> vector<16xi32>
      %slice3A = vector.extract_strided_slice %all_reduce_population_count3A {offsets = [0], sizes = [1], strides = [1]} : vector<16xi32> to vector<1xi32>
      %squeeze3A = vector.extract %slice3A[0] : i32 from vector<1xi32>
      %add3A_794 = arith.addi %scan3A_778, %squeeze3A : i32
      scf.yield %add3A_794 : i32
    }
    %scan3A_774 = arith.constant 197 : i32
    %gt3A = arith.constant 0 : i32
    %gt3A_775 = arith.cmpi sgt, %scan3A_773, %gt3A : i32
    %convert_element_type3A = arith.extui %gt3A_775 : i1 to i32
    %cond3A = arith.constant 0 : i32
    %cond3A_776 = arith.cmpi ne, %convert_element_type3A, %cond3A : i32
    scf.if %cond3A_776 {
      %broadcast_in_dim3A = arith.constant 0 : i32
      %broadcast_in_dim3A_777 = vector.broadcast %broadcast_in_dim3A : i32 to vector<16xi32>
      %gather3A = tpu.vector_load_idx %arg8[%broadcast_in_dim3A_777] : memref<3408xi32, #tpu.memory_space<vmem>>[vector<16xi32>], vector<16xi32>,
      %gather3A_778 = tpu.vector_load_idx %arg9[%broadcast_in_dim3A_777] : memref<3408xi32, #tpu.memory_space<vmem>>[vector<16xi32>], vector<16xi32>,
      %add3A_779 = arith.constant 0 : i32
      %add3A_780 = arith.addi %scan3A_773, %add3A_779 : i32
      %swap3A = arith.index_cast %add3A_780 : i32 to index
      %swap3A_781 = tpu.vector_load %arg8[%swap3A] {strides = array<i32>} : memref<3408xi32, #tpu.memory_space<vmem>>, vector<16xi32>,
      tpu.vector_store %arg8[%swap3A], %gather3A {strides = array<i32>} : memref<3408xi32, #tpu.memory_space<vmem>>, vector<16xi32>,
      %add3A_782 = arith.constant 0 : i32
      %add3A_783 = arith.addi %scan3A_773, %add3A_782 : i32
      %swap3A_784 = arith.index_cast %add3A_783 : i32 to index
      %swap3A_785 = tpu.vector_load %arg9[%swap3A_784] {strides = array<i32>} : memref<3408xi32, #tpu.memory_space<vmem>>, vector<16xi32>,
      tpu.vector_store %arg9[%swap3A_784], %gather3A_778 {strides = array<i32>} : memref<3408xi32, #tpu.memory_space<vmem>>, vector<16xi32>,
      %add3A_786 = arith.constant 16 : i32
      %add3A_787 = arith.addi %scan3A_773, %add3A_786 : i32
      %swap3A_788 = arith.index_cast %add3A_787 : i32 to index
      %swap3A_789 = tpu.vector_load %arg8[%swap3A_788] {strides = array<i32>} : memref<3408xi32, #tpu.memory_space<vmem>>, vector<16xi32>,
      tpu.vector_store %arg8[%swap3A_788], %gather3A {strides = array<i32>} : memref<3408xi32, #tpu.memory_space<vmem>>, vector<16xi32>,
      %add3A_790 = arith.constant 16 : i32
      %add3A_791 = arith.addi %scan3A_773, %add3A_790 : i32
      %swap3A_792 = arith.index_cast %add3A_791 : i32 to index
      %swap3A_793 = tpu.vector_load %arg9[%swap3A_792] {strides = array<i32>} : memref<3408xi32, #tpu.memory_space<vmem>>, vector<16xi32>,
      tpu.vector_store %arg9[%swap3A_792], %gather3A_778 {strides = array<i32>} : memref<3408xi32, #tpu.memory_space<vmem>>, vector<16xi32>,
      %add3A_794 = arith.constant 32 : i32
      %add3A_795 = arith.addi %scan3A_773, %add3A_794 : i32
      %swap3A_796 = arith.index_cast %add3A_795 : i32 to index
      %swap3A_797 = tpu.vector_load %arg8[%swap3A_796] {strides = array<i32>} : memref<3408xi32, #tpu.memory_space<vmem>>, vector<16xi32>,
      tpu.vector_store %arg8[%swap3A_796], %gather3A {strides = array<i32>} : memref<3408xi32, #tpu.memory_space<vmem>>, vector<16xi32>,
      %add3A_798 = arith.constant 32 : i32
      %add3A_799 = arith.addi %scan3A_773, %add3A_798 : i32
      %swap3A_800 = arith.index_cast %add3A_799 : i32 to index
      %swap3A_801 = tpu.vector_load %arg9[%swap3A_800] {strides = array<i32>} : memref<3408xi32, #tpu.memory_space<vmem>>, vector<16xi32>,
      tpu.vector_store %arg9[%swap3A_800], %gather3A_778 {strides = array<i32>} : memref<3408xi32, #tpu.memory_space<vmem>>, vector<16xi32>,
      %add3A_802 = arith.constant 48 : i32
      %add3A_803 = arith.addi %scan3A_773, %add3A_802 : i32
      %swap3A_804 = arith.index_cast %add3A_803 : i32 to index
      %swap3A_805 = tpu.vector_load %arg8[%swap3A_804] {strides = array<i32>} : memref<3408xi32, #tpu.memory_space<vmem>>, vector<16xi32>,
      tpu.vector_store %arg8[%swap3A_804], %gather3A {strides = array<i32>} : memref<3408xi32, #tpu.memory_space<vmem>>, vector<16xi32>,
      %add3A_806 = arith.constant 48 : i32
      %add3A_807 = arith.addi %scan3A_773, %add3A_806 : i32
      %swap3A_808 = arith.index_cast %add3A_807 : i32 to index
      %swap3A_809 = tpu.vector_load %arg9[%swap3A_808] {strides = array<i32>} : memref<3408xi32, #tpu.memory_space<vmem>>, vector<16xi32>,
      tpu.vector_store %arg9[%swap3A_808], %gather3A_778 {strides = array<i32>} : memref<3408xi32, #tpu.memory_space<vmem>>, vector<16xi32>,
      %add3A_810 = arith.constant 64 : i32
      %add3A_811 = arith.addi %scan3A_773, %add3A_810 : i32
      %swap3A_812 = arith.index_cast %add3A_811 : i32 to index
      %swap3A_813 = tpu.vector_load %arg8[%swap3A_812] {strides = array<i32>} : memref<3408xi32, #tpu.memory_space<vmem>>, vector<16xi32>,
      tpu.vector_store %arg8[%swap3A_812], %gather3A {strides = array<i32>} : memref<3408xi32, #tpu.memory_space<vmem>>, vector<16xi32>,
      %add3A_814 = arith.constant 64 : i32
      %add3A_815 = arith.addi %scan3A_773, %add3A_814 : i32
      %swap3A_816 = arith.index_cast %add3A_815 : i32 to index
      %swap3A_817 = tpu.vector_load %arg9[%swap3A_816] {strides = array<i32>} : memref<3408xi32, #tpu.memory_space<vmem>>, vector<16xi32>,
      tpu.vector_store %arg9[%swap3A_816], %gather3A_778 {strides = array<i32>} : memref<3408xi32, #tpu.memory_space<vmem>>, vector<16xi32>,
      %add3A_818 = arith.constant 80 : i32
      %add3A_819 = arith.addi %scan3A_773, %add3A_818 : i32
      %swap3A_820 = arith.index_cast %add3A_819 : i32 to index
      %swap3A_821 = tpu.vector_load %arg8[%swap3A_820] {strides = array<i32>} : memref<3408xi32, #tpu.memory_space<vmem>>, vector<16xi32>,
      tpu.vector_store %arg8[%swap3A_820], %gather3A {strides = array<i32>} : memref<3408xi32, #tpu.memory_space<vmem>>, vector<16xi32>,
      %add3A_822 = arith.constant 80 : i32
      %add3A_823 = arith.addi %scan3A_773, %add3A_822 : i32
      %swap3A_824 = arith.index_cast %add3A_823 : i32 to index
      %swap3A_825 = tpu.vector_load %arg9[%swap3A_824] {strides = array<i32>} : memref<3408xi32, #tpu.memory_space<vmem>>, vector<16xi32>,
      tpu.vector_store %arg9[%swap3A_824], %gather3A_778 {strides = array<i32>} : memref<3408xi32, #tpu.memory_space<vmem>>, vector<16xi32>,
      %add3A_826 = arith.constant 96 : i32
      %add3A_827 = arith.addi %scan3A_773, %add3A_826 : i32
      %swap3A_828 = arith.index_cast %add3A_827 : i32 to index
      %swap3A_829 = tpu.vector_load %arg8[%swap3A_828] {strides = array<i32>} : memref<3408xi32, #tpu.memory_space<vmem>>, vector<16xi32>,
      tpu.vector_store %arg8[%swap3A_828], %gather3A {strides = array<i32>} : memref<3408xi32, #tpu.memory_space<vmem>>, vector<16xi32>,
      %add3A_830 = arith.constant 96 : i32
      %add3A_831 = arith.addi %scan3A_773, %add3A_830 : i32
      %swap3A_832 = arith.index_cast %add3A_831 : i32 to index
      %swap3A_833 = tpu.vector_load %arg9[%swap3A_832] {strides = array<i32>} : memref<3408xi32, #tpu.memory_space<vmem>>, vector<16xi32>,
      tpu.vector_store %arg9[%swap3A_832], %gather3A_778 {strides = array<i32>} : memref<3408xi32, #tpu.memory_space<vmem>>, vector<16xi32>,
      %add3A_834 = arith.constant 112 : i32
      %add3A_835 = arith.addi %scan3A_773, %add3A_834 : i32
      %swap3A_836 = arith.index_cast %add3A_835 : i32 to index
      %swap3A_837 = tpu.vector_load %arg8[%swap3A_836] {strides = array<i32>} : memref<3408xi32, #tpu.memory_space<vmem>>, vector<16xi32>,
      tpu.vector_store %arg8[%swap3A_836], %gather3A {strides = array<i32>} : memref<3408xi32, #tpu.memory_space<vmem>>, vector<16xi32>,
      %add3A_838 = arith.constant 112 : i32
      %add3A_839 = arith.addi %scan3A_773, %add3A_838 : i32
      %swap3A_840 = arith.index_cast %add3A_839 : i32 to index
      %swap3A_841 = tpu.vector_load %arg9[%swap3A_840] {strides = array<i32>} : memref<3408xi32, #tpu.memory_space<vmem>>, vector<16xi32>,
      tpu.vector_store %arg9[%swap3A_840], %gather3A_778 {strides = array<i32>} : memref<3408xi32, #tpu.memory_space<vmem>>, vector<16xi32>,
      %add3A_842 = arith.constant 128 : i32
      %add3A_843 = arith.addi %scan3A_773, %add3A_842 : i32
      %swap3A_844 = arith.index_cast %add3A_843 : i32 to index
      %swap3A_845 = tpu.vector_load %arg8[%swap3A_844] {strides = array<i32>} : memref<3408xi32, #tpu.memory_space<vmem>>, vector<16xi32>,
      tpu.vector_store %arg8[%swap3A_844], %gather3A {strides = array<i32>} : memref<3408xi32, #tpu.memory_space<vmem>>, vector<16xi32>,
      %add3A_846 = arith.constant 128 : i32
      %add3A_847 = arith.addi %scan3A_773, %add3A_846 : i32
      %swap3A_848 = arith.index_cast %add3A_847 : i32 to index
      %swap3A_849 = tpu.vector_load %arg9[%swap3A_848] {strides = array<i32>} : memref<3408xi32, #tpu.memory_space<vmem>>, vector<16xi32>,
      tpu.vector_store %arg9[%swap3A_848], %gather3A_778 {strides = array<i32>} : memref<3408xi32, #tpu.memory_space<vmem>>, vector<16xi32>,
      %add3A_850 = arith.constant 144 : i32
      %add3A_851 = arith.addi %scan3A_773, %add3A_850 : i32
      %swap3A_852 = arith.index_cast %add3A_851 : i32 to index
      %swap3A_853 = tpu.vector_load %arg8[%swap3A_852] {strides = array<i32>} : memref<3408xi32, #tpu.memory_space<vmem>>, vector<16xi32>,
      tpu.vector_store %arg8[%swap3A_852], %gather3A {strides = array<i32>} : memref<3408xi32, #tpu.memory_space<vmem>>, vector<16xi32>,
      %add3A_854 = arith.constant 144 : i32
      %add3A_855 = arith.addi %scan3A_773, %add3A_854 : i32
      %swap3A_856 = arith.index_cast %add3A_855 : i32 to index
      %swap3A_857 = tpu.vector_load %arg9[%swap3A_856] {strides = array<i32>} : memref<3408xi32, #tpu.memory_space<vmem>>, vector<16xi32>,
      tpu.vector_store %arg9[%swap3A_856], %gather3A_778 {strides = array<i32>} : memref<3408xi32, #tpu.memory_space<vmem>>, vector<16xi32>,
      %add3A_858 = arith.constant 160 : i32
      %add3A_859 = arith.addi %scan3A_773, %add3A_858 : i32
      %swap3A_860 = arith.index_cast %add3A_859 : i32 to index
      %swap3A_861 = tpu.vector_load %arg8[%swap3A_860] {strides = array<i32>} : memref<3408xi32, #tpu.memory_space<vmem>>, vector<16xi32>,
      tpu.vector_store %arg8[%swap3A_860], %gather3A {strides = array<i32>} : memref<3408xi32, #tpu.memory_space<vmem>>, vector<16xi32>,
      %add3A_862 = arith.constant 160 : i32
      %add3A_863 = arith.addi %scan3A_773, %add3A_862 : i32
      %swap3A_864 = arith.index_cast %add3A_863 : i32 to index
      %swap3A_865 = tpu.vector_load %arg9[%swap3A_864] {strides = array<i32>} : memref<3408xi32, #tpu.memory_space<vmem>>, vector<16xi32>,
      tpu.vector_store %arg9[%swap3A_864], %gather3A_778 {strides = array<i32>} : memref<3408xi32, #tpu.memory_space<vmem>>, vector<16xi32>,
      %add3A_866 = arith.constant 176 : i32
      %add3A_867 = arith.addi %scan3A_773, %add3A_866 : i32
      %swap3A_868 = arith.index_cast %add3A_867 : i32 to index
      %swap3A_869 = tpu.vector_load %arg8[%swap3A_868] {strides = array<i32>} : memref<3408xi32, #tpu.memory_space<vmem>>, vector<16xi32>,
      tpu.vector_store %arg8[%swap3A_868], %gather3A {strides = array<i32>} : memref<3408xi32, #tpu.memory_space<vmem>>, vector<16xi32>,
      %add3A_870 = arith.constant 176 : i32
      %add3A_871 = arith.addi %scan3A_773, %add3A_870 : i32
      %swap3A_872 = arith.index_cast %add3A_871 : i32 to index
      %swap3A_873 = tpu.vector_load %arg9[%swap3A_872] {strides = array<i32>} : memref<3408xi32, #tpu.memory_space<vmem>>, vector<16xi32>,
      tpu.vector_store %arg9[%swap3A_872], %gather3A_778 {strides = array<i32>} : memref<3408xi32, #tpu.memory_space<vmem>>, vector<16xi32>,
      %add3A_874 = arith.constant 192 : i32
      %add3A_875 = arith.addi %scan3A_773, %add3A_874 : i32
      %swap3A_876 = arith.index_cast %add3A_875 : i32 to index
      %swap3A_877 = tpu.vector_load %arg8[%swap3A_876] {strides = array<i32>} : memref<3408xi32, #tpu.memory_space<vmem>>, vector<16xi32>,
      tpu.vector_store %arg8[%swap3A_876], %gather3A {strides = array<i32>} : memref<3408xi32, #tpu.memory_space<vmem>>, vector<16xi32>,
      %add3A_878 = arith.constant 192 : i32
      %add3A_879 = arith.addi %scan3A_773, %add3A_878 : i32
      %swap3A_880 = arith.index_cast %add3A_879 : i32 to index
      %swap3A_881 = tpu.vector_load %arg9[%swap3A_880] {strides = array<i32>} : memref<3408xi32, #tpu.memory_space<vmem>>, vector<16xi32>,
      tpu.vector_store %arg9[%swap3A_880], %gather3A_778 {strides = array<i32>} : memref<3408xi32, #tpu.memory_space<vmem>>, vector<16xi32>,
      %add3A_882 = arith.constant 208 : i32
      %add3A_883 = arith.addi %scan3A_773, %add3A_882 : i32
      %swap3A_884 = arith.index_cast %add3A_883 : i32 to index
      %swap3A_885 = tpu.vector_load %arg8[%swap3A_884] {strides = array<i32>} : memref<3408xi32, #tpu.memory_space<vmem>>, vector<16xi32>,
      tpu.vector_store %arg8[%swap3A_884], %gather3A {strides = array<i32>} : memref<3408xi32, #tpu.memory_space<vmem>>, vector<16xi32>,
      %add3A_886 = arith.constant 208 : i32
      %add3A_887 = arith.addi %scan3A_773, %add3A_886 : i32
      %swap3A_888 = arith.index_cast %add3A_887 : i32 to index
      %swap3A_889 = tpu.vector_load %arg9[%swap3A_888] {strides = array<i32>} : memref<3408xi32, #tpu.memory_space<vmem>>, vector<16xi32>,
      tpu.vector_store %arg9[%swap3A_888], %gather3A_778 {strides = array<i32>} : memref<3408xi32, #tpu.memory_space<vmem>>, vector<16xi32>,
      %add3A_890 = arith.constant 224 : i32
      %add3A_891 = arith.addi %scan3A_773, %add3A_890 : i32
      %swap3A_892 = arith.index_cast %add3A_891 : i32 to index
      %swap3A_893 = tpu.vector_load %arg8[%swap3A_892] {strides = array<i32>} : memref<3408xi32, #tpu.memory_space<vmem>>, vector<16xi32>,
      tpu.vector_store %arg8[%swap3A_892], %gather3A {strides = array<i32>} : memref<3408xi32, #tpu.memory_space<vmem>>, vector<16xi32>,
      %add3A_894 = arith.constant 224 : i32
      %add3A_895 = arith.addi %scan3A_773, %add3A_894 : i32
      %swap3A_896 = arith.index_cast %add3A_895 : i32 to index
      %swap3A_897 = tpu.vector_load %arg9[%swap3A_896] {strides = array<i32>} : memref<3408xi32, #tpu.memory_space<vmem>>, vector<16xi32>,
      tpu.vector_store %arg9[%swap3A_896], %gather3A_778 {strides = array<i32>} : memref<3408xi32, #tpu.memory_space<vmem>>, vector<16xi32>,
      %add3A_898 = arith.constant 240 : i32
      %add3A_899 = arith.addi %scan3A_773, %add3A_898 : i32
      %swap3A_900 = arith.index_cast %add3A_899 : i32 to index
      %swap3A_901 = tpu.vector_load %arg8[%swap3A_900] {strides = array<i32>} : memref<3408xi32, #tpu.memory_space<vmem>>, vector<16xi32>,
      tpu.vector_store %arg8[%swap3A_900], %gather3A {strides = array<i32>} : memref<3408xi32, #tpu.memory_space<vmem>>, vector<16xi32>,
      %add3A_902 = arith.constant 240 : i32
      %add3A_903 = arith.addi %scan3A_773, %add3A_902 : i32
      %swap3A_904 = arith.index_cast %add3A_903 : i32 to index
      %swap3A_905 = tpu.vector_load %arg9[%swap3A_904] {strides = array<i32>} : memref<3408xi32, #tpu.memory_space<vmem>>, vector<16xi32>,
      tpu.vector_store %arg9[%swap3A_904], %gather3A_778 {strides = array<i32>} : memref<3408xi32, #tpu.memory_space<vmem>>, vector<16xi32>,
      %add3A_906 = arith.constant 256 : i32
      %add3A_907 = arith.addi %scan3A_773, %add3A_906 : i32
      %sub3A_908 = arith.constant 1 : i32
      %sub3A_909 = arith.subi %add3A_907, %sub3A_908 : i32
      %jit3A_910 = arith.constant 256 : i32
      %div3A = arith.divsi %sub3A_909, %jit3A_910 : i32
      %sign3A = arith.constant 0 : i32
      %sign3A_911 = arith.cmpi sgt, %sub3A_909, %sign3A : i32
      %sign3A_912 = arith.extui %sign3A_911 : i1 to i32
      %sign3A_913 = arith.constant 0 : i32
      %sign3A_914 = arith.cmpi slt, %sub3A_909, %sign3A_913 : i32
      %sign3A_915 = arith.extui %sign3A_914 : i1 to i32
      %sign3A_916 = arith.subi %sign3A_912, %sign3A_915 : i32
      %sign3A_917 = arith.constant 0 : i32
      %sign3A_918 = arith.cmpi sgt, %jit3A_910, %sign3A_917 : i32
      %sign3A_919 = arith.extui %sign3A_918 : i1 to i32
      %sign3A_920 = arith.constant 0 : i32
      %sign3A_921 = arith.cmpi slt, %jit3A_910, %sign3A_920 : i32
      %sign3A_922 = arith.extui %sign3A_921 : i1 to i32
      %sign3A_923 = arith.subi %sign3A_919, %sign3A_922 : i32
      %ne3A = arith.cmpi ne, %sign3A_916, %sign3A_923 : i32
      %rem3A = arith.remsi %sub3A_909, %jit3A_910 : i32
      %ne3A_924 = arith.constant 0 : i32
      %ne3A_925 = arith.cmpi ne, %rem3A, %ne3A_924 : i32
      %and3A = arith.andi %ne3A, %ne3A_925 : i1
      %sub3A_926 = arith.constant 1 : i32
      %sub3A_927 = arith.subi %div3A, %sub3A_926 : i32
      %select_n3A_928 = arith.select %and3A, %sub3A_927, %div3A : i32
      %while3A = arith.constant 0 : i32
      %while3A_929 = arith.constant 0 : i32
      %while3A_930 = arith.subi %select_n3A_928, %while3A : i32
      %while3A_931 = arith.addi %while3A, %while3A_930 : i32
      %while3A_932 = arith.constant 1 : i32
      %while3A_933 = arith.divsi %while3A_930, %while3A_932 : i32
      %while3A_934 = arith.muli %while3A_933, %while3A_932 : i32
      %while3A_935 = arith.addi %while3A, %while3A_934 : i32
      %while3A_936 = arith.constant 1 : i32
      %while3A_937 = scf.for %while3A_940 = %while3A to %while3A_935 step %while3A_936 iter_args(%while3A_941 = %while3A_929) -> (i32)  : i32 {
        %mul3A_942 = arith.constant 2 : i32
        %mul3A_943 = arith.muli %while3A_940, %mul3A_942 : i32
        %mul3A_944 = arith.constant 128 : i32
        %mul3A_945 = arith.muli %mul3A_943, %mul3A_944 : i32
        %add3A_946 = arith.constant 0 : i32
        %add3A_947 = arith.addi %mul3A_945, %add3A_946 : i32
        %get3A = arith.index_cast %add3A_947 : i32 to index
        %get3A_948 = tpu.vector_load %arg9[%get3A] {strides = array<i32>} : memref<3408xi32, #tpu.memory_space<vmem>>, vector<16xi32>,
        %swap3A_949 = arith.constant 0 : index
        %swap3A_950 = tpu.vector_load %arg11[%swap3A_949] {strides = array<i32>} : memref<128xi32, #tpu.memory_space<vmem>>, vector<16xi32>,
        tpu.vector_store %arg11[%swap3A_949], %get3A_948 {strides = array<i32>} : memref<128xi32, #tpu.memory_space<vmem>>, vector<16xi32>,
        %add3A_951 = arith.constant 0 : i32
        %add3A_952 = arith.addi %mul3A_945, %add3A_951 : i32
        %get3A_953 = arith.index_cast %add3A_952 : i32 to index
        %get3A_954 = tpu.vector_load %arg8[%get3A_953] {strides = array<i32>} : memref<3408xi32, #tpu.memory_space<vmem>>, vector<16xi32>,
        %swap3A_955 = arith.constant 0 : index
        %swap3A_956 = tpu.vector_load %arg10[%swap3A_955] {strides = array<i32>} : memref<128xi32, #tpu.memory_space<vmem>>, vector<16xi32>,
        tpu.vector_store %arg10[%swap3A_955], %get3A_954 {strides = array<i32>} : memref<128xi32, #tpu.memory_space<vmem>>, vector<16xi32>,
        %add3A_957 = arith.constant 128 : i32
        %add3A_958 = arith.addi %mul3A_945, %add3A_957 : i32
        %add3A_959 = arith.constant 0 : i32
        %add3A_960 = arith.addi %add3A_958, %add3A_959 : i32
        %get3A_961 = arith.index_cast %add3A_960 : i32 to index
        %get3A_962 = tpu.vector_load %arg9[%get3A_961] {strides = array<i32>} : memref<3408xi32, #tpu.memory_space<vmem>>, vector<16xi32>,
        %swap3A_963 = arith.constant 0 : index
        %swap3A_964 = tpu.vector_load %arg13[%swap3A_963] {strides = array<i32>} : memref<128xi32, #tpu.memory_space<vmem>>, vector<16xi32>,
        tpu.vector_store %arg13[%swap3A_963], %get3A_962 {strides = array<i32>} : memref<128xi32, #tpu.memory_space<vmem>>, vector<16xi32>,
        %add3A_965 = arith.constant 128 : i32
        %add3A_966 = arith.addi %mul3A_945, %add3A_965 : i32
        %add3A_967 = arith.constant 0 : i32
        %add3A_968 = arith.addi %add3A_966, %add3A_967 : i32
        %get3A_969 = arith.index_cast %add3A_968 : i32 to index
        %get3A_970 = tpu.vector_load %arg8[%get3A_969] {strides = array<i32>} : memref<3408xi32, #tpu.memory_space<vmem>>, vector<16xi32>,
        %swap3A_971 = arith.constant 0 : index
        %swap3A_972 = tpu.vector_load %arg12[%swap3A_971] {strides = array<i32>} : memref<128xi32, #tpu.memory_space<vmem>>, vector<16xi32>,
        tpu.vector_store %arg12[%swap3A_971], %get3A_970 {strides = array<i32>} : memref<128xi32, #tpu.memory_space<vmem>>, vector<16xi32>,
        %add3A_973 = arith.constant 16 : i32
        %add3A_974 = arith.addi %mul3A_945, %add3A_973 : i32
        %get3A_975 = arith.index_cast %add3A_974 : i32 to index
        %get3A_976 = tpu.vector_load %arg9[%get3A_975] {strides = array<i32>} : memref<3408xi32, #tpu.memory_space<vmem>>, vector<16xi32>,
        %swap3A_977 = arith.constant 16 : index
        %swap3A_978 = tpu.vector_load %arg11[%swap3A_977] {strides = array<i32>} : memref<128xi32, #tpu.memory_space<vmem>>, vector<16xi32>,
        tpu.vector_store %arg11[%swap3A_977], %get3A_976 {strides = array<i32>} : memref<128xi32, #tpu.memory_space<vmem>>, vector<16xi32>,
        %add3A_979 = arith.constant 16 : i32
        %add3A_980 = arith.addi %mul3A_945, %add3A_979 : i32
        %get3A_981 = arith.index_cast %add3A_980 : i32 to index
        %get3A_982 = tpu.vector_load %arg8[%get3A_981] {strides = array<i32>} : memref<3408xi32, #tpu.memory_space<vmem>>, vector<16xi32>,
        %swap3A_983 = arith.constant 16 : index
        %swap3A_984 = tpu.vector_load %arg10[%swap3A_983] {strides = array<i32>} : memref<128xi32, #tpu.memory_space<vmem>>, vector<16xi32>,
        tpu.vector_store %arg10[%swap3A_983], %get3A_982 {strides = array<i32>} : memref<128xi32, #tpu.memory_space<vmem>>, vector<16xi32>,
        %add3A_985 = arith.constant 128 : i32
        %add3A_986 = arith.addi %mul3A_945, %add3A_985 : i32
        %add3A_987 = arith.constant 16 : i32
        %add3A_988 = arith.addi %add3A_986, %add3A_987 : i32
        %get3A_989 = arith.index_cast %add3A_988 : i32 to index
        %get3A_990 = tpu.vector_load %arg9[%get3A_989] {strides = array<i32>} : memref<3408xi32, #tpu.memory_space<vmem>>, vector<16xi32>,
        %swap3A_991 = arith.constant 16 : index
        %swap3A_992 = tpu.vector_load %arg13[%swap3A_991] {strides = array<i32>} : memref<128xi32, #tpu.memory_space<vmem>>, vector<16xi32>,
        tpu.vector_store %arg13[%swap3A_991], %get3A_990 {strides = array<i32>} : memref<128xi32, #tpu.memory_space<vmem>>, vector<16xi32>,
        %add3A_993 = arith.constant 128 : i32
        %add3A_994 = arith.addi %mul3A_945, %add3A_993 : i32
        %add3A_995 = arith.constant 16 : i32
        %add3A_996 = arith.addi %add3A_994, %add3A_995 : i32
        %get3A_997 = arith.index_cast %add3A_996 : i32 to index
        %get3A_998 = tpu.vector_load %arg8[%get3A_997] {strides = array<i32>} : memref<3408xi32, #tpu.memory_space<vmem>>, vector<16xi32>,
        %swap3A_999 = arith.constant 16 : index
        %swap3A_1000 = tpu.vector_load %arg12[%swap3A_999] {strides = array<i32>} : memref<128xi32, #tpu.memory_space<vmem>>, vector<16xi32>,
        tpu.vector_store %arg12[%swap3A_999], %get3A_998 {strides = array<i32>} : memref<128xi32, #tpu.memory_space<vmem>>, vector<16xi32>,
        %add3A_1001 = arith.constant 32 : i32
        %add3A_1002 = arith.addi %mul3A_945, %add3A_1001 : i32
        %get3A_1003 = arith.index_cast %add3A_1002 : i32 to index
        %get3A_1004 = tpu.vector_load %arg9[%get3A_1003] {strides = array<i32>} : memref<3408xi32, #tpu.memory_space<vmem>>, vector<16xi32>,
        %swap3A_1005 = arith.constant 32 : index
        %swap3A_1006 = tpu.vector_load %arg11[%swap3A_1005] {strides = array<i32>} : memref<128xi32, #tpu.memory_space<vmem>>, vector<16xi32>,
        tpu.vector_store %arg11[%swap3A_1005], %get3A_1004 {strides = array<i32>} : memref<128xi32, #tpu.memory_space<vmem>>, vector<16xi32>,
        %add3A_1007 = arith.constant 32 : i32
        %add3A_1008 = arith.addi %mul3A_945, %add3A_1007 : i32
        %get3A_1009 = arith.index_cast %add3A_1008 : i32 to index
        %get3A_1010 = tpu.vector_load %arg8[%get3A_1009] {strides = array<i32>} : memref<3408xi32, #tpu.memory_space<vmem>>, vector<16xi32>,
        %swap3A_1011 = arith.constant 32 : index
        %swap3A_1012 = tpu.vector_load %arg10[%swap3A_1011] {strides = array<i32>} : memref<128xi32, #tpu.memory_space<vmem>>, vector<16xi32>,
        tpu.vector_store %arg10[%swap3A_1011], %get3A_1010 {strides = array<i32>} : memref<128xi32, #tpu.memory_space<vmem>>, vector<16xi32>,
        %add3A_1013 = arith.constant 128 : i32
        %add3A_1014 = arith.addi %mul3A_945, %add3A_1013 : i32
        %add3A_1015 = arith.constant 32 : i32
        %add3A_1016 = arith.addi %add3A_1014, %add3A_1015 : i32
        %get3A_1017 = arith.index_cast %add3A_1016 : i32 to index
        %get3A_1018 = tpu.vector_load %arg9[%get3A_1017] {strides = array<i32>} : memref<3408xi32, #tpu.memory_space<vmem>>, vector<16xi32>,
        %swap3A_1019 = arith.constant 32 : index
        %swap3A_1020 = tpu.vector_load %arg13[%swap3A_1019] {strides = array<i32>} : memref<128xi32, #tpu.memory_space<vmem>>, vector<16xi32>,
        tpu.vector_store %arg13[%swap3A_1019], %get3A_1018 {strides = array<i32>} : memref<128xi32, #tpu.memory_space<vmem>>, vector<16xi32>,
        %add3A_1021 = arith.constant 128 : i32
        %add3A_1022 = arith.addi %mul3A_945, %add3A_1021 : i32
        %add3A_1023 = arith.constant 32 : i32
        %add3A_1024 = arith.addi %add3A_1022, %add3A_1023 : i32
        %get3A_1025 = arith.index_cast %add3A_1024 : i32 to index
        %get3A_1026 = tpu.vector_load %arg8[%get3A_1025] {strides = array<i32>} : memref<3408xi32, #tpu.memory_space<vmem>>, vector<16xi32>,
        %swap3A_1027 = arith.constant 32 : index
        %swap3A_1028 = tpu.vector_load %arg12[%swap3A_1027] {strides = array<i32>} : memref<128xi32, #tpu.memory_space<vmem>>, vector<16xi32>,
        tpu.vector_store %arg12[%swap3A_1027], %get3A_1026 {strides = array<i32>} : memref<128xi32, #tpu.memory_space<vmem>>, vector<16xi32>,
        %add3A_1029 = arith.constant 48 : i32
        %add3A_1030 = arith.addi %mul3A_945, %add3A_1029 : i32
        %get3A_1031 = arith.index_cast %add3A_1030 : i32 to index
        %get3A_1032 = tpu.vector_load %arg9[%get3A_1031] {strides = array<i32>} : memref<3408xi32, #tpu.memory_space<vmem>>, vector<16xi32>,
        %swap3A_1033 = arith.constant 48 : index
        %swap3A_1034 = tpu.vector_load %arg11[%swap3A_1033] {strides = array<i32>} : memref<128xi32, #tpu.memory_space<vmem>>, vector<16xi32>,
        tpu.vector_store %arg11[%swap3A_1033], %get3A_1032 {strides = array<i32>} : memref<128xi32, #tpu.memory_space<vmem>>, vector<16xi32>,
        %add3A_1035 = arith.constant 48 : i32
        %add3A_1036 = arith.addi %mul3A_945, %add3A_1035 : i32
        %get3A_1037 = arith.index_cast %add3A_1036 : i32 to index
        %get3A_1038 = tpu.vector_load %arg8[%get3A_1037] {strides = array<i32>} : memref<3408xi32, #tpu.memory_space<vmem>>, vector<16xi32>,
        %swap3A_1039 = arith.constant 48 : index
        %swap3A_1040 = tpu.vector_load %arg10[%swap3A_1039] {strides = array<i32>} : memref<128xi32, #tpu.memory_space<vmem>>, vector<16xi32>,
        tpu.vector_store %arg10[%swap3A_1039], %get3A_1038 {strides = array<i32>} : memref<128xi32, #tpu.memory_space<vmem>>, vector<16xi32>,
        %add3A_1041 = arith.constant 128 : i32
        %add3A_1042 = arith.addi %mul3A_945, %add3A_1041 : i32
        %add3A_1043 = arith.constant 48 : i32
        %add3A_1044 = arith.addi %add3A_1042, %add3A_1043 : i32
        %get3A_1045 = arith.index_cast %add3A_1044 : i32 to index
        %get3A_1046 = tpu.vector_load %arg9[%get3A_1045] {strides = array<i32>} : memref<3408xi32, #tpu.memory_space<vmem>>, vector<16xi32>,
        %swap3A_1047 = arith.constant 48 : index
        %swap3A_1048 = tpu.vector_load %arg13[%swap3A_1047] {strides = array<i32>} : memref<128xi32, #tpu.memory_space<vmem>>, vector<16xi32>,
        tpu.vector_store %arg13[%swap3A_1047], %get3A_1046 {strides = array<i32>} : memref<128xi32, #tpu.memory_space<vmem>>, vector<16xi32>,
        %add3A_1049 = arith.constant 128 : i32
        %add3A_1050 = arith.addi %mul3A_945, %add3A_1049 : i32
        %add3A_1051 = arith.constant 48 : i32
        %add3A_1052 = arith.addi %add3A_1050, %add3A_1051 : i32
        %get3A_1053 = arith.index_cast %add3A_1052 : i32 to index
        %get3A_1054 = tpu.vector_load %arg8[%get3A_1053] {strides = array<i32>} : memref<3408xi32, #tpu.memory_space<vmem>>, vector<16xi32>,
        %swap3A_1055 = arith.constant 48 : index
        %swap3A_1056 = tpu.vector_load %arg12[%swap3A_1055] {strides = array<i32>} : memref<128xi32, #tpu.memory_space<vmem>>, vector<16xi32>,
        tpu.vector_store %arg12[%swap3A_1055], %get3A_1054 {strides = array<i32>} : memref<128xi32, #tpu.memory_space<vmem>>, vector<16xi32>,
        %add3A_1057 = arith.constant 64 : i32
        %add3A_1058 = arith.addi %mul3A_945, %add3A_1057 : i32
        %get3A_1059 = arith.index_cast %add3A_1058 : i32 to index
        %get3A_1060 = tpu.vector_load %arg9[%get3A_1059] {strides = array<i32>} : memref<3408xi32, #tpu.memory_space<vmem>>, vector<16xi32>,
        %swap3A_1061 = arith.constant 64 : index
        %swap3A_1062 = tpu.vector_load %arg11[%swap3A_1061] {strides = array<i32>} : memref<128xi32, #tpu.memory_space<vmem>>, vector<16xi32>,
        tpu.vector_store %arg11[%swap3A_1061], %get3A_1060 {strides = array<i32>} : memref<128xi32, #tpu.memory_space<vmem>>, vector<16xi32>,
        %add3A_1063 = arith.constant 64 : i32
        %add3A_1064 = arith.addi %mul3A_945, %add3A_1063 : i32
        %get3A_1065 = arith.index_cast %add3A_1064 : i32 to index
        %get3A_1066 = tpu.vector_load %arg8[%get3A_1065] {strides = array<i32>} : memref<3408xi32, #tpu.memory_space<vmem>>, vector<16xi32>,
        %swap3A_1067 = arith.constant 64 : index
        %swap3A_1068 = tpu.vector_load %arg10[%swap3A_1067] {strides = array<i32>} : memref<128xi32, #tpu.memory_space<vmem>>, vector<16xi32>,
        tpu.vector_store %arg10[%swap3A_1067], %get3A_1066 {strides = array<i32>} : memref<128xi32, #tpu.memory_space<vmem>>, vector<16xi32>,
        %add3A_1069 = arith.constant 128 : i32
        %add3A_1070 = arith.addi %mul3A_945, %add3A_1069 : i32
        %add3A_1071 = arith.constant 64 : i32
        %add3A_1072 = arith.addi %add3A_1070, %add3A_1071 : i32
        %get3A_1073 = arith.index_cast %add3A_1072 : i32 to index
        %get3A_1074 = tpu.vector_load %arg9[%get3A_1073] {strides = array<i32>} : memref<3408xi32, #tpu.memory_space<vmem>>, vector<16xi32>,
        %swap3A_1075 = arith.constant 64 : index
        %swap3A_1076 = tpu.vector_load %arg13[%swap3A_1075] {strides = array<i32>} : memref<128xi32, #tpu.memory_space<vmem>>, vector<16xi32>,
        tpu.vector_store %arg13[%swap3A_1075], %get3A_1074 {strides = array<i32>} : memref<128xi32, #tpu.memory_space<vmem>>, vector<16xi32>,
        %add3A_1077 = arith.constant 128 : i32
        %add3A_1078 = arith.addi %mul3A_945, %add3A_1077 : i32
        %add3A_1079 = arith.constant 64 : i32
        %add3A_1080 = arith.addi %add3A_1078, %add3A_1079 : i32
        %get3A_1081 = arith.index_cast %add3A_1080 : i32 to index
        %get3A_1082 = tpu.vector_load %arg8[%get3A_1081] {strides = array<i32>} : memref<3408xi32, #tpu.memory_space<vmem>>, vector<16xi32>,
        %swap3A_1083 = arith.constant 64 : index
        %swap3A_1084 = tpu.vector_load %arg12[%swap3A_1083] {strides = array<i32>} : memref<128xi32, #tpu.memory_space<vmem>>, vector<16xi32>,
        tpu.vector_store %arg12[%swap3A_1083], %get3A_1082 {strides = array<i32>} : memref<128xi32, #tpu.memory_space<vmem>>, vector<16xi32>,
        %add3A_1085 = arith.constant 80 : i32
        %add3A_1086 = arith.addi %mul3A_945, %add3A_1085 : i32
        %get3A_1087 = arith.index_cast %add3A_1086 : i32 to index
        %get3A_1088 = tpu.vector_load %arg9[%get3A_1087] {strides = array<i32>} : memref<3408xi32, #tpu.memory_space<vmem>>, vector<16xi32>,
        %swap3A_1089 = arith.constant 80 : index
        %swap3A_1090 = tpu.vector_load %arg11[%swap3A_1089] {strides = array<i32>} : memref<128xi32, #tpu.memory_space<vmem>>, vector<16xi32>,
        tpu.vector_store %arg11[%swap3A_1089], %get3A_1088 {strides = array<i32>} : memref<128xi32, #tpu.memory_space<vmem>>, vector<16xi32>,
        %add3A_1091 = arith.constant 80 : i32
        %add3A_1092 = arith.addi %mul3A_945, %add3A_1091 : i32
        %get3A_1093 = arith.index_cast %add3A_1092 : i32 to index
        %get3A_1094 = tpu.vector_load %arg8[%get3A_1093] {strides = array<i32>} : memref<3408xi32, #tpu.memory_space<vmem>>, vector<16xi32>,
        %swap3A_1095 = arith.constant 80 : index
        %swap3A_1096 = tpu.vector_load %arg10[%swap3A_1095] {strides = array<i32>} : memref<128xi32, #tpu.memory_space<vmem>>, vector<16xi32>,
        tpu.vector_store %arg10[%swap3A_1095], %get3A_1094 {strides = array<i32>} : memref<128xi32, #tpu.memory_space<vmem>>, vector<16xi32>,
        %add3A_1097 = arith.constant 128 : i32
        %add3A_1098 = arith.addi %mul3A_945, %add3A_1097 : i32
        %add3A_1099 = arith.constant 80 : i32
        %add3A_1100 = arith.addi %add3A_1098, %add3A_1099 : i32
        %get3A_1101 = arith.index_cast %add3A_1100 : i32 to index
        %get3A_1102 = tpu.vector_load %arg9[%get3A_1101] {strides = array<i32>} : memref<3408xi32, #tpu.memory_space<vmem>>, vector<16xi32>,
        %swap3A_1103 = arith.constant 80 : index
        %swap3A_1104 = tpu.vector_load %arg13[%swap3A_1103] {strides = array<i32>} : memref<128xi32, #tpu.memory_space<vmem>>, vector<16xi32>,
        tpu.vector_store %arg13[%swap3A_1103], %get3A_1102 {strides = array<i32>} : memref<128xi32, #tpu.memory_space<vmem>>, vector<16xi32>,
        %add3A_1105 = arith.constant 128 : i32
        %add3A_1106 = arith.addi %mul3A_945, %add3A_1105 : i32
        %add3A_1107 = arith.constant 80 : i32
        %add3A_1108 = arith.addi %add3A_1106, %add3A_1107 : i32
        %get3A_1109 = arith.index_cast %add3A_1108 : i32 to index
        %get3A_1110 = tpu.vector_load %arg8[%get3A_1109] {strides = array<i32>} : memref<3408xi32, #tpu.memory_space<vmem>>, vector<16xi32>,
        %swap3A_1111 = arith.constant 80 : index
        %swap3A_1112 = tpu.vector_load %arg12[%swap3A_1111] {strides = array<i32>} : memref<128xi32, #tpu.memory_space<vmem>>, vector<16xi32>,
        tpu.vector_store %arg12[%swap3A_1111], %get3A_1110 {strides = array<i32>} : memref<128xi32, #tpu.memory_space<vmem>>, vector<16xi32>,
        %add3A_1113 = arith.constant 96 : i32
        %add3A_1114 = arith.addi %mul3A_945, %add3A_1113 : i32
        %get3A_1115 = arith.index_cast %add3A_1114 : i32 to index
        %get3A_1116 = tpu.vector_load %arg9[%get3A_1115] {strides = array<i32>} : memref<3408xi32, #tpu.memory_space<vmem>>, vector<16xi32>,
        %swap3A_1117 = arith.constant 96 : index
        %swap3A_1118 = tpu.vector_load %arg11[%swap3A_1117] {strides = array<i32>} : memref<128xi32, #tpu.memory_space<vmem>>, vector<16xi32>,
        tpu.vector_store %arg11[%swap3A_1117], %get3A_1116 {strides = array<i32>} : memref<128xi32, #tpu.memory_space<vmem>>, vector<16xi32>,
        %add3A_1119 = arith.constant 96 : i32
        %add3A_1120 = arith.addi %mul3A_945, %add3A_1119 : i32
        %get3A_1121 = arith.index_cast %add3A_1120 : i32 to index
        %get3A_1122 = tpu.vector_load %arg8[%get3A_1121] {strides = array<i32>} : memref<3408xi32, #tpu.memory_space<vmem>>, vector<16xi32>,
        %swap3A_1123 = arith.constant 96 : index
        %swap3A_1124 = tpu.vector_load %arg10[%swap3A_1123] {strides = array<i32>} : memref<128xi32, #tpu.memory_space<vmem>>, vector<16xi32>,
        tpu.vector_store %arg10[%swap3A_1123], %get3A_1122 {strides = array<i32>} : memref<128xi32, #tpu.memory_space<vmem>>, vector<16xi32>,
        %add3A_1125 = arith.constant 128 : i32
        %add3A_1126 = arith.addi %mul3A_945, %add3A_1125 : i32
        %add3A_1127 = arith.constant 96 : i32
        %add3A_1128 = arith.addi %add3A_1126, %add3A_1127 : i32
        %get3A_1129 = arith.index_cast %add3A_1128 : i32 to index
        %get3A_1130 = tpu.vector_load %arg9[%get3A_1129] {strides = array<i32>} : memref<3408xi32, #tpu.memory_space<vmem>>, vector<16xi32>,
        %swap3A_1131 = arith.constant 96 : index
        %swap3A_1132 = tpu.vector_load %arg13[%swap3A_1131] {strides = array<i32>} : memref<128xi32, #tpu.memory_space<vmem>>, vector<16xi32>,
        tpu.vector_store %arg13[%swap3A_1131], %get3A_1130 {strides = array<i32>} : memref<128xi32, #tpu.memory_space<vmem>>, vector<16xi32>,
        %add3A_1133 = arith.constant 128 : i32
        %add3A_1134 = arith.addi %mul3A_945, %add3A_1133 : i32
        %add3A_1135 = arith.constant 96 : i32
        %add3A_1136 = arith.addi %add3A_1134, %add3A_1135 : i32
        %get3A_1137 = arith.index_cast %add3A_1136 : i32 to index
        %get3A_1138 = tpu.vector_load %arg8[%get3A_1137] {strides = array<i32>} : memref<3408xi32, #tpu.memory_space<vmem>>, vector<16xi32>,
        %swap3A_1139 = arith.constant 96 : index
        %swap3A_1140 = tpu.vector_load %arg12[%swap3A_1139] {strides = array<i32>} : memref<128xi32, #tpu.memory_space<vmem>>, vector<16xi32>,
        tpu.vector_store %arg12[%swap3A_1139], %get3A_1138 {strides = array<i32>} : memref<128xi32, #tpu.memory_space<vmem>>, vector<16xi32>,
        %add3A_1141 = arith.constant 112 : i32
        %add3A_1142 = arith.addi %mul3A_945, %add3A_1141 : i32
        %get3A_1143 = arith.index_cast %add3A_1142 : i32 to index
        %get3A_1144 = tpu.vector_load %arg9[%get3A_1143] {strides = array<i32>} : memref<3408xi32, #tpu.memory_space<vmem>>, vector<16xi32>,
        %swap3A_1145 = arith.constant 112 : index
        %swap3A_1146 = tpu.vector_load %arg11[%swap3A_1145] {strides = array<i32>} : memref<128xi32, #tpu.memory_space<vmem>>, vector<16xi32>,
        tpu.vector_store %arg11[%swap3A_1145], %get3A_1144 {strides = array<i32>} : memref<128xi32, #tpu.memory_space<vmem>>, vector<16xi32>,
        %add3A_1147 = arith.constant 112 : i32
        %add3A_1148 = arith.addi %mul3A_945, %add3A_1147 : i32
        %get3A_1149 = arith.index_cast %add3A_1148 : i32 to index
        %get3A_1150 = tpu.vector_load %arg8[%get3A_1149] {strides = array<i32>} : memref<3408xi32, #tpu.memory_space<vmem>>, vector<16xi32>,
        %swap3A_1151 = arith.constant 112 : index
        %swap3A_1152 = tpu.vector_load %arg10[%swap3A_1151] {strides = array<i32>} : memref<128xi32, #tpu.memory_space<vmem>>, vector<16xi32>,
        tpu.vector_store %arg10[%swap3A_1151], %get3A_1150 {strides = array<i32>} : memref<128xi32, #tpu.memory_space<vmem>>, vector<16xi32>,
        %add3A_1153 = arith.constant 128 : i32
        %add3A_1154 = arith.addi %mul3A_945, %add3A_1153 : i32
        %add3A_1155 = arith.constant 112 : i32
        %add3A_1156 = arith.addi %add3A_1154, %add3A_1155 : i32
        %get3A_1157 = arith.index_cast %add3A_1156 : i32 to index
        %get3A_1158 = tpu.vector_load %arg9[%get3A_1157] {strides = array<i32>} : memref<3408xi32, #tpu.memory_space<vmem>>, vector<16xi32>,
        %swap3A_1159 = arith.constant 112 : index
        %swap3A_1160 = tpu.vector_load %arg13[%swap3A_1159] {strides = array<i32>} : memref<128xi32, #tpu.memory_space<vmem>>, vector<16xi32>,
        tpu.vector_store %arg13[%swap3A_1159], %get3A_1158 {strides = array<i32>} : memref<128xi32, #tpu.memory_space<vmem>>, vector<16xi32>,
        %add3A_1161 = arith.constant 128 : i32
        %add3A_1162 = arith.addi %mul3A_945, %add3A_1161 : i32
        %add3A_1163 = arith.constant 112 : i32
        %add3A_1164 = arith.addi %add3A_1162, %add3A_1163 : i32
        %get3A_1165 = arith.index_cast %add3A_1164 : i32 to index
        %get3A_1166 = tpu.vector_load %arg8[%get3A_1165] {strides = array<i32>} : memref<3408xi32, #tpu.memory_space<vmem>>, vector<16xi32>,
        %swap3A_1167 = arith.constant 112 : index
        %swap3A_1168 = tpu.vector_load %arg12[%swap3A_1167] {strides = array<i32>} : memref<128xi32, #tpu.memory_space<vmem>>, vector<16xi32>,
        tpu.vector_store %arg12[%swap3A_1167], %get3A_1166 {strides = array<i32>} : memref<128xi32, #tpu.memory_space<vmem>>, vector<16xi32>,
        %dma_start3A_1169 = arith.constant 0 : i32
        %dma_start3A_1170 = arith.constant 0 : i32
        %dma_start3A_1171 = tpu.memref_slice %arg2[%dma_start3A_1169, %dma_start3A_1170] : memref<16384x128xf32, #tpu.memory_space<hbm>> -> memref<16384x128xf32, #tpu.memory_space<hbm>>
        tpu.enqueue_indirect_dma source(%dma_start3A_1171 : memref<16384x128xf32, #tpu.memory_space<hbm>>) target(%arg14 : memref<128x128xf32, #tpu.memory_space<vmem>>) offsets(%arg11 : memref<128xi32, #tpu.memory_space<vmem>>) semaphore(%arg20 : memref<!tpu.dma_semaphore, #tpu.memory_space<semaphore_mem>>)
        %dma_start3A_1172 = arith.constant 0 : i32
        %dma_start3A_1173 = arith.constant 0 : i32
        %dma_start3A_1174 = tpu.memref_slice %arg2[%dma_start3A_1172, %dma_start3A_1173] : memref<16384x128xf32, #tpu.memory_space<hbm>> -> memref<16384x128xf32, #tpu.memory_space<hbm>>
        tpu.enqueue_indirect_dma source(%dma_start3A_1174 : memref<16384x128xf32, #tpu.memory_space<hbm>>) target(%arg15 : memref<128x128xf32, #tpu.memory_space<vmem>>) offsets(%arg13 : memref<128xi32, #tpu.memory_space<vmem>>) semaphore(%arg21 : memref<!tpu.dma_semaphore, #tpu.memory_space<semaphore_mem>>)
        %dma_wait3A_1175 = arith.constant 0 : i32
        %dma_wait3A_1176 = arith.constant 0 : i32
        %dma_wait3A_1177 = tpu.memref_slice %arg2[%dma_wait3A_1175, %dma_wait3A_1176] : memref<16384x128xf32, #tpu.memory_space<hbm>> -> memref<16384x128xf32, #tpu.memory_space<hbm>>
        tpu.wait_indirect_dma semaphore(%arg20 : memref<!tpu.dma_semaphore, #tpu.memory_space<semaphore_mem>>) src(%dma_wait3A_1177 : memref<16384x128xf32, #tpu.memory_space<hbm>>) dst(%arg14 : memref<128x128xf32, #tpu.memory_space<vmem>>)
        %dma_start3A_1178 = arith.constant 0 : i32
        %dma_start3A_1179 = arith.constant 0 : i32
        %dma_start3A_1180 = tpu.memref_slice %arg5[%dma_start3A_1178, %dma_start3A_1179] : memref<100000x128xf32, #tpu.memory_space<hbm>> -> memref<100000x128xf32, #tpu.memory_space<hbm>>
        tpu.enqueue_indirect_dma source(%arg14 : memref<128x128xf32, #tpu.memory_space<vmem>>) target(%dma_start3A_1180 : memref<100000x128xf32, #tpu.memory_space<hbm>>) offsets(%arg10 : memref<128xi32, #tpu.memory_space<vmem>>) semaphore(%arg20 : memref<!tpu.dma_semaphore, #tpu.memory_space<semaphore_mem>>)
        %dma_wait3A_1181 = arith.constant 0 : i32
        %dma_wait3A_1182 = arith.constant 0 : i32
        %dma_wait3A_1183 = tpu.memref_slice %arg2[%dma_wait3A_1181, %dma_wait3A_1182] : memref<16384x128xf32, #tpu.memory_space<hbm>> -> memref<16384x128xf32, #tpu.memory_space<hbm>>
        tpu.wait_indirect_dma semaphore(%arg21 : memref<!tpu.dma_semaphore, #tpu.memory_space<semaphore_mem>>) src(%dma_wait3A_1183 : memref<16384x128xf32, #tpu.memory_space<hbm>>) dst(%arg15 : memref<128x128xf32, #tpu.memory_space<vmem>>)
        %dma_start3A_1184 = arith.constant 0 : i32
        %dma_start3A_1185 = arith.constant 0 : i32
        %dma_start3A_1186 = tpu.memref_slice %arg5[%dma_start3A_1184, %dma_start3A_1185] : memref<100000x128xf32, #tpu.memory_space<hbm>> -> memref<100000x128xf32, #tpu.memory_space<hbm>>
        tpu.enqueue_indirect_dma source(%arg15 : memref<128x128xf32, #tpu.memory_space<vmem>>) target(%dma_start3A_1186 : memref<100000x128xf32, #tpu.memory_space<hbm>>) offsets(%arg12 : memref<128xi32, #tpu.memory_space<vmem>>) semaphore(%arg21 : memref<!tpu.dma_semaphore, #tpu.memory_space<semaphore_mem>>)
        %dma_wait3A_1187 = arith.constant 0 : i32
        %dma_wait3A_1188 = arith.constant 0 : i32
        %dma_wait3A_1189 = tpu.memref_slice %arg5[%dma_wait3A_1187, %dma_wait3A_1188] : memref<100000x128xf32, #tpu.memory_space<hbm>> -> memref<100000x128xf32, #tpu.memory_space<hbm>>
        tpu.wait_indirect_dma semaphore(%arg20 : memref<!tpu.dma_semaphore, #tpu.memory_space<semaphore_mem>>) src(%arg14 : memref<128x128xf32, #tpu.memory_space<vmem>>) dst(%dma_wait3A_1189 : memref<100000x128xf32, #tpu.memory_space<hbm>>)
        %dma_wait3A_1190 = arith.constant 0 : i32
        %dma_wait3A_1191 = arith.constant 0 : i32
        %dma_wait3A_1192 = tpu.memref_slice %arg5[%dma_wait3A_1190, %dma_wait3A_1191] : memref<100000x128xf32, #tpu.memory_space<hbm>> -> memref<100000x128xf32, #tpu.memory_space<hbm>>
        tpu.wait_indirect_dma semaphore(%arg21 : memref<!tpu.dma_semaphore, #tpu.memory_space<semaphore_mem>>) src(%arg15 : memref<128x128xf32, #tpu.memory_space<vmem>>) dst(%dma_wait3A_1192 : memref<100000x128xf32, #tpu.memory_space<hbm>>)
        %while3A_1193 = arith.constant 0 : i32
        scf.yield %while3A_1193 : i32
      }
      %while3A_938 = arith.constant 1 : i32
      %while3A_939 = scf.for %while3A_940 = %while3A_935 to %while3A_931 step %while3A_938 iter_args(%while3A_941 = %while3A_937) -> (i32)  : i32 {
        %mul3A_942 = arith.constant 2 : i32
        %mul3A_943 = arith.muli %while3A_940, %mul3A_942 : i32
        %mul3A_944 = arith.constant 128 : i32
        %mul3A_945 = arith.muli %mul3A_943, %mul3A_944 : i32
        %add3A_946 = arith.constant 0 : i32
        %add3A_947 = arith.addi %mul3A_945, %add3A_946 : i32
        %get3A = arith.index_cast %add3A_947 : i32 to index
        %get3A_948 = tpu.vector_load %arg9[%get3A] {strides = array<i32>} : memref<3408xi32, #tpu.memory_space<vmem>>, vector<16xi32>,
        %swap3A_949 = arith.constant 0 : index
        %swap3A_950 = tpu.vector_load %arg11[%swap3A_949] {strides = array<i32>} : memref<128xi32, #tpu.memory_space<vmem>>, vector<16xi32>,
        tpu.vector_store %arg11[%swap3A_949], %get3A_948 {strides = array<i32>} : memref<128xi32, #tpu.memory_space<vmem>>, vector<16xi32>,
        %add3A_951 = arith.constant 0 : i32
        %add3A_952 = arith.addi %mul3A_945, %add3A_951 : i32
        %get3A_953 = arith.index_cast %add3A_952 : i32 to index
        %get3A_954 = tpu.vector_load %arg8[%get3A_953] {strides = array<i32>} : memref<3408xi32, #tpu.memory_space<vmem>>, vector<16xi32>,
        %swap3A_955 = arith.constant 0 : index
        %swap3A_956 = tpu.vector_load %arg10[%swap3A_955] {strides = array<i32>} : memref<128xi32, #tpu.memory_space<vmem>>, vector<16xi32>,
        tpu.vector_store %arg10[%swap3A_955], %get3A_954 {strides = array<i32>} : memref<128xi32, #tpu.memory_space<vmem>>, vector<16xi32>,
        %add3A_957 = arith.constant 128 : i32
        %add3A_958 = arith.addi %mul3A_945, %add3A_957 : i32
        %add3A_959 = arith.constant 0 : i32
        %add3A_960 = arith.addi %add3A_958, %add3A_959 : i32
        %get3A_961 = arith.index_cast %add3A_960 : i32 to index
        %get3A_962 = tpu.vector_load %arg9[%get3A_961] {strides = array<i32>} : memref<3408xi32, #tpu.memory_space<vmem>>, vector<16xi32>,
        %swap3A_963 = arith.constant 0 : index
        %swap3A_964 = tpu.vector_load %arg13[%swap3A_963] {strides = array<i32>} : memref<128xi32, #tpu.memory_space<vmem>>, vector<16xi32>,
        tpu.vector_store %arg13[%swap3A_963], %get3A_962 {strides = array<i32>} : memref<128xi32, #tpu.memory_space<vmem>>, vector<16xi32>,
        %add3A_965 = arith.constant 128 : i32
        %add3A_966 = arith.addi %mul3A_945, %add3A_965 : i32
        %add3A_967 = arith.constant 0 : i32
        %add3A_968 = arith.addi %add3A_966, %add3A_967 : i32
        %get3A_969 = arith.index_cast %add3A_968 : i32 to index
        %get3A_970 = tpu.vector_load %arg8[%get3A_969] {strides = array<i32>} : memref<3408xi32, #tpu.memory_space<vmem>>, vector<16xi32>,
        %swap3A_971 = arith.constant 0 : index
        %swap3A_972 = tpu.vector_load %arg12[%swap3A_971] {strides = array<i32>} : memref<128xi32, #tpu.memory_space<vmem>>, vector<16xi32>,
        tpu.vector_store %arg12[%swap3A_971], %get3A_970 {strides = array<i32>} : memref<128xi32, #tpu.memory_space<vmem>>, vector<16xi32>,
        %add3A_973 = arith.constant 16 : i32
        %add3A_974 = arith.addi %mul3A_945, %add3A_973 : i32
        %get3A_975 = arith.index_cast %add3A_974 : i32 to index
        %get3A_976 = tpu.vector_load %arg9[%get3A_975] {strides = array<i32>} : memref<3408xi32, #tpu.memory_space<vmem>>, vector<16xi32>,
        %swap3A_977 = arith.constant 16 : index
        %swap3A_978 = tpu.vector_load %arg11[%swap3A_977] {strides = array<i32>} : memref<128xi32, #tpu.memory_space<vmem>>, vector<16xi32>,
        tpu.vector_store %arg11[%swap3A_977], %get3A_976 {strides = array<i32>} : memref<128xi32, #tpu.memory_space<vmem>>, vector<16xi32>,
        %add3A_979 = arith.constant 16 : i32
        %add3A_980 = arith.addi %mul3A_945, %add3A_979 : i32
        %get3A_981 = arith.index_cast %add3A_980 : i32 to index
        %get3A_982 = tpu.vector_load %arg8[%get3A_981] {strides = array<i32>} : memref<3408xi32, #tpu.memory_space<vmem>>, vector<16xi32>,
        %swap3A_983 = arith.constant 16 : index
        %swap3A_984 = tpu.vector_load %arg10[%swap3A_983] {strides = array<i32>} : memref<128xi32, #tpu.memory_space<vmem>>, vector<16xi32>,
        tpu.vector_store %arg10[%swap3A_983], %get3A_982 {strides = array<i32>} : memref<128xi32, #tpu.memory_space<vmem>>, vector<16xi32>,
        %add3A_985 = arith.constant 128 : i32
        %add3A_986 = arith.addi %mul3A_945, %add3A_985 : i32
        %add3A_987 = arith.constant 16 : i32
        %add3A_988 = arith.addi %add3A_986, %add3A_987 : i32
        %get3A_989 = arith.index_cast %add3A_988 : i32 to index
        %get3A_990 = tpu.vector_load %arg9[%get3A_989] {strides = array<i32>} : memref<3408xi32, #tpu.memory_space<vmem>>, vector<16xi32>,
        %swap3A_991 = arith.constant 16 : index
        %swap3A_992 = tpu.vector_load %arg13[%swap3A_991] {strides = array<i32>} : memref<128xi32, #tpu.memory_space<vmem>>, vector<16xi32>,
        tpu.vector_store %arg13[%swap3A_991], %get3A_990 {strides = array<i32>} : memref<128xi32, #tpu.memory_space<vmem>>, vector<16xi32>,
        %add3A_993 = arith.constant 128 : i32
        %add3A_994 = arith.addi %mul3A_945, %add3A_993 : i32
        %add3A_995 = arith.constant 16 : i32
        %add3A_996 = arith.addi %add3A_994, %add3A_995 : i32
        %get3A_997 = arith.index_cast %add3A_996 : i32 to index
        %get3A_998 = tpu.vector_load %arg8[%get3A_997] {strides = array<i32>} : memref<3408xi32, #tpu.memory_space<vmem>>, vector<16xi32>,
        %swap3A_999 = arith.constant 16 : index
        %swap3A_1000 = tpu.vector_load %arg12[%swap3A_999] {strides = array<i32>} : memref<128xi32, #tpu.memory_space<vmem>>, vector<16xi32>,
        tpu.vector_store %arg12[%swap3A_999], %get3A_998 {strides = array<i32>} : memref<128xi32, #tpu.memory_space<vmem>>, vector<16xi32>,
        %add3A_1001 = arith.constant 32 : i32
        %add3A_1002 = arith.addi %mul3A_945, %add3A_1001 : i32
        %get3A_1003 = arith.index_cast %add3A_1002 : i32 to index
        %get3A_1004 = tpu.vector_load %arg9[%get3A_1003] {strides = array<i32>} : memref<3408xi32, #tpu.memory_space<vmem>>, vector<16xi32>,
        %swap3A_1005 = arith.constant 32 : index
        %swap3A_1006 = tpu.vector_load %arg11[%swap3A_1005] {strides = array<i32>} : memref<128xi32, #tpu.memory_space<vmem>>, vector<16xi32>,
        tpu.vector_store %arg11[%swap3A_1005], %get3A_1004 {strides = array<i32>} : memref<128xi32, #tpu.memory_space<vmem>>, vector<16xi32>,
        %add3A_1007 = arith.constant 32 : i32
        %add3A_1008 = arith.addi %mul3A_945, %add3A_1007 : i32
        %get3A_1009 = arith.index_cast %add3A_1008 : i32 to index
        %get3A_1010 = tpu.vector_load %arg8[%get3A_1009] {strides = array<i32>} : memref<3408xi32, #tpu.memory_space<vmem>>, vector<16xi32>,
        %swap3A_1011 = arith.constant 32 : index
        %swap3A_1012 = tpu.vector_load %arg10[%swap3A_1011] {strides = array<i32>} : memref<128xi32, #tpu.memory_space<vmem>>, vector<16xi32>,
        tpu.vector_store %arg10[%swap3A_1011], %get3A_1010 {strides = array<i32>} : memref<128xi32, #tpu.memory_space<vmem>>, vector<16xi32>,
        %add3A_1013 = arith.constant 128 : i32
        %add3A_1014 = arith.addi %mul3A_945, %add3A_1013 : i32
        %add3A_1015 = arith.constant 32 : i32
        %add3A_1016 = arith.addi %add3A_1014, %add3A_1015 : i32
        %get3A_1017 = arith.index_cast %add3A_1016 : i32 to index
        %get3A_1018 = tpu.vector_load %arg9[%get3A_1017] {strides = array<i32>} : memref<3408xi32, #tpu.memory_space<vmem>>, vector<16xi32>,
        %swap3A_1019 = arith.constant 32 : index
        %swap3A_1020 = tpu.vector_load %arg13[%swap3A_1019] {strides = array<i32>} : memref<128xi32, #tpu.memory_space<vmem>>, vector<16xi32>,
        tpu.vector_store %arg13[%swap3A_1019], %get3A_1018 {strides = array<i32>} : memref<128xi32, #tpu.memory_space<vmem>>, vector<16xi32>,
        %add3A_1021 = arith.constant 128 : i32
        %add3A_1022 = arith.addi %mul3A_945, %add3A_1021 : i32
        %add3A_1023 = arith.constant 32 : i32
        %add3A_1024 = arith.addi %add3A_1022, %add3A_1023 : i32
        %get3A_1025 = arith.index_cast %add3A_1024 : i32 to index
        %get3A_1026 = tpu.vector_load %arg8[%get3A_1025] {strides = array<i32>} : memref<3408xi32, #tpu.memory_space<vmem>>, vector<16xi32>,
        %swap3A_1027 = arith.constant 32 : index
        %swap3A_1028 = tpu.vector_load %arg12[%swap3A_1027] {strides = array<i32>} : memref<128xi32, #tpu.memory_space<vmem>>, vector<16xi32>,
        tpu.vector_store %arg12[%swap3A_1027], %get3A_1026 {strides = array<i32>} : memref<128xi32, #tpu.memory_space<vmem>>, vector<16xi32>,
        %add3A_1029 = arith.constant 48 : i32
        %add3A_1030 = arith.addi %mul3A_945, %add3A_1029 : i32
        %get3A_1031 = arith.index_cast %add3A_1030 : i32 to index
        %get3A_1032 = tpu.vector_load %arg9[%get3A_1031] {strides = array<i32>} : memref<3408xi32, #tpu.memory_space<vmem>>, vector<16xi32>,
        %swap3A_1033 = arith.constant 48 : index
        %swap3A_1034 = tpu.vector_load %arg11[%swap3A_1033] {strides = array<i32>} : memref<128xi32, #tpu.memory_space<vmem>>, vector<16xi32>,
        tpu.vector_store %arg11[%swap3A_1033], %get3A_1032 {strides = array<i32>} : memref<128xi32, #tpu.memory_space<vmem>>, vector<16xi32>,
        %add3A_1035 = arith.constant 48 : i32
        %add3A_1036 = arith.addi %mul3A_945, %add3A_1035 : i32
        %get3A_1037 = arith.index_cast %add3A_1036 : i32 to index
        %get3A_1038 = tpu.vector_load %arg8[%get3A_1037] {strides = array<i32>} : memref<3408xi32, #tpu.memory_space<vmem>>, vector<16xi32>,
        %swap3A_1039 = arith.constant 48 : index
        %swap3A_1040 = tpu.vector_load %arg10[%swap3A_1039] {strides = array<i32>} : memref<128xi32, #tpu.memory_space<vmem>>, vector<16xi32>,
        tpu.vector_store %arg10[%swap3A_1039], %get3A_1038 {strides = array<i32>} : memref<128xi32, #tpu.memory_space<vmem>>, vector<16xi32>,
        %add3A_1041 = arith.constant 128 : i32
        %add3A_1042 = arith.addi %mul3A_945, %add3A_1041 : i32
        %add3A_1043 = arith.constant 48 : i32
        %add3A_1044 = arith.addi %add3A_1042, %add3A_1043 : i32
        %get3A_1045 = arith.index_cast %add3A_1044 : i32 to index
        %get3A_1046 = tpu.vector_load %arg9[%get3A_1045] {strides = array<i32>} : memref<3408xi32, #tpu.memory_space<vmem>>, vector<16xi32>,
        %swap3A_1047 = arith.constant 48 : index
        %swap3A_1048 = tpu.vector_load %arg13[%swap3A_1047] {strides = array<i32>} : memref<128xi32, #tpu.memory_space<vmem>>, vector<16xi32>,
        tpu.vector_store %arg13[%swap3A_1047], %get3A_1046 {strides = array<i32>} : memref<128xi32, #tpu.memory_space<vmem>>, vector<16xi32>,
        %add3A_1049 = arith.constant 128 : i32
        %add3A_1050 = arith.addi %mul3A_945, %add3A_1049 : i32
        %add3A_1051 = arith.constant 48 : i32
        %add3A_1052 = arith.addi %add3A_1050, %add3A_1051 : i32
        %get3A_1053 = arith.index_cast %add3A_1052 : i32 to index
        %get3A_1054 = tpu.vector_load %arg8[%get3A_1053] {strides = array<i32>} : memref<3408xi32, #tpu.memory_space<vmem>>, vector<16xi32>,
        %swap3A_1055 = arith.constant 48 : index
        %swap3A_1056 = tpu.vector_load %arg12[%swap3A_1055] {strides = array<i32>} : memref<128xi32, #tpu.memory_space<vmem>>, vector<16xi32>,
        tpu.vector_store %arg12[%swap3A_1055], %get3A_1054 {strides = array<i32>} : memref<128xi32, #tpu.memory_space<vmem>>, vector<16xi32>,
        %add3A_1057 = arith.constant 64 : i32
        %add3A_1058 = arith.addi %mul3A_945, %add3A_1057 : i32
        %get3A_1059 = arith.index_cast %add3A_1058 : i32 to index
        %get3A_1060 = tpu.vector_load %arg9[%get3A_1059] {strides = array<i32>} : memref<3408xi32, #tpu.memory_space<vmem>>, vector<16xi32>,
        %swap3A_1061 = arith.constant 64 : index
        %swap3A_1062 = tpu.vector_load %arg11[%swap3A_1061] {strides = array<i32>} : memref<128xi32, #tpu.memory_space<vmem>>, vector<16xi32>,
        tpu.vector_store %arg11[%swap3A_1061], %get3A_1060 {strides = array<i32>} : memref<128xi32, #tpu.memory_space<vmem>>, vector<16xi32>,
        %add3A_1063 = arith.constant 64 : i32
        %add3A_1064 = arith.addi %mul3A_945, %add3A_1063 : i32
        %get3A_1065 = arith.index_cast %add3A_1064 : i32 to index
        %get3A_1066 = tpu.vector_load %arg8[%get3A_1065] {strides = array<i32>} : memref<3408xi32, #tpu.memory_space<vmem>>, vector<16xi32>,
        %swap3A_1067 = arith.constant 64 : index
        %swap3A_1068 = tpu.vector_load %arg10[%swap3A_1067] {strides = array<i32>} : memref<128xi32, #tpu.memory_space<vmem>>, vector<16xi32>,
        tpu.vector_store %arg10[%swap3A_1067], %get3A_1066 {strides = array<i32>} : memref<128xi32, #tpu.memory_space<vmem>>, vector<16xi32>,
        %add3A_1069 = arith.constant 128 : i32
        %add3A_1070 = arith.addi %mul3A_945, %add3A_1069 : i32
        %add3A_1071 = arith.constant 64 : i32
        %add3A_1072 = arith.addi %add3A_1070, %add3A_1071 : i32
        %get3A_1073 = arith.index_cast %add3A_1072 : i32 to index
        %get3A_1074 = tpu.vector_load %arg9[%get3A_1073] {strides = array<i32>} : memref<3408xi32, #tpu.memory_space<vmem>>, vector<16xi32>,
        %swap3A_1075 = arith.constant 64 : index
        %swap3A_1076 = tpu.vector_load %arg13[%swap3A_1075] {strides = array<i32>} : memref<128xi32, #tpu.memory_space<vmem>>, vector<16xi32>,
        tpu.vector_store %arg13[%swap3A_1075], %get3A_1074 {strides = array<i32>} : memref<128xi32, #tpu.memory_space<vmem>>, vector<16xi32>,
        %add3A_1077 = arith.constant 128 : i32
        %add3A_1078 = arith.addi %mul3A_945, %add3A_1077 : i32
        %add3A_1079 = arith.constant 64 : i32
        %add3A_1080 = arith.addi %add3A_1078, %add3A_1079 : i32
        %get3A_1081 = arith.index_cast %add3A_1080 : i32 to index
        %get3A_1082 = tpu.vector_load %arg8[%get3A_1081] {strides = array<i32>} : memref<3408xi32, #tpu.memory_space<vmem>>, vector<16xi32>,
        %swap3A_1083 = arith.constant 64 : index
        %swap3A_1084 = tpu.vector_load %arg12[%swap3A_1083] {strides = array<i32>} : memref<128xi32, #tpu.memory_space<vmem>>, vector<16xi32>,
        tpu.vector_store %arg12[%swap3A_1083], %get3A_1082 {strides = array<i32>} : memref<128xi32, #tpu.memory_space<vmem>>, vector<16xi32>,
        %add3A_1085 = arith.constant 80 : i32
        %add3A_1086 = arith.addi %mul3A_945, %add3A_1085 : i32
        %get3A_1087 = arith.index_cast %add3A_1086 : i32 to index
        %get3A_1088 = tpu.vector_load %arg9[%get3A_1087] {strides = array<i32>} : memref<3408xi32, #tpu.memory_space<vmem>>, vector<16xi32>,
        %swap3A_1089 = arith.constant 80 : index
        %swap3A_1090 = tpu.vector_load %arg11[%swap3A_1089] {strides = array<i32>} : memref<128xi32, #tpu.memory_space<vmem>>, vector<16xi32>,
        tpu.vector_store %arg11[%swap3A_1089], %get3A_1088 {strides = array<i32>} : memref<128xi32, #tpu.memory_space<vmem>>, vector<16xi32>,
        %add3A_1091 = arith.constant 80 : i32
        %add3A_1092 = arith.addi %mul3A_945, %add3A_1091 : i32
        %get3A_1093 = arith.index_cast %add3A_1092 : i32 to index
        %get3A_1094 = tpu.vector_load %arg8[%get3A_1093] {strides = array<i32>} : memref<3408xi32, #tpu.memory_space<vmem>>, vector<16xi32>,
        %swap3A_1095 = arith.constant 80 : index
        %swap3A_1096 = tpu.vector_load %arg10[%swap3A_1095] {strides = array<i32>} : memref<128xi32, #tpu.memory_space<vmem>>, vector<16xi32>,
        tpu.vector_store %arg10[%swap3A_1095], %get3A_1094 {strides = array<i32>} : memref<128xi32, #tpu.memory_space<vmem>>, vector<16xi32>,
        %add3A_1097 = arith.constant 128 : i32
        %add3A_1098 = arith.addi %mul3A_945, %add3A_1097 : i32
        %add3A_1099 = arith.constant 80 : i32
        %add3A_1100 = arith.addi %add3A_1098, %add3A_1099 : i32
        %get3A_1101 = arith.index_cast %add3A_1100 : i32 to index
        %get3A_1102 = tpu.vector_load %arg9[%get3A_1101] {strides = array<i32>} : memref<3408xi32, #tpu.memory_space<vmem>>, vector<16xi32>,
        %swap3A_1103 = arith.constant 80 : index
        %swap3A_1104 = tpu.vector_load %arg13[%swap3A_1103] {strides = array<i32>} : memref<128xi32, #tpu.memory_space<vmem>>, vector<16xi32>,
        tpu.vector_store %arg13[%swap3A_1103], %get3A_1102 {strides = array<i32>} : memref<128xi32, #tpu.memory_space<vmem>>, vector<16xi32>,
        %add3A_1105 = arith.constant 128 : i32
        %add3A_1106 = arith.addi %mul3A_945, %add3A_1105 : i32
        %add3A_1107 = arith.constant 80 : i32
        %add3A_1108 = arith.addi %add3A_1106, %add3A_1107 : i32
        %get3A_1109 = arith.index_cast %add3A_1108 : i32 to index
        %get3A_1110 = tpu.vector_load %arg8[%get3A_1109] {strides = array<i32>} : memref<3408xi32, #tpu.memory_space<vmem>>, vector<16xi32>,
        %swap3A_1111 = arith.constant 80 : index
        %swap3A_1112 = tpu.vector_load %arg12[%swap3A_1111] {strides = array<i32>} : memref<128xi32, #tpu.memory_space<vmem>>, vector<16xi32>,
        tpu.vector_store %arg12[%swap3A_1111], %get3A_1110 {strides = array<i32>} : memref<128xi32, #tpu.memory_space<vmem>>, vector<16xi32>,
        %add3A_1113 = arith.constant 96 : i32
        %add3A_1114 = arith.addi %mul3A_945, %add3A_1113 : i32
        %get3A_1115 = arith.index_cast %add3A_1114 : i32 to index
        %get3A_1116 = tpu.vector_load %arg9[%get3A_1115] {strides = array<i32>} : memref<3408xi32, #tpu.memory_space<vmem>>, vector<16xi32>,
        %swap3A_1117 = arith.constant 96 : index
        %swap3A_1118 = tpu.vector_load %arg11[%swap3A_1117] {strides = array<i32>} : memref<128xi32, #tpu.memory_space<vmem>>, vector<16xi32>,
        tpu.vector_store %arg11[%swap3A_1117], %get3A_1116 {strides = array<i32>} : memref<128xi32, #tpu.memory_space<vmem>>, vector<16xi32>,
        %add3A_1119 = arith.constant 96 : i32
        %add3A_1120 = arith.addi %mul3A_945, %add3A_1119 : i32
        %get3A_1121 = arith.index_cast %add3A_1120 : i32 to index
        %get3A_1122 = tpu.vector_load %arg8[%get3A_1121] {strides = array<i32>} : memref<3408xi32, #tpu.memory_space<vmem>>, vector<16xi32>,
        %swap3A_1123 = arith.constant 96 : index
        %swap3A_1124 = tpu.vector_load %arg10[%swap3A_1123] {strides = array<i32>} : memref<128xi32, #tpu.memory_space<vmem>>, vector<16xi32>,
        tpu.vector_store %arg10[%swap3A_1123], %get3A_1122 {strides = array<i32>} : memref<128xi32, #tpu.memory_space<vmem>>, vector<16xi32>,
        %add3A_1125 = arith.constant 128 : i32
        %add3A_1126 = arith.addi %mul3A_945, %add3A_1125 : i32
        %add3A_1127 = arith.constant 96 : i32
        %add3A_1128 = arith.addi %add3A_1126, %add3A_1127 : i32
        %get3A_1129 = arith.index_cast %add3A_1128 : i32 to index
        %get3A_1130 = tpu.vector_load %arg9[%get3A_1129] {strides = array<i32>} : memref<3408xi32, #tpu.memory_space<vmem>>, vector<16xi32>,
        %swap3A_1131 = arith.constant 96 : index
        %swap3A_1132 = tpu.vector_load %arg13[%swap3A_1131] {strides = array<i32>} : memref<128xi32, #tpu.memory_space<vmem>>, vector<16xi32>,
        tpu.vector_store %arg13[%swap3A_1131], %get3A_1130 {strides = array<i32>} : memref<128xi32, #tpu.memory_space<vmem>>, vector<16xi32>,
        %add3A_1133 = arith.constant 128 : i32
        %add3A_1134 = arith.addi %mul3A_945, %add3A_1133 : i32
        %add3A_1135 = arith.constant 96 : i32
        %add3A_1136 = arith.addi %add3A_1134, %add3A_1135 : i32
        %get3A_1137 = arith.index_cast %add3A_1136 : i32 to index
        %get3A_1138 = tpu.vector_load %arg8[%get3A_1137] {strides = array<i32>} : memref<3408xi32, #tpu.memory_space<vmem>>, vector<16xi32>,
        %swap3A_1139 = arith.constant 96 : index
        %swap3A_1140 = tpu.vector_load %arg12[%swap3A_1139] {strides = array<i32>} : memref<128xi32, #tpu.memory_space<vmem>>, vector<16xi32>,
        tpu.vector_store %arg12[%swap3A_1139], %get3A_1138 {strides = array<i32>} : memref<128xi32, #tpu.memory_space<vmem>>, vector<16xi32>,
        %add3A_1141 = arith.constant 112 : i32
        %add3A_1142 = arith.addi %mul3A_945, %add3A_1141 : i32
        %get3A_1143 = arith.index_cast %add3A_1142 : i32 to index
        %get3A_1144 = tpu.vector_load %arg9[%get3A_1143] {strides = array<i32>} : memref<3408xi32, #tpu.memory_space<vmem>>, vector<16xi32>,
        %swap3A_1145 = arith.constant 112 : index
        %swap3A_1146 = tpu.vector_load %arg11[%swap3A_1145] {strides = array<i32>} : memref<128xi32, #tpu.memory_space<vmem>>, vector<16xi32>,
        tpu.vector_store %arg11[%swap3A_1145], %get3A_1144 {strides = array<i32>} : memref<128xi32, #tpu.memory_space<vmem>>, vector<16xi32>,
        %add3A_1147 = arith.constant 112 : i32
        %add3A_1148 = arith.addi %mul3A_945, %add3A_1147 : i32
        %get3A_1149 = arith.index_cast %add3A_1148 : i32 to index
        %get3A_1150 = tpu.vector_load %arg8[%get3A_1149] {strides = array<i32>} : memref<3408xi32, #tpu.memory_space<vmem>>, vector<16xi32>,
        %swap3A_1151 = arith.constant 112 : index
        %swap3A_1152 = tpu.vector_load %arg10[%swap3A_1151] {strides = array<i32>} : memref<128xi32, #tpu.memory_space<vmem>>, vector<16xi32>,
        tpu.vector_store %arg10[%swap3A_1151], %get3A_1150 {strides = array<i32>} : memref<128xi32, #tpu.memory_space<vmem>>, vector<16xi32>,
        %add3A_1153 = arith.constant 128 : i32
        %add3A_1154 = arith.addi %mul3A_945, %add3A_1153 : i32
        %add3A_1155 = arith.constant 112 : i32
        %add3A_1156 = arith.addi %add3A_1154, %add3A_1155 : i32
        %get3A_1157 = arith.index_cast %add3A_1156 : i32 to index
        %get3A_1158 = tpu.vector_load %arg9[%get3A_1157] {strides = array<i32>} : memref<3408xi32, #tpu.memory_space<vmem>>, vector<16xi32>,
        %swap3A_1159 = arith.constant 112 : index
        %swap3A_1160 = tpu.vector_load %arg13[%swap3A_1159] {strides = array<i32>} : memref<128xi32, #tpu.memory_space<vmem>>, vector<16xi32>,
        tpu.vector_store %arg13[%swap3A_1159], %get3A_1158 {strides = array<i32>} : memref<128xi32, #tpu.memory_space<vmem>>, vector<16xi32>,
        %add3A_1161 = arith.constant 128 : i32
        %add3A_1162 = arith.addi %mul3A_945, %add3A_1161 : i32
        %add3A_1163 = arith.constant 112 : i32
        %add3A_1164 = arith.addi %add3A_1162, %add3A_1163 : i32
        %get3A_1165 = arith.index_cast %add3A_1164 : i32 to index
        %get3A_1166 = tpu.vector_load %arg8[%get3A_1165] {strides = array<i32>} : memref<3408xi32, #tpu.memory_space<vmem>>, vector<16xi32>,
        %swap3A_1167 = arith.constant 112 : index
        %swap3A_1168 = tpu.vector_load %arg12[%swap3A_1167] {strides = array<i32>} : memref<128xi32, #tpu.memory_space<vmem>>, vector<16xi32>,
        tpu.vector_store %arg12[%swap3A_1167], %get3A_1166 {strides = array<i32>} : memref<128xi32, #tpu.memory_space<vmem>>, vector<16xi32>,
        %dma_start3A_1169 = arith.constant 0 : i32
        %dma_start3A_1170 = arith.constant 0 : i32
        %dma_start3A_1171 = tpu.memref_slice %arg2[%dma_start3A_1169, %dma_start3A_1170] : memref<16384x128xf32, #tpu.memory_space<hbm>> -> memref<16384x128xf32, #tpu.memory_space<hbm>>
        tpu.enqueue_indirect_dma source(%dma_start3A_1171 : memref<16384x128xf32, #tpu.memory_space<hbm>>) target(%arg14 : memref<128x128xf32, #tpu.memory_space<vmem>>) offsets(%arg11 : memref<128xi32, #tpu.memory_space<vmem>>) semaphore(%arg20 : memref<!tpu.dma_semaphore, #tpu.memory_space<semaphore_mem>>)
        %dma_start3A_1172 = arith.constant 0 : i32
        %dma_start3A_1173 = arith.constant 0 : i32
        %dma_start3A_1174 = tpu.memref_slice %arg2[%dma_start3A_1172, %dma_start3A_1173] : memref<16384x128xf32, #tpu.memory_space<hbm>> -> memref<16384x128xf32, #tpu.memory_space<hbm>>
        tpu.enqueue_indirect_dma source(%dma_start3A_1174 : memref<16384x128xf32, #tpu.memory_space<hbm>>) target(%arg15 : memref<128x128xf32, #tpu.memory_space<vmem>>) offsets(%arg13 : memref<128xi32, #tpu.memory_space<vmem>>) semaphore(%arg21 : memref<!tpu.dma_semaphore, #tpu.memory_space<semaphore_mem>>)
        %dma_wait3A_1175 = arith.constant 0 : i32
        %dma_wait3A_1176 = arith.constant 0 : i32
        %dma_wait3A_1177 = tpu.memref_slice %arg2[%dma_wait3A_1175, %dma_wait3A_1176] : memref<16384x128xf32, #tpu.memory_space<hbm>> -> memref<16384x128xf32, #tpu.memory_space<hbm>>
        tpu.wait_indirect_dma semaphore(%arg20 : memref<!tpu.dma_semaphore, #tpu.memory_space<semaphore_mem>>) src(%dma_wait3A_1177 : memref<16384x128xf32, #tpu.memory_space<hbm>>) dst(%arg14 : memref<128x128xf32, #tpu.memory_space<vmem>>)
        %dma_start3A_1178 = arith.constant 0 : i32
        %dma_start3A_1179 = arith.constant 0 : i32
        %dma_start3A_1180 = tpu.memref_slice %arg5[%dma_start3A_1178, %dma_start3A_1179] : memref<100000x128xf32, #tpu.memory_space<hbm>> -> memref<100000x128xf32, #tpu.memory_space<hbm>>
        tpu.enqueue_indirect_dma source(%arg14 : memref<128x128xf32, #tpu.memory_space<vmem>>) target(%dma_start3A_1180 : memref<100000x128xf32, #tpu.memory_space<hbm>>) offsets(%arg10 : memref<128xi32, #tpu.memory_space<vmem>>) semaphore(%arg20 : memref<!tpu.dma_semaphore, #tpu.memory_space<semaphore_mem>>)
        %dma_wait3A_1181 = arith.constant 0 : i32
        %dma_wait3A_1182 = arith.constant 0 : i32
        %dma_wait3A_1183 = tpu.memref_slice %arg2[%dma_wait3A_1181, %dma_wait3A_1182] : memref<16384x128xf32, #tpu.memory_space<hbm>> -> memref<16384x128xf32, #tpu.memory_space<hbm>>
        tpu.wait_indirect_dma semaphore(%arg21 : memref<!tpu.dma_semaphore, #tpu.memory_space<semaphore_mem>>) src(%dma_wait3A_1183 : memref<16384x128xf32, #tpu.memory_space<hbm>>) dst(%arg15 : memref<128x128xf32, #tpu.memory_space<vmem>>)
        %dma_start3A_1184 = arith.constant 0 : i32
        %dma_start3A_1185 = arith.constant 0 : i32
        %dma_start3A_1186 = tpu.memref_slice %arg5[%dma_start3A_1184, %dma_start3A_1185] : memref<100000x128xf32, #tpu.memory_space<hbm>> -> memref<100000x128xf32, #tpu.memory_space<hbm>>
        tpu.enqueue_indirect_dma source(%arg15 : memref<128x128xf32, #tpu.memory_space<vmem>>) target(%dma_start3A_1186 : memref<100000x128xf32, #tpu.memory_space<hbm>>) offsets(%arg12 : memref<128xi32, #tpu.memory_space<vmem>>) semaphore(%arg21 : memref<!tpu.dma_semaphore, #tpu.memory_space<semaphore_mem>>)
        %dma_wait3A_1187 = arith.constant 0 : i32
        %dma_wait3A_1188 = arith.constant 0 : i32
        %dma_wait3A_1189 = tpu.memref_slice %arg5[%dma_wait3A_1187, %dma_wait3A_1188] : memref<100000x128xf32, #tpu.memory_space<hbm>> -> memref<100000x128xf32, #tpu.memory_space<hbm>>
        tpu.wait_indirect_dma semaphore(%arg20 : memref<!tpu.dma_semaphore, #tpu.memory_space<semaphore_mem>>) src(%arg14 : memref<128x128xf32, #tpu.memory_space<vmem>>) dst(%dma_wait3A_1189 : memref<100000x128xf32, #tpu.memory_space<hbm>>)
        %dma_wait3A_1190 = arith.constant 0 : i32
        %dma_wait3A_1191 = arith.constant 0 : i32
        %dma_wait3A_1192 = tpu.memref_slice %arg5[%dma_wait3A_1190, %dma_wait3A_1191] : memref<100000x128xf32, #tpu.memory_space<hbm>> -> memref<100000x128xf32, #tpu.memory_space<hbm>>
        tpu.wait_indirect_dma semaphore(%arg21 : memref<!tpu.dma_semaphore, #tpu.memory_space<semaphore_mem>>) src(%arg15 : memref<128x128xf32, #tpu.memory_space<vmem>>) dst(%dma_wait3A_1192 : memref<100000x128xf32, #tpu.memory_space<hbm>>)
        %while3A_1193 = arith.constant 0 : i32
        scf.yield %while3A_1193 : i32
      }
    } else {
    }
    return
  }
}

#map = affine_map<(d0, d1) -> (0, 0)>
#map1 = affine_map<(d0, d1) -> (0)>
module attributes {stable_mosaic.version = 14 : i64} {
  func.func @_gather_body(%arg0: i32, %arg1: i32, %arg2: memref<100000x128xf32, #tpu.memory_space<hbm>>, %arg3: memref<100000x128xf32, #tpu.memory_space<hbm>>, %arg4: memref<16384xi32, #tpu.memory_space<hbm>>, %arg5: memref<16384x128xf32, #tpu.memory_space<hbm>>, %arg6: memref<16384x128xf32, #tpu.memory_space<hbm>>, %arg7: memref<512xi32, #tpu.memory_space<vmem>>, %arg8: memref<512x128xf32, #tpu.memory_space<vmem>>, %arg9: memref<!tpu.dma_semaphore, #tpu.memory_space<semaphore_mem>>) attributes {dimension_semantics = [#tpu.dimension_semantics<core_parallel>, #tpu.dimension_semantics<subcore_parallel>], iteration_bounds = array<i64: 2, 16>, scalar_prefetch = 0 : i64, scratch_operands = 3 : i64, tpu.core_type = #tpu.core_type<sc_vector_subcore>, window_params = [{transform_indices = #map}, {transform_indices = #map}, {transform_indices = #map1}, {transform_indices = #map}, {transform_indices = #map}]} {
    %mul3A = arith.constant 2 : i32
    %mul3A_0 = arith.muli %arg1, %mul3A : i32
    %add3A = arith.addi %mul3A_0, %arg0 : i32
    %mul3A_1 = arith.constant 512 : i32
    %mul3A_2 = arith.muli %add3A, %mul3A_1 : i32
    "tpu.region"() ({
      %run_scoped3A = tpu.sem_alloc : memref<!tpu.dma_semaphore, #tpu.memory_space<semaphore_mem>>
      %dma_start3A_129 = tpu.memref_slice %arg4[%mul3A_2] : memref<16384xi32, #tpu.memory_space<hbm>> -> memref<512xi32, #tpu.memory_space<hbm>>
      %dma_start3A_130 = tpu.memref_slice %arg4[%mul3A_2] : memref<16384xi32, #tpu.memory_space<hbm>> -> memref<512xi32, #tpu.memory_space<hbm>>
      tpu.enqueue_dma source(%dma_start3A_130 : memref<512xi32, #tpu.memory_space<hbm>>) target(%arg7 : memref<512xi32, #tpu.memory_space<vmem>>) target_semaphore(%run_scoped3A : memref<!tpu.dma_semaphore, #tpu.memory_space<semaphore_mem>>)
      %dma_wait3A_131 = tpu.memref_slice %arg4[%mul3A_2] : memref<16384xi32, #tpu.memory_space<hbm>> -> memref<512xi32, #tpu.memory_space<hbm>>
      %dma_wait3A_132 = tpu.memref_slice %arg4[%mul3A_2] : memref<16384xi32, #tpu.memory_space<hbm>> -> memref<512xi32, #tpu.memory_space<hbm>>
      tpu.wait_dma2 semaphore(%run_scoped3A : memref<!tpu.dma_semaphore, #tpu.memory_space<semaphore_mem>>) src(%dma_wait3A_132 : memref<512xi32, #tpu.memory_space<hbm>>) dst(%arg7 : memref<512xi32, #tpu.memory_space<vmem>>)
      tpu.yield
    }) : () -> ()
    %dma_start3A = arith.constant 0 : i32
    %dma_start3A_3 = arith.constant 0 : i32
    %dma_start3A_4 = tpu.memref_slice %arg8[%dma_start3A, %dma_start3A_3] : memref<512x128xf32, #tpu.memory_space<vmem>> -> memref<128x128xf32, #tpu.memory_space<vmem>>
    %dma_start3A_5 = arith.constant 0 : i32
    %dma_start3A_6 = tpu.memref_slice %arg7[%dma_start3A_5] : memref<512xi32, #tpu.memory_space<vmem>> -> memref<128xi32, #tpu.memory_space<vmem>>
    %dma_start3A_7 = arith.constant 0 : i32
    %dma_start3A_8 = arith.constant 0 : i32
    %dma_start3A_9 = tpu.memref_slice %arg2[%dma_start3A_7, %dma_start3A_8] : memref<100000x128xf32, #tpu.memory_space<hbm>> -> memref<100000x128xf32, #tpu.memory_space<hbm>>
    tpu.enqueue_indirect_dma source(%dma_start3A_9 : memref<100000x128xf32, #tpu.memory_space<hbm>>) target(%dma_start3A_4 : memref<128x128xf32, #tpu.memory_space<vmem>>) offsets(%dma_start3A_6 : memref<128xi32, #tpu.memory_space<vmem>>) semaphore(%arg9 : memref<!tpu.dma_semaphore, #tpu.memory_space<semaphore_mem>>)
    %dma_start3A_10 = arith.constant 128 : i32
    %dma_start3A_11 = arith.constant 0 : i32
    %dma_start3A_12 = tpu.memref_slice %arg8[%dma_start3A_10, %dma_start3A_11] : memref<512x128xf32, #tpu.memory_space<vmem>> -> memref<128x128xf32, #tpu.memory_space<vmem>>
    %dma_start3A_13 = arith.constant 128 : i32
    %dma_start3A_14 = tpu.memref_slice %arg7[%dma_start3A_13] : memref<512xi32, #tpu.memory_space<vmem>> -> memref<128xi32, #tpu.memory_space<vmem>>
    %dma_start3A_15 = arith.constant 0 : i32
    %dma_start3A_16 = arith.constant 0 : i32
    %dma_start3A_17 = tpu.memref_slice %arg2[%dma_start3A_15, %dma_start3A_16] : memref<100000x128xf32, #tpu.memory_space<hbm>> -> memref<100000x128xf32, #tpu.memory_space<hbm>>
    tpu.enqueue_indirect_dma source(%dma_start3A_17 : memref<100000x128xf32, #tpu.memory_space<hbm>>) target(%dma_start3A_12 : memref<128x128xf32, #tpu.memory_space<vmem>>) offsets(%dma_start3A_14 : memref<128xi32, #tpu.memory_space<vmem>>) semaphore(%arg9 : memref<!tpu.dma_semaphore, #tpu.memory_space<semaphore_mem>>)
    %dma_start3A_18 = arith.constant 256 : i32
    %dma_start3A_19 = arith.constant 0 : i32
    %dma_start3A_20 = tpu.memref_slice %arg8[%dma_start3A_18, %dma_start3A_19] : memref<512x128xf32, #tpu.memory_space<vmem>> -> memref<128x128xf32, #tpu.memory_space<vmem>>
    %dma_start3A_21 = arith.constant 256 : i32
    %dma_start3A_22 = tpu.memref_slice %arg7[%dma_start3A_21] : memref<512xi32, #tpu.memory_space<vmem>> -> memref<128xi32, #tpu.memory_space<vmem>>
    %dma_start3A_23 = arith.constant 0 : i32
    %dma_start3A_24 = arith.constant 0 : i32
    %dma_start3A_25 = tpu.memref_slice %arg2[%dma_start3A_23, %dma_start3A_24] : memref<100000x128xf32, #tpu.memory_space<hbm>> -> memref<100000x128xf32, #tpu.memory_space<hbm>>
    tpu.enqueue_indirect_dma source(%dma_start3A_25 : memref<100000x128xf32, #tpu.memory_space<hbm>>) target(%dma_start3A_20 : memref<128x128xf32, #tpu.memory_space<vmem>>) offsets(%dma_start3A_22 : memref<128xi32, #tpu.memory_space<vmem>>) semaphore(%arg9 : memref<!tpu.dma_semaphore, #tpu.memory_space<semaphore_mem>>)
    %dma_start3A_26 = arith.constant 384 : i32
    %dma_start3A_27 = arith.constant 0 : i32
    %dma_start3A_28 = tpu.memref_slice %arg8[%dma_start3A_26, %dma_start3A_27] : memref<512x128xf32, #tpu.memory_space<vmem>> -> memref<128x128xf32, #tpu.memory_space<vmem>>
    %dma_start3A_29 = arith.constant 384 : i32
    %dma_start3A_30 = tpu.memref_slice %arg7[%dma_start3A_29] : memref<512xi32, #tpu.memory_space<vmem>> -> memref<128xi32, #tpu.memory_space<vmem>>
    %dma_start3A_31 = arith.constant 0 : i32
    %dma_start3A_32 = arith.constant 0 : i32
    %dma_start3A_33 = tpu.memref_slice %arg2[%dma_start3A_31, %dma_start3A_32] : memref<100000x128xf32, #tpu.memory_space<hbm>> -> memref<100000x128xf32, #tpu.memory_space<hbm>>
    tpu.enqueue_indirect_dma source(%dma_start3A_33 : memref<100000x128xf32, #tpu.memory_space<hbm>>) target(%dma_start3A_28 : memref<128x128xf32, #tpu.memory_space<vmem>>) offsets(%dma_start3A_30 : memref<128xi32, #tpu.memory_space<vmem>>) semaphore(%arg9 : memref<!tpu.dma_semaphore, #tpu.memory_space<semaphore_mem>>)
    %dma_wait3A = arith.constant 0 : i32
    %dma_wait3A_34 = arith.constant 0 : i32
    %dma_wait3A_35 = tpu.memref_slice %arg8[%dma_wait3A, %dma_wait3A_34] : memref<512x128xf32, #tpu.memory_space<vmem>> -> memref<128x128xf32, #tpu.memory_space<vmem>>
    %dma_wait3A_36 = arith.constant 0 : i32
    %dma_wait3A_37 = tpu.memref_slice %arg7[%dma_wait3A_36] : memref<512xi32, #tpu.memory_space<vmem>> -> memref<128xi32, #tpu.memory_space<vmem>>
    %dma_wait3A_38 = arith.constant 0 : i32
    %dma_wait3A_39 = arith.constant 0 : i32
    %dma_wait3A_40 = tpu.memref_slice %arg2[%dma_wait3A_38, %dma_wait3A_39] : memref<100000x128xf32, #tpu.memory_space<hbm>> -> memref<100000x128xf32, #tpu.memory_space<hbm>>
    tpu.wait_indirect_dma semaphore(%arg9 : memref<!tpu.dma_semaphore, #tpu.memory_space<semaphore_mem>>) src(%dma_wait3A_40 : memref<100000x128xf32, #tpu.memory_space<hbm>>) dst(%dma_wait3A_35 : memref<128x128xf32, #tpu.memory_space<vmem>>)
    %dma_wait3A_41 = arith.constant 128 : i32
    %dma_wait3A_42 = arith.constant 0 : i32
    %dma_wait3A_43 = tpu.memref_slice %arg8[%dma_wait3A_41, %dma_wait3A_42] : memref<512x128xf32, #tpu.memory_space<vmem>> -> memref<128x128xf32, #tpu.memory_space<vmem>>
    %dma_wait3A_44 = arith.constant 128 : i32
    %dma_wait3A_45 = tpu.memref_slice %arg7[%dma_wait3A_44] : memref<512xi32, #tpu.memory_space<vmem>> -> memref<128xi32, #tpu.memory_space<vmem>>
    %dma_wait3A_46 = arith.constant 0 : i32
    %dma_wait3A_47 = arith.constant 0 : i32
    %dma_wait3A_48 = tpu.memref_slice %arg2[%dma_wait3A_46, %dma_wait3A_47] : memref<100000x128xf32, #tpu.memory_space<hbm>> -> memref<100000x128xf32, #tpu.memory_space<hbm>>
    tpu.wait_indirect_dma semaphore(%arg9 : memref<!tpu.dma_semaphore, #tpu.memory_space<semaphore_mem>>) src(%dma_wait3A_48 : memref<100000x128xf32, #tpu.memory_space<hbm>>) dst(%dma_wait3A_43 : memref<128x128xf32, #tpu.memory_space<vmem>>)
    %dma_wait3A_49 = arith.constant 256 : i32
    %dma_wait3A_50 = arith.constant 0 : i32
    %dma_wait3A_51 = tpu.memref_slice %arg8[%dma_wait3A_49, %dma_wait3A_50] : memref<512x128xf32, #tpu.memory_space<vmem>> -> memref<128x128xf32, #tpu.memory_space<vmem>>
    %dma_wait3A_52 = arith.constant 256 : i32
    %dma_wait3A_53 = tpu.memref_slice %arg7[%dma_wait3A_52] : memref<512xi32, #tpu.memory_space<vmem>> -> memref<128xi32, #tpu.memory_space<vmem>>
    %dma_wait3A_54 = arith.constant 0 : i32
    %dma_wait3A_55 = arith.constant 0 : i32
    %dma_wait3A_56 = tpu.memref_slice %arg2[%dma_wait3A_54, %dma_wait3A_55] : memref<100000x128xf32, #tpu.memory_space<hbm>> -> memref<100000x128xf32, #tpu.memory_space<hbm>>
    tpu.wait_indirect_dma semaphore(%arg9 : memref<!tpu.dma_semaphore, #tpu.memory_space<semaphore_mem>>) src(%dma_wait3A_56 : memref<100000x128xf32, #tpu.memory_space<hbm>>) dst(%dma_wait3A_51 : memref<128x128xf32, #tpu.memory_space<vmem>>)
    %dma_wait3A_57 = arith.constant 384 : i32
    %dma_wait3A_58 = arith.constant 0 : i32
    %dma_wait3A_59 = tpu.memref_slice %arg8[%dma_wait3A_57, %dma_wait3A_58] : memref<512x128xf32, #tpu.memory_space<vmem>> -> memref<128x128xf32, #tpu.memory_space<vmem>>
    %dma_wait3A_60 = arith.constant 384 : i32
    %dma_wait3A_61 = tpu.memref_slice %arg7[%dma_wait3A_60] : memref<512xi32, #tpu.memory_space<vmem>> -> memref<128xi32, #tpu.memory_space<vmem>>
    %dma_wait3A_62 = arith.constant 0 : i32
    %dma_wait3A_63 = arith.constant 0 : i32
    %dma_wait3A_64 = tpu.memref_slice %arg2[%dma_wait3A_62, %dma_wait3A_63] : memref<100000x128xf32, #tpu.memory_space<hbm>> -> memref<100000x128xf32, #tpu.memory_space<hbm>>
    tpu.wait_indirect_dma semaphore(%arg9 : memref<!tpu.dma_semaphore, #tpu.memory_space<semaphore_mem>>) src(%dma_wait3A_64 : memref<100000x128xf32, #tpu.memory_space<hbm>>) dst(%dma_wait3A_59 : memref<128x128xf32, #tpu.memory_space<vmem>>)
    "tpu.region"() ({
      %run_scoped3A = tpu.sem_alloc : memref<!tpu.dma_semaphore, #tpu.memory_space<semaphore_mem>>
      %dma_start3A_129 = arith.constant 0 : i32
      %dma_start3A_130 = tpu.memref_slice %arg5[%mul3A_2, %dma_start3A_129] : memref<16384x128xf32, #tpu.memory_space<hbm>> -> memref<512x128xf32, #tpu.memory_space<hbm>>
      %dma_start3A_131 = arith.constant 0 : i32
      %dma_start3A_132 = tpu.memref_slice %arg5[%mul3A_2, %dma_start3A_131] : memref<16384x128xf32, #tpu.memory_space<hbm>> -> memref<512x128xf32, #tpu.memory_space<hbm>>
      tpu.enqueue_dma source(%arg8 : memref<512x128xf32, #tpu.memory_space<vmem>>) target(%dma_start3A_132 : memref<512x128xf32, #tpu.memory_space<hbm>>) target_semaphore(%run_scoped3A : memref<!tpu.dma_semaphore, #tpu.memory_space<semaphore_mem>>)
      %dma_wait3A_133 = arith.constant 0 : i32
      %dma_wait3A_134 = tpu.memref_slice %arg5[%mul3A_2, %dma_wait3A_133] : memref<16384x128xf32, #tpu.memory_space<hbm>> -> memref<512x128xf32, #tpu.memory_space<hbm>>
      %dma_wait3A_135 = arith.constant 0 : i32
      %dma_wait3A_136 = tpu.memref_slice %arg5[%mul3A_2, %dma_wait3A_135] : memref<16384x128xf32, #tpu.memory_space<hbm>> -> memref<512x128xf32, #tpu.memory_space<hbm>>
      tpu.wait_dma2 semaphore(%run_scoped3A : memref<!tpu.dma_semaphore, #tpu.memory_space<semaphore_mem>>) src(%arg8 : memref<512x128xf32, #tpu.memory_space<vmem>>) dst(%dma_wait3A_136 : memref<512x128xf32, #tpu.memory_space<hbm>>)
      tpu.yield
    }) : () -> ()
    %dma_start3A_65 = arith.constant 0 : i32
    %dma_start3A_66 = arith.constant 0 : i32
    %dma_start3A_67 = tpu.memref_slice %arg8[%dma_start3A_65, %dma_start3A_66] : memref<512x128xf32, #tpu.memory_space<vmem>> -> memref<128x128xf32, #tpu.memory_space<vmem>>
    %dma_start3A_68 = arith.constant 0 : i32
    %dma_start3A_69 = tpu.memref_slice %arg7[%dma_start3A_68] : memref<512xi32, #tpu.memory_space<vmem>> -> memref<128xi32, #tpu.memory_space<vmem>>
    %dma_start3A_70 = arith.constant 0 : i32
    %dma_start3A_71 = arith.constant 0 : i32
    %dma_start3A_72 = tpu.memref_slice %arg3[%dma_start3A_70, %dma_start3A_71] : memref<100000x128xf32, #tpu.memory_space<hbm>> -> memref<100000x128xf32, #tpu.memory_space<hbm>>
    tpu.enqueue_indirect_dma source(%dma_start3A_72 : memref<100000x128xf32, #tpu.memory_space<hbm>>) target(%dma_start3A_67 : memref<128x128xf32, #tpu.memory_space<vmem>>) offsets(%dma_start3A_69 : memref<128xi32, #tpu.memory_space<vmem>>) semaphore(%arg9 : memref<!tpu.dma_semaphore, #tpu.memory_space<semaphore_mem>>)
    %dma_start3A_73 = arith.constant 128 : i32
    %dma_start3A_74 = arith.constant 0 : i32
    %dma_start3A_75 = tpu.memref_slice %arg8[%dma_start3A_73, %dma_start3A_74] : memref<512x128xf32, #tpu.memory_space<vmem>> -> memref<128x128xf32, #tpu.memory_space<vmem>>
    %dma_start3A_76 = arith.constant 128 : i32
    %dma_start3A_77 = tpu.memref_slice %arg7[%dma_start3A_76] : memref<512xi32, #tpu.memory_space<vmem>> -> memref<128xi32, #tpu.memory_space<vmem>>
    %dma_start3A_78 = arith.constant 0 : i32
    %dma_start3A_79 = arith.constant 0 : i32
    %dma_start3A_80 = tpu.memref_slice %arg3[%dma_start3A_78, %dma_start3A_79] : memref<100000x128xf32, #tpu.memory_space<hbm>> -> memref<100000x128xf32, #tpu.memory_space<hbm>>
    tpu.enqueue_indirect_dma source(%dma_start3A_80 : memref<100000x128xf32, #tpu.memory_space<hbm>>) target(%dma_start3A_75 : memref<128x128xf32, #tpu.memory_space<vmem>>) offsets(%dma_start3A_77 : memref<128xi32, #tpu.memory_space<vmem>>) semaphore(%arg9 : memref<!tpu.dma_semaphore, #tpu.memory_space<semaphore_mem>>)
    %dma_start3A_81 = arith.constant 256 : i32
    %dma_start3A_82 = arith.constant 0 : i32
    %dma_start3A_83 = tpu.memref_slice %arg8[%dma_start3A_81, %dma_start3A_82] : memref<512x128xf32, #tpu.memory_space<vmem>> -> memref<128x128xf32, #tpu.memory_space<vmem>>
    %dma_start3A_84 = arith.constant 256 : i32
    %dma_start3A_85 = tpu.memref_slice %arg7[%dma_start3A_84] : memref<512xi32, #tpu.memory_space<vmem>> -> memref<128xi32, #tpu.memory_space<vmem>>
    %dma_start3A_86 = arith.constant 0 : i32
    %dma_start3A_87 = arith.constant 0 : i32
    %dma_start3A_88 = tpu.memref_slice %arg3[%dma_start3A_86, %dma_start3A_87] : memref<100000x128xf32, #tpu.memory_space<hbm>> -> memref<100000x128xf32, #tpu.memory_space<hbm>>
    tpu.enqueue_indirect_dma source(%dma_start3A_88 : memref<100000x128xf32, #tpu.memory_space<hbm>>) target(%dma_start3A_83 : memref<128x128xf32, #tpu.memory_space<vmem>>) offsets(%dma_start3A_85 : memref<128xi32, #tpu.memory_space<vmem>>) semaphore(%arg9 : memref<!tpu.dma_semaphore, #tpu.memory_space<semaphore_mem>>)
    %dma_start3A_89 = arith.constant 384 : i32
    %dma_start3A_90 = arith.constant 0 : i32
    %dma_start3A_91 = tpu.memref_slice %arg8[%dma_start3A_89, %dma_start3A_90] : memref<512x128xf32, #tpu.memory_space<vmem>> -> memref<128x128xf32, #tpu.memory_space<vmem>>
    %dma_start3A_92 = arith.constant 384 : i32
    %dma_start3A_93 = tpu.memref_slice %arg7[%dma_start3A_92] : memref<512xi32, #tpu.memory_space<vmem>> -> memref<128xi32, #tpu.memory_space<vmem>>
    %dma_start3A_94 = arith.constant 0 : i32
    %dma_start3A_95 = arith.constant 0 : i32
    %dma_start3A_96 = tpu.memref_slice %arg3[%dma_start3A_94, %dma_start3A_95] : memref<100000x128xf32, #tpu.memory_space<hbm>> -> memref<100000x128xf32, #tpu.memory_space<hbm>>
    tpu.enqueue_indirect_dma source(%dma_start3A_96 : memref<100000x128xf32, #tpu.memory_space<hbm>>) target(%dma_start3A_91 : memref<128x128xf32, #tpu.memory_space<vmem>>) offsets(%dma_start3A_93 : memref<128xi32, #tpu.memory_space<vmem>>) semaphore(%arg9 : memref<!tpu.dma_semaphore, #tpu.memory_space<semaphore_mem>>)
    %dma_wait3A_97 = arith.constant 0 : i32
    %dma_wait3A_98 = arith.constant 0 : i32
    %dma_wait3A_99 = tpu.memref_slice %arg8[%dma_wait3A_97, %dma_wait3A_98] : memref<512x128xf32, #tpu.memory_space<vmem>> -> memref<128x128xf32, #tpu.memory_space<vmem>>
    %dma_wait3A_100 = arith.constant 0 : i32
    %dma_wait3A_101 = tpu.memref_slice %arg7[%dma_wait3A_100] : memref<512xi32, #tpu.memory_space<vmem>> -> memref<128xi32, #tpu.memory_space<vmem>>
    %dma_wait3A_102 = arith.constant 0 : i32
    %dma_wait3A_103 = arith.constant 0 : i32
    %dma_wait3A_104 = tpu.memref_slice %arg3[%dma_wait3A_102, %dma_wait3A_103] : memref<100000x128xf32, #tpu.memory_space<hbm>> -> memref<100000x128xf32, #tpu.memory_space<hbm>>
    tpu.wait_indirect_dma semaphore(%arg9 : memref<!tpu.dma_semaphore, #tpu.memory_space<semaphore_mem>>) src(%dma_wait3A_104 : memref<100000x128xf32, #tpu.memory_space<hbm>>) dst(%dma_wait3A_99 : memref<128x128xf32, #tpu.memory_space<vmem>>)
    %dma_wait3A_105 = arith.constant 128 : i32
    %dma_wait3A_106 = arith.constant 0 : i32
    %dma_wait3A_107 = tpu.memref_slice %arg8[%dma_wait3A_105, %dma_wait3A_106] : memref<512x128xf32, #tpu.memory_space<vmem>> -> memref<128x128xf32, #tpu.memory_space<vmem>>
    %dma_wait3A_108 = arith.constant 128 : i32
    %dma_wait3A_109 = tpu.memref_slice %arg7[%dma_wait3A_108] : memref<512xi32, #tpu.memory_space<vmem>> -> memref<128xi32, #tpu.memory_space<vmem>>
    %dma_wait3A_110 = arith.constant 0 : i32
    %dma_wait3A_111 = arith.constant 0 : i32
    %dma_wait3A_112 = tpu.memref_slice %arg3[%dma_wait3A_110, %dma_wait3A_111] : memref<100000x128xf32, #tpu.memory_space<hbm>> -> memref<100000x128xf32, #tpu.memory_space<hbm>>
    tpu.wait_indirect_dma semaphore(%arg9 : memref<!tpu.dma_semaphore, #tpu.memory_space<semaphore_mem>>) src(%dma_wait3A_112 : memref<100000x128xf32, #tpu.memory_space<hbm>>) dst(%dma_wait3A_107 : memref<128x128xf32, #tpu.memory_space<vmem>>)
    %dma_wait3A_113 = arith.constant 256 : i32
    %dma_wait3A_114 = arith.constant 0 : i32
    %dma_wait3A_115 = tpu.memref_slice %arg8[%dma_wait3A_113, %dma_wait3A_114] : memref<512x128xf32, #tpu.memory_space<vmem>> -> memref<128x128xf32, #tpu.memory_space<vmem>>
    %dma_wait3A_116 = arith.constant 256 : i32
    %dma_wait3A_117 = tpu.memref_slice %arg7[%dma_wait3A_116] : memref<512xi32, #tpu.memory_space<vmem>> -> memref<128xi32, #tpu.memory_space<vmem>>
    %dma_wait3A_118 = arith.constant 0 : i32
    %dma_wait3A_119 = arith.constant 0 : i32
    %dma_wait3A_120 = tpu.memref_slice %arg3[%dma_wait3A_118, %dma_wait3A_119] : memref<100000x128xf32, #tpu.memory_space<hbm>> -> memref<100000x128xf32, #tpu.memory_space<hbm>>
    tpu.wait_indirect_dma semaphore(%arg9 : memref<!tpu.dma_semaphore, #tpu.memory_space<semaphore_mem>>) src(%dma_wait3A_120 : memref<100000x128xf32, #tpu.memory_space<hbm>>) dst(%dma_wait3A_115 : memref<128x128xf32, #tpu.memory_space<vmem>>)
    %dma_wait3A_121 = arith.constant 384 : i32
    %dma_wait3A_122 = arith.constant 0 : i32
    %dma_wait3A_123 = tpu.memref_slice %arg8[%dma_wait3A_121, %dma_wait3A_122] : memref<512x128xf32, #tpu.memory_space<vmem>> -> memref<128x128xf32, #tpu.memory_space<vmem>>
    %dma_wait3A_124 = arith.constant 384 : i32
    %dma_wait3A_125 = tpu.memref_slice %arg7[%dma_wait3A_124] : memref<512xi32, #tpu.memory_space<vmem>> -> memref<128xi32, #tpu.memory_space<vmem>>
    %dma_wait3A_126 = arith.constant 0 : i32
    %dma_wait3A_127 = arith.constant 0 : i32
    %dma_wait3A_128 = tpu.memref_slice %arg3[%dma_wait3A_126, %dma_wait3A_127] : memref<100000x128xf32, #tpu.memory_space<hbm>> -> memref<100000x128xf32, #tpu.memory_space<hbm>>
    tpu.wait_indirect_dma semaphore(%arg9 : memref<!tpu.dma_semaphore, #tpu.memory_space<semaphore_mem>>) src(%dma_wait3A_128 : memref<100000x128xf32, #tpu.memory_space<hbm>>) dst(%dma_wait3A_123 : memref<128x128xf32, #tpu.memory_space<vmem>>)
    "tpu.region"() ({
      %run_scoped3A = tpu.sem_alloc : memref<!tpu.dma_semaphore, #tpu.memory_space<semaphore_mem>>
      %dma_start3A_129 = arith.constant 0 : i32
      %dma_start3A_130 = tpu.memref_slice %arg6[%mul3A_2, %dma_start3A_129] : memref<16384x128xf32, #tpu.memory_space<hbm>> -> memref<512x128xf32, #tpu.memory_space<hbm>>
      %dma_start3A_131 = arith.constant 0 : i32
      %dma_start3A_132 = tpu.memref_slice %arg6[%mul3A_2, %dma_start3A_131] : memref<16384x128xf32, #tpu.memory_space<hbm>> -> memref<512x128xf32, #tpu.memory_space<hbm>>
      tpu.enqueue_dma source(%arg8 : memref<512x128xf32, #tpu.memory_space<vmem>>) target(%dma_start3A_132 : memref<512x128xf32, #tpu.memory_space<hbm>>) target_semaphore(%run_scoped3A : memref<!tpu.dma_semaphore, #tpu.memory_space<semaphore_mem>>)
      %dma_wait3A_133 = arith.constant 0 : i32
      %dma_wait3A_134 = tpu.memref_slice %arg6[%mul3A_2, %dma_wait3A_133] : memref<16384x128xf32, #tpu.memory_space<hbm>> -> memref<512x128xf32, #tpu.memory_space<hbm>>
      %dma_wait3A_135 = arith.constant 0 : i32
      %dma_wait3A_136 = tpu.memref_slice %arg6[%mul3A_2, %dma_wait3A_135] : memref<16384x128xf32, #tpu.memory_space<hbm>> -> memref<512x128xf32, #tpu.memory_space<hbm>>
      tpu.wait_dma2 semaphore(%run_scoped3A : memref<!tpu.dma_semaphore, #tpu.memory_space<semaphore_mem>>) src(%arg8 : memref<512x128xf32, #tpu.memory_space<vmem>>) dst(%dma_wait3A_136 : memref<512x128xf32, #tpu.memory_space<hbm>>)
      tpu.yield
    }) : () -> ()
    return
  }
}

module attributes {stable_mosaic.version = 14 : i64} {
  func.func @_dense_body(%arg0: i32, %arg1: memref<4096x128xf32, #tpu.memory_space<vmem>>, %arg2: memref<4096x128xf32, #tpu.memory_space<vmem>>, %arg3: memref<4096x128xf32, #tpu.memory_space<vmem>>, %arg4: memref<4096x128xf32, #tpu.memory_space<vmem>>, %arg5: memref<1x1xf32, #tpu.memory_space<smem>>, %arg6: memref<4096x128xf32, #tpu.memory_space<vmem>>) attributes {dimension_semantics = [#tpu.dimension_semantics<arbitrary>], iteration_bounds = array<i64: 4>, scalar_prefetch = 0 : i64, scratch_operands = 0 : i64, tpu.core_type = #tpu.core_type<tc>, window_params = [{transform_indices = @transform_0, window_bounds = array<i64: 4096, 128>}, {transform_indices = @transform_1, window_bounds = array<i64: 4096, 128>}, {transform_indices = @transform_2, window_bounds = array<i64: 4096, 128>}, {transform_indices = @transform_3, window_bounds = array<i64: 4096, 128>}, {transform_indices = @transform_4, window_bounds = array<i64: 1, 1>}, {transform_indices = @transform_5, window_bounds = array<i64: 4096, 128>}]} {
    %get3A = arith.constant 0 : index
    %get3A_0 = arith.constant 0 : index
    %get3A_1 = vector.load %arg1[%get3A, %get3A_0] : memref<4096x128xf32, #tpu.memory_space<vmem>>, vector<4096x128xf32>
    %get3A_2 = arith.constant 0 : index
    %get3A_3 = arith.constant 0 : index
    %get3A_4 = vector.load %arg2[%get3A_2, %get3A_3] : memref<4096x128xf32, #tpu.memory_space<vmem>>, vector<4096x128xf32>
    %get3A_5 = arith.constant 0 : index
    %get3A_6 = arith.constant 0 : index
    %get3A_7 = vector.load %arg3[%get3A_5, %get3A_6] : memref<4096x128xf32, #tpu.memory_space<vmem>>, vector<4096x128xf32>
    %get3A_8 = arith.constant 0 : index
    %get3A_9 = arith.constant 0 : index
    %get3A_10 = vector.load %arg4[%get3A_8, %get3A_9] : memref<4096x128xf32, #tpu.memory_space<vmem>>, vector<4096x128xf32>
    %reduce_max3A = arith.constant dense<0xFF800000> : vector<4096xf32>
    %reduce_max3A_11 = vector.multi_reduction <maximumf>, %get3A_1, %reduce_max3A [1] : vector<4096x128xf32> to vector<4096xf32>
    %broadcast_in_dim3A = vector.shape_cast %reduce_max3A_11 : vector<4096xf32> to vector<4096x1xf32>
    %sub3A = vector.broadcast %broadcast_in_dim3A : vector<4096x1xf32> to vector<4096x128xf32>
    %sub3A_12 = arith.subf %get3A_1, %sub3A : vector<4096x128xf32>
    %exp3A = math.exp %sub3A_12 : vector<4096x128xf32>
    %reduce_sum3A = arith.constant dense<0.000000e+00> : vector<4096xf32>
    %reduce_sum3A_13 = vector.multi_reduction <add>, %exp3A, %reduce_sum3A [1] : vector<4096x128xf32> to vector<4096xf32>
    %broadcast_in_dim3A_14 = vector.shape_cast %reduce_sum3A_13 : vector<4096xf32> to vector<4096x1xf32>
    %log3A = math.log %broadcast_in_dim3A_14 : vector<4096x1xf32>
    %sub3A_15 = vector.broadcast %log3A : vector<4096x1xf32> to vector<4096x128xf32>
    %sub3A_16 = arith.subf %sub3A_12, %sub3A_15 : vector<4096x128xf32>
    %mul3A = arith.mulf %get3A_7, %get3A_4 : vector<4096x128xf32>
    %mul3A_17 = arith.mulf %mul3A, %sub3A_16 : vector<4096x128xf32>
    %reduce_sum3A_18 = vector.shape_cast %mul3A_17 : vector<4096x128xf32> to vector<1x4096x128xf32>
    %reduce_sum3A_19 = arith.constant dense<0.000000e+00> : vector<1xf32>
    %reduce_sum3A_20 = vector.multi_reduction <add>, %reduce_sum3A_18, %reduce_sum3A_19 [1, 2] : vector<1x4096x128xf32> to vector<1xf32>
    %reduce_sum3A_21 = vector.shape_cast %reduce_sum3A_20 : vector<1xf32> to vector<1x1x1xf32>
    %reduce_sum3A_22 = vector.extract %reduce_sum3A_21[0, 0, 0] : f32 from vector<1x1x1xf32>
    %eq3A = arith.constant 0 : i32
    %eq3A_23 = arith.cmpi eq, %arg0, %eq3A : i32
    %convert_element_type3A = arith.extui %eq3A_23 : i1 to i32
    %cond3A = arith.constant 0 : i32
    %cond3A_24 = arith.cmpi ne, %convert_element_type3A, %cond3A : i32
    scf.if %cond3A_24 {
      %swap3A_39 = arith.constant 0.000000e+00 : f32
      %swap3A_40 = arith.constant 0 : index
      %swap3A_41 = arith.constant 0 : index
      %swap3A_42 = memref.load %arg5[%swap3A_40, %swap3A_41] : memref<1x1xf32, #tpu.memory_space<smem>>
      memref.store %swap3A_39, %arg5[%swap3A_40, %swap3A_41] : memref<1x1xf32, #tpu.memory_space<smem>>
    } else {
    }
    %get3A_25 = arith.constant 0 : index
    %get3A_26 = arith.constant 0 : index
    %get3A_27 = memref.load %arg5[%get3A_25, %get3A_26] : memref<1x1xf32, #tpu.memory_space<smem>>
    %neg3A = arith.constant 0.000000e+00 : f32
    %neg3A_28 = arith.subf %neg3A, %reduce_sum3A_22 : f32
    %add3A = arith.addf %get3A_27, %neg3A_28 : f32
    %swap3A = arith.constant 0 : index
    %swap3A_29 = arith.constant 0 : index
    %swap3A_30 = memref.load %arg5[%swap3A, %swap3A_29] : memref<1x1xf32, #tpu.memory_space<smem>>
    memref.store %add3A, %arg5[%swap3A, %swap3A_29] : memref<1x1xf32, #tpu.memory_space<smem>>
    %mul3A_31 = arith.mulf %get3A_10, %get3A_1 : vector<4096x128xf32>
    %transpose3A = tpu.transpose %mul3A_31, [1, 0] : vector<4096x128xf32> -> vector<128x4096xf32>
    %reduce_sum3A_32 = arith.constant dense<0.000000e+00> : vector<4096xf32>
    %reduce_sum3A_33 = vector.multi_reduction <add>, %transpose3A, %reduce_sum3A_32 [0] : vector<128x4096xf32> to vector<4096xf32>
    %broadcast_in_dim3A_34 = vector.shape_cast %reduce_sum3A_33 : vector<4096xf32> to vector<4096x1xf32>
    %div3A = vector.broadcast %broadcast_in_dim3A_34 : vector<4096x1xf32> to vector<4096x128xf32>
    %div3A_35 = arith.divf %mul3A_31, %div3A : vector<4096x128xf32>
    %swap3A_36 = arith.constant 0 : index
    %swap3A_37 = arith.constant 0 : index
    %swap3A_38 = vector.load %arg6[%swap3A_36, %swap3A_37] : memref<4096x128xf32, #tpu.memory_space<vmem>>, vector<4096x128xf32>
    tpu.vector_store %arg6[%swap3A_36, %swap3A_37], %div3A_35 {strides = array<i32>} : memref<4096x128xf32, #tpu.memory_space<vmem>>, vector<4096x128xf32>,
    return
  }
  func.func @transform_0(%arg0: i32) -> (i32, i32) {
    %c0_i32 = arith.constant 0 : i32
    %c0_i32_0 = arith.constant 0 : i32
    return %arg0, %c0_i32 : i32, i32
  }
  func.func @transform_1(%arg0: i32) -> (i32, i32) {
    %c0_i32 = arith.constant 0 : i32
    %c0_i32_0 = arith.constant 0 : i32
    return %arg0, %c0_i32 : i32, i32
  }
  func.func @transform_2(%arg0: i32) -> (i32, i32) {
    %c0_i32 = arith.constant 0 : i32
    %c0_i32_0 = arith.constant 0 : i32
    return %arg0, %c0_i32 : i32, i32
  }
  func.func @transform_3(%arg0: i32) -> (i32, i32) {
    %c0_i32 = arith.constant 0 : i32
    %c0_i32_0 = arith.constant 0 : i32
    return %arg0, %c0_i32 : i32, i32
  }
  func.func @transform_4(%arg0: i32) -> (i32, i32) {
    %c0_i32 = arith.constant 0 : i32
    %c0_i32_0 = arith.constant 0 : i32
    %c0_i32_1 = arith.constant 0 : i32
    return %c0_i32, %c0_i32_0 : i32, i32
  }
  func.func @transform_5(%arg0: i32) -> (i32, i32) {
    %c0_i32 = arith.constant 0 : i32
    %c0_i32_0 = arith.constant 0 : i32
    return %arg0, %c0_i32 : i32, i32
  }
}

</mosaic_0001>

<sc_bundles>
// kernel: kernel.5.cloned.1.call-start
scs
__scs_entry_jumppad:
0x0: {  	(pc) =	sbr.rel $0x88, $3  }
0x1: {  	(tag) =	ssettag $0x0;
	lr =	simm.s32 $0x1  }
0x2: {  	[smem:$0x3F9C] =	sst lr;
	_ =	strace $0xD0000000  }
0x3: {  	_ = 	snop  }
0x4: {  	_ = 	snop  }
0x5: {  	_ = 	snop  }
0x6: {  	_ = 	snop  }
0x7: {  	_ = 	snop  }
__scs_overlays_trampoline_lowered:
0x8: {  	[smem:$0x3FAB] =	sst s0  }
0x9: {  	[smem:$0x3FAC] =	sst s1  }
0xa: {  	[smem:$0x3FAD] =	sst s2  }
0xb: {  	[smem:$0x3FAE] =	sst s3  }
0xc: {  	[smem:$0x3FAF] =	sst s4  }
0xd: {  	[smem:$0x3FB0] =	sst s5  }
0xe: {  	[smem:$0x3FB1] =	sst s6  }
0xf: {  	[smem:$0x3FB2] =	sst s7  }
0x10: {  	[smem:$0x3FB3] =	sst s8  }
0x11: {  	[smem:$0x3FB4] =	sst s9;
	s0 =	simm.s32 @!p0 $0x0  }
0x12: {  	s1 =	sld [smem:$0x3F9A];
	s0 =	simm.s32 @p0 $0x1  }
0x13: {  	[smem:$0x3FB5] =	sst s0;
	s0 =	simm.s32 @!p1 $0x0  }
0x14: {  	s2 =	sld [smem:$0x3F99];
	s0 =	simm.s32 @p1 $0x1  }
0x15: {  	[smem:$0x3FB6] =	sst s0;
	s0 =	simm.s32 @!p2 $0x0  }
0x16: {  	s3 =	sld [smem:$0x3FDB];
	s0 =	simm.s32 @p2 $0x1  }
0x17: {  	s4 =	simm.s32 $0x1BF5;
	[smem:$0x3FB8] =	sst s0  }
0x18: {  	s0 =	sld [smem:$0x3F9B];
	_ =	swait.ge [sflag:s4], $0x0  }
0x19: {  	s7 =	sld [smem:$0x3F9C]  }
0x1a: {  	s8 =	sadd.s32 $0xFFFFE003, lr  }
0x1b: {  	s9 =	sadd.s32 $0xFFFFFEF7, lr;
	s5 =	simm.s32 $0xFFFFFFFF;
	p2 =	slt.u32 s8, $0xFFFFF086  }
0x1c: {  	p1 =	slt.u32 s9, $0xF7A;
	s5 =	simm.s32 @!p2 $0x0  }
0x1d: {  	s5 =	simm.s32 @p1 $0x1;
	p0 =	seq.s32 s7, s2  }
0x1e: {  	s7 =	smul.u32 @!p0 $0xF7A, s2;
	p2 =	seq.s32 @!p0 s5, $0x0  }
0x1f: {  	s9 =	smul.u32 $0xF7A, s1;
	s8 =	simm.s32 @!p0 $0x1BF5;
	p2 =	por !p2, p0  }
0x20: {  	[sflag:s8] =	ssyncset.s32 @!p0 $0xFFFFF086;
	s6 =	sadd.s32 @!p0 s3, s7;
	s7 =	simm.s32 @!p0 $0x108  }
0x21: {  	s3 =	sadd.s32 s3, s9;
	s6 =	sadd.s32 @!p0 $0x88, s6;
	s7 =	simm.s32 @p2 $0x1082  }
0x22: {  	[simem:s7], [sflag:s8] =	dma.local @!p0 [hbm:s6], $0xF7A  }
0x23: {  	s9 =	sor.u32 $0xD0000000, s2;
	s6 =	simm.s32 $0x108;
	_ =	swait.ge @!p0 [sflag:s8], $0x0  }
0x24: {  	s3 =	sadd.s32 $0x88, s3;
	s6 =	simm.s32 @!p1 $0x1082;
	[sflag:s4] =	ssyncset.s32 $0xFFFFF086  }
0x25: {  	[simem:s6], [sflag:s4] =	dma.local [hbm:s3], $0xF7A  }
0x26: {  	[smem:$0x3F9C] =	sst s1;
	(tag) =	ssettag s2;
	_ =	strace s9  }
0x27: {  	s1 =	sld [smem:$0x3FAC]  }
0x28: {  	s2 =	sld [smem:$0x3FAD]  }
0x29: {  	s4 =	sld [smem:$0x3FAF]  }
0x2a: {  	p0 =	seq.s32 s5, $0x0;
	s5 =	sld [smem:$0x3FB0]  }
0x2b: {  	s6 =	sld [smem:$0x3FB1]  }
0x2c: {  	s7 =	sld [smem:$0x3FB2]  }
0x2d: {  	s3 =	simm.s32 $0x108;
	s8 =	sld [smem:$0x3FB3]  }
0x2e: {  	s3 =	simm.s32 @!p0 $0x1082;
	s9 =	sld [smem:$0x3FB4]  }
0x2f: {  	lr =	sadd.s32 s0, s3;
	s0 =	sld [smem:$0x3FAB]  }
0x30: {  	s3 =	sld [smem:$0x3FAE]  }
0x31: {  	[smem:$0x3FB7] =	sst s10  }
0x32: {  	s10 =	sld [smem:$0x3FB5];
	_ =	sdelay $0x3  }
0x33: {  	p0 =	seq.s32 s10, $0x1;
	s10 =	sld [smem:$0x3FB7];
	_ =	sdelay $0x3  }
0x34: {  	[smem:$0x3FB7] =	sst s10  }
0x35: {  	s10 =	sld [smem:$0x3FB6];
	_ =	sdelay $0x3  }
0x36: {  	p1 =	seq.s32 s10, $0x1;
	s10 =	sld [smem:$0x3FB7];
	_ =	sdelay $0x3  }
0x37: {  	[smem:$0x3FB7] =	sst s10  }
0x38: {  	s10 =	sld [smem:$0x3FB8]  }
0x39: {  	_ = 	snop;
	(pc) =	sbr.ind lr, $3  }
0x3a: {  	_ = 	snop  }
0x3b: {  	_ = 	snop  }
0x3c: {  	p2 =	seq.s32 s10, $0x1;
	s10 =	sld [smem:$0x3FB7]  }
0x3d: {  	_ =	shalt  }
0x3e: {  	_ =	shalt  }
0x3f: {  	_ =	shalt  }
0x40: {  	_ =	shalt  }
0x41: {  	_ =	shalt  }
0x42: {  	_ =	shalt  }
0x43: {  	_ =	shalt  }
0x44: {  	_ =	shalt  }
0x45: {  	_ =	shalt  }
0x46: {  	_ =	shalt  }
0x47: {  	_ =	shalt  }
0x48: {  	_ =	shalt  }
0x49: {  	_ =	shalt  }
0x4a: {  	_ =	shalt  }
0x4b: {  	_ =	shalt  }
0x4c: {  	_ =	shalt  }
0x4d: {  	_ =	shalt  }
0x4e: {  	_ =	shalt  }
0x4f: {  	_ =	shalt  }
0x50: {  	_ =	shalt  }
0x51: {  	_ =	shalt  }
0x52: {  	_ =	shalt  }
0x53: {  	_ =	shalt  }
0x54: {  	_ =	shalt  }
0x55: {  	_ =	shalt  }
0x56: {  	_ =	shalt  }
0x57: {  	_ =	shalt  }
0x58: {  	_ =	shalt  }
0x59: {  	_ =	shalt  }
0x5a: {  	_ =	shalt  }
0x5b: {  	_ =	shalt  }
0x5c: {  	_ =	shalt  }
0x5d: {  	_ =	shalt  }
0x5e: {  	_ =	shalt  }
0x5f: {  	_ =	shalt  }
0x60: {  	_ =	shalt  }
0x61: {  	_ =	shalt  }
0x62: {  	_ =	shalt  }
0x63: {  	_ =	shalt  }
0x64: {  	_ =	shalt  }
0x65: {  	_ =	shalt  }
0x66: {  	_ =	shalt  }
0x67: {  	_ =	shalt  }
0x68: {  	_ =	shalt  }
0x69: {  	_ =	shalt  }
0x6a: {  	_ =	shalt  }
0x6b: {  	_ =	shalt  }
0x6c: {  	_ =	shalt  }
0x6d: {  	_ =	shalt  }
0x6e: {  	_ =	shalt  }
0x6f: {  	_ =	shalt  }
0x70: {  	_ =	shalt  }
0x71: {  	_ =	shalt  }
0x72: {  	_ =	shalt  }
0x73: {  	_ =	shalt  }
0x74: {  	_ =	shalt  }
0x75: {  	_ =	shalt  }
0x76: {  	_ =	shalt  }
0x77: {  	_ =	shalt  }
0x78: {  	_ =	shalt  }
0x79: {  	_ =	shalt  }
0x7a: {  	_ =	shalt  }
0x7b: {  	_ =	shalt  }
0x7c: {  	_ =	shalt  }
0x7d: {  	_ =	shalt  }
0x7e: {  	_ =	shalt  }
0x7f: {  	_ =	shalt  }
0x80: {  	_ =	shalt  }
0x81: {  	_ =	shalt  }
0x82: {  	_ =	shalt  }
0x83: {  	_ =	shalt  }
0x84: {  	_ =	shalt  }
0x85: {  	_ =	shalt  }
0x86: {  	_ =	shalt  }
0x87: {  	_ =	shalt  }
.Lfunc_end0:
.L_simem_size_0:
called_computation_lowered:
.L_overlay_start_0:
0x88: {  	s2 =	sld [smem:$0x3FD9]  }
0x89: {  	s3 =	sld [smem:$0x3FFE];
	_ =	sdelay $0x1  }
0x8a: {  	s1 =	srdreg.scid  }
0x8b: {  	s0 =	sand.u32 $0x1, s1  }
0x8c: {  	s14 =	sshll.u32 s0, $0xA;
	s2 =	sadd.s32 s3, s2  }
0x8d: {  	s2 =	sadd.s32 s2, s14  }
0x8e: {  	[smem:$0x3FC3] =	sst s2  }
0x8f: {  	_ = 	snop  }
0x90: {  	s2 =	sld [smem:$0x3FD0]  }
0x91: {  	s15 =	sld [smem:$0x3FC7]  }
0x92: {  	s4 =	sld [smem:$0x3FC6]  }
0x93: {  	s6 =	simm.s32 $0xA;
	s7 =	simm.s32 $0x10;
	s5 =	sld [smem:$0x3FC5]  }
0x94: {  	[smem:s7], [sflag:s6] =	dma.local [hbm:s2], $0x1  }
0x95: {  	_ =	swait.eq [sflag:s6], $0x1  }
0x96: {  	[sflag:s6] =	ssyncset.done $0x0  }
0x97: {  	[sflag:s6] =	ssyncadd.s32 $0xFFFFFFFF  }
0x98: {  	s16 =	sld [smem:$0x11];
	(tm) =	ssettm $0x1  }
0x99: {  	s17 =	sld [smem:$0x3FFB];
	_ =	sdelay $0x3  }
0x9a: {  	_ =	strace s17  }
0x9b: {  	s6 =	sld [smem:$0x3FFC];
	_ =	sdelay $0x3  }
0x9c: {  	_ =	strace s6  }
0x9d: {  	s6 =	sld [smem:$0x3FFD];
	_ =	sdelay $0x3  }
0x9e: {  	_ =	strace s6  }
0x9f: {  	_ =	strace $0x8FFFFFFF  }
0xa0: {  	s18 =	sld [smem:$0x3FDB];
	_ =	sdelay $0x1  }
0xa1: {  	s19 =	simm.s32 $_scs_section_size  }
0xa2: {  	s8 =	simm.s32 $_size__tile_overlayer_lowered;
	s9 =	simm.s32 $_tile_overlayer_lowered  }
0xa3: {  	s22 =	simm.s32 $0x1BFF;
	s21 =	sshll.u32 s9, $0x1;
	s6 =	sadd.s32 s19, s18  }
0xa4: {  	s10 =	simm.s32 $0x0;
	s20 =	sshll.u32 s8, $0x1;
	s8 =	sadd.s32 s21, s6  }
0xa5: {  	[timem:s10], [sflag:s22] =	dma.local [hbm:s8], s20  }
0xa6: {  	_ =	swait.ge [sflag:s22], s20  }
0xa7: {  	s7 =	ssub.s32 $0x0, s20;
	[sflag:s22] =	ssyncset.done $0x0  }
0xa8: {  	[sflag:s22] =	ssyncadd.s32 s7;
	_ =	sdelay $0x1  }
0xa9: {  	s23 =	simm.s32 $0x1B8B  }
0xaa: {  	_ =	swait.ge [sflag:s23], $0x1  }
0xab: {  	[sflag:s23] =	ssyncset.done $0x0  }
0xac: {  	s25 =	simm.s32 $0x1B8E;
	s24 =	sld [smem:$0x3FFE];
	[sflag:s23] =	ssyncadd.s32 $0xFFFFFFFF  }
0xad: {  	s26 =	simm.s32 $execute0_lowered;
	[smem:$0x3FD2] =	sst s25  }
0xae: {  	s8 =	sshll.u32 s26, $0x1;
	_ =	strace $0x80000046;
	[dreg:$0x1] =	wrdreg $0xFFFFFFFF  }
0xaf: {  	s28 =	simm.s32 $_size_execute0_lowered;
	s6 =	sadd.s32 s6, s8;
	[dreg:$0x0] =	wrdreg $0x0  }
0xb0: {  	s8 =	sshll.u32 s28, $0x1;
	[dreg:$0x2] =	wrdreg s6  }
0xb1: {  	[dreg:$0x3] =	wrdreg s8  }
0xb2: {  	[dreg:$0x4] =	wrdreg $0xC0  }
0xb3: {  	_ =	task [dreg:s10], $0x5FFFF  }
0xb4: {  	[dreg:$0x1] =	wrdreg $0xFFFFFFFF  }
0xb5: {  	[dreg:$0x0] =	wrdreg $0x60  }
0xb6: {  	[dreg:$0x2] =	wrdreg s5  }
0xb7: {  	[dreg:$0x3] =	wrdreg s4  }
0xb8: {  	[dreg:$0x4] =	wrdreg s15  }
0xb9: {  	[dreg:$0x5] =	wrdreg s16  }
0xba: {  	[dreg:$0x6] =	wrdreg s24  }
0xbb: {  	[dreg:$0x7] =	wrdreg $0x9  }
0xbc: {  	_ =	task.clear_ibuf [dreg:s10], $0x8FFFF;
	_ =	strace $0x90000046  }
0xbd: {  	s29 =	simm.s32 $0x9;
	_ =	strace $0x80000048  }
0xbe: {  	_ =	swait.ge [sflag:s29], $0x1  }
0xbf: {  	[sflag:s29] =	ssyncadd.s32 $0xFFFFFFFF  }
0xc0: {  	_ =	strace $0x90000048  }
0xc1: {  	_ =	sfence  }
0xc2: {  	s30 =	sld [smem:$0x0];
	_ =	sdelay $0x2  }
0xc3: {  	s31 =	sshll.u32 s1, $0xD;
	s1 =	sshrl.u32 s1, $0x2  }
0xc4: {  	s3 =	sand.u32 $0x4000, s31;
	s1 =	sadd.s32 s1, s30  }
0xc5: {  	s0 =	sor.u32 s3, s0;
	s1 =	sshll.u32 s1, $0x11  }
0xc6: {  	s0 =	sor.u32 s1, s0  }
0xc7: {  	s0 =	sadd.s32 $0x8F2B, s0  }
0xc8: {  	[sflag:s0] =	ssyncadd.remote.s32 $0x1  }
0xc9: {  	_ =	sfence.sel $0xFFFF  }
0xca: {  	[dreg:$0x0] =	wrdreg $0xFFFFFFFF;
	(pc) =	sbr.abs _section_cstart, $3  }
0xcb: {  	[dreg:$0x1] =	wrdreg $0xFFFFFFFF  }
0xcc: {  	_ =	task.clear_ibuf [dreg:s10], $0x2FFFF;
	_ =	strace $0x9FFFFFFF  }
0xcd: {  	(tm) =	ssettm $0x7FFFFFFF  }
tec
execute0_lowered:
.L_overlay_start_1:
0x0: {  	(tag) =	ssettag $0x1  }
0x1: {  	s1 =	rddreg [dreg:$0x0]  }
0x2: {  	s2 =	rddreg [dreg:$0x1]  }
0x3: {  	s5 =	rddreg [dreg:$0x2];
	s3 =	srdreg.scid  }
0x4: {  	s15 =	rddreg [dreg:$0x3];
	s0 =	stileid.u32;
	s16 =	sand.u32 $0x1, s3  }
0x5: {  	s17 =	rddreg [dreg:$0x4];
	s6 =	sshll.u32 s0, $0xA;
	s7 =	sshll.u32 s16, $0x9  }
0x6: {  	s4 =	simm.s32 $0x0;
	s3 =	rddreg [dreg:$0x5];
	s18 =	sor.u32 s7, s6  }
0x7: {  	[smem:$0x7FF] =	sst s4;
	s6 =	sshrl.u32 s18, $0x3  }
0x8: {  	_ =	strace $0x80000047;
	s6 =	sadd.s32 s5, s6;
	s5 =	simm.s32 $0x2  }
0x9: {  	[tilespmem:s4], [sflag:$0x2] =	stream.linear.gather [hbm4b:s6+s4], $0x200, $0x38;
	[tilespmem:$0x10200] =	vst v63  }
0xa: {  	_ =	swait.ge [sflag:s5], $0x200  }
0xb: {  	[sflag:s5] =	ssyncset.done $0x0  }
0xc: {  	s8 =	simm.s32 $0x200;
	s7 =	simm.s32 $0x80;
	[sflag:s5] =	ssyncadd.s32 $0xFFFFFE00  }
0xd: {  	[tilespmem:s8], [sflag:$0x1] =	stream.indirect.gather [hbm4b:s1+s7], $0x80, s4, s7, $0xb8;
	[tilespmem:$0x10200] =	vst v63  }
0xe: {  	s9 =	simm.s32 $0x4200  }
0xf: {  	[tilespmem:s9], [sflag:$0x1] =	stream.indirect.gather [hbm4b:s1+s7], $0x80, s7, s7, $0xb8;
	[tilespmem:$0x10200] =	vst v63  }
0x10: {  	s10 =	simm.s32 $0x100;
	s11 =	simm.s32 $0x8200  }
0x11: {  	[tilespmem:s11], [sflag:$0x1] =	stream.indirect.gather [hbm4b:s1+s7], $0x80, s10, s7, $0xb8;
	[tilespmem:$0x10200] =	vst v63  }
0x12: {  	s12 =	simm.s32 $0x180;
	s13 =	simm.s32 $0xC200;
	s14 =	simm.s32 $0x1  }
0x13: {  	[tilespmem:s13], [sflag:$0x1] =	stream.indirect.gather [hbm4b:s1+s7], $0x80, s12, s7, $0xb8;
	[tilespmem:$0x10200] =	vst v63  }
0x14: {  	_ =	swait.ge [sflag:s14], $0x4000  }
0x15: {  	[sflag:s14] =	ssyncset.done $0x0  }
0x16: {  	[sflag:s14] =	ssyncadd.s32 $0xFFFFC000  }
0x17: {  	_ =	swait.ge [sflag:s14], $0x4000  }
0x18: {  	[sflag:s14] =	ssyncset.done $0x0  }
0x19: {  	[sflag:s14] =	ssyncadd.s32 $0xFFFFC000  }
0x1a: {  	_ =	swait.ge [sflag:s14], $0x4000  }
0x1b: {  	[sflag:s14] =	ssyncset.done $0x0  }
0x1c: {  	[sflag:s14] =	ssyncadd.s32 $0xFFFFC000  }
0x1d: {  	_ =	swait.ge [sflag:s14], $0x4000  }
0x1e: {  	s18 =	sshll.u32 s18, $0x4;
	[sflag:s14] =	ssyncset.done $0x0  }
0x1f: {  	s15 =	sadd.s32 s15, s18;
	[sflag:s14] =	ssyncadd.s32 $0xFFFFC000  }
0x20: {  	[hbm4b:s15+s4] =	stream.linear.scatter [tilespmem:s8], [sflag:$0x2], $0x10000, $0x38;
	[tilespmem:$0x10200] =	vst v63  }
0x21: {  	_ =	swait.ge [sflag:s5], $0x10000  }
0x22: {  	[sflag:s5] =	ssyncset.done $0x0  }
0x23: {  	[sflag:s5] =	ssyncadd.s32 $0xFFFF0000  }
0x24: {  	[tilespmem:s8], [sflag:$0x1] =	stream.indirect.gather [hbm4b:s2+s7], $0x80, s4, s7, $0xb8;
	[tilespmem:$0x10200] =	vst v63  }
0x25: {  	_ = 	snop  }
0x26: {  	[tilespmem:s9], [sflag:$0x1] =	stream.indirect.gather [hbm4b:s2+s7], $0x80, s7, s7, $0xb8;
	[tilespmem:$0x10200] =	vst v63  }
0x27: {  	_ = 	snop  }
0x28: {  	[tilespmem:s11], [sflag:$0x1] =	stream.indirect.gather [hbm4b:s2+s7], $0x80, s10, s7, $0xb8;
	[tilespmem:$0x10200] =	vst v63  }
0x29: {  	_ = 	snop  }
0x2a: {  	[tilespmem:s13], [sflag:$0x1] =	stream.indirect.gather [hbm4b:s2+s7], $0x80, s12, s7, $0xb8;
	[tilespmem:$0x10200] =	vst v63  }
0x2b: {  	_ =	swait.ge [sflag:s14], $0x4000  }
0x2c: {  	[sflag:s14] =	ssyncset.done $0x0  }
0x2d: {  	[sflag:s14] =	ssyncadd.s32 $0xFFFFC000  }
0x2e: {  	_ =	swait.ge [sflag:s14], $0x4000  }
0x2f: {  	[sflag:s14] =	ssyncset.done $0x0  }
0x30: {  	s16 =	ssub.s32 $0x2, s16;
	[sflag:s14] =	ssyncadd.s32 $0xFFFFC000  }
0x31: {  	s19 =	sshrl.u32 s16, $0x1;
	_ =	swait.ge [sflag:s14], $0x4000  }
0x32: {  	s30 =	ssub.s32 s16, s19;
	[sflag:s14] =	ssyncset.done $0x0  }
0x33: {  	s31 =	smax.u32 s30, $0x1;
	[sflag:s14] =	ssyncadd.s32 $0xFFFFC000  }
0x34: {  	p0 =	sne.s32 s31, $0x1;
	_ =	swait.ge [sflag:s14], $0x4000  }
.Ltmp0:
0x35: {  	s17 =	sadd.s32 s18, s17;
	[sflag:s14] =	ssyncset.done $0x0;
	(pc) =	sbr.rel @!p0 .LBB2_2-.Ltmp0, $4  }
0x36: {  	s16 =	sadd.s32 $0x1200, s17;
	[sflag:s14] =	ssyncadd.s32 $0xFFFFC000  }
0x37: {  	[hbm4b:s16+s4] =	stream.linear.scatter [tilespmem:s8], [sflag:$0x2], $0x10000, $0x38;
	[tilespmem:$0x10200] =	vst v63  }
0x38: {  	_ =	swait.ge [sflag:s5], $0x10000  }
0x39: {  	s17 =	sadd.s32 $0xFFFFFFFF, s31;
	[sflag:s5] =	ssyncset.done $0x0  }
.LBB2_1:
0x3a: {  	p0 =	sne.s32 s17, $0x1;
	s17 =	sadd.s32 $0xFFFFFFFF, s17;
	[sflag:s5] =	ssyncadd.s32 $0xFFFF0000  }
0x3b: {  	[tilespmem:s4], [sflag:$0x2] =	stream.linear.gather [hbm4b:s6+s4], $0x200, $0x38;
	[tilespmem:$0x10200] =	vst v63  }
0x3c: {  	_ =	swait.ge [sflag:s5], $0x200  }
0x3d: {  	[sflag:s5] =	ssyncset.done $0x0  }
0x3e: {  	[sflag:s5] =	ssyncadd.s32 $0xFFFFFE00  }
0x3f: {  	[tilespmem:s8], [sflag:$0x1] =	stream.indirect.gather [hbm4b:s1+s7], $0x80, s4, s7, $0xb8;
	[tilespmem:$0x10200] =	vst v63  }
0x40: {  	_ = 	snop  }
0x41: {  	[tilespmem:s9], [sflag:$0x1] =	stream.indirect.gather [hbm4b:s1+s7], $0x80, s7, s7, $0xb8;
	[tilespmem:$0x10200] =	vst v63  }
0x42: {  	_ = 	snop  }
0x43: {  	[tilespmem:s11], [sflag:$0x1] =	stream.indirect.gather [hbm4b:s1+s7], $0x80, s10, s7, $0xb8;
	[tilespmem:$0x10200] =	vst v63  }
0x44: {  	_ = 	snop  }
0x45: {  	[tilespmem:s13], [sflag:$0x1] =	stream.indirect.gather [hbm4b:s1+s7], $0x80, s12, s7, $0xb8;
	[tilespmem:$0x10200] =	vst v63  }
0x46: {  	_ =	swait.ge [sflag:s14], $0x4000  }
0x47: {  	[sflag:s14] =	ssyncset.done $0x0  }
0x48: {  	[sflag:s14] =	ssyncadd.s32 $0xFFFFC000  }
0x49: {  	_ =	swait.ge [sflag:s14], $0x4000  }
0x4a: {  	[sflag:s14] =	ssyncset.done $0x0  }
0x4b: {  	[sflag:s14] =	ssyncadd.s32 $0xFFFFC000  }
0x4c: {  	_ =	swait.ge [sflag:s14], $0x4000  }
0x4d: {  	[sflag:s14] =	ssyncset.done $0x0  }
0x4e: {  	[sflag:s14] =	ssyncadd.s32 $0xFFFFC000  }
0x4f: {  	_ =	swait.ge [sflag:s14], $0x4000  }
0x50: {  	[sflag:s14] =	ssyncset.done $0x0  }
0x51: {  	[sflag:s14] =	ssyncadd.s32 $0xFFFFC000  }
0x52: {  	[hbm4b:s15+s4] =	stream.linear.scatter [tilespmem:s8], [sflag:$0x2], $0x10000, $0x38;
	[tilespmem:$0x10200] =	vst v63  }
0x53: {  	_ =	swait.ge [sflag:s5], $0x10000  }
0x54: {  	[sflag:s5] =	ssyncset.done $0x0  }
0x55: {  	[sflag:s5] =	ssyncadd.s32 $0xFFFF0000  }
0x56: {  	[tilespmem:s8], [sflag:$0x1] =	stream.indirect.gather [hbm4b:s2+s7], $0x80, s4, s7, $0xb8;
	[tilespmem:$0x10200] =	vst v63  }
0x57: {  	_ = 	snop  }
0x58: {  	[tilespmem:s9], [sflag:$0x1] =	stream.indirect.gather [hbm4b:s2+s7], $0x80, s7, s7, $0xb8;
	[tilespmem:$0x10200] =	vst v63  }
0x59: {  	_ = 	snop  }
0x5a: {  	[tilespmem:s11], [sflag:$0x1] =	stream.indirect.gather [hbm4b:s2+s7], $0x80, s10, s7, $0xb8;
	[tilespmem:$0x10200] =	vst v63  }
0x5b: {  	_ = 	snop  }
0x5c: {  	[tilespmem:s13], [sflag:$0x1] =	stream.indirect.gather [hbm4b:s2+s7], $0x80, s12, s7, $0xb8;
	[tilespmem:$0x10200] =	vst v63  }
0x5d: {  	_ =	swait.ge [sflag:s14], $0x4000  }
0x5e: {  	[sflag:s14] =	ssyncset.done $0x0  }
0x5f: {  	[sflag:s14] =	ssyncadd.s32 $0xFFFFC000  }
0x60: {  	_ =	swait.ge [sflag:s14], $0x4000  }
0x61: {  	[sflag:s14] =	ssyncset.done $0x0  }
0x62: {  	[sflag:s14] =	ssyncadd.s32 $0xFFFFC000  }
0x63: {  	_ =	swait.ge [sflag:s14], $0x4000  }
0x64: {  	[sflag:s14] =	ssyncset.done $0x0  }
0x65: {  	[sflag:s14] =	ssyncadd.s32 $0xFFFFC000  }
0x66: {  	_ =	swait.ge [sflag:s14], $0x4000  }
.Ltmp1:
0x67: {  	[sflag:s14] =	ssyncset.done $0x0;
	(pc) =	sbr.rel @p0 .LBB2_1-.Ltmp1, $4  }
0x68: {  	[sflag:s14] =	ssyncadd.s32 $0xFFFFC000  }
0x69: {  	[hbm4b:s16+s4] =	stream.linear.scatter [tilespmem:s8], [sflag:$0x2], $0x10000, $0x38;
	[tilespmem:$0x10200] =	vst v63  }
0x6a: {  	_ =	swait.ge [sflag:s5], $0x10000  }
0x6b: {  	[sflag:s5] =	ssyncset.done $0x0  }
.LBB2_2:
0x6c: {  	[sflag:s5] =	ssyncadd.s32 $0xFFFF0000  }
0x6d: {  	_ =	sfence.sel $0x180000  }
0x6e: {  	[bflag:$0x0] =	sbarrier.arrive $0xFFFF  }
0x6f: {  	p0 =	sne.s32 s0, $0x0;
	_ =	strace $0x90000047  }
0x70: {  	s0 =	sadd.s32 @!p0 $0x100000, s3;
	[bflag:$0x2] =	sbarrier.arrive $0xFFFF  }
0x71: {  	[sflag:s0] =	ssyncadd.tile.s32 @!p0 $0x1;
	_ =	shalt  }
.Lfunc_end2:
_tile_overlayer_lowered:
.L_overlay_start_2:
0x72: {  	(tag) =	ssettag $0x2  }
0x73: {  	s0 =	rddreg [dreg:$0x0];
	s2 =	stileid.u32  }
0x74: {  	s1 =	rddreg [dreg:$0x1];
	p0 =	sne.s32 s2, $0x0  }
0x75: {  	s3 =	rddreg [dreg:$0x2];
	[bflag:$0x3] =	sbarrier.arrive $0xFFFF;
	s2 =	simm.s32 @!p0 $0x1C02  }
0x76: {  	[timem:s3], [sflag:s2] =	dma.local @!p0 [hbm:s0], s1  }
0x77: {  	s0 =	simm.s32 @!p0 $0x2  }
0x78: {  	_ =	swait.ge @!p0 [sflag:s0], s1  }
0x79: {  	s1 =	ssub.s32 @!p0 $0x0, s1;
	[sflag:s0] =	ssyncset.done @!p0 $0x0  }
0x7a: {  	[sflag:s0] =	ssyncadd.s32 @!p0 s1  }
0x7b: {  	[bflag:$0x3] =	sbarrier.arrive $0xFFFF  }
0x7c: {  	_ =	shalt  }

// kernel: kernel.8.cloned.1.call-start
scs
__scs_entry_jumppad:
0x0: {  	(pc) =	sbr.rel $0x88, $3  }
0x1: {  	(tag) =	ssettag $0x0;
	lr =	simm.s32 $0x1  }
0x2: {  	[smem:$0x3F9C] =	sst lr;
	_ =	strace $0xD0000000  }
0x3: {  	_ = 	snop  }
0x4: {  	_ = 	snop  }
0x5: {  	_ = 	snop  }
0x6: {  	_ = 	snop  }
0x7: {  	_ = 	snop  }
__scs_overlays_trampoline_lowered:
0x8: {  	[smem:$0x3FAB] =	sst s0  }
0x9: {  	[smem:$0x3FAC] =	sst s1  }
0xa: {  	[smem:$0x3FAD] =	sst s2  }
0xb: {  	[smem:$0x3FAE] =	sst s3  }
0xc: {  	[smem:$0x3FAF] =	sst s4  }
0xd: {  	[smem:$0x3FB0] =	sst s5  }
0xe: {  	[smem:$0x3FB1] =	sst s6  }
0xf: {  	[smem:$0x3FB2] =	sst s7  }
0x10: {  	[smem:$0x3FB3] =	sst s8  }
0x11: {  	[smem:$0x3FB4] =	sst s9;
	s0 =	simm.s32 @!p0 $0x0  }
0x12: {  	s1 =	sld [smem:$0x3F9A];
	s0 =	simm.s32 @p0 $0x1  }
0x13: {  	[smem:$0x3FB5] =	sst s0;
	s0 =	simm.s32 @!p1 $0x0  }
0x14: {  	s2 =	sld [smem:$0x3F99];
	s0 =	simm.s32 @p1 $0x1  }
0x15: {  	[smem:$0x3FB6] =	sst s0;
	s0 =	simm.s32 @!p2 $0x0  }
0x16: {  	s3 =	sld [smem:$0x3FDB];
	s0 =	simm.s32 @p2 $0x1  }
0x17: {  	s4 =	simm.s32 $0x1BF5;
	[smem:$0x3FB8] =	sst s0  }
0x18: {  	s0 =	sld [smem:$0x3F9B];
	_ =	swait.ge [sflag:s4], $0x0  }
0x19: {  	s7 =	sld [smem:$0x3F9C]  }
0x1a: {  	s8 =	sadd.s32 $0xFFFFE003, lr  }
0x1b: {  	s9 =	sadd.s32 $0xFFFFFEF7, lr;
	s5 =	simm.s32 $0xFFFFFFFF;
	p2 =	slt.u32 s8, $0xFFFFF086  }
0x1c: {  	p1 =	slt.u32 s9, $0xF7A;
	s5 =	simm.s32 @!p2 $0x0  }
0x1d: {  	s5 =	simm.s32 @p1 $0x1;
	p0 =	seq.s32 s7, s2  }
0x1e: {  	s7 =	smul.u32 @!p0 $0xF7A, s2;
	p2 =	seq.s32 @!p0 s5, $0x0  }
0x1f: {  	s9 =	smul.u32 $0xF7A, s1;
	s8 =	simm.s32 @!p0 $0x1BF5;
	p2 =	por !p2, p0  }
0x20: {  	[sflag:s8] =	ssyncset.s32 @!p0 $0xFFFFF086;
	s6 =	sadd.s32 @!p0 s3, s7;
	s7 =	simm.s32 @!p0 $0x108  }
0x21: {  	s3 =	sadd.s32 s3, s9;
	s6 =	sadd.s32 @!p0 $0x88, s6;
	s7 =	simm.s32 @p2 $0x1082  }
0x22: {  	[simem:s7], [sflag:s8] =	dma.local @!p0 [hbm:s6], $0xF7A  }
0x23: {  	s9 =	sor.u32 $0xD0000000, s2;
	s6 =	simm.s32 $0x108;
	_ =	swait.ge @!p0 [sflag:s8], $0x0  }
0x24: {  	s3 =	sadd.s32 $0x88, s3;
	s6 =	simm.s32 @!p1 $0x1082;
	[sflag:s4] =	ssyncset.s32 $0xFFFFF086  }
0x25: {  	[simem:s6], [sflag:s4] =	dma.local [hbm:s3], $0xF7A  }
0x26: {  	[smem:$0x3F9C] =	sst s1;
	(tag) =	ssettag s2;
	_ =	strace s9  }
0x27: {  	s1 =	sld [smem:$0x3FAC]  }
0x28: {  	s2 =	sld [smem:$0x3FAD]  }
0x29: {  	s4 =	sld [smem:$0x3FAF]  }
0x2a: {  	p0 =	seq.s32 s5, $0x0;
	s5 =	sld [smem:$0x3FB0]  }
0x2b: {  	s6 =	sld [smem:$0x3FB1]  }
0x2c: {  	s7 =	sld [smem:$0x3FB2]  }
0x2d: {  	s3 =	simm.s32 $0x108;
	s8 =	sld [smem:$0x3FB3]  }
0x2e: {  	s3 =	simm.s32 @!p0 $0x1082;
	s9 =	sld [smem:$0x3FB4]  }
0x2f: {  	lr =	sadd.s32 s0, s3;
	s0 =	sld [smem:$0x3FAB]  }
0x30: {  	s3 =	sld [smem:$0x3FAE]  }
0x31: {  	[smem:$0x3FB7] =	sst s10  }
0x32: {  	s10 =	sld [smem:$0x3FB5];
	_ =	sdelay $0x3  }
0x33: {  	p0 =	seq.s32 s10, $0x1;
	s10 =	sld [smem:$0x3FB7];
	_ =	sdelay $0x3  }
0x34: {  	[smem:$0x3FB7] =	sst s10  }
0x35: {  	s10 =	sld [smem:$0x3FB6];
	_ =	sdelay $0x3  }
0x36: {  	p1 =	seq.s32 s10, $0x1;
	s10 =	sld [smem:$0x3FB7];
	_ =	sdelay $0x3  }
0x37: {  	[smem:$0x3FB7] =	sst s10  }
0x38: {  	s10 =	sld [smem:$0x3FB8]  }
0x39: {  	_ = 	snop;
	(pc) =	sbr.ind lr, $3  }
0x3a: {  	_ = 	snop  }
0x3b: {  	_ = 	snop  }
0x3c: {  	p2 =	seq.s32 s10, $0x1;
	s10 =	sld [smem:$0x3FB7]  }
0x3d: {  	_ =	shalt  }
0x3e: {  	_ =	shalt  }
0x3f: {  	_ =	shalt  }
0x40: {  	_ =	shalt  }
0x41: {  	_ =	shalt  }
0x42: {  	_ =	shalt  }
0x43: {  	_ =	shalt  }
0x44: {  	_ =	shalt  }
0x45: {  	_ =	shalt  }
0x46: {  	_ =	shalt  }
0x47: {  	_ =	shalt  }
0x48: {  	_ =	shalt  }
0x49: {  	_ =	shalt  }
0x4a: {  	_ =	shalt  }
0x4b: {  	_ =	shalt  }
0x4c: {  	_ =	shalt  }
0x4d: {  	_ =	shalt  }
0x4e: {  	_ =	shalt  }
0x4f: {  	_ =	shalt  }
0x50: {  	_ =	shalt  }
0x51: {  	_ =	shalt  }
0x52: {  	_ =	shalt  }
0x53: {  	_ =	shalt  }
0x54: {  	_ =	shalt  }
0x55: {  	_ =	shalt  }
0x56: {  	_ =	shalt  }
0x57: {  	_ =	shalt  }
0x58: {  	_ =	shalt  }
0x59: {  	_ =	shalt  }
0x5a: {  	_ =	shalt  }
0x5b: {  	_ =	shalt  }
0x5c: {  	_ =	shalt  }
0x5d: {  	_ =	shalt  }
0x5e: {  	_ =	shalt  }
0x5f: {  	_ =	shalt  }
0x60: {  	_ =	shalt  }
0x61: {  	_ =	shalt  }
0x62: {  	_ =	shalt  }
0x63: {  	_ =	shalt  }
0x64: {  	_ =	shalt  }
0x65: {  	_ =	shalt  }
0x66: {  	_ =	shalt  }
0x67: {  	_ =	shalt  }
0x68: {  	_ =	shalt  }
0x69: {  	_ =	shalt  }
0x6a: {  	_ =	shalt  }
0x6b: {  	_ =	shalt  }
0x6c: {  	_ =	shalt  }
0x6d: {  	_ =	shalt  }
0x6e: {  	_ =	shalt  }
0x6f: {  	_ =	shalt  }
0x70: {  	_ =	shalt  }
0x71: {  	_ =	shalt  }
0x72: {  	_ =	shalt  }
0x73: {  	_ =	shalt  }
0x74: {  	_ =	shalt  }
0x75: {  	_ =	shalt  }
0x76: {  	_ =	shalt  }
0x77: {  	_ =	shalt  }
0x78: {  	_ =	shalt  }
0x79: {  	_ =	shalt  }
0x7a: {  	_ =	shalt  }
0x7b: {  	_ =	shalt  }
0x7c: {  	_ =	shalt  }
0x7d: {  	_ =	shalt  }
0x7e: {  	_ =	shalt  }
0x7f: {  	_ =	shalt  }
0x80: {  	_ =	shalt  }
0x81: {  	_ =	shalt  }
0x82: {  	_ =	shalt  }
0x83: {  	_ =	shalt  }
0x84: {  	_ =	shalt  }
0x85: {  	_ =	shalt  }
0x86: {  	_ =	shalt  }
0x87: {  	_ =	shalt  }
.Lfunc_end0:
.L_simem_size_0:
called_computation.1_lowered:
.L_overlay_start_0:
0x88: {  	s2 =	sld [smem:$0x3FD9]  }
0x89: {  	s3 =	sld [smem:$0x3FFE];
	_ =	sdelay $0x1  }
0x8a: {  	s1 =	srdreg.scid  }
0x8b: {  	s0 =	sand.u32 $0x1, s1  }
0x8c: {  	s14 =	sshll.u32 s0, $0xA;
	s2 =	sadd.s32 s3, s2  }
0x8d: {  	s2 =	sadd.s32 s2, s14  }
0x8e: {  	[smem:$0x3FC3] =	sst s2  }
0x8f: {  	_ = 	snop  }
0x90: {  	s2 =	sld [smem:$0x3FD0];
	_ =	sdelay $0x1  }
0x91: {  	s15 =	sld [smem:$0x3FC7]  }
0x92: {  	s5 =	simm.s32 $0xA;
	s6 =	simm.s32 $0x10;
	s4 =	sld [smem:$0x3FC5]  }
0x93: {  	[smem:s6], [sflag:s5] =	dma.local [hbm:s2], $0x1  }
0x94: {  	_ =	swait.eq [sflag:s5], $0x1  }
0x95: {  	[sflag:s5] =	ssyncset.done $0x0  }
0x96: {  	[sflag:s5] =	ssyncadd.s32 $0xFFFFFFFF  }
0x97: {  	s16 =	sld [smem:$0x11];
	(tm) =	ssettm $0x1  }
0x98: {  	s17 =	sld [smem:$0x3FFB];
	_ =	sdelay $0x3  }
0x99: {  	_ =	strace s17  }
0x9a: {  	s5 =	sld [smem:$0x3FFC];
	_ =	sdelay $0x3  }
0x9b: {  	_ =	strace s5  }
0x9c: {  	s5 =	sld [smem:$0x3FFD];
	_ =	sdelay $0x3  }
0x9d: {  	_ =	strace s5  }
0x9e: {  	_ =	strace $0x8FFFFFFF  }
0x9f: {  	s18 =	sld [smem:$0x3FDB];
	_ =	sdelay $0x1  }
0xa0: {  	s19 =	simm.s32 $_scs_section_size  }
0xa1: {  	s7 =	simm.s32 $_size__tile_overlayer_lowered;
	s8 =	simm.s32 $_tile_overlayer_lowered  }
0xa2: {  	s22 =	simm.s32 $0x1BFF;
	s21 =	sshll.u32 s8, $0x1;
	s5 =	sadd.s32 s19, s18  }
0xa3: {  	s9 =	simm.s32 $0x0;
	s20 =	sshll.u32 s7, $0x1;
	s7 =	sadd.s32 s21, s5  }
0xa4: {  	[timem:s9], [sflag:s22] =	dma.local [hbm:s7], s20  }
0xa5: {  	_ =	swait.ge [sflag:s22], s20  }
0xa6: {  	s6 =	ssub.s32 $0x0, s20;
	[sflag:s22] =	ssyncset.done $0x0  }
0xa7: {  	[sflag:s22] =	ssyncadd.s32 s6;
	_ =	sdelay $0x1  }
0xa8: {  	s23 =	simm.s32 $0x1B8B  }
0xa9: {  	_ =	swait.ge [sflag:s23], $0x1  }
0xaa: {  	[sflag:s23] =	ssyncset.done $0x0  }
0xab: {  	s25 =	simm.s32 $0x1B8E;
	s24 =	sld [smem:$0x3FFE];
	[sflag:s23] =	ssyncadd.s32 $0xFFFFFFFF  }
0xac: {  	s26 =	simm.s32 $execute0_lowered;
	[smem:$0x3FD2] =	sst s25  }
0xad: {  	s7 =	sshll.u32 s26, $0x1;
	_ =	strace $0x80000049;
	[dreg:$0x1] =	wrdreg $0xFFFFFFFF  }
0xae: {  	s28 =	simm.s32 $_size_execute0_lowered;
	s5 =	sadd.s32 s5, s7;
	[dreg:$0x0] =	wrdreg $0x0  }
0xaf: {  	s7 =	sshll.u32 s28, $0x1;
	[dreg:$0x2] =	wrdreg s5  }
0xb0: {  	[dreg:$0x3] =	wrdreg s7  }
0xb1: {  	[dreg:$0x4] =	wrdreg $0xC0  }
0xb2: {  	_ =	task [dreg:s9], $0x5FFFF  }
0xb3: {  	[dreg:$0x1] =	wrdreg $0xFFFFFFFF  }
0xb4: {  	[dreg:$0x0] =	wrdreg $0x60  }
0xb5: {  	[dreg:$0x2] =	wrdreg s24  }
0xb6: {  	[dreg:$0x3] =	wrdreg s15  }
0xb7: {  	[dreg:$0x4] =	wrdreg s4  }
0xb8: {  	[dreg:$0x5] =	wrdreg s16  }
0xb9: {  	[dreg:$0x6] =	wrdreg $0x9  }
0xba: {  	_ =	task.clear_ibuf [dreg:s9], $0x7FFFF;
	_ =	strace $0x90000049  }
0xbb: {  	s29 =	simm.s32 $0x9;
	_ =	strace $0x8000004B  }
0xbc: {  	_ =	swait.ge [sflag:s29], $0x1  }
0xbd: {  	[sflag:s29] =	ssyncadd.s32 $0xFFFFFFFF  }
0xbe: {  	_ =	strace $0x9000004B  }
0xbf: {  	_ =	sfence  }
0xc0: {  	s30 =	sld [smem:$0x0];
	_ =	sdelay $0x2  }
0xc1: {  	s31 =	sshll.u32 s1, $0xD;
	s1 =	sshrl.u32 s1, $0x2  }
0xc2: {  	s3 =	sand.u32 $0x4000, s31;
	s1 =	sadd.s32 s1, s30  }
0xc3: {  	s0 =	sor.u32 s3, s0;
	s1 =	sshll.u32 s1, $0x11  }
0xc4: {  	s0 =	sor.u32 s1, s0  }
0xc5: {  	s0 =	sadd.s32 $0x8F2B, s0  }
0xc6: {  	[sflag:s0] =	ssyncadd.remote.s32 $0x1  }
0xc7: {  	_ =	sfence.sel $0xFFFF  }
0xc8: {  	[dreg:$0x0] =	wrdreg $0xFFFFFFFF;
	(pc) =	sbr.abs _section_cstart, $3  }
0xc9: {  	[dreg:$0x1] =	wrdreg $0xFFFFFFFF  }
0xca: {  	_ =	task.clear_ibuf [dreg:s9], $0x2FFFF;
	_ =	strace $0x9FFFFFFF  }
0xcb: {  	(tm) =	ssettm $0x7FFFFFFF  }
tec
execute0_lowered:
.L_overlay_start_1:
0x0: {  	(tag) =	ssettag $0x1  }
0x1: {  	s2 =	srdreg.scid;
	s5 =	stileid.u32  }
0x2: {  	s1 =	rddreg [dreg:$0x0];
	s2 =	sand.u32 $0x1, s2;
	s5 =	sshll.u32 s5, $0x1  }
0x3: {  	s0 =	rddreg [dreg:$0x2];
	s8 =	sor.u32 s2, s5  }
0x4: {  	s4 =	simm.s32 $0x0;
	s6 =	ssub.s32 $0x2, s2;
	s2 =	smul.u32 $0xC380, s8  }
0x5: {  	[smem:$0x7FF] =	sst s4  }
0x6: {  	s3 =	rddreg [dreg:$0x3];
	_ =	strace $0x8000004A;
	s25 =	sadd.s32 $0x880, s2  }
0x7: {  	s5 =	sadd.s32 $0x1200, s1;
	s26 =	sadd.s32 $0x1100, s2;
	s30 =	sadd.s32 s0, s25  }
0x8: {  	s7 =	sshrl.u32 s6, $0x1;
	s10 =	sadd.s32 s0, s26;
	[dreg:$0x5] =	wrdreg s30  }
0x9: {  	s1 =	ssub.s32 s6, s7;
	s6 =	sadd.s32 s3, s25;
	[dreg:$0x6] =	wrdreg s10  }
0xa: {  	s11 =	sadd.s32 $0x1980, s2;
	s7 =	sadd.s32 s3, s26;
	[dreg:$0x8] =	wrdreg s6  }
0xb: {  	s12 =	sadd.s32 $0x2200, s2;
	s13 =	sadd.s32 s3, s11;
	[dreg:$0x9] =	wrdreg s7  }
0xc: {  	s16 =	sadd.s32 $0x2A80, s2;
	s14 =	sadd.s32 s0, s12;
	[dreg:$0xa] =	wrdreg s13  }
0xd: {  	s17 =	sadd.s32 $0x3300, s2;
	s18 =	sadd.s32 s0, s16;
	[dreg:$0xb] =	wrdreg s14  }
0xe: {  	s19 =	sadd.s32 s0, s17;
	[dreg:$0xd] =	wrdreg s18  }
0xf: {  	s21 =	sadd.s32 $0x3B80, s2;
	s20 =	sadd.s32 s3, s17;
	[dreg:$0xf] =	wrdreg s19  }
0x10: {  	s22 =	sadd.s32 $0x4400, s2;
	s23 =	sadd.s32 s0, s21;
	[dreg:$0x10] =	wrdreg s20  }
0x11: {  	s24 =	sadd.s32 s0, s22;
	[dreg:$0x11] =	wrdreg s23  }
0x12: {  	s15 =	simm.s32 $0xBD8;
	s25 =	sadd.s32 s3, s22;
	[dreg:$0x13] =	wrdreg s24  }
0x13: {  	s28 =	simm.s32 $0x17180;
	s10 =	sadd.s32 s0, s11;
	[dreg:$0x14] =	wrdreg s25  }
0x14: {  	s29 =	simm.s32 $0x1B580;
	s6 =	sadd.s32 s3, s12;
	[dreg:$0x7] =	wrdreg s10  }
0x15: {  	s26 =	sadd.s32 $0x4C80, s2;
	[dreg:$0xc] =	wrdreg s6;
	s6 =	sadd.s32 s3, s16  }
0x16: {  	s30 =	sadd.s32 $0x5500, s2;
	s10 =	sadd.s32 s0, s26;
	[dreg:$0xe] =	wrdreg s6  }
0x17: {  	s31 =	simm.s32 $0x3;
	s11 =	sadd.s32 s0, s30;
	[dreg:$0x15] =	wrdreg s10  }
0x18: {  	s13 =	sadd.s32 $0x5D80, s2;
	s12 =	sadd.s32 s3, s30;
	[dreg:$0x17] =	wrdreg s11  }
0x19: {  	s14 =	sadd.s32 $0x6600, s2;
	s16 =	sadd.s32 s0, s13;
	[dreg:$0x18] =	wrdreg s12  }
0x1a: {  	s9 =	smul.u32 $0xC38, s8;
	s17 =	sadd.s32 s0, s14;
	[dreg:$0x19] =	wrdreg s16  }
0x1b: {  	s20 =	sadd.s32 $0x7700, s2;
	s18 =	sadd.s32 s3, s14;
	[dreg:$0x1b] =	wrdreg s17  }
0x1c: {  	p0 =	seq.s32 s8, $0x1F;
	s22 =	sadd.s32 s0, s20;
	[dreg:$0x1c] =	wrdreg s18  }
0x1d: {  	s25 =	sadd.s32 $0x8800, s2;
	s23 =	sadd.s32 s3, s20;
	[dreg:$0x1f] =	wrdreg s22  }
0x1e: {  	s15 =	simm.s32 @!p0 $0xC38;
	s30 =	sadd.s32 s0, s25;
	[smem:$0x7EA] =	sst s23  }
0x1f: {  	s19 =	sadd.s32 $0x6E80, s2;
	s8 =	sadd.s32 s3, s25;
	[smem:$0x7ED] =	sst s30  }
0x20: {  	s24 =	sadd.s32 $0x7F80, s2;
	s6 =	sadd.s32 s3, s21;
	[smem:$0x7EE] =	sst s8  }
0x21: {  	s7 =	simm.s32 $0x7;
	s21 =	sadd.s32 s0, s19;
	[dreg:$0x12] =	wrdreg s6  }
0x22: {  	s10 =	sadd.s32 $0x9080, s2;
	s23 =	sadd.s32 s3, s2;
	[dreg:$0x1d] =	wrdreg s21  }
0x23: {  	s11 =	sadd.s32 $0x9900, s2;
	s30 =	smax.u32 s1, $0x1;
	[smem:$0x7F8] =	sst s23  }
0x24: {  	s16 =	sadd.s32 $0xA180, s2;
	s6 =	sadd.s32 s3, s26;
	[smem:$0x7FD] =	sst s30  }
0x25: {  	s17 =	sadd.s32 $0xAA00, s2;
	s26 =	sadd.s32 s0, s24;
	[dreg:$0x16] =	wrdreg s6  }
0x26: {  	s22 =	sadd.s32 s15, s9;
	s12 =	sadd.s32 s0, s10;
	[smem:$0x7EB] =	sst s26  }
0x27: {  	v0 =	vimm.s32 $0xFFEDCBA9;
	s1 =	simm.s32 $0x5;
	s14 =	sadd.s32 s3, s11;
	[smem:$0x7EF] =	sst s12  }
0x28: {  	v2 =	vunpack.c.l.s4.s8 v0;
	s8 =	simm.s32 $0x8;
	s18 =	sadd.s32 s0, s16;
	[smem:$0x7F2] =	sst s14  }
0x29: {  	v0 =	vmov s9;
	s9 =	simm.s32 $0x9;
	s20 =	sadd.s32 s3, s17;
	[smem:$0x7F3] =	sst s18  }
0x2a: {  	v6 =	vunpack.c.0.s8.s32 v2;
	v2 =	vmov s15;
	s15 =	simm.s32 $0xA980;
	s21 =	sadd.s32 s0, s2;
	[smem:$0x7F6] =	sst s20  }
0x2b: {  	s2 =	sadd.s32 $0xB280, s2;
	s6 =	sadd.s32 s3, s13;
	[smem:$0x7F7] =	sst s21  }
0x2c: {  	s13 =	sadd.s32 s0, s11;
	s11 =	simm.s32 $0x80;
	[dreg:$0x1a] =	wrdreg s6  }
0x2d: {  	s12 =	simm.s32 $0x6800;
	s6 =	sadd.s32 s3, s19;
	[smem:$0x7F1] =	sst s13  }
0x2e: {  	s14 =	simm.s32 $0x6900;
	s19 =	sadd.s32 s0, s17;
	[dreg:$0x1e] =	wrdreg s6  }
0x2f: {  	s18 =	simm.s32 $0x2;
	s6 =	sadd.s32 s3, s24;
	[smem:$0x7F5] =	sst s19  }
0x30: {  	s20 =	simm.s32 $0x0;
	s24 =	sadd.s32 s0, s2;
	[smem:$0x7EC] =	sst s6  }
0x31: {  	s13 =	simm.s32 $0x6980;
	s2 =	sadd.s32 s3, s2;
	[smem:$0x7F9] =	sst s24  }
0x32: {  	s17 =	simm.s32 $0x6780;
	s6 =	sadd.s32 s3, s10;
	[smem:$0x7FA] =	sst s2  }
0x33: {  	v1 =	vimm.s32 $0x87654321;
	s19 =	simm.s32 $0x6880;
	[smem:$0x7F0] =	sst s6;
	s6 =	sadd.s32 s3, s16  }
.Ltmp0:
0x34: {  	v3 =	vunpack.c.l.s4.s8 v1;
	[smem:$0x7F4] =	sst s6;
	s6 =	sshll.u32 s22, $0x4;
	(pc) =	sbr.rel .LBB2_1-.Ltmp0, $4  }
0x35: {  	v1 =	vlaneseq.u32;
	s2 =	simm.s32 $0x4;
	s10 =	simm.s32 $0xA;
	s25 =	sadd.s32 $0xFFFFF780, s6  }
0x36: {  	v5 =	vmul.u32 $0x11, v1;
	v7 =	vunpack.c.0.s8.s32 v3;
	s16 =	simm.s32 $0x1;
	s6 =	simm.s32 $0x6;
	s0 =	sadd.s32 s0, s25  }
0x37: {  	vm0 =	vcmask $0x3F3C;
	v4 =	vor.u32 $0x80000000, v1;
	s26 =	sadd.s32 s3, s25;
	s25 =	simm.s32 $0xE980;
	[smem:$0x7FB] =	sst s0  }
0x38: {  	v3 =	vimm.s32 $0xFFFFFFFF;
	v5 =	vadd.s32 $0x8000C380, v5;
	v6 =	vcombine.low v7, v6;
	[smem:$0x7FC] =	sst s26;
	s26 =	simm.s32 $0x12D80;
	s0 =	simm.s32 $0x4000  }
.LBB2_54:
0x39: {  	[sflag:s18] =	ssyncadd.s32 $0xFFFFC000  }
.LBB2_55:
0x3a: {  	s21 =	sld [smem:$0x7FD];
	_ =	sdelay $0x1  }
0x3b: {  	s20 =	sadd.s32 $0x1, s20  }
0x3c: {  	p0 =	sne.s32 s20, s21  }
.Ltmp1:
0x3d: {  	_ = 	snop;
	(pc) =	sbr.rel @!p0 .LBB2_56-.Ltmp1, $1  }
0x3e: {  	_ =	sdelay $0x3  }
.LBB2_1:
0x3f: {  	s21 =	sld [smem:$0x7F7];
	_ =	sdelay $0x2  }
0x40: {  	[tilespmem:s25], [sflag:$0x3] =	stream.linear.gather [hbm4b:s21+s4], $0x4400, $0x38;
	[tilespmem:$0x1F980] =	vst v63  }
0x41: {  	s30 =	rddreg [dreg:$0x5]  }
0x42: {  	[tilespmem:s26], [sflag:$0x4] =	stream.linear.gather [hbm4b:s30+s4], $0x4400, $0x38;
	[tilespmem:$0x1F980] =	vst v63  }
0x43: {  	s22 =	rddreg [dreg:$0x6]  }
0x44: {  	[tilespmem:s28], [sflag:$0x5] =	stream.linear.gather [hbm4b:s22+s4], $0x4400, $0x38;
	[tilespmem:$0x1F980] =	vst v63  }
0x45: {  	s23 =	rddreg [dreg:$0x7]  }
0x46: {  	[tilespmem:s29], [sflag:$0x6] =	stream.linear.gather [hbm4b:s23+s4], $0x4400, $0x38;
	[tilespmem:$0x1F980] =	vst v63  }
0x47: {  	s24 =	rddreg [dreg:$0x1];
	s30 =	simm.s32 $0xB  }
0x48: {  	[tilespmem:s4], [sflag:$0xB] =	stream.linear.gather [hbm4b:s24+s4], $0x4000, $0x38;
	[tilespmem:$0x1F980] =	vst v63  }
0x49: {  	_ =	swait.ge [sflag:s30], $0x4000  }
0x4a: {  	[sflag:s30] =	ssyncset.done $0x0  }
0x4b: {  	s21 =	simm.s32 $0x40;
	s22 =	simm.s32 $0x0;
	[sflag:s30] =	ssyncadd.s32 $0xFFFFC000  }
.LBB2_2:
0x4c: {  	p0 =	sne.s32 s21, $0x3100;
	[tilespmem:s22+$0x4000] =	vst v3;
	s22 =	smov.u32 s21;
	s21 =	sadd.s32 $0x40, s21  }
.Ltmp2:
0x4d: {  	(pc) =	sbr.rel @p0 .LBB2_2-.Ltmp2, $2  }
0x4e: {  	_ =	sdelay $0x2  }
0x4f: {  	s22 =	sshra.s32 s22, $0x2  }
0x50: {  	[tilespmem:s22+$0x4000] =	vst v3  }
0x51: {  	_ =	swait.ge [sflag:s31], $0x4400  }
0x52: {  	s30 =	sld [smem:$0x7F8]  }
0x53: {  	[sflag:s31] =	ssyncset.done $0x0  }
0x54: {  	s21 =	simm.s32 $0x0;
	[sflag:s31] =	ssyncadd.s32 $0xFFFFBC00  }
0x55: {  	[hbm4b:s30+s21] =	stream.linear.scatter [tilespmem:s25], [sflag:$0x7], $0x4400, $0x38;
	[tilespmem:$0x1F980] =	vst v63  }
0x56: {  	s22 =	simm.s32 $0x10;
	s23 =	simm.s32 $0x0;
	v7 =	vld [tilespmem:s21+$0x0]  }
.LBB2_4:
0x57: {  	p0 =	sne.s32 s22, $0x2C0;
	_ =	sdelay $0x3  }
0x58: {  	v7 =	vsub.s32 v7, v0  }
0x59: {  	vm1 =	vgt.s32 v7, $0xFFFFFFFF;
	vm2 =	vlt.s32 v7, v2;
	v7 =	vshll.u32 v7, $0x4  }
0x5a: {  	vm1 =	vmand vm1, vm2;
	v7 =	vxor.u32 v4, v7  }
0x5b: {  	v7 =	vsel vm1, v7, v5  }
0x5c: {  	(xrf1) =	vsort.ascd.msk.u32 $0xffff, v7, v1;
	_ =	sdelay $0xd  }
0x5d: {  	v7, _, _ =	vpop (xrf1)  }
0x5e: {  	v8 =	vxor.u32 $0x80000000, v7  }
0x5f: {  	v9 =	vperm.xlane v8, v6;
	_ =	sdelay $0x1  }
0x60: {  	v8 =	vshra.s32 v8, $0x4;
	v9 =	vshra.s32 v9, $0x4  }
0x61: {  	vm1 =	vne.s32 v8, v9  }
0x62: {  	vm2 =	vlt.s32 v8, v2;
	vm1 =	vmor vm1, vm0  }
0x63: {  	vm1 =	vmand vm2, vm1;
	_ =	sdelay $0x2  }
.Ltmp3:
0x64: {  	(pc) =	sbr.rel @p0 .LBB2_4-.Ltmp3, $4  }
0x65: {  	v7 =	vand.u32 $0xF, v7  }
0x66: {  	v7 =	vor.u32 s21, v7;
	s21 =	smov.u32 s22  }
0x67: {  	s23 =	sadd.s32 $0x10, s23;
	[tilespmem:v8+s0+$0x0] =	vst.idx.msk vm1, v7  }
0x68: {  	s22 =	sadd.s32 $0x10, s22;
	v7 =	vld [tilespmem:s23+$0x0]  }
0x69: {  	_ =	sdelay $0x3  }
0x6a: {  	v7 =	vsub.s32 v7, v0  }
0x6b: {  	vm1 =	vgt.s32 v7, $0xFFFFFFFF;
	vm2 =	vlt.s32 v7, v2;
	v7 =	vshll.u32 v7, $0x4  }
0x6c: {  	vm1 =	vmand vm1, vm2;
	v7 =	vxor.u32 v4, v7  }
0x6d: {  	v7 =	vsel vm1, v7, v5  }
0x6e: {  	(xrf1) =	vsort.ascd.msk.u32 $0xffff, v7, v1;
	_ =	sdelay $0xd  }
0x6f: {  	v7, _, _ =	vpop (xrf1)  }
0x70: {  	v8 =	vxor.u32 $0x80000000, v7  }
0x71: {  	v9 =	vperm.xlane v8, v6;
	_ =	sdelay $0x1  }
0x72: {  	v8 =	vshra.s32 v8, $0x4;
	v9 =	vshra.s32 v9, $0x4  }
0x73: {  	vm1 =	vne.s32 v8, v9  }
0x74: {  	vm2 =	vlt.s32 v8, v2;
	vm1 =	vmor vm1, vm0  }
0x75: {  	vm1 =	vmand vm2, vm1;
	_ =	sdelay $0x3  }
0x76: {  	v7 =	vand.u32 $0xF, v7  }
0x77: {  	v7 =	vor.u32 s21, v7  }
0x78: {  	[tilespmem:v8+s0+$0x0] =	vst.idx.msk vm1, v7  }
0x79: {  	_ =	swait.ge [sflag:s2], $0x4400  }
0x7a: {  	[sflag:s2] =	ssyncset.done $0x0  }
0x7b: {  	s21 =	simm.s32 $0x2D0;
	s30 =	rddreg [dreg:$0x8];
	[sflag:s2] =	ssyncadd.s32 $0xFFFFBC00  }
0x7c: {  	[hbm4b:s30+s4] =	stream.linear.scatter [tilespmem:s26], [sflag:$0x8], $0x4400, $0x38;
	[tilespmem:$0x1F980] =	vst v63  }
0x7d: {  	s22 =	simm.s32 $0x2E0;
	s23 =	simm.s32 $0x2D0;
	v7 =	vld [tilespmem:s21+$0x0]  }
.LBB2_6:
0x7e: {  	p0 =	sne.s32 s22, $0x590;
	_ =	sdelay $0x3  }
0x7f: {  	v7 =	vsub.s32 v7, v0  }
0x80: {  	vm1 =	vgt.s32 v7, $0xFFFFFFFF;
	vm2 =	vlt.s32 v7, v2;
	v7 =	vshll.u32 v7, $0x4  }
0x81: {  	vm1 =	vmand vm1, vm2;
	v7 =	vxor.u32 v4, v7  }
0x82: {  	v7 =	vsel vm1, v7, v5  }
0x83: {  	(xrf1) =	vsort.ascd.msk.u32 $0xffff, v7, v1;
	_ =	sdelay $0xd  }
0x84: {  	v7, _, _ =	vpop (xrf1)  }
0x85: {  	v8 =	vxor.u32 $0x80000000, v7  }
0x86: {  	v9 =	vperm.xlane v8, v6;
	_ =	sdelay $0x1  }
0x87: {  	v8 =	vshra.s32 v8, $0x4;
	v9 =	vshra.s32 v9, $0x4  }
0x88: {  	vm1 =	vne.s32 v8, v9  }
0x89: {  	vm2 =	vlt.s32 v8, v2;
	vm1 =	vmor vm1, vm0  }
0x8a: {  	vm1 =	vmand vm2, vm1;
	_ =	sdelay $0x2  }
.Ltmp4:
0x8b: {  	(pc) =	sbr.rel @p0 .LBB2_6-.Ltmp4, $4  }
0x8c: {  	v7 =	vand.u32 $0xF, v7  }
0x8d: {  	v7 =	vor.u32 s21, v7;
	s21 =	smov.u32 s22  }
0x8e: {  	s23 =	sadd.s32 $0x10, s23;
	[tilespmem:v8+s0+$0x0] =	vst.idx.msk vm1, v7  }
0x8f: {  	s22 =	sadd.s32 $0x10, s22;
	v7 =	vld [tilespmem:s23+$0x0]  }
0x90: {  	_ =	sdelay $0x3  }
0x91: {  	v7 =	vsub.s32 v7, v0  }
0x92: {  	vm1 =	vgt.s32 v7, $0xFFFFFFFF;
	vm2 =	vlt.s32 v7, v2;
	v7 =	vshll.u32 v7, $0x4  }
0x93: {  	vm1 =	vmand vm1, vm2;
	v7 =	vxor.u32 v4, v7  }
0x94: {  	v7 =	vsel vm1, v7, v5  }
0x95: {  	(xrf1) =	vsort.ascd.msk.u32 $0xffff, v7, v1;
	_ =	sdelay $0xd  }
0x96: {  	v7, _, _ =	vpop (xrf1)  }
0x97: {  	v8 =	vxor.u32 $0x80000000, v7  }
0x98: {  	v9 =	vperm.xlane v8, v6;
	_ =	sdelay $0x1  }
0x99: {  	v8 =	vshra.s32 v8, $0x4;
	v9 =	vshra.s32 v9, $0x4  }
0x9a: {  	vm1 =	vne.s32 v8, v9  }
0x9b: {  	vm2 =	vlt.s32 v8, v2;
	vm1 =	vmor vm1, vm0  }
0x9c: {  	vm1 =	vmand vm2, vm1;
	_ =	sdelay $0x3  }
0x9d: {  	v7 =	vand.u32 $0xF, v7  }
0x9e: {  	v7 =	vor.u32 s21, v7  }
0x9f: {  	[tilespmem:v8+s0+$0x0] =	vst.idx.msk vm1, v7  }
0xa0: {  	_ =	swait.ge [sflag:s1], $0x4400  }
0xa1: {  	[sflag:s1] =	ssyncset.done $0x0  }
0xa2: {  	s21 =	simm.s32 $0x5A0;
	s30 =	rddreg [dreg:$0x9];
	[sflag:s1] =	ssyncadd.s32 $0xFFFFBC00  }
0xa3: {  	[hbm4b:s30+s4] =	stream.linear.scatter [tilespmem:s28], [sflag:$0x9], $0x4400, $0x38;
	[tilespmem:$0x1F980] =	vst v63  }
0xa4: {  	s22 =	simm.s32 $0x5B0;
	s23 =	simm.s32 $0x5A0;
	v7 =	vld [tilespmem:s21+$0x0]  }
.LBB2_8:
0xa5: {  	p0 =	sne.s32 s22, $0x860;
	_ =	sdelay $0x3  }
0xa6: {  	v7 =	vsub.s32 v7, v0  }
0xa7: {  	vm1 =	vgt.s32 v7, $0xFFFFFFFF;
	vm2 =	vlt.s32 v7, v2;
	v7 =	vshll.u32 v7, $0x4  }
0xa8: {  	vm1 =	vmand vm1, vm2;
	v7 =	vxor.u32 v4, v7  }
0xa9: {  	v7 =	vsel vm1, v7, v5  }
0xaa: {  	(xrf1) =	vsort.ascd.msk.u32 $0xffff, v7, v1;
	_ =	sdelay $0xd  }
0xab: {  	v7, _, _ =	vpop (xrf1)  }
0xac: {  	v8 =	vxor.u32 $0x80000000, v7  }
0xad: {  	v9 =	vperm.xlane v8, v6;
	_ =	sdelay $0x1  }
0xae: {  	v8 =	vshra.s32 v8, $0x4;
	v9 =	vshra.s32 v9, $0x4  }
0xaf: {  	vm1 =	vne.s32 v8, v9  }
0xb0: {  	vm2 =	vlt.s32 v8, v2;
	vm1 =	vmor vm1, vm0  }
0xb1: {  	vm1 =	vmand vm2, vm1;
	_ =	sdelay $0x2  }
.Ltmp5:
0xb2: {  	(pc) =	sbr.rel @p0 .LBB2_8-.Ltmp5, $4  }
0xb3: {  	v7 =	vand.u32 $0xF, v7  }
0xb4: {  	v7 =	vor.u32 s21, v7;
	s21 =	smov.u32 s22  }
0xb5: {  	s23 =	sadd.s32 $0x10, s23;
	[tilespmem:v8+s0+$0x0] =	vst.idx.msk vm1, v7  }
0xb6: {  	s22 =	sadd.s32 $0x10, s22;
	v7 =	vld [tilespmem:s23+$0x0]  }
0xb7: {  	_ =	sdelay $0x3  }
0xb8: {  	v7 =	vsub.s32 v7, v0  }
0xb9: {  	vm1 =	vgt.s32 v7, $0xFFFFFFFF;
	vm2 =	vlt.s32 v7, v2;
	v7 =	vshll.u32 v7, $0x4  }
0xba: {  	vm1 =	vmand vm1, vm2;
	v7 =	vxor.u32 v4, v7  }
0xbb: {  	v7 =	vsel vm1, v7, v5  }
0xbc: {  	(xrf1) =	vsort.ascd.msk.u32 $0xffff, v7, v1;
	_ =	sdelay $0xd  }
0xbd: {  	v7, _, _ =	vpop (xrf1)  }
0xbe: {  	v8 =	vxor.u32 $0x80000000, v7  }
0xbf: {  	v9 =	vperm.xlane v8, v6;
	_ =	sdelay $0x1  }
0xc0: {  	v8 =	vshra.s32 v8, $0x4;
	v9 =	vshra.s32 v9, $0x4  }
0xc1: {  	vm1 =	vne.s32 v8, v9  }
0xc2: {  	vm2 =	vlt.s32 v8, v2;
	vm1 =	vmor vm1, vm0  }
0xc3: {  	vm1 =	vmand vm2, vm1;
	_ =	sdelay $0x3  }
0xc4: {  	v7 =	vand.u32 $0xF, v7  }
0xc5: {  	v7 =	vor.u32 s21, v7  }
0xc6: {  	[tilespmem:v8+s0+$0x0] =	vst.idx.msk vm1, v7  }
0xc7: {  	_ =	swait.ge [sflag:s6], $0x4400  }
0xc8: {  	[sflag:s6] =	ssyncset.done $0x0  }
0xc9: {  	s24 =	rddreg [dreg:$0xa];
	[sflag:s6] =	ssyncadd.s32 $0xFFFFBC00  }
0xca: {  	[hbm4b:s24+s4] =	stream.linear.scatter [tilespmem:s29], [sflag:$0xA], $0x4400, $0x38;
	[tilespmem:$0x1F980] =	vst v63  }
0xcb: {  	_ =	swait.ge [sflag:s7], $0x4400  }
0xcc: {  	[sflag:s7] =	ssyncset.done $0x0  }
0xcd: {  	s21 =	simm.s32 $0x870;
	s30 =	rddreg [dreg:$0xb];
	[sflag:s7] =	ssyncadd.s32 $0xFFFFBC00  }
0xce: {  	[tilespmem:s25], [sflag:$0x3] =	stream.linear.gather [hbm4b:s30+s4], $0x4400, $0x38;
	[tilespmem:$0x1F980] =	vst v63  }
0xcf: {  	s22 =	simm.s32 $0x880;
	s23 =	simm.s32 $0x870;
	v7 =	vld [tilespmem:s21+$0x0]  }
.LBB2_10:
0xd0: {  	p0 =	sne.s32 s22, $0xB30;
	_ =	sdelay $0x3  }
0xd1: {  	v7 =	vsub.s32 v7, v0  }
0xd2: {  	vm1 =	vgt.s32 v7, $0xFFFFFFFF;
	vm2 =	vlt.s32 v7, v2;
	v7 =	vshll.u32 v7, $0x4  }
0xd3: {  	vm1 =	vmand vm1, vm2;
	v7 =	vxor.u32 v4, v7  }
0xd4: {  	v7 =	vsel vm1, v7, v5  }
0xd5: {  	(xrf1) =	vsort.ascd.msk.u32 $0xffff, v7, v1;
	_ =	sdelay $0xd  }
0xd6: {  	v7, _, _ =	vpop (xrf1)  }
0xd7: {  	v8 =	vxor.u32 $0x80000000, v7  }
0xd8: {  	v9 =	vperm.xlane v8, v6;
	_ =	sdelay $0x1  }
0xd9: {  	v8 =	vshra.s32 v8, $0x4;
	v9 =	vshra.s32 v9, $0x4  }
0xda: {  	vm1 =	vne.s32 v8, v9  }
0xdb: {  	vm2 =	vlt.s32 v8, v2;
	vm1 =	vmor vm1, vm0  }
0xdc: {  	vm1 =	vmand vm2, vm1;
	_ =	sdelay $0x2  }
.Ltmp6:
0xdd: {  	(pc) =	sbr.rel @p0 .LBB2_10-.Ltmp6, $4  }
0xde: {  	v7 =	vand.u32 $0xF, v7  }
0xdf: {  	v7 =	vor.u32 s21, v7;
	s21 =	smov.u32 s22  }
0xe0: {  	s23 =	sadd.s32 $0x10, s23;
	[tilespmem:v8+s0+$0x0] =	vst.idx.msk vm1, v7  }
0xe1: {  	s22 =	sadd.s32 $0x10, s22;
	v7 =	vld [tilespmem:s23+$0x0]  }
0xe2: {  	_ =	sdelay $0x3  }
0xe3: {  	v7 =	vsub.s32 v7, v0  }
0xe4: {  	vm1 =	vgt.s32 v7, $0xFFFFFFFF;
	vm2 =	vlt.s32 v7, v2;
	v7 =	vshll.u32 v7, $0x4  }
0xe5: {  	vm1 =	vmand vm1, vm2;
	v7 =	vxor.u32 v4, v7  }
0xe6: {  	v7 =	vsel vm1, v7, v5  }
0xe7: {  	(xrf1) =	vsort.ascd.msk.u32 $0xffff, v7, v1;
	_ =	sdelay $0xd  }
0xe8: {  	v7, _, _ =	vpop (xrf1)  }
0xe9: {  	v8 =	vxor.u32 $0x80000000, v7  }
0xea: {  	v9 =	vperm.xlane v8, v6;
	_ =	sdelay $0x1  }
0xeb: {  	v8 =	vshra.s32 v8, $0x4;
	v9 =	vshra.s32 v9, $0x4  }
0xec: {  	vm1 =	vne.s32 v8, v9  }
0xed: {  	vm2 =	vlt.s32 v8, v2;
	vm1 =	vmor vm1, vm0  }
0xee: {  	vm1 =	vmand vm2, vm1;
	_ =	sdelay $0x3  }
0xef: {  	v7 =	vand.u32 $0xF, v7  }
0xf0: {  	v7 =	vor.u32 s21, v7  }
0xf1: {  	[tilespmem:v8+s0+$0x0] =	vst.idx.msk vm1, v7  }
0xf2: {  	_ =	swait.ge [sflag:s31], $0x4400  }
0xf3: {  	[sflag:s31] =	ssyncset.done $0x0  }
0xf4: {  	s24 =	rddreg [dreg:$0xc];
	[sflag:s31] =	ssyncadd.s32 $0xFFFFBC00  }
0xf5: {  	[hbm4b:s24+s4] =	stream.linear.scatter [tilespmem:s25], [sflag:$0x7], $0x4400, $0x38;
	[tilespmem:$0x1F980] =	vst v63  }
0xf6: {  	_ =	swait.ge [sflag:s8], $0x4400  }
0xf7: {  	[sflag:s8] =	ssyncset.done $0x0  }
0xf8: {  	s21 =	simm.s32 $0xB40;
	s30 =	rddreg [dreg:$0xd];
	[sflag:s8] =	ssyncadd.s32 $0xFFFFBC00  }
0xf9: {  	[tilespmem:s26], [sflag:$0x4] =	stream.linear.gather [hbm4b:s30+s4], $0x4400, $0x38;
	[tilespmem:$0x1F980] =	vst v63  }
0xfa: {  	s22 =	simm.s32 $0xB50;
	s23 =	simm.s32 $0xB40;
	v7 =	vld [tilespmem:s21+$0x0]  }
.LBB2_12:
0xfb: {  	p0 =	sne.s32 s22, $0xE00;
	_ =	sdelay $0x3  }
0xfc: {  	v7 =	vsub.s32 v7, v0  }
0xfd: {  	vm1 =	vgt.s32 v7, $0xFFFFFFFF;
	vm2 =	vlt.s32 v7, v2;
	v7 =	vshll.u32 v7, $0x4  }
0xfe: {  	vm1 =	vmand vm1, vm2;
	v7 =	vxor.u32 v4, v7  }
0xff: {  	v7 =	vsel vm1, v7, v5  }
0x100: {  	(xrf1) =	vsort.ascd.msk.u32 $0xffff, v7, v1;
	_ =	sdelay $0xd  }
0x101: {  	v7, _, _ =	vpop (xrf1)  }
0x102: {  	v8 =	vxor.u32 $0x80000000, v7  }
0x103: {  	v9 =	vperm.xlane v8, v6;
	_ =	sdelay $0x1  }
0x104: {  	v8 =	vshra.s32 v8, $0x4;
	v9 =	vshra.s32 v9, $0x4  }
0x105: {  	vm1 =	vne.s32 v8, v9  }
0x106: {  	vm2 =	vlt.s32 v8, v2;
	vm1 =	vmor vm1, vm0  }
0x107: {  	vm1 =	vmand vm2, vm1;
	_ =	sdelay $0x2  }
.Ltmp7:
0x108: {  	(pc) =	sbr.rel @p0 .LBB2_12-.Ltmp7, $4  }
0x109: {  	v7 =	vand.u32 $0xF, v7  }
0x10a: {  	v7 =	vor.u32 s21, v7;
	s21 =	smov.u32 s22  }
0x10b: {  	s23 =	sadd.s32 $0x10, s23;
	[tilespmem:v8+s0+$0x0] =	vst.idx.msk vm1, v7  }
0x10c: {  	s22 =	sadd.s32 $0x10, s22;
	v7 =	vld [tilespmem:s23+$0x0]  }
0x10d: {  	_ =	sdelay $0x3  }
0x10e: {  	v7 =	vsub.s32 v7, v0  }
0x10f: {  	vm1 =	vgt.s32 v7, $0xFFFFFFFF;
	vm2 =	vlt.s32 v7, v2;
	v7 =	vshll.u32 v7, $0x4  }
0x110: {  	vm1 =	vmand vm1, vm2;
	v7 =	vxor.u32 v4, v7  }
0x111: {  	v7 =	vsel vm1, v7, v5  }
0x112: {  	(xrf1) =	vsort.ascd.msk.u32 $0xffff, v7, v1;
	_ =	sdelay $0xd  }
0x113: {  	v7, _, _ =	vpop (xrf1)  }
0x114: {  	v8 =	vxor.u32 $0x80000000, v7  }
0x115: {  	v9 =	vperm.xlane v8, v6;
	_ =	sdelay $0x1  }
0x116: {  	v8 =	vshra.s32 v8, $0x4;
	v9 =	vshra.s32 v9, $0x4  }
0x117: {  	vm1 =	vne.s32 v8, v9  }
0x118: {  	vm2 =	vlt.s32 v8, v2;
	vm1 =	vmor vm1, vm0  }
0x119: {  	vm1 =	vmand vm2, vm1;
	_ =	sdelay $0x3  }
0x11a: {  	v7 =	vand.u32 $0xF, v7  }
0x11b: {  	v7 =	vor.u32 s21, v7  }
0x11c: {  	[tilespmem:v8+s0+$0x0] =	vst.idx.msk vm1, v7  }
0x11d: {  	_ =	swait.ge [sflag:s2], $0x4400  }
0x11e: {  	[sflag:s2] =	ssyncset.done $0x0  }
0x11f: {  	s24 =	rddreg [dreg:$0xe];
	[sflag:s2] =	ssyncadd.s32 $0xFFFFBC00  }
0x120: {  	[hbm4b:s24+s4] =	stream.linear.scatter [tilespmem:s26], [sflag:$0x8], $0x4400, $0x38;
	[tilespmem:$0x1F980] =	vst v63  }
0x121: {  	_ =	swait.ge [sflag:s9], $0x4400  }
0x122: {  	[sflag:s9] =	ssyncset.done $0x0  }
0x123: {  	s21 =	simm.s32 $0xE10;
	s30 =	rddreg [dreg:$0xf];
	[sflag:s9] =	ssyncadd.s32 $0xFFFFBC00  }
0x124: {  	[tilespmem:s28], [sflag:$0x5] =	stream.linear.gather [hbm4b:s30+s4], $0x4400, $0x38;
	[tilespmem:$0x1F980] =	vst v63  }
0x125: {  	s22 =	simm.s32 $0xE20;
	s23 =	simm.s32 $0xE10;
	v7 =	vld [tilespmem:s21+$0x0]  }
.LBB2_14:
0x126: {  	p0 =	sne.s32 s22, $0x10D0;
	_ =	sdelay $0x3  }
0x127: {  	v7 =	vsub.s32 v7, v0  }
0x128: {  	vm1 =	vgt.s32 v7, $0xFFFFFFFF;
	vm2 =	vlt.s32 v7, v2;
	v7 =	vshll.u32 v7, $0x4  }
0x129: {  	vm1 =	vmand vm1, vm2;
	v7 =	vxor.u32 v4, v7  }
0x12a: {  	v7 =	vsel vm1, v7, v5  }
0x12b: {  	(xrf1) =	vsort.ascd.msk.u32 $0xffff, v7, v1;
	_ =	sdelay $0xd  }
0x12c: {  	v7, _, _ =	vpop (xrf1)  }
0x12d: {  	v8 =	vxor.u32 $0x80000000, v7  }
0x12e: {  	v9 =	vperm.xlane v8, v6;
	_ =	sdelay $0x1  }
0x12f: {  	v8 =	vshra.s32 v8, $0x4;
	v9 =	vshra.s32 v9, $0x4  }
0x130: {  	vm1 =	vne.s32 v8, v9  }
0x131: {  	vm2 =	vlt.s32 v8, v2;
	vm1 =	vmor vm1, vm0  }
0x132: {  	vm1 =	vmand vm2, vm1;
	_ =	sdelay $0x2  }
.Ltmp8:
0x133: {  	(pc) =	sbr.rel @p0 .LBB2_14-.Ltmp8, $4  }
0x134: {  	v7 =	vand.u32 $0xF, v7  }
0x135: {  	v7 =	vor.u32 s21, v7;
	s21 =	smov.u32 s22  }
0x136: {  	s23 =	sadd.s32 $0x10, s23;
	[tilespmem:v8+s0+$0x0] =	vst.idx.msk vm1, v7  }
0x137: {  	s22 =	sadd.s32 $0x10, s22;
	v7 =	vld [tilespmem:s23+$0x0]  }
0x138: {  	_ =	sdelay $0x3  }
0x139: {  	v7 =	vsub.s32 v7, v0  }
0x13a: {  	vm1 =	vgt.s32 v7, $0xFFFFFFFF;
	vm2 =	vlt.s32 v7, v2;
	v7 =	vshll.u32 v7, $0x4  }
0x13b: {  	vm1 =	vmand vm1, vm2;
	v7 =	vxor.u32 v4, v7  }
0x13c: {  	v7 =	vsel vm1, v7, v5  }
0x13d: {  	(xrf1) =	vsort.ascd.msk.u32 $0xffff, v7, v1;
	_ =	sdelay $0xd  }
0x13e: {  	v7, _, _ =	vpop (xrf1)  }
0x13f: {  	v8 =	vxor.u32 $0x80000000, v7  }
0x140: {  	v9 =	vperm.xlane v8, v6;
	_ =	sdelay $0x1  }
0x141: {  	v8 =	vshra.s32 v8, $0x4;
	v9 =	vshra.s32 v9, $0x4  }
0x142: {  	vm1 =	vne.s32 v8, v9  }
0x143: {  	vm2 =	vlt.s32 v8, v2;
	vm1 =	vmor vm1, vm0  }
0x144: {  	vm1 =	vmand vm2, vm1;
	_ =	sdelay $0x3  }
0x145: {  	v7 =	vand.u32 $0xF, v7  }
0x146: {  	v7 =	vor.u32 s21, v7  }
0x147: {  	[tilespmem:v8+s0+$0x0] =	vst.idx.msk vm1, v7  }
0x148: {  	_ =	swait.ge [sflag:s1], $0x4400  }
0x149: {  	[sflag:s1] =	ssyncset.done $0x0  }
0x14a: {  	s24 =	rddreg [dreg:$0x10];
	[sflag:s1] =	ssyncadd.s32 $0xFFFFBC00  }
0x14b: {  	[hbm4b:s24+s4] =	stream.linear.scatter [tilespmem:s28], [sflag:$0x9], $0x4400, $0x38;
	[tilespmem:$0x1F980] =	vst v63  }
0x14c: {  	_ =	swait.ge [sflag:s10], $0x4400  }
0x14d: {  	[sflag:s10] =	ssyncset.done $0x0  }
0x14e: {  	s21 =	simm.s32 $0x10E0;
	s30 =	rddreg [dreg:$0x11];
	[sflag:s10] =	ssyncadd.s32 $0xFFFFBC00  }
0x14f: {  	[tilespmem:s29], [sflag:$0x6] =	stream.linear.gather [hbm4b:s30+s4], $0x4400, $0x38;
	[tilespmem:$0x1F980] =	vst v63  }
0x150: {  	s22 =	simm.s32 $0x10F0;
	s23 =	simm.s32 $0x10E0;
	v7 =	vld [tilespmem:s21+$0x0]  }
.LBB2_16:
0x151: {  	p0 =	sne.s32 s22, $0x13A0;
	_ =	sdelay $0x3  }
0x152: {  	v7 =	vsub.s32 v7, v0  }
0x153: {  	vm1 =	vgt.s32 v7, $0xFFFFFFFF;
	vm2 =	vlt.s32 v7, v2;
	v7 =	vshll.u32 v7, $0x4  }
0x154: {  	vm1 =	vmand vm1, vm2;
	v7 =	vxor.u32 v4, v7  }
0x155: {  	v7 =	vsel vm1, v7, v5  }
0x156: {  	(xrf1) =	vsort.ascd.msk.u32 $0xffff, v7, v1;
	_ =	sdelay $0xd  }
0x157: {  	v7, _, _ =	vpop (xrf1)  }
0x158: {  	v8 =	vxor.u32 $0x80000000, v7  }
0x159: {  	v9 =	vperm.xlane v8, v6;
	_ =	sdelay $0x1  }
0x15a: {  	v8 =	vshra.s32 v8, $0x4;
	v9 =	vshra.s32 v9, $0x4  }
0x15b: {  	vm1 =	vne.s32 v8, v9  }
0x15c: {  	vm2 =	vlt.s32 v8, v2;
	vm1 =	vmor vm1, vm0  }
0x15d: {  	vm1 =	vmand vm2, vm1;
	_ =	sdelay $0x2  }
.Ltmp9:
0x15e: {  	(pc) =	sbr.rel @p0 .LBB2_16-.Ltmp9, $4  }
0x15f: {  	v7 =	vand.u32 $0xF, v7  }
0x160: {  	v7 =	vor.u32 s21, v7;
	s21 =	smov.u32 s22  }
0x161: {  	s23 =	sadd.s32 $0x10, s23;
	[tilespmem:v8+s0+$0x0] =	vst.idx.msk vm1, v7  }
0x162: {  	s22 =	sadd.s32 $0x10, s22;
	v7 =	vld [tilespmem:s23+$0x0]  }
0x163: {  	_ =	sdelay $0x3  }
0x164: {  	v7 =	vsub.s32 v7, v0  }
0x165: {  	vm1 =	vgt.s32 v7, $0xFFFFFFFF;
	vm2 =	vlt.s32 v7, v2;
	v7 =	vshll.u32 v7, $0x4  }
0x166: {  	vm1 =	vmand vm1, vm2;
	v7 =	vxor.u32 v4, v7  }
0x167: {  	v7 =	vsel vm1, v7, v5  }
0x168: {  	(xrf1) =	vsort.ascd.msk.u32 $0xffff, v7, v1;
	_ =	sdelay $0xd  }
0x169: {  	v7, _, _ =	vpop (xrf1)  }
0x16a: {  	v8 =	vxor.u32 $0x80000000, v7  }
0x16b: {  	v9 =	vperm.xlane v8, v6;
	_ =	sdelay $0x1  }
0x16c: {  	v8 =	vshra.s32 v8, $0x4;
	v9 =	vshra.s32 v9, $0x4  }
0x16d: {  	vm1 =	vne.s32 v8, v9  }
0x16e: {  	vm2 =	vlt.s32 v8, v2;
	vm1 =	vmor vm1, vm0  }
0x16f: {  	vm1 =	vmand vm2, vm1;
	_ =	sdelay $0x3  }
0x170: {  	v7 =	vand.u32 $0xF, v7  }
0x171: {  	v7 =	vor.u32 s21, v7  }
0x172: {  	[tilespmem:v8+s0+$0x0] =	vst.idx.msk vm1, v7  }
0x173: {  	_ =	swait.ge [sflag:s6], $0x4400  }
0x174: {  	[sflag:s6] =	ssyncset.done $0x0  }
0x175: {  	s24 =	rddreg [dreg:$0x12];
	[sflag:s6] =	ssyncadd.s32 $0xFFFFBC00  }
0x176: {  	[hbm4b:s24+s4] =	stream.linear.scatter [tilespmem:s29], [sflag:$0xA], $0x4400, $0x38;
	[tilespmem:$0x1F980] =	vst v63  }
0x177: {  	_ =	swait.ge [sflag:s7], $0x4400  }
0x178: {  	[sflag:s7] =	ssyncset.done $0x0  }
0x179: {  	s21 =	simm.s32 $0x13B0;
	s30 =	rddreg [dreg:$0x13];
	[sflag:s7] =	ssyncadd.s32 $0xFFFFBC00  }
0x17a: {  	[tilespmem:s25], [sflag:$0x3] =	stream.linear.gather [hbm4b:s30+s4], $0x4400, $0x38;
	[tilespmem:$0x1F980] =	vst v63  }
0x17b: {  	s22 =	simm.s32 $0x13C0;
	s23 =	simm.s32 $0x13B0;
	v7 =	vld [tilespmem:s21+$0x0]  }
.LBB2_18:
0x17c: {  	p0 =	sne.s32 s22, $0x1670;
	_ =	sdelay $0x3  }
0x17d: {  	v7 =	vsub.s32 v7, v0  }
0x17e: {  	vm1 =	vgt.s32 v7, $0xFFFFFFFF;
	vm2 =	vlt.s32 v7, v2;
	v7 =	vshll.u32 v7, $0x4  }
0x17f: {  	vm1 =	vmand vm1, vm2;
	v7 =	vxor.u32 v4, v7  }
0x180: {  	v7 =	vsel vm1, v7, v5  }
0x181: {  	(xrf1) =	vsort.ascd.msk.u32 $0xffff, v7, v1;
	_ =	sdelay $0xd  }
0x182: {  	v7, _, _ =	vpop (xrf1)  }
0x183: {  	v8 =	vxor.u32 $0x80000000, v7  }
0x184: {  	v9 =	vperm.xlane v8, v6;
	_ =	sdelay $0x1  }
0x185: {  	v8 =	vshra.s32 v8, $0x4;
	v9 =	vshra.s32 v9, $0x4  }
0x186: {  	vm1 =	vne.s32 v8, v9  }
0x187: {  	vm2 =	vlt.s32 v8, v2;
	vm1 =	vmor vm1, vm0  }
0x188: {  	vm1 =	vmand vm2, vm1;
	_ =	sdelay $0x2  }
.Ltmp10:
0x189: {  	(pc) =	sbr.rel @p0 .LBB2_18-.Ltmp10, $4  }
0x18a: {  	v7 =	vand.u32 $0xF, v7  }
0x18b: {  	v7 =	vor.u32 s21, v7;
	s21 =	smov.u32 s22  }
0x18c: {  	s23 =	sadd.s32 $0x10, s23;
	[tilespmem:v8+s0+$0x0] =	vst.idx.msk vm1, v7  }
0x18d: {  	s22 =	sadd.s32 $0x10, s22;
	v7 =	vld [tilespmem:s23+$0x0]  }
0x18e: {  	_ =	sdelay $0x3  }
0x18f: {  	v7 =	vsub.s32 v7, v0  }
0x190: {  	vm1 =	vgt.s32 v7, $0xFFFFFFFF;
	vm2 =	vlt.s32 v7, v2;
	v7 =	vshll.u32 v7, $0x4  }
0x191: {  	vm1 =	vmand vm1, vm2;
	v7 =	vxor.u32 v4, v7  }
0x192: {  	v7 =	vsel vm1, v7, v5  }
0x193: {  	(xrf1) =	vsort.ascd.msk.u32 $0xffff, v7, v1;
	_ =	sdelay $0xd  }
0x194: {  	v7, _, _ =	vpop (xrf1)  }
0x195: {  	v8 =	vxor.u32 $0x80000000, v7  }
0x196: {  	v9 =	vperm.xlane v8, v6;
	_ =	sdelay $0x1  }
0x197: {  	v8 =	vshra.s32 v8, $0x4;
	v9 =	vshra.s32 v9, $0x4  }
0x198: {  	vm1 =	vne.s32 v8, v9  }
0x199: {  	vm2 =	vlt.s32 v8, v2;
	vm1 =	vmor vm1, vm0  }
0x19a: {  	vm1 =	vmand vm2, vm1;
	_ =	sdelay $0x3  }
0x19b: {  	v7 =	vand.u32 $0xF, v7  }
0x19c: {  	v7 =	vor.u32 s21, v7  }
0x19d: {  	[tilespmem:v8+s0+$0x0] =	vst.idx.msk vm1, v7  }
0x19e: {  	_ =	swait.ge [sflag:s31], $0x4400  }
0x19f: {  	[sflag:s31] =	ssyncset.done $0x0  }
0x1a0: {  	s24 =	rddreg [dreg:$0x14];
	[sflag:s31] =	ssyncadd.s32 $0xFFFFBC00  }
0x1a1: {  	[hbm4b:s24+s4] =	stream.linear.scatter [tilespmem:s25], [sflag:$0x7], $0x4400, $0x38;
	[tilespmem:$0x1F980] =	vst v63  }
0x1a2: {  	_ =	swait.ge [sflag:s8], $0x4400  }
0x1a3: {  	[sflag:s8] =	ssyncset.done $0x0  }
0x1a4: {  	s21 =	simm.s32 $0x1680;
	s30 =	rddreg [dreg:$0x15];
	[sflag:s8] =	ssyncadd.s32 $0xFFFFBC00  }
0x1a5: {  	[tilespmem:s26], [sflag:$0x4] =	stream.linear.gather [hbm4b:s30+s4], $0x4400, $0x38;
	[tilespmem:$0x1F980] =	vst v63  }
0x1a6: {  	s22 =	simm.s32 $0x1690;
	s23 =	simm.s32 $0x1680;
	v7 =	vld [tilespmem:s21+$0x0]  }
.LBB2_20:
0x1a7: {  	p0 =	sne.s32 s22, $0x1940;
	_ =	sdelay $0x3  }
0x1a8: {  	v7 =	vsub.s32 v7, v0  }
0x1a9: {  	vm1 =	vgt.s32 v7, $0xFFFFFFFF;
	vm2 =	vlt.s32 v7, v2;
	v7 =	vshll.u32 v7, $0x4  }
0x1aa: {  	vm1 =	vmand vm1, vm2;
	v7 =	vxor.u32 v4, v7  }
0x1ab: {  	v7 =	vsel vm1, v7, v5  }
0x1ac: {  	(xrf1) =	vsort.ascd.msk.u32 $0xffff, v7, v1;
	_ =	sdelay $0xd  }
0x1ad: {  	v7, _, _ =	vpop (xrf1)  }
0x1ae: {  	v8 =	vxor.u32 $0x80000000, v7  }
0x1af: {  	v9 =	vperm.xlane v8, v6;
	_ =	sdelay $0x1  }
0x1b0: {  	v8 =	vshra.s32 v8, $0x4;
	v9 =	vshra.s32 v9, $0x4  }
0x1b1: {  	vm1 =	vne.s32 v8, v9  }
0x1b2: {  	vm2 =	vlt.s32 v8, v2;
	vm1 =	vmor vm1, vm0  }
0x1b3: {  	vm1 =	vmand vm2, vm1;
	_ =	sdelay $0x2  }
.Ltmp11:
0x1b4: {  	(pc) =	sbr.rel @p0 .LBB2_20-.Ltmp11, $4  }
0x1b5: {  	v7 =	vand.u32 $0xF, v7  }
0x1b6: {  	v7 =	vor.u32 s21, v7;
	s21 =	smov.u32 s22  }
0x1b7: {  	s23 =	sadd.s32 $0x10, s23;
	[tilespmem:v8+s0+$0x0] =	vst.idx.msk vm1, v7  }
0x1b8: {  	s22 =	sadd.s32 $0x10, s22;
	v7 =	vld [tilespmem:s23+$0x0]  }
0x1b9: {  	_ =	sdelay $0x3  }
0x1ba: {  	v7 =	vsub.s32 v7, v0  }
0x1bb: {  	vm1 =	vgt.s32 v7, $0xFFFFFFFF;
	vm2 =	vlt.s32 v7, v2;
	v7 =	vshll.u32 v7, $0x4  }
0x1bc: {  	vm1 =	vmand vm1, vm2;
	v7 =	vxor.u32 v4, v7  }
0x1bd: {  	v7 =	vsel vm1, v7, v5  }
0x1be: {  	(xrf1) =	vsort.ascd.msk.u32 $0xffff, v7, v1;
	_ =	sdelay $0xd  }
0x1bf: {  	v7, _, _ =	vpop (xrf1)  }
0x1c0: {  	v8 =	vxor.u32 $0x80000000, v7  }
0x1c1: {  	v9 =	vperm.xlane v8, v6;
	_ =	sdelay $0x1  }
0x1c2: {  	v8 =	vshra.s32 v8, $0x4;
	v9 =	vshra.s32 v9, $0x4  }
0x1c3: {  	vm1 =	vne.s32 v8, v9  }
0x1c4: {  	vm2 =	vlt.s32 v8, v2;
	vm1 =	vmor vm1, vm0  }
0x1c5: {  	vm1 =	vmand vm2, vm1;
	_ =	sdelay $0x3  }
0x1c6: {  	v7 =	vand.u32 $0xF, v7  }
0x1c7: {  	v7 =	vor.u32 s21, v7  }
0x1c8: {  	[tilespmem:v8+s0+$0x0] =	vst.idx.msk vm1, v7  }
0x1c9: {  	_ =	swait.ge [sflag:s2], $0x4400  }
0x1ca: {  	[sflag:s2] =	ssyncset.done $0x0  }
0x1cb: {  	s24 =	rddreg [dreg:$0x16];
	[sflag:s2] =	ssyncadd.s32 $0xFFFFBC00  }
0x1cc: {  	[hbm4b:s24+s4] =	stream.linear.scatter [tilespmem:s26], [sflag:$0x8], $0x4400, $0x38;
	[tilespmem:$0x1F980] =	vst v63  }
0x1cd: {  	_ =	swait.ge [sflag:s9], $0x4400  }
0x1ce: {  	[sflag:s9] =	ssyncset.done $0x0  }
0x1cf: {  	s21 =	simm.s32 $0x1950;
	s30 =	rddreg [dreg:$0x17];
	[sflag:s9] =	ssyncadd.s32 $0xFFFFBC00  }
0x1d0: {  	[tilespmem:s28], [sflag:$0x5] =	stream.linear.gather [hbm4b:s30+s4], $0x4400, $0x38;
	[tilespmem:$0x1F980] =	vst v63  }
0x1d1: {  	s22 =	simm.s32 $0x1960;
	s23 =	simm.s32 $0x1950;
	v7 =	vld [tilespmem:s21+$0x0]  }
.LBB2_22:
0x1d2: {  	p0 =	sne.s32 s22, $0x1C10;
	_ =	sdelay $0x3  }
0x1d3: {  	v7 =	vsub.s32 v7, v0  }
0x1d4: {  	vm1 =	vgt.s32 v7, $0xFFFFFFFF;
	vm2 =	vlt.s32 v7, v2;
	v7 =	vshll.u32 v7, $0x4  }
0x1d5: {  	vm1 =	vmand vm1, vm2;
	v7 =	vxor.u32 v4, v7  }
0x1d6: {  	v7 =	vsel vm1, v7, v5  }
0x1d7: {  	(xrf1) =	vsort.ascd.msk.u32 $0xffff, v7, v1;
	_ =	sdelay $0xd  }
0x1d8: {  	v7, _, _ =	vpop (xrf1)  }
0x1d9: {  	v8 =	vxor.u32 $0x80000000, v7  }
0x1da: {  	v9 =	vperm.xlane v8, v6;
	_ =	sdelay $0x1  }
0x1db: {  	v8 =	vshra.s32 v8, $0x4;
	v9 =	vshra.s32 v9, $0x4  }
0x1dc: {  	vm1 =	vne.s32 v8, v9  }
0x1dd: {  	vm2 =	vlt.s32 v8, v2;
	vm1 =	vmor vm1, vm0  }
0x1de: {  	vm1 =	vmand vm2, vm1;
	_ =	sdelay $0x2  }
.Ltmp12:
0x1df: {  	(pc) =	sbr.rel @p0 .LBB2_22-.Ltmp12, $4  }
0x1e0: {  	v7 =	vand.u32 $0xF, v7  }
0x1e1: {  	v7 =	vor.u32 s21, v7;
	s21 =	smov.u32 s22  }
0x1e2: {  	s23 =	sadd.s32 $0x10, s23;
	[tilespmem:v8+s0+$0x0] =	vst.idx.msk vm1, v7  }
0x1e3: {  	s22 =	sadd.s32 $0x10, s22;
	v7 =	vld [tilespmem:s23+$0x0]  }
0x1e4: {  	_ =	sdelay $0x3  }
0x1e5: {  	v7 =	vsub.s32 v7, v0  }
0x1e6: {  	vm1 =	vgt.s32 v7, $0xFFFFFFFF;
	vm2 =	vlt.s32 v7, v2;
	v7 =	vshll.u32 v7, $0x4  }
0x1e7: {  	vm1 =	vmand vm1, vm2;
	v7 =	vxor.u32 v4, v7  }
0x1e8: {  	v7 =	vsel vm1, v7, v5  }
0x1e9: {  	(xrf1) =	vsort.ascd.msk.u32 $0xffff, v7, v1;
	_ =	sdelay $0xd  }
0x1ea: {  	v7, _, _ =	vpop (xrf1)  }
0x1eb: {  	v8 =	vxor.u32 $0x80000000, v7  }
0x1ec: {  	v9 =	vperm.xlane v8, v6;
	_ =	sdelay $0x1  }
0x1ed: {  	v8 =	vshra.s32 v8, $0x4;
	v9 =	vshra.s32 v9, $0x4  }
0x1ee: {  	vm1 =	vne.s32 v8, v9  }
0x1ef: {  	vm2 =	vlt.s32 v8, v2;
	vm1 =	vmor vm1, vm0  }
0x1f0: {  	vm1 =	vmand vm2, vm1;
	_ =	sdelay $0x3  }
0x1f1: {  	v7 =	vand.u32 $0xF, v7  }
0x1f2: {  	v7 =	vor.u32 s21, v7  }
0x1f3: {  	[tilespmem:v8+s0+$0x0] =	vst.idx.msk vm1, v7  }
0x1f4: {  	_ =	swait.ge [sflag:s1], $0x4400  }
0x1f5: {  	[sflag:s1] =	ssyncset.done $0x0  }
0x1f6: {  	s24 =	rddreg [dreg:$0x18];
	[sflag:s1] =	ssyncadd.s32 $0xFFFFBC00  }
0x1f7: {  	[hbm4b:s24+s4] =	stream.linear.scatter [tilespmem:s28], [sflag:$0x9], $0x4400, $0x38;
	[tilespmem:$0x1F980] =	vst v63  }
0x1f8: {  	_ =	swait.ge [sflag:s10], $0x4400  }
0x1f9: {  	[sflag:s10] =	ssyncset.done $0x0  }
0x1fa: {  	s21 =	simm.s32 $0x1C20;
	s30 =	rddreg [dreg:$0x19];
	[sflag:s10] =	ssyncadd.s32 $0xFFFFBC00  }
0x1fb: {  	[tilespmem:s29], [sflag:$0x6] =	stream.linear.gather [hbm4b:s30+s4], $0x4400, $0x38;
	[tilespmem:$0x1F980] =	vst v63  }
0x1fc: {  	s22 =	simm.s32 $0x1C30;
	s23 =	simm.s32 $0x1C20;
	v7 =	vld [tilespmem:s21+$0x0]  }
.LBB2_24:
0x1fd: {  	p0 =	sne.s32 s22, $0x1EE0;
	_ =	sdelay $0x3  }
0x1fe: {  	v7 =	vsub.s32 v7, v0  }
0x1ff: {  	vm1 =	vgt.s32 v7, $0xFFFFFFFF;
	vm2 =	vlt.s32 v7, v2;
	v7 =	vshll.u32 v7, $0x4  }
0x200: {  	vm1 =	vmand vm1, vm2;
	v7 =	vxor.u32 v4, v7  }
0x201: {  	v7 =	vsel vm1, v7, v5  }
0x202: {  	(xrf1) =	vsort.ascd.msk.u32 $0xffff, v7, v1;
	_ =	sdelay $0xd  }
0x203: {  	v7, _, _ =	vpop (xrf1)  }
0x204: {  	v8 =	vxor.u32 $0x80000000, v7  }
0x205: {  	v9 =	vperm.xlane v8, v6;
	_ =	sdelay $0x1  }
0x206: {  	v8 =	vshra.s32 v8, $0x4;
	v9 =	vshra.s32 v9, $0x4  }
0x207: {  	vm1 =	vne.s32 v8, v9  }
0x208: {  	vm2 =	vlt.s32 v8, v2;
	vm1 =	vmor vm1, vm0  }
0x209: {  	vm1 =	vmand vm2, vm1;
	_ =	sdelay $0x2  }
.Ltmp13:
0x20a: {  	(pc) =	sbr.rel @p0 .LBB2_24-.Ltmp13, $4  }
0x20b: {  	v7 =	vand.u32 $0xF, v7  }
0x20c: {  	v7 =	vor.u32 s21, v7;
	s21 =	smov.u32 s22  }
0x20d: {  	s23 =	sadd.s32 $0x10, s23;
	[tilespmem:v8+s0+$0x0] =	vst.idx.msk vm1, v7  }
0x20e: {  	s22 =	sadd.s32 $0x10, s22;
	v7 =	vld [tilespmem:s23+$0x0]  }
0x20f: {  	_ =	sdelay $0x3  }
0x210: {  	v7 =	vsub.s32 v7, v0  }
0x211: {  	vm1 =	vgt.s32 v7, $0xFFFFFFFF;
	vm2 =	vlt.s32 v7, v2;
	v7 =	vshll.u32 v7, $0x4  }
0x212: {  	vm1 =	vmand vm1, vm2;
	v7 =	vxor.u32 v4, v7  }
0x213: {  	v7 =	vsel vm1, v7, v5  }
0x214: {  	(xrf1) =	vsort.ascd.msk.u32 $0xffff, v7, v1;
	_ =	sdelay $0xd  }
0x215: {  	v7, _, _ =	vpop (xrf1)  }
0x216: {  	v8 =	vxor.u32 $0x80000000, v7  }
0x217: {  	v9 =	vperm.xlane v8, v6;
	_ =	sdelay $0x1  }
0x218: {  	v8 =	vshra.s32 v8, $0x4;
	v9 =	vshra.s32 v9, $0x4  }
0x219: {  	vm1 =	vne.s32 v8, v9  }
0x21a: {  	vm2 =	vlt.s32 v8, v2;
	vm1 =	vmor vm1, vm0  }
0x21b: {  	vm1 =	vmand vm2, vm1;
	_ =	sdelay $0x3  }
0x21c: {  	v7 =	vand.u32 $0xF, v7  }
0x21d: {  	v7 =	vor.u32 s21, v7  }
0x21e: {  	[tilespmem:v8+s0+$0x0] =	vst.idx.msk vm1, v7  }
0x21f: {  	_ =	swait.ge [sflag:s6], $0x4400  }
0x220: {  	[sflag:s6] =	ssyncset.done $0x0  }
0x221: {  	s24 =	rddreg [dreg:$0x1a];
	[sflag:s6] =	ssyncadd.s32 $0xFFFFBC00  }
0x222: {  	[hbm4b:s24+s4] =	stream.linear.scatter [tilespmem:s29], [sflag:$0xA], $0x4400, $0x38;
	[tilespmem:$0x1F980] =	vst v63  }
0x223: {  	_ =	swait.ge [sflag:s7], $0x4400  }
0x224: {  	[sflag:s7] =	ssyncset.done $0x0  }
0x225: {  	s21 =	simm.s32 $0x1EF0;
	s30 =	rddreg [dreg:$0x1b];
	[sflag:s7] =	ssyncadd.s32 $0xFFFFBC00  }
0x226: {  	[tilespmem:s25], [sflag:$0x3] =	stream.linear.gather [hbm4b:s30+s4], $0x4400, $0x38;
	[tilespmem:$0x1F980] =	vst v63  }
0x227: {  	s22 =	simm.s32 $0x1F00;
	s23 =	simm.s32 $0x1EF0;
	v7 =	vld [tilespmem:s21+$0x0]  }
.LBB2_26:
0x228: {  	p0 =	sne.s32 s22, $0x21B0;
	_ =	sdelay $0x3  }
0x229: {  	v7 =	vsub.s32 v7, v0  }
0x22a: {  	vm1 =	vgt.s32 v7, $0xFFFFFFFF;
	vm2 =	vlt.s32 v7, v2;
	v7 =	vshll.u32 v7, $0x4  }
0x22b: {  	vm1 =	vmand vm1, vm2;
	v7 =	vxor.u32 v4, v7  }
0x22c: {  	v7 =	vsel vm1, v7, v5  }
0x22d: {  	(xrf1) =	vsort.ascd.msk.u32 $0xffff, v7, v1;
	_ =	sdelay $0xd  }
0x22e: {  	v7, _, _ =	vpop (xrf1)  }
0x22f: {  	v8 =	vxor.u32 $0x80000000, v7  }
0x230: {  	v9 =	vperm.xlane v8, v6;
	_ =	sdelay $0x1  }
0x231: {  	v8 =	vshra.s32 v8, $0x4;
	v9 =	vshra.s32 v9, $0x4  }
0x232: {  	vm1 =	vne.s32 v8, v9  }
0x233: {  	vm2 =	vlt.s32 v8, v2;
	vm1 =	vmor vm1, vm0  }
0x234: {  	vm1 =	vmand vm2, vm1;
	_ =	sdelay $0x2  }
.Ltmp14:
0x235: {  	(pc) =	sbr.rel @p0 .LBB2_26-.Ltmp14, $4  }
0x236: {  	v7 =	vand.u32 $0xF, v7  }
0x237: {  	v7 =	vor.u32 s21, v7;
	s21 =	smov.u32 s22  }
0x238: {  	s23 =	sadd.s32 $0x10, s23;
	[tilespmem:v8+s0+$0x0] =	vst.idx.msk vm1, v7  }
0x239: {  	s22 =	sadd.s32 $0x10, s22;
	v7 =	vld [tilespmem:s23+$0x0]  }
0x23a: {  	_ =	sdelay $0x3  }
0x23b: {  	v7 =	vsub.s32 v7, v0  }
0x23c: {  	vm1 =	vgt.s32 v7, $0xFFFFFFFF;
	vm2 =	vlt.s32 v7, v2;
	v7 =	vshll.u32 v7, $0x4  }
0x23d: {  	vm1 =	vmand vm1, vm2;
	v7 =	vxor.u32 v4, v7  }
0x23e: {  	v7 =	vsel vm1, v7, v5  }
0x23f: {  	(xrf1) =	vsort.ascd.msk.u32 $0xffff, v7, v1;
	_ =	sdelay $0xd  }
0x240: {  	v7, _, _ =	vpop (xrf1)  }
0x241: {  	v8 =	vxor.u32 $0x80000000, v7  }
0x242: {  	v9 =	vperm.xlane v8, v6;
	_ =	sdelay $0x1  }
0x243: {  	v8 =	vshra.s32 v8, $0x4;
	v9 =	vshra.s32 v9, $0x4  }
0x244: {  	vm1 =	vne.s32 v8, v9  }
0x245: {  	vm2 =	vlt.s32 v8, v2;
	vm1 =	vmor vm1, vm0  }
0x246: {  	vm1 =	vmand vm2, vm1;
	_ =	sdelay $0x3  }
0x247: {  	v7 =	vand.u32 $0xF, v7  }
0x248: {  	v7 =	vor.u32 s21, v7  }
0x249: {  	[tilespmem:v8+s0+$0x0] =	vst.idx.msk vm1, v7  }
0x24a: {  	_ =	swait.ge [sflag:s31], $0x4400  }
0x24b: {  	[sflag:s31] =	ssyncset.done $0x0  }
0x24c: {  	s24 =	rddreg [dreg:$0x1c];
	[sflag:s31] =	ssyncadd.s32 $0xFFFFBC00  }
0x24d: {  	[hbm4b:s24+s4] =	stream.linear.scatter [tilespmem:s25], [sflag:$0x7], $0x4400, $0x38;
	[tilespmem:$0x1F980] =	vst v63  }
0x24e: {  	_ =	swait.ge [sflag:s8], $0x4400  }
0x24f: {  	[sflag:s8] =	ssyncset.done $0x0  }
0x250: {  	s21 =	simm.s32 $0x21C0;
	s30 =	rddreg [dreg:$0x1d];
	[sflag:s8] =	ssyncadd.s32 $0xFFFFBC00  }
0x251: {  	[tilespmem:s26], [sflag:$0x4] =	stream.linear.gather [hbm4b:s30+s4], $0x4400, $0x38;
	[tilespmem:$0x1F980] =	vst v63  }
0x252: {  	s22 =	simm.s32 $0x21D0;
	s23 =	simm.s32 $0x21C0;
	v7 =	vld [tilespmem:s21+$0x0]  }
.LBB2_28:
0x253: {  	p0 =	sne.s32 s22, $0x2480;
	_ =	sdelay $0x3  }
0x254: {  	v7 =	vsub.s32 v7, v0  }
0x255: {  	vm1 =	vgt.s32 v7, $0xFFFFFFFF;
	vm2 =	vlt.s32 v7, v2;
	v7 =	vshll.u32 v7, $0x4  }
0x256: {  	vm1 =	vmand vm1, vm2;
	v7 =	vxor.u32 v4, v7  }
0x257: {  	v7 =	vsel vm1, v7, v5  }
0x258: {  	(xrf1) =	vsort.ascd.msk.u32 $0xffff, v7, v1;
	_ =	sdelay $0xd  }
0x259: {  	v7, _, _ =	vpop (xrf1)  }
0x25a: {  	v8 =	vxor.u32 $0x80000000, v7  }
0x25b: {  	v9 =	vperm.xlane v8, v6;
	_ =	sdelay $0x1  }
0x25c: {  	v8 =	vshra.s32 v8, $0x4;
	v9 =	vshra.s32 v9, $0x4  }
0x25d: {  	vm1 =	vne.s32 v8, v9  }
0x25e: {  	vm2 =	vlt.s32 v8, v2;
	vm1 =	vmor vm1, vm0  }
0x25f: {  	vm1 =	vmand vm2, vm1;
	_ =	sdelay $0x2  }
.Ltmp15:
0x260: {  	(pc) =	sbr.rel @p0 .LBB2_28-.Ltmp15, $4  }
0x261: {  	v7 =	vand.u32 $0xF, v7  }
0x262: {  	v7 =	vor.u32 s21, v7;
	s21 =	smov.u32 s22  }
0x263: {  	s23 =	sadd.s32 $0x10, s23;
	[tilespmem:v8+s0+$0x0] =	vst.idx.msk vm1, v7  }
0x264: {  	s22 =	sadd.s32 $0x10, s22;
	v7 =	vld [tilespmem:s23+$0x0]  }
0x265: {  	_ =	sdelay $0x3  }
0x266: {  	v7 =	vsub.s32 v7, v0  }
0x267: {  	vm1 =	vgt.s32 v7, $0xFFFFFFFF;
	vm2 =	vlt.s32 v7, v2;
	v7 =	vshll.u32 v7, $0x4  }
0x268: {  	vm1 =	vmand vm1, vm2;
	v7 =	vxor.u32 v4, v7  }
0x269: {  	v7 =	vsel vm1, v7, v5  }
0x26a: {  	(xrf1) =	vsort.ascd.msk.u32 $0xffff, v7, v1;
	_ =	sdelay $0xd  }
0x26b: {  	v7, _, _ =	vpop (xrf1)  }
0x26c: {  	v8 =	vxor.u32 $0x80000000, v7  }
0x26d: {  	v9 =	vperm.xlane v8, v6;
	_ =	sdelay $0x1  }
0x26e: {  	v8 =	vshra.s32 v8, $0x4;
	v9 =	vshra.s32 v9, $0x4  }
0x26f: {  	vm1 =	vne.s32 v8, v9  }
0x270: {  	vm2 =	vlt.s32 v8, v2;
	vm1 =	vmor vm1, vm0  }
0x271: {  	vm1 =	vmand vm2, vm1;
	_ =	sdelay $0x3  }
0x272: {  	v7 =	vand.u32 $0xF, v7  }
0x273: {  	v7 =	vor.u32 s21, v7  }
0x274: {  	[tilespmem:v8+s0+$0x0] =	vst.idx.msk vm1, v7  }
0x275: {  	_ =	swait.ge [sflag:s2], $0x4400  }
0x276: {  	[sflag:s2] =	ssyncset.done $0x0  }
0x277: {  	s24 =	rddreg [dreg:$0x1e];
	[sflag:s2] =	ssyncadd.s32 $0xFFFFBC00  }
0x278: {  	[hbm4b:s24+s4] =	stream.linear.scatter [tilespmem:s26], [sflag:$0x8], $0x4400, $0x38;
	[tilespmem:$0x1F980] =	vst v63  }
0x279: {  	_ =	swait.ge [sflag:s9], $0x4400  }
0x27a: {  	[sflag:s9] =	ssyncset.done $0x0  }
0x27b: {  	s21 =	simm.s32 $0x2490;
	s30 =	rddreg [dreg:$0x1f];
	[sflag:s9] =	ssyncadd.s32 $0xFFFFBC00  }
0x27c: {  	[tilespmem:s28], [sflag:$0x5] =	stream.linear.gather [hbm4b:s30+s4], $0x4400, $0x38;
	[tilespmem:$0x1F980] =	vst v63  }
0x27d: {  	s22 =	simm.s32 $0x24A0;
	s23 =	simm.s32 $0x2490;
	v7 =	vld [tilespmem:s21+$0x0]  }
.LBB2_30:
0x27e: {  	p0 =	sne.s32 s22, $0x2750;
	_ =	sdelay $0x3  }
0x27f: {  	v7 =	vsub.s32 v7, v0  }
0x280: {  	vm1 =	vgt.s32 v7, $0xFFFFFFFF;
	vm2 =	vlt.s32 v7, v2;
	v7 =	vshll.u32 v7, $0x4  }
0x281: {  	vm1 =	vmand vm1, vm2;
	v7 =	vxor.u32 v4, v7  }
0x282: {  	v7 =	vsel vm1, v7, v5  }
0x283: {  	(xrf1) =	vsort.ascd.msk.u32 $0xffff, v7, v1;
	_ =	sdelay $0xd  }
0x284: {  	v7, _, _ =	vpop (xrf1)  }
0x285: {  	v8 =	vxor.u32 $0x80000000, v7  }
0x286: {  	v9 =	vperm.xlane v8, v6;
	_ =	sdelay $0x1  }
0x287: {  	v8 =	vshra.s32 v8, $0x4;
	v9 =	vshra.s32 v9, $0x4  }
0x288: {  	vm1 =	vne.s32 v8, v9  }
0x289: {  	vm2 =	vlt.s32 v8, v2;
	vm1 =	vmor vm1, vm0  }
0x28a: {  	vm1 =	vmand vm2, vm1;
	_ =	sdelay $0x2  }
.Ltmp16:
0x28b: {  	(pc) =	sbr.rel @p0 .LBB2_30-.Ltmp16, $4  }
0x28c: {  	v7 =	vand.u32 $0xF, v7  }
0x28d: {  	v7 =	vor.u32 s21, v7;
	s21 =	smov.u32 s22  }
0x28e: {  	s23 =	sadd.s32 $0x10, s23;
	[tilespmem:v8+s0+$0x0] =	vst.idx.msk vm1, v7  }
0x28f: {  	s22 =	sadd.s32 $0x10, s22;
	v7 =	vld [tilespmem:s23+$0x0]  }
0x290: {  	_ =	sdelay $0x3  }
0x291: {  	v7 =	vsub.s32 v7, v0  }
0x292: {  	vm1 =	vgt.s32 v7, $0xFFFFFFFF;
	vm2 =	vlt.s32 v7, v2;
	v7 =	vshll.u32 v7, $0x4  }
0x293: {  	vm1 =	vmand vm1, vm2;
	v7 =	vxor.u32 v4, v7  }
0x294: {  	v7 =	vsel vm1, v7, v5  }
0x295: {  	(xrf1) =	vsort.ascd.msk.u32 $0xffff, v7, v1;
	_ =	sdelay $0xd  }
0x296: {  	v7, _, _ =	vpop (xrf1)  }
0x297: {  	v8 =	vxor.u32 $0x80000000, v7  }
0x298: {  	v9 =	vperm.xlane v8, v6;
	_ =	sdelay $0x1  }
0x299: {  	v8 =	vshra.s32 v8, $0x4;
	v9 =	vshra.s32 v9, $0x4  }
0x29a: {  	vm1 =	vne.s32 v8, v9  }
0x29b: {  	vm2 =	vlt.s32 v8, v2;
	vm1 =	vmor vm1, vm0  }
0x29c: {  	vm1 =	vmand vm2, vm1;
	_ =	sdelay $0x3  }
0x29d: {  	v7 =	vand.u32 $0xF, v7  }
0x29e: {  	v7 =	vor.u32 s21, v7  }
0x29f: {  	[tilespmem:v8+s0+$0x0] =	vst.idx.msk vm1, v7  }
0x2a0: {  	_ =	swait.ge [sflag:s1], $0x4400  }
0x2a1: {  	s24 =	sld [smem:$0x7EA]  }
0x2a2: {  	[sflag:s1] =	ssyncset.done $0x0  }
0x2a3: {  	[sflag:s1] =	ssyncadd.s32 $0xFFFFBC00  }
0x2a4: {  	[hbm4b:s24+s4] =	stream.linear.scatter [tilespmem:s28], [sflag:$0x9], $0x4400, $0x38;
	[tilespmem:$0x1F980] =	vst v63  }
0x2a5: {  	_ =	swait.ge [sflag:s10], $0x4400  }
0x2a6: {  	s30 =	sld [smem:$0x7EB]  }
0x2a7: {  	[sflag:s10] =	ssyncset.done $0x0  }
0x2a8: {  	s21 =	simm.s32 $0x2760;
	[sflag:s10] =	ssyncadd.s32 $0xFFFFBC00  }
0x2a9: {  	[tilespmem:s29], [sflag:$0x6] =	stream.linear.gather [hbm4b:s30+s4], $0x4400, $0x38;
	[tilespmem:$0x1F980] =	vst v63  }
0x2aa: {  	s22 =	simm.s32 $0x2770;
	s23 =	simm.s32 $0x2760;
	v7 =	vld [tilespmem:s21+$0x0]  }
.LBB2_32:
0x2ab: {  	p0 =	sne.s32 s22, $0x2A20;
	_ =	sdelay $0x3  }
0x2ac: {  	v7 =	vsub.s32 v7, v0  }
0x2ad: {  	vm1 =	vgt.s32 v7, $0xFFFFFFFF;
	vm2 =	vlt.s32 v7, v2;
	v7 =	vshll.u32 v7, $0x4  }
0x2ae: {  	vm1 =	vmand vm1, vm2;
	v7 =	vxor.u32 v4, v7  }
0x2af: {  	v7 =	vsel vm1, v7, v5  }
0x2b0: {  	(xrf1) =	vsort.ascd.msk.u32 $0xffff, v7, v1;
	_ =	sdelay $0xd  }
0x2b1: {  	v7, _, _ =	vpop (xrf1)  }
0x2b2: {  	v8 =	vxor.u32 $0x80000000, v7  }
0x2b3: {  	v9 =	vperm.xlane v8, v6;
	_ =	sdelay $0x1  }
0x2b4: {  	v8 =	vshra.s32 v8, $0x4;
	v9 =	vshra.s32 v9, $0x4  }
0x2b5: {  	vm1 =	vne.s32 v8, v9  }
0x2b6: {  	vm2 =	vlt.s32 v8, v2;
	vm1 =	vmor vm1, vm0  }
0x2b7: {  	vm1 =	vmand vm2, vm1;
	_ =	sdelay $0x2  }
.Ltmp17:
0x2b8: {  	(pc) =	sbr.rel @p0 .LBB2_32-.Ltmp17, $4  }
0x2b9: {  	v7 =	vand.u32 $0xF, v7  }
0x2ba: {  	v7 =	vor.u32 s21, v7;
	s21 =	smov.u32 s22  }
0x2bb: {  	s23 =	sadd.s32 $0x10, s23;
	[tilespmem:v8+s0+$0x0] =	vst.idx.msk vm1, v7  }
0x2bc: {  	s22 =	sadd.s32 $0x10, s22;
	v7 =	vld [tilespmem:s23+$0x0]  }
0x2bd: {  	_ =	sdelay $0x3  }
0x2be: {  	v7 =	vsub.s32 v7, v0  }
0x2bf: {  	vm1 =	vgt.s32 v7, $0xFFFFFFFF;
	vm2 =	vlt.s32 v7, v2;
	v7 =	vshll.u32 v7, $0x4  }
0x2c0: {  	vm1 =	vmand vm1, vm2;
	v7 =	vxor.u32 v4, v7  }
0x2c1: {  	v7 =	vsel vm1, v7, v5  }
0x2c2: {  	(xrf1) =	vsort.ascd.msk.u32 $0xffff, v7, v1;
	_ =	sdelay $0xd  }
0x2c3: {  	v7, _, _ =	vpop (xrf1)  }
0x2c4: {  	v8 =	vxor.u32 $0x80000000, v7  }
0x2c5: {  	v9 =	vperm.xlane v8, v6;
	_ =	sdelay $0x1  }
0x2c6: {  	v8 =	vshra.s32 v8, $0x4;
	v9 =	vshra.s32 v9, $0x4  }
0x2c7: {  	vm1 =	vne.s32 v8, v9  }
0x2c8: {  	vm2 =	vlt.s32 v8, v2;
	vm1 =	vmor vm1, vm0  }
0x2c9: {  	vm1 =	vmand vm2, vm1;
	_ =	sdelay $0x3  }
0x2ca: {  	v7 =	vand.u32 $0xF, v7  }
0x2cb: {  	v7 =	vor.u32 s21, v7  }
0x2cc: {  	[tilespmem:v8+s0+$0x0] =	vst.idx.msk vm1, v7  }
0x2cd: {  	_ =	swait.ge [sflag:s6], $0x4400  }
0x2ce: {  	s24 =	sld [smem:$0x7EC]  }
0x2cf: {  	[sflag:s6] =	ssyncset.done $0x0  }
0x2d0: {  	[sflag:s6] =	ssyncadd.s32 $0xFFFFBC00  }
0x2d1: {  	[hbm4b:s24+s4] =	stream.linear.scatter [tilespmem:s29], [sflag:$0xA], $0x4400, $0x38;
	[tilespmem:$0x1F980] =	vst v63  }
0x2d2: {  	_ =	swait.ge [sflag:s7], $0x4400  }
0x2d3: {  	s30 =	sld [smem:$0x7ED]  }
0x2d4: {  	[sflag:s7] =	ssyncset.done $0x0  }
0x2d5: {  	s21 =	simm.s32 $0x2A30;
	[sflag:s7] =	ssyncadd.s32 $0xFFFFBC00  }
0x2d6: {  	[tilespmem:s25], [sflag:$0x3] =	stream.linear.gather [hbm4b:s30+s4], $0x4400, $0x38;
	[tilespmem:$0x1F980] =	vst v63  }
0x2d7: {  	s22 =	simm.s32 $0x2A40;
	s23 =	simm.s32 $0x2A30;
	v7 =	vld [tilespmem:s21+$0x0]  }
.LBB2_34:
0x2d8: {  	p0 =	sne.s32 s22, $0x2CF0;
	_ =	sdelay $0x3  }
0x2d9: {  	v7 =	vsub.s32 v7, v0  }
0x2da: {  	vm1 =	vgt.s32 v7, $0xFFFFFFFF;
	vm2 =	vlt.s32 v7, v2;
	v7 =	vshll.u32 v7, $0x4  }
0x2db: {  	vm1 =	vmand vm1, vm2;
	v7 =	vxor.u32 v4, v7  }
0x2dc: {  	v7 =	vsel vm1, v7, v5  }
0x2dd: {  	(xrf1) =	vsort.ascd.msk.u32 $0xffff, v7, v1;
	_ =	sdelay $0xd  }
0x2de: {  	v7, _, _ =	vpop (xrf1)  }
0x2df: {  	v8 =	vxor.u32 $0x80000000, v7  }
0x2e0: {  	v9 =	vperm.xlane v8, v6;
	_ =	sdelay $0x1  }
0x2e1: {  	v8 =	vshra.s32 v8, $0x4;
	v9 =	vshra.s32 v9, $0x4  }
0x2e2: {  	vm1 =	vne.s32 v8, v9  }
0x2e3: {  	vm2 =	vlt.s32 v8, v2;
	vm1 =	vmor vm1, vm0  }
0x2e4: {  	vm1 =	vmand vm2, vm1;
	_ =	sdelay $0x2  }
.Ltmp18:
0x2e5: {  	(pc) =	sbr.rel @p0 .LBB2_34-.Ltmp18, $4  }
0x2e6: {  	v7 =	vand.u32 $0xF, v7  }
0x2e7: {  	v7 =	vor.u32 s21, v7;
	s21 =	smov.u32 s22  }
0x2e8: {  	s23 =	sadd.s32 $0x10, s23;
	[tilespmem:v8+s0+$0x0] =	vst.idx.msk vm1, v7  }
0x2e9: {  	s22 =	sadd.s32 $0x10, s22;
	v7 =	vld [tilespmem:s23+$0x0]  }
0x2ea: {  	_ =	sdelay $0x3  }
0x2eb: {  	v7 =	vsub.s32 v7, v0  }
0x2ec: {  	vm1 =	vgt.s32 v7, $0xFFFFFFFF;
	vm2 =	vlt.s32 v7, v2;
	v7 =	vshll.u32 v7, $0x4  }
0x2ed: {  	vm1 =	vmand vm1, vm2;
	v7 =	vxor.u32 v4, v7  }
0x2ee: {  	v7 =	vsel vm1, v7, v5  }
0x2ef: {  	(xrf1) =	vsort.ascd.msk.u32 $0xffff, v7, v1;
	_ =	sdelay $0xd  }
0x2f0: {  	v7, _, _ =	vpop (xrf1)  }
0x2f1: {  	v8 =	vxor.u32 $0x80000000, v7  }
0x2f2: {  	v9 =	vperm.xlane v8, v6;
	_ =	sdelay $0x1  }
0x2f3: {  	v8 =	vshra.s32 v8, $0x4;
	v9 =	vshra.s32 v9, $0x4  }
0x2f4: {  	vm1 =	vne.s32 v8, v9  }
0x2f5: {  	vm2 =	vlt.s32 v8, v2;
	vm1 =	vmor vm1, vm0  }
0x2f6: {  	vm1 =	vmand vm2, vm1;
	_ =	sdelay $0x3  }
0x2f7: {  	v7 =	vand.u32 $0xF, v7  }
0x2f8: {  	v7 =	vor.u32 s21, v7  }
0x2f9: {  	[tilespmem:v8+s0+$0x0] =	vst.idx.msk vm1, v7  }
0x2fa: {  	_ =	swait.ge [sflag:s31], $0x4400  }
0x2fb: {  	s24 =	sld [smem:$0x7EE]  }
0x2fc: {  	[sflag:s31] =	ssyncset.done $0x0  }
0x2fd: {  	[sflag:s31] =	ssyncadd.s32 $0xFFFFBC00  }
0x2fe: {  	[hbm4b:s24+s4] =	stream.linear.scatter [tilespmem:s25], [sflag:$0x7], $0x4400, $0x38;
	[tilespmem:$0x1F980] =	vst v63  }
0x2ff: {  	_ =	swait.ge [sflag:s8], $0x4400  }
0x300: {  	s30 =	sld [smem:$0x7EF]  }
0x301: {  	[sflag:s8] =	ssyncset.done $0x0  }
0x302: {  	s21 =	simm.s32 $0x2D00;
	[sflag:s8] =	ssyncadd.s32 $0xFFFFBC00  }
0x303: {  	[tilespmem:s26], [sflag:$0x4] =	stream.linear.gather [hbm4b:s30+s4], $0x4400, $0x38;
	[tilespmem:$0x1F980] =	vst v63  }
0x304: {  	s22 =	simm.s32 $0x2D10;
	s23 =	simm.s32 $0x2D00;
	v7 =	vld [tilespmem:s21+$0x0]  }
.LBB2_36:
0x305: {  	p0 =	sne.s32 s22, $0x2FC0;
	_ =	sdelay $0x3  }
0x306: {  	v7 =	vsub.s32 v7, v0  }
0x307: {  	vm1 =	vgt.s32 v7, $0xFFFFFFFF;
	vm2 =	vlt.s32 v7, v2;
	v7 =	vshll.u32 v7, $0x4  }
0x308: {  	vm1 =	vmand vm1, vm2;
	v7 =	vxor.u32 v4, v7  }
0x309: {  	v7 =	vsel vm1, v7, v5  }
0x30a: {  	(xrf1) =	vsort.ascd.msk.u32 $0xffff, v7, v1;
	_ =	sdelay $0xd  }
0x30b: {  	v7, _, _ =	vpop (xrf1)  }
0x30c: {  	v8 =	vxor.u32 $0x80000000, v7  }
0x30d: {  	v9 =	vperm.xlane v8, v6;
	_ =	sdelay $0x1  }
0x30e: {  	v8 =	vshra.s32 v8, $0x4;
	v9 =	vshra.s32 v9, $0x4  }
0x30f: {  	vm1 =	vne.s32 v8, v9  }
0x310: {  	vm2 =	vlt.s32 v8, v2;
	vm1 =	vmor vm1, vm0  }
0x311: {  	vm1 =	vmand vm2, vm1;
	_ =	sdelay $0x2  }
.Ltmp19:
0x312: {  	(pc) =	sbr.rel @p0 .LBB2_36-.Ltmp19, $4  }
0x313: {  	v7 =	vand.u32 $0xF, v7  }
0x314: {  	v7 =	vor.u32 s21, v7;
	s21 =	smov.u32 s22  }
0x315: {  	s23 =	sadd.s32 $0x10, s23;
	[tilespmem:v8+s0+$0x0] =	vst.idx.msk vm1, v7  }
0x316: {  	s22 =	sadd.s32 $0x10, s22;
	v7 =	vld [tilespmem:s23+$0x0]  }
0x317: {  	_ =	sdelay $0x3  }
0x318: {  	v7 =	vsub.s32 v7, v0  }
0x319: {  	vm1 =	vgt.s32 v7, $0xFFFFFFFF;
	vm2 =	vlt.s32 v7, v2;
	v7 =	vshll.u32 v7, $0x4  }
0x31a: {  	vm1 =	vmand vm1, vm2;
	v7 =	vxor.u32 v4, v7  }
0x31b: {  	v7 =	vsel vm1, v7, v5  }
0x31c: {  	(xrf1) =	vsort.ascd.msk.u32 $0xffff, v7, v1;
	_ =	sdelay $0xd  }
0x31d: {  	v7, _, _ =	vpop (xrf1)  }
0x31e: {  	v8 =	vxor.u32 $0x80000000, v7  }
0x31f: {  	v9 =	vperm.xlane v8, v6;
	_ =	sdelay $0x1  }
0x320: {  	v8 =	vshra.s32 v8, $0x4;
	v9 =	vshra.s32 v9, $0x4  }
0x321: {  	vm1 =	vne.s32 v8, v9  }
0x322: {  	vm2 =	vlt.s32 v8, v2;
	vm1 =	vmor vm1, vm0  }
0x323: {  	vm1 =	vmand vm2, vm1;
	_ =	sdelay $0x3  }
0x324: {  	v7 =	vand.u32 $0xF, v7  }
0x325: {  	v7 =	vor.u32 s21, v7  }
0x326: {  	[tilespmem:v8+s0+$0x0] =	vst.idx.msk vm1, v7  }
0x327: {  	_ =	swait.ge [sflag:s2], $0x4400  }
0x328: {  	s24 =	sld [smem:$0x7F0]  }
0x329: {  	[sflag:s2] =	ssyncset.done $0x0  }
0x32a: {  	[sflag:s2] =	ssyncadd.s32 $0xFFFFBC00  }
0x32b: {  	[hbm4b:s24+s4] =	stream.linear.scatter [tilespmem:s26], [sflag:$0x8], $0x4400, $0x38;
	[tilespmem:$0x1F980] =	vst v63  }
0x32c: {  	_ =	swait.ge [sflag:s9], $0x4400  }
0x32d: {  	s30 =	sld [smem:$0x7F1]  }
0x32e: {  	[sflag:s9] =	ssyncset.done $0x0  }
0x32f: {  	s21 =	simm.s32 $0x2FD0;
	[sflag:s9] =	ssyncadd.s32 $0xFFFFBC00  }
0x330: {  	[tilespmem:s28], [sflag:$0x5] =	stream.linear.gather [hbm4b:s30+s4], $0x4400, $0x38;
	[tilespmem:$0x1F980] =	vst v63  }
0x331: {  	s22 =	simm.s32 $0x2FE0;
	s23 =	simm.s32 $0x2FD0;
	v7 =	vld [tilespmem:s21+$0x0]  }
.LBB2_38:
0x332: {  	p0 =	sne.s32 s22, $0x3290;
	_ =	sdelay $0x3  }
0x333: {  	v7 =	vsub.s32 v7, v0  }
0x334: {  	vm1 =	vgt.s32 v7, $0xFFFFFFFF;
	vm2 =	vlt.s32 v7, v2;
	v7 =	vshll.u32 v7, $0x4  }
0x335: {  	vm1 =	vmand vm1, vm2;
	v7 =	vxor.u32 v4, v7  }
0x336: {  	v7 =	vsel vm1, v7, v5  }
0x337: {  	(xrf1) =	vsort.ascd.msk.u32 $0xffff, v7, v1;
	_ =	sdelay $0xd  }
0x338: {  	v7, _, _ =	vpop (xrf1)  }
0x339: {  	v8 =	vxor.u32 $0x80000000, v7  }
0x33a: {  	v9 =	vperm.xlane v8, v6;
	_ =	sdelay $0x1  }
0x33b: {  	v8 =	vshra.s32 v8, $0x4;
	v9 =	vshra.s32 v9, $0x4  }
0x33c: {  	vm1 =	vne.s32 v8, v9  }
0x33d: {  	vm2 =	vlt.s32 v8, v2;
	vm1 =	vmor vm1, vm0  }
0x33e: {  	vm1 =	vmand vm2, vm1;
	_ =	sdelay $0x2  }
.Ltmp20:
0x33f: {  	(pc) =	sbr.rel @p0 .LBB2_38-.Ltmp20, $4  }
0x340: {  	v7 =	vand.u32 $0xF, v7  }
0x341: {  	v7 =	vor.u32 s21, v7;
	s21 =	smov.u32 s22  }
0x342: {  	s23 =	sadd.s32 $0x10, s23;
	[tilespmem:v8+s0+$0x0] =	vst.idx.msk vm1, v7  }
0x343: {  	s22 =	sadd.s32 $0x10, s22;
	v7 =	vld [tilespmem:s23+$0x0]  }
0x344: {  	_ =	sdelay $0x3  }
0x345: {  	v7 =	vsub.s32 v7, v0  }
0x346: {  	vm1 =	vgt.s32 v7, $0xFFFFFFFF;
	vm2 =	vlt.s32 v7, v2;
	v7 =	vshll.u32 v7, $0x4  }
0x347: {  	vm1 =	vmand vm1, vm2;
	v7 =	vxor.u32 v4, v7  }
0x348: {  	v7 =	vsel vm1, v7, v5  }
0x349: {  	(xrf1) =	vsort.ascd.msk.u32 $0xffff, v7, v1;
	_ =	sdelay $0xd  }
0x34a: {  	v7, _, _ =	vpop (xrf1)  }
0x34b: {  	v8 =	vxor.u32 $0x80000000, v7  }
0x34c: {  	v9 =	vperm.xlane v8, v6;
	_ =	sdelay $0x1  }
0x34d: {  	v8 =	vshra.s32 v8, $0x4;
	v9 =	vshra.s32 v9, $0x4  }
0x34e: {  	vm1 =	vne.s32 v8, v9  }
0x34f: {  	vm2 =	vlt.s32 v8, v2;
	vm1 =	vmor vm1, vm0  }
0x350: {  	vm1 =	vmand vm2, vm1;
	_ =	sdelay $0x3  }
0x351: {  	v7 =	vand.u32 $0xF, v7  }
0x352: {  	v7 =	vor.u32 s21, v7  }
0x353: {  	[tilespmem:v8+s0+$0x0] =	vst.idx.msk vm1, v7  }
0x354: {  	_ =	swait.ge [sflag:s1], $0x4400  }
0x355: {  	s24 =	sld [smem:$0x7F2]  }
0x356: {  	[sflag:s1] =	ssyncset.done $0x0  }
0x357: {  	[sflag:s1] =	ssyncadd.s32 $0xFFFFBC00  }
0x358: {  	[hbm4b:s24+s4] =	stream.linear.scatter [tilespmem:s28], [sflag:$0x9], $0x4400, $0x38;
	[tilespmem:$0x1F980] =	vst v63  }
0x359: {  	_ =	swait.ge [sflag:s10], $0x4400  }
0x35a: {  	s30 =	sld [smem:$0x7F3]  }
0x35b: {  	[sflag:s10] =	ssyncset.done $0x0  }
0x35c: {  	s21 =	simm.s32 $0x32A0;
	[sflag:s10] =	ssyncadd.s32 $0xFFFFBC00  }
0x35d: {  	[tilespmem:s29], [sflag:$0x6] =	stream.linear.gather [hbm4b:s30+s4], $0x4400, $0x38;
	[tilespmem:$0x1F980] =	vst v63  }
0x35e: {  	s22 =	simm.s32 $0x32B0;
	s23 =	simm.s32 $0x32A0;
	v7 =	vld [tilespmem:s21+$0x0]  }
.LBB2_40:
0x35f: {  	p0 =	sne.s32 s22, $0x3560;
	_ =	sdelay $0x3  }
0x360: {  	v7 =	vsub.s32 v7, v0  }
0x361: {  	vm1 =	vgt.s32 v7, $0xFFFFFFFF;
	vm2 =	vlt.s32 v7, v2;
	v7 =	vshll.u32 v7, $0x4  }
0x362: {  	vm1 =	vmand vm1, vm2;
	v7 =	vxor.u32 v4, v7  }
0x363: {  	v7 =	vsel vm1, v7, v5  }
0x364: {  	(xrf1) =	vsort.ascd.msk.u32 $0xffff, v7, v1;
	_ =	sdelay $0xd  }
0x365: {  	v7, _, _ =	vpop (xrf1)  }
0x366: {  	v8 =	vxor.u32 $0x80000000, v7  }
0x367: {  	v9 =	vperm.xlane v8, v6;
	_ =	sdelay $0x1  }
0x368: {  	v8 =	vshra.s32 v8, $0x4;
	v9 =	vshra.s32 v9, $0x4  }
0x369: {  	vm1 =	vne.s32 v8, v9  }
0x36a: {  	vm2 =	vlt.s32 v8, v2;
	vm1 =	vmor vm1, vm0  }
0x36b: {  	vm1 =	vmand vm2, vm1;
	_ =	sdelay $0x2  }
.Ltmp21:
0x36c: {  	(pc) =	sbr.rel @p0 .LBB2_40-.Ltmp21, $4  }
0x36d: {  	v7 =	vand.u32 $0xF, v7  }
0x36e: {  	v7 =	vor.u32 s21, v7;
	s21 =	smov.u32 s22  }
0x36f: {  	s23 =	sadd.s32 $0x10, s23;
	[tilespmem:v8+s0+$0x0] =	vst.idx.msk vm1, v7  }
0x370: {  	s22 =	sadd.s32 $0x10, s22;
	v7 =	vld [tilespmem:s23+$0x0]  }
0x371: {  	_ =	sdelay $0x3  }
0x372: {  	v7 =	vsub.s32 v7, v0  }
0x373: {  	vm1 =	vgt.s32 v7, $0xFFFFFFFF;
	vm2 =	vlt.s32 v7, v2;
	v7 =	vshll.u32 v7, $0x4  }
0x374: {  	vm1 =	vmand vm1, vm2;
	v7 =	vxor.u32 v4, v7  }
0x375: {  	v7 =	vsel vm1, v7, v5  }
0x376: {  	(xrf1) =	vsort.ascd.msk.u32 $0xffff, v7, v1;
	_ =	sdelay $0xd  }
0x377: {  	v7, _, _ =	vpop (xrf1)  }
0x378: {  	v8 =	vxor.u32 $0x80000000, v7  }
0x379: {  	v9 =	vperm.xlane v8, v6;
	_ =	sdelay $0x1  }
0x37a: {  	v8 =	vshra.s32 v8, $0x4;
	v9 =	vshra.s32 v9, $0x4  }
0x37b: {  	vm1 =	vne.s32 v8, v9  }
0x37c: {  	vm2 =	vlt.s32 v8, v2;
	vm1 =	vmor vm1, vm0  }
0x37d: {  	vm1 =	vmand vm2, vm1;
	_ =	sdelay $0x3  }
0x37e: {  	v7 =	vand.u32 $0xF, v7  }
0x37f: {  	v7 =	vor.u32 s21, v7  }
0x380: {  	[tilespmem:v8+s0+$0x0] =	vst.idx.msk vm1, v7  }
0x381: {  	_ =	swait.ge [sflag:s6], $0x4400  }
0x382: {  	s24 =	sld [smem:$0x7F4]  }
0x383: {  	[sflag:s6] =	ssyncset.done $0x0  }
0x384: {  	[sflag:s6] =	ssyncadd.s32 $0xFFFFBC00  }
0x385: {  	[hbm4b:s24+s4] =	stream.linear.scatter [tilespmem:s29], [sflag:$0xA], $0x4400, $0x38;
	[tilespmem:$0x1F980] =	vst v63  }
0x386: {  	_ =	swait.ge [sflag:s7], $0x4400  }
0x387: {  	s30 =	sld [smem:$0x7F5]  }
0x388: {  	[sflag:s7] =	ssyncset.done $0x0  }
0x389: {  	s21 =	simm.s32 $0x3570;
	[sflag:s7] =	ssyncadd.s32 $0xFFFFBC00  }
0x38a: {  	[tilespmem:s25], [sflag:$0x3] =	stream.linear.gather [hbm4b:s30+s4], $0x4400, $0x38;
	[tilespmem:$0x1F980] =	vst v63  }
0x38b: {  	s22 =	simm.s32 $0x3580;
	s23 =	simm.s32 $0x3570;
	v7 =	vld [tilespmem:s21+$0x0]  }
.LBB2_42:
0x38c: {  	p0 =	sne.s32 s22, $0x3830;
	_ =	sdelay $0x3  }
0x38d: {  	v7 =	vsub.s32 v7, v0  }
0x38e: {  	vm1 =	vgt.s32 v7, $0xFFFFFFFF;
	vm2 =	vlt.s32 v7, v2;
	v7 =	vshll.u32 v7, $0x4  }
0x38f: {  	vm1 =	vmand vm1, vm2;
	v7 =	vxor.u32 v4, v7  }
0x390: {  	v7 =	vsel vm1, v7, v5  }
0x391: {  	(xrf1) =	vsort.ascd.msk.u32 $0xffff, v7, v1;
	_ =	sdelay $0xd  }
0x392: {  	v7, _, _ =	vpop (xrf1)  }
0x393: {  	v8 =	vxor.u32 $0x80000000, v7  }
0x394: {  	v9 =	vperm.xlane v8, v6;
	_ =	sdelay $0x1  }
0x395: {  	v8 =	vshra.s32 v8, $0x4;
	v9 =	vshra.s32 v9, $0x4  }
0x396: {  	vm1 =	vne.s32 v8, v9  }
0x397: {  	vm2 =	vlt.s32 v8, v2;
	vm1 =	vmor vm1, vm0  }
0x398: {  	vm1 =	vmand vm2, vm1;
	_ =	sdelay $0x2  }
.Ltmp22:
0x399: {  	(pc) =	sbr.rel @p0 .LBB2_42-.Ltmp22, $4  }
0x39a: {  	v7 =	vand.u32 $0xF, v7  }
0x39b: {  	v7 =	vor.u32 s21, v7;
	s21 =	smov.u32 s22  }
0x39c: {  	s23 =	sadd.s32 $0x10, s23;
	[tilespmem:v8+s0+$0x0] =	vst.idx.msk vm1, v7  }
0x39d: {  	s22 =	sadd.s32 $0x10, s22;
	v7 =	vld [tilespmem:s23+$0x0]  }
0x39e: {  	_ =	sdelay $0x3  }
0x39f: {  	v7 =	vsub.s32 v7, v0  }
0x3a0: {  	vm1 =	vgt.s32 v7, $0xFFFFFFFF;
	vm2 =	vlt.s32 v7, v2;
	v7 =	vshll.u32 v7, $0x4  }
0x3a1: {  	vm1 =	vmand vm1, vm2;
	v7 =	vxor.u32 v4, v7  }
0x3a2: {  	v7 =	vsel vm1, v7, v5  }
0x3a3: {  	(xrf1) =	vsort.ascd.msk.u32 $0xffff, v7, v1;
	_ =	sdelay $0xd  }
0x3a4: {  	v7, _, _ =	vpop (xrf1)  }
0x3a5: {  	v8 =	vxor.u32 $0x80000000, v7  }
0x3a6: {  	v9 =	vperm.xlane v8, v6;
	_ =	sdelay $0x1  }
0x3a7: {  	v8 =	vshra.s32 v8, $0x4;
	v9 =	vshra.s32 v9, $0x4  }
0x3a8: {  	vm1 =	vne.s32 v8, v9  }
0x3a9: {  	vm2 =	vlt.s32 v8, v2;
	vm1 =	vmor vm1, vm0  }
0x3aa: {  	vm1 =	vmand vm2, vm1;
	_ =	sdelay $0x3  }
0x3ab: {  	v7 =	vand.u32 $0xF, v7  }
0x3ac: {  	v7 =	vor.u32 s21, v7  }
0x3ad: {  	[tilespmem:v8+s0+$0x0] =	vst.idx.msk vm1, v7  }
0x3ae: {  	_ =	swait.ge [sflag:s31], $0x4400  }
0x3af: {  	s24 =	sld [smem:$0x7F6]  }
0x3b0: {  	[sflag:s31] =	ssyncset.done $0x0  }
0x3b1: {  	[sflag:s31] =	ssyncadd.s32 $0xFFFFBC00  }
0x3b2: {  	[hbm4b:s24+s4] =	stream.linear.scatter [tilespmem:s25], [sflag:$0x7], $0x4400, $0x38;
	[tilespmem:$0x1F980] =	vst v63  }
0x3b3: {  	_ =	swait.ge [sflag:s8], $0x4400  }
0x3b4: {  	s30 =	sld [smem:$0x7F9]  }
0x3b5: {  	[sflag:s8] =	ssyncset.done $0x0  }
0x3b6: {  	s21 =	simm.s32 $0x3840;
	[sflag:s8] =	ssyncadd.s32 $0xFFFFBC00  }
0x3b7: {  	[tilespmem:s26], [sflag:$0x4] =	stream.linear.gather [hbm4b:s30+s4], $0x4400, $0x38;
	[tilespmem:$0x1F980] =	vst v63  }
0x3b8: {  	s22 =	simm.s32 $0x3850;
	s23 =	simm.s32 $0x3840;
	v7 =	vld [tilespmem:s21+$0x0]  }
.LBB2_44:
0x3b9: {  	p0 =	sne.s32 s22, $0x3B00;
	_ =	sdelay $0x3  }
0x3ba: {  	v7 =	vsub.s32 v7, v0  }
0x3bb: {  	vm1 =	vgt.s32 v7, $0xFFFFFFFF;
	vm2 =	vlt.s32 v7, v2;
	v7 =	vshll.u32 v7, $0x4  }
0x3bc: {  	vm1 =	vmand vm1, vm2;
	v7 =	vxor.u32 v4, v7  }
0x3bd: {  	v7 =	vsel vm1, v7, v5  }
0x3be: {  	(xrf1) =	vsort.ascd.msk.u32 $0xffff, v7, v1;
	_ =	sdelay $0xd  }
0x3bf: {  	v7, _, _ =	vpop (xrf1)  }
0x3c0: {  	v8 =	vxor.u32 $0x80000000, v7  }
0x3c1: {  	v9 =	vperm.xlane v8, v6;
	_ =	sdelay $0x1  }
0x3c2: {  	v8 =	vshra.s32 v8, $0x4;
	v9 =	vshra.s32 v9, $0x4  }
0x3c3: {  	vm1 =	vne.s32 v8, v9  }
0x3c4: {  	vm2 =	vlt.s32 v8, v2;
	vm1 =	vmor vm1, vm0  }
0x3c5: {  	vm1 =	vmand vm2, vm1;
	_ =	sdelay $0x2  }
.Ltmp23:
0x3c6: {  	(pc) =	sbr.rel @p0 .LBB2_44-.Ltmp23, $4  }
0x3c7: {  	v7 =	vand.u32 $0xF, v7  }
0x3c8: {  	v7 =	vor.u32 s21, v7;
	s21 =	smov.u32 s22  }
0x3c9: {  	s23 =	sadd.s32 $0x10, s23;
	[tilespmem:v8+s0+$0x0] =	vst.idx.msk vm1, v7  }
0x3ca: {  	s22 =	sadd.s32 $0x10, s22;
	v7 =	vld [tilespmem:s23+$0x0]  }
0x3cb: {  	_ =	sdelay $0x3  }
0x3cc: {  	v7 =	vsub.s32 v7, v0  }
0x3cd: {  	vm1 =	vgt.s32 v7, $0xFFFFFFFF;
	vm2 =	vlt.s32 v7, v2;
	v7 =	vshll.u32 v7, $0x4  }
0x3ce: {  	vm1 =	vmand vm1, vm2;
	v7 =	vxor.u32 v4, v7  }
0x3cf: {  	v7 =	vsel vm1, v7, v5  }
0x3d0: {  	(xrf1) =	vsort.ascd.msk.u32 $0xffff, v7, v1;
	_ =	sdelay $0xd  }
0x3d1: {  	v7, _, _ =	vpop (xrf1)  }
0x3d2: {  	v8 =	vxor.u32 $0x80000000, v7  }
0x3d3: {  	v9 =	vperm.xlane v8, v6;
	_ =	sdelay $0x1  }
0x3d4: {  	v8 =	vshra.s32 v8, $0x4;
	v9 =	vshra.s32 v9, $0x4  }
0x3d5: {  	vm1 =	vne.s32 v8, v9  }
0x3d6: {  	vm2 =	vlt.s32 v8, v2;
	vm1 =	vmor vm1, vm0  }
0x3d7: {  	vm1 =	vmand vm2, vm1;
	_ =	sdelay $0x3  }
0x3d8: {  	v7 =	vand.u32 $0xF, v7  }
0x3d9: {  	v7 =	vor.u32 s21, v7  }
0x3da: {  	[tilespmem:v8+s0+$0x0] =	vst.idx.msk vm1, v7  }
0x3db: {  	_ =	swait.ge [sflag:s2], $0x4400  }
0x3dc: {  	s24 =	sld [smem:$0x7FA]  }
0x3dd: {  	[sflag:s2] =	ssyncset.done $0x0  }
0x3de: {  	[sflag:s2] =	ssyncadd.s32 $0xFFFFBC00  }
0x3df: {  	[hbm4b:s24+s4] =	stream.linear.scatter [tilespmem:s26], [sflag:$0x8], $0x4400, $0x38;
	[tilespmem:$0x1F980] =	vst v63  }
0x3e0: {  	_ =	swait.ge [sflag:s9], $0x4400  }
0x3e1: {  	s30 =	sld [smem:$0x7FB]  }
0x3e2: {  	[sflag:s9] =	ssyncset.done $0x0  }
0x3e3: {  	s21 =	simm.s32 $0x3B10;
	[sflag:s9] =	ssyncadd.s32 $0xFFFFBC00  }
0x3e4: {  	[tilespmem:s28], [sflag:$0x5] =	stream.linear.gather [hbm4b:s30+s4], $0x4400, $0x38;
	[tilespmem:$0x1F980] =	vst v63  }
0x3e5: {  	s22 =	simm.s32 $0x3B20;
	s23 =	simm.s32 $0x3B10;
	v7 =	vld [tilespmem:s21+$0x0]  }
.LBB2_46:
0x3e6: {  	p0 =	sne.s32 s22, $0x3DD0;
	_ =	sdelay $0x3  }
0x3e7: {  	v7 =	vsub.s32 v7, v0  }
0x3e8: {  	vm1 =	vgt.s32 v7, $0xFFFFFFFF;
	vm2 =	vlt.s32 v7, v2;
	v7 =	vshll.u32 v7, $0x4  }
0x3e9: {  	vm1 =	vmand vm1, vm2;
	v7 =	vxor.u32 v4, v7  }
0x3ea: {  	v7 =	vsel vm1, v7, v5  }
0x3eb: {  	(xrf1) =	vsort.ascd.msk.u32 $0xffff, v7, v1;
	_ =	sdelay $0xd  }
0x3ec: {  	v7, _, _ =	vpop (xrf1)  }
0x3ed: {  	v8 =	vxor.u32 $0x80000000, v7  }
0x3ee: {  	v9 =	vperm.xlane v8, v6;
	_ =	sdelay $0x1  }
0x3ef: {  	v8 =	vshra.s32 v8, $0x4;
	v9 =	vshra.s32 v9, $0x4  }
0x3f0: {  	vm1 =	vne.s32 v8, v9  }
0x3f1: {  	vm2 =	vlt.s32 v8, v2;
	vm1 =	vmor vm1, vm0  }
0x3f2: {  	vm1 =	vmand vm2, vm1;
	_ =	sdelay $0x2  }
.Ltmp24:
0x3f3: {  	(pc) =	sbr.rel @p0 .LBB2_46-.Ltmp24, $4  }
0x3f4: {  	v7 =	vand.u32 $0xF, v7  }
0x3f5: {  	v7 =	vor.u32 s21, v7;
	s21 =	smov.u32 s22  }
0x3f6: {  	s23 =	sadd.s32 $0x10, s23;
	[tilespmem:v8+s0+$0x0] =	vst.idx.msk vm1, v7  }
0x3f7: {  	s22 =	sadd.s32 $0x10, s22;
	v7 =	vld [tilespmem:s23+$0x0]  }
0x3f8: {  	_ =	sdelay $0x3  }
0x3f9: {  	v7 =	vsub.s32 v7, v0  }
0x3fa: {  	vm1 =	vgt.s32 v7, $0xFFFFFFFF;
	vm2 =	vlt.s32 v7, v2;
	v7 =	vshll.u32 v7, $0x4  }
0x3fb: {  	vm1 =	vmand vm1, vm2;
	v7 =	vxor.u32 v4, v7  }
0x3fc: {  	v7 =	vsel vm1, v7, v5  }
0x3fd: {  	(xrf1) =	vsort.ascd.msk.u32 $0xffff, v7, v1;
	_ =	sdelay $0xd  }
0x3fe: {  	v7, _, _ =	vpop (xrf1)  }
0x3ff: {  	v8 =	vxor.u32 $0x80000000, v7  }
0x400: {  	v9 =	vperm.xlane v8, v6;
	_ =	sdelay $0x1  }
0x401: {  	v8 =	vshra.s32 v8, $0x4;
	v9 =	vshra.s32 v9, $0x4  }
0x402: {  	vm1 =	vne.s32 v8, v9  }
0x403: {  	vm2 =	vlt.s32 v8, v2;
	vm1 =	vmor vm1, vm0  }
0x404: {  	vm1 =	vmand vm2, vm1;
	_ =	sdelay $0x3  }
0x405: {  	v7 =	vand.u32 $0xF, v7  }
0x406: {  	v7 =	vor.u32 s21, v7  }
0x407: {  	[tilespmem:v8+s0+$0x0] =	vst.idx.msk vm1, v7  }
0x408: {  	_ =	swait.ge [sflag:s1], $0x4400  }
0x409: {  	s30 =	sld [smem:$0x7FC]  }
0x40a: {  	[sflag:s1] =	ssyncset.done $0x0  }
0x40b: {  	s21 =	simm.s32 $0x3DE0;
	[sflag:s1] =	ssyncadd.s32 $0xFFFFBC00  }
0x40c: {  	[hbm4b:s30+s4] =	stream.linear.scatter [tilespmem:s28], [sflag:$0x9], $0x4400, $0x38;
	[tilespmem:$0x1F980] =	vst v63  }
0x40d: {  	s22 =	simm.s32 $0x3DF0;
	s23 =	simm.s32 $0x3DE0;
	v7 =	vld [tilespmem:s21+$0x0]  }
.LBB2_48:
0x40e: {  	p0 =	sne.s32 s22, $0x3FF0;
	_ =	sdelay $0x3  }
0x40f: {  	v7 =	vsub.s32 v7, v0  }
0x410: {  	vm1 =	vgt.s32 v7, $0xFFFFFFFF;
	vm2 =	vlt.s32 v7, v2;
	v7 =	vshll.u32 v7, $0x4  }
0x411: {  	vm1 =	vmand vm1, vm2;
	v7 =	vxor.u32 v4, v7  }
0x412: {  	v7 =	vsel vm1, v7, v5  }
0x413: {  	(xrf1) =	vsort.ascd.msk.u32 $0xffff, v7, v1;
	_ =	sdelay $0xd  }
0x414: {  	v7, _, _ =	vpop (xrf1)  }
0x415: {  	v8 =	vxor.u32 $0x80000000, v7  }
0x416: {  	v9 =	vperm.xlane v8, v6;
	_ =	sdelay $0x1  }
0x417: {  	v8 =	vshra.s32 v8, $0x4;
	v9 =	vshra.s32 v9, $0x4  }
0x418: {  	vm1 =	vne.s32 v8, v9  }
0x419: {  	vm2 =	vlt.s32 v8, v2;
	vm1 =	vmor vm1, vm0  }
0x41a: {  	vm1 =	vmand vm2, vm1;
	_ =	sdelay $0x2  }
.Ltmp25:
0x41b: {  	(pc) =	sbr.rel @p0 .LBB2_48-.Ltmp25, $4  }
0x41c: {  	v7 =	vand.u32 $0xF, v7  }
0x41d: {  	v7 =	vor.u32 s21, v7;
	s21 =	smov.u32 s22  }
0x41e: {  	s23 =	sadd.s32 $0x10, s23;
	[tilespmem:v8+s0+$0x0] =	vst.idx.msk vm1, v7  }
0x41f: {  	s22 =	sadd.s32 $0x10, s22;
	v7 =	vld [tilespmem:s23+$0x0]  }
0x420: {  	_ =	sdelay $0x3  }
0x421: {  	v7 =	vsub.s32 v7, v0  }
0x422: {  	vm1 =	vgt.s32 v7, $0xFFFFFFFF;
	vm2 =	vlt.s32 v7, v2;
	v7 =	vshll.u32 v7, $0x4  }
0x423: {  	vm1 =	vmand vm1, vm2;
	v7 =	vxor.u32 v4, v7  }
0x424: {  	v7 =	vsel vm1, v7, v5  }
0x425: {  	(xrf1) =	vsort.ascd.msk.u32 $0xffff, v7, v1;
	_ =	sdelay $0xd  }
0x426: {  	v7, _, _ =	vpop (xrf1)  }
0x427: {  	v8 =	vxor.u32 $0x80000000, v7  }
0x428: {  	v9 =	vperm.xlane v8, v6;
	_ =	sdelay $0x1  }
0x429: {  	v8 =	vshra.s32 v8, $0x4;
	v9 =	vshra.s32 v9, $0x4  }
0x42a: {  	vm1 =	vne.s32 v8, v9  }
0x42b: {  	vm2 =	vlt.s32 v8, v2;
	vm1 =	vmor vm1, vm0  }
0x42c: {  	vm1 =	vmand vm2, vm1;
	_ =	sdelay $0x3  }
0x42d: {  	v7 =	vand.u32 $0xF, v7  }
0x42e: {  	v7 =	vor.u32 s21, v7  }
0x42f: {  	[tilespmem:v8+s0+$0x0] =	vst.idx.msk vm1, v7  }
0x430: {  	_ =	swait.ge [sflag:s7], $0x4400  }
0x431: {  	[sflag:s7] =	ssyncset.done $0x0  }
0x432: {  	[sflag:s7] =	ssyncadd.s32 $0xFFFFBC00  }
0x433: {  	_ =	swait.ge [sflag:s8], $0x4400  }
0x434: {  	[sflag:s8] =	ssyncset.done $0x0  }
0x435: {  	[sflag:s8] =	ssyncadd.s32 $0xFFFFBC00  }
0x436: {  	_ =	swait.ge [sflag:s9], $0x4400  }
0x437: {  	[sflag:s9] =	ssyncset.done $0x0  }
0x438: {  	s30 =	simm.s32 $0x4000;
	[sflag:s9] =	ssyncadd.s32 $0xFFFFBC00  }
0x439: {  	v7 =	vld [tilespmem:s30+$0x0];
	_ =	sdelay $0x2  }
0x43a: {  	s21 =	simm.s32 $0x0  }
0x43b: {  	v8 =	vor.u32 s21, v1  }
0x43c: {  	vm2 =	vlt.u32 v8, v2;
	vm1 =	vgt.s32 v7, $0xFFFFFFFF  }
0x43d: {  	vm1 =	vmand vm2, vm1  }
0x43e: {  	v63 =	vmpcnt.ones.xlane vm1;
	_ =	sdelay $0x1  }
0x43f: {  	(v2sf) =	vpush v63, $0x0;
	_ =	sdelay $0x3  }
0x440: {  	v8 =	vadd.s32 v0, v8  }
0x441: {  	[tilespmem:s21+$0x4C80] =	vst.msk vm1, v8  }
0x442: {  	s22 =	simm.s32 $0x4010;
	[tilespmem:s21+$0x5A00] =	vst.msk vm1, v7  }
0x443: {  	s23 =	simm.s32 $0x10;
	s24 =	simm.s32 $0x20;
	v7 =	vld [tilespmem:s22+$0x0]  }
.LBB2_50:
0x444: {  	p0 =	sne.s32 s24, $0xC40;
	_ =	sdelay $0x2  }
0x445: {  	v8 =	vor.u32 s23, v1;
	s23 =	smov.u32 s24  }
0x446: {  	vm2 =	vlt.u32 v8, v2;
	vm1 =	vgt.s32 v7, $0xFFFFFFFF  }
0x447: {  	vm1 =	vmand vm2, vm1  }
0x448: {  	v9 =	vmpcnt.ones.xlane vm1  }
0x449: {  	s30 =	spop (v2sf)  }
0x44a: {  	v8 =	vadd.s32 v0, v8;
	(v2sf) =	vpush v9, $0x0;
	s21 =	sadd.s32 s21, s30  }
0x44b: {  	[tilespmem:s21+$0x4C80] =	vst.msk vm1, v8  }
0x44c: {  	[tilespmem:s21+$0x5A00] =	vst.msk vm1, v7  }
.Ltmp26:
0x44d: {  	(pc) =	sbr.rel @p0 .LBB2_50-.Ltmp26, $3  }
0x44e: {  	_ =	sdelay $0x1  }
0x44f: {  	s22 =	sadd.s32 $0x10, s22  }
0x450: {  	s24 =	sadd.s32 $0x10, s24;
	v7 =	vld [tilespmem:s22+$0x0]  }
0x451: {  	_ =	sdelay $0x2  }
0x452: {  	v8 =	vor.u32 s23, v1  }
0x453: {  	vm2 =	vlt.u32 v8, v2;
	vm1 =	vgt.s32 v7, $0xFFFFFFFF  }
0x454: {  	vm1 =	vmand vm2, vm1  }
0x455: {  	v9 =	vmpcnt.ones.xlane vm1;
	_ =	sdelay $0x1  }
0x456: {  	(v2sf) =	vpush v9, $0x0;
	_ =	sdelay $0xd  }
0x457: {  	s22 =	spop (v2sf)  }
0x458: {  	s21 =	sadd.s32 s21, s22;
	s30 =	spop (v2sf)  }
0x459: {  	v8 =	vadd.s32 v0, v8;
	s22 =	sadd.s32 s21, s30  }
0x45a: {  	[tilespmem:s21+$0x4C80] =	vst.msk vm1, v8;
	p0 =	slt.s32 s22, $0x1  }
0x45b: {  	[tilespmem:s21+$0x5A00] =	vst.msk vm1, v7;
	s21 =	simm.s32 @!p0 $0x4C80  }
0x45c: {  	v7 =	vld.msk @!p0 [tilespmem:s21+$0x0], $0xffff;
	_ =	sdelay $0x3  }
0x45d: {  	s21 =	simm.s32 @!p0 $0x5A00  }
0x45e: {  	v8 =	vld.msk @!p0 [tilespmem:s21+$0x0], $0xffff;
	[tilespmem:s22+$0x4C80] =	vst @!p0 v7  }
0x45f: {  	[tilespmem:s22+$0x4C90] =	vst @!p0 v7  }
0x460: {  	[tilespmem:s22+$0x4CA0] =	vst @!p0 v7  }
0x461: {  	[tilespmem:s22+$0x4CB0] =	vst @!p0 v7  }
0x462: {  	[tilespmem:s22+$0x4CC0] =	vst @!p0 v7  }
0x463: {  	[tilespmem:s22+$0x4CD0] =	vst @!p0 v7  }
0x464: {  	[tilespmem:s22+$0x4CE0] =	vst @!p0 v7  }
0x465: {  	[tilespmem:s22+$0x4CF0] =	vst @!p0 v7  }
0x466: {  	[tilespmem:s22+$0x5A00] =	vst @!p0 v8  }
0x467: {  	[tilespmem:s22+$0x5A10] =	vst @!p0 v8  }
0x468: {  	[tilespmem:s22+$0x5A20] =	vst @!p0 v8  }
0x469: {  	[tilespmem:s22+$0x5A30] =	vst @!p0 v8  }
0x46a: {  	[tilespmem:s22+$0x5A40] =	vst @!p0 v8  }
0x46b: {  	[tilespmem:s22+$0x5A50] =	vst @!p0 v8  }
0x46c: {  	[tilespmem:s22+$0x5A60] =	vst @!p0 v8  }
0x46d: {  	s21 =	sand.u32 @!p0 $0x7FFFFFFF, s22;
	[tilespmem:s22+$0x5A70] =	vst @!p0 v8  }
0x46e: {  	[tilespmem:s21+$0x4D00] =	vst @!p0 v7  }
0x46f: {  	[tilespmem:s21+$0x5A80] =	vst @!p0 v8;
	s21 =	sadd.s32 @!p0 $0xFF, s22  }
0x470: {  	[tilespmem:s22+$0x4D10] =	vst @!p0 v7;
	s23 =	sand.u32 @!p0 $0xFF, s21  }
0x471: {  	[tilespmem:s22+$0x5A90] =	vst @!p0 v8;
	p1 =	slt.s32 @!p0 s21, $0x0;
	p2 =	sne.s32 @!p0 s23, $0x0  }
0x472: {  	[tilespmem:s22+$0x4D20] =	vst @!p0 v7;
	s23 =	sshra.s32 @!p0 s21, $0x1F;
	p1 =	por @!p0 !p1, !p2  }
0x473: {  	[tilespmem:s22+$0x5AA0] =	vst @!p0 v8;
	s23 =	sshrl.u32 @!p0 s23, $0x18;
	p1 =	por @!p0 !p1, !p1  }
0x474: {  	[tilespmem:s22+$0x4D30] =	vst @!p0 v7;
	s21 =	sadd.s32 @!p0 s23, s21;
	s23 =	simm.s32 @!p0 $0x1;
	p1 =	por !p1, p0  }
0x475: {  	[tilespmem:s22+$0x5AB0] =	vst @!p0 v8;
	s21 =	sshra.s32 @!p0 s21, $0x8;
	s23 =	simm.s32 @p1 $0x0  }
0x476: {  	[tilespmem:s22+$0x4D40] =	vst @!p0 v7;
	s23 =	ssub.s32 @!p0 s21, s23  }
0x477: {  	[tilespmem:s22+$0x5AC0] =	vst @!p0 v8;
	p1 =	slt.s32 @!p0 s23, $0x1  }
0x478: {  	[tilespmem:s22+$0x4D50] =	vst @!p0 v7;
	p1 =	por p0, p1  }
.Ltmp27:
0x479: {  	[tilespmem:s22+$0x5AD0] =	vst @!p0 v8;
	(pc) =	sbr.rel @p1 .LBB2_55-.Ltmp27, $4  }
0x47a: {  	[tilespmem:s22+$0x4D60] =	vst @!p0 v7  }
0x47b: {  	[tilespmem:s22+$0x5AE0] =	vst @!p0 v8  }
0x47c: {  	[tilespmem:s22+$0x4D70] =	vst @!p0 v7  }
0x47d: {  	[tilespmem:s22+$0x5AF0] =	vst @!p0 v8  }
0x47e: {  	s21 =	simm.s32 @!p0 $0x5A80  }
0x47f: {  	v7 =	vld [tilespmem:s21+$0xFFFFFF80];
	_ =	sdelay $0x4  }
0x480: {  	s22 =	simm.s32 @!p0 $0x4D00;
	[tilespmem:$0x6800] =	vst v7  }
0x481: {  	v7 =	vld [tilespmem:s22+$0xFFFFFF80];
	_ =	sdelay $0x4  }
0x482: {  	[tilespmem:$0x6780] =	vst v7  }
0x483: {  	v7 =	vld [tilespmem:s21+$0x0];
	_ =	sdelay $0x4  }
0x484: {  	[tilespmem:$0x6900] =	vst v7  }
0x485: {  	v7 =	vld [tilespmem:s22+$0x0];
	_ =	sdelay $0x4  }
0x486: {  	[tilespmem:$0x6880] =	vst v7  }
0x487: {  	v7 =	vld [tilespmem:s21+$0xFFFFFF90];
	_ =	sdelay $0x4  }
0x488: {  	[tilespmem:$0x6810] =	vst v7  }
0x489: {  	v7 =	vld [tilespmem:s22+$0xFFFFFF90];
	_ =	sdelay $0x4  }
0x48a: {  	[tilespmem:$0x6790] =	vst v7  }
0x48b: {  	v7 =	vld [tilespmem:s21+$0x10];
	_ =	sdelay $0x4  }
0x48c: {  	[tilespmem:$0x6910] =	vst v7  }
0x48d: {  	v7 =	vld [tilespmem:s22+$0x10];
	_ =	sdelay $0x4  }
0x48e: {  	[tilespmem:$0x6890] =	vst v7  }
0x48f: {  	v7 =	vld [tilespmem:s21+$0xFFFFFFA0];
	_ =	sdelay $0x4  }
0x490: {  	[tilespmem:$0x6820] =	vst v7  }
0x491: {  	v7 =	vld [tilespmem:s22+$0xFFFFFFA0];
	_ =	sdelay $0x4  }
0x492: {  	[tilespmem:$0x67A0] =	vst v7  }
0x493: {  	v7 =	vld [tilespmem:s21+$0x20];
	_ =	sdelay $0x4  }
0x494: {  	[tilespmem:$0x6920] =	vst v7  }
0x495: {  	v7 =	vld [tilespmem:s22+$0x20];
	_ =	sdelay $0x4  }
0x496: {  	[tilespmem:$0x68A0] =	vst v7  }
0x497: {  	v7 =	vld [tilespmem:s21+$0xFFFFFFB0];
	_ =	sdelay $0x4  }
0x498: {  	[tilespmem:$0x6830] =	vst v7  }
0x499: {  	v7 =	vld [tilespmem:s22+$0xFFFFFFB0];
	_ =	sdelay $0x4  }
0x49a: {  	[tilespmem:$0x67B0] =	vst v7  }
0x49b: {  	v7 =	vld [tilespmem:s21+$0x30];
	_ =	sdelay $0x4  }
0x49c: {  	[tilespmem:$0x6930] =	vst v7  }
0x49d: {  	v7 =	vld [tilespmem:s22+$0x30];
	_ =	sdelay $0x4  }
0x49e: {  	[tilespmem:$0x68B0] =	vst v7  }
0x49f: {  	v7 =	vld [tilespmem:s21+$0xFFFFFFC0];
	_ =	sdelay $0x4  }
0x4a0: {  	[tilespmem:$0x6840] =	vst v7  }
0x4a1: {  	v7 =	vld [tilespmem:s22+$0xFFFFFFC0];
	_ =	sdelay $0x4  }
0x4a2: {  	[tilespmem:$0x67C0] =	vst v7  }
0x4a3: {  	v7 =	vld [tilespmem:s21+$0x40];
	_ =	sdelay $0x4  }
0x4a4: {  	[tilespmem:$0x6940] =	vst v7  }
0x4a5: {  	v7 =	vld [tilespmem:s22+$0x40];
	_ =	sdelay $0x4  }
0x4a6: {  	[tilespmem:$0x68C0] =	vst v7  }
0x4a7: {  	v7 =	vld [tilespmem:s21+$0xFFFFFFD0];
	_ =	sdelay $0x4  }
0x4a8: {  	[tilespmem:$0x6850] =	vst v7  }
0x4a9: {  	v7 =	vld [tilespmem:s22+$0xFFFFFFD0];
	_ =	sdelay $0x4  }
0x4aa: {  	[tilespmem:$0x67D0] =	vst v7  }
0x4ab: {  	v7 =	vld [tilespmem:s21+$0x50];
	_ =	sdelay $0x4  }
0x4ac: {  	[tilespmem:$0x6950] =	vst v7  }
0x4ad: {  	v7 =	vld [tilespmem:s22+$0x50];
	_ =	sdelay $0x4  }
0x4ae: {  	[tilespmem:$0x68D0] =	vst v7  }
0x4af: {  	v7 =	vld [tilespmem:s21+$0xFFFFFFE0];
	_ =	sdelay $0x4  }
0x4b0: {  	[tilespmem:$0x6860] =	vst v7  }
0x4b1: {  	v7 =	vld [tilespmem:s22+$0xFFFFFFE0];
	_ =	sdelay $0x4  }
0x4b2: {  	[tilespmem:$0x67E0] =	vst v7  }
0x4b3: {  	v7 =	vld [tilespmem:s21+$0x60];
	_ =	sdelay $0x4  }
0x4b4: {  	[tilespmem:$0x6960] =	vst v7  }
0x4b5: {  	v7 =	vld [tilespmem:s22+$0x60];
	_ =	sdelay $0x4  }
0x4b6: {  	[tilespmem:$0x68E0] =	vst v7  }
0x4b7: {  	v7 =	vld [tilespmem:s21+$0xFFFFFFF0];
	_ =	sdelay $0x4  }
0x4b8: {  	[tilespmem:$0x6870] =	vst v7  }
0x4b9: {  	v7 =	vld [tilespmem:s22+$0xFFFFFFF0];
	_ =	sdelay $0x4  }
0x4ba: {  	[tilespmem:$0x67F0] =	vst v7  }
0x4bb: {  	v7 =	vld [tilespmem:s21+$0x70];
	_ =	sdelay $0x4  }
0x4bc: {  	[tilespmem:$0x6970] =	vst v7  }
0x4bd: {  	v7 =	vld [tilespmem:s22+$0x70];
	_ =	sdelay $0x4  }
0x4be: {  	[tilespmem:$0x68F0] =	vst v7  }
0x4bf: {  	[tilespmem:s13], [sflag:$0x1] =	stream.indirect.gather [hbm4b:s5+s11], $0x80, s12, s11, $0xb8;
	[tilespmem:$0x1F980] =	vst v63  }
0x4c0: {  	_ = 	snop  }
0x4c1: {  	[tilespmem:s15], [sflag:$0x2] =	stream.indirect.gather [hbm4b:s5+s11], $0x80, s14, s11, $0xb8;
	[tilespmem:$0x1F980] =	vst v63  }
0x4c2: {  	_ =	swait.ge [sflag:s16], $0x4000  }
0x4c3: {  	[sflag:s16] =	ssyncset.done $0x0  }
0x4c4: {  	[sflag:s16] =	ssyncadd.s32 $0xFFFFC000  }
0x4c5: {  	[hbm4b:s3+s11] =	stream.indirect.scatter [tilespmem:s13], [sflag:$0x1], $0x80, s17, s11, $0xb8;
	[tilespmem:$0x1F980] =	vst v63  }
0x4c6: {  	_ =	swait.ge [sflag:s18], $0x4000  }
0x4c7: {  	[sflag:s18] =	ssyncset.done $0x0  }
0x4c8: {  	p0 =	sne.s32 s23, $0x1;
	[sflag:s18] =	ssyncadd.s32 $0xFFFFC000  }
0x4c9: {  	[hbm4b:s3+s11] =	stream.indirect.scatter [tilespmem:s15], [sflag:$0x2], $0x80, s19, s11, $0xb8;
	[tilespmem:$0x1F980] =	vst v63  }
.Ltmp28:
0x4ca: {  	_ =	swait.ge [sflag:s16], $0x4000;
	(pc) =	sbr.rel @!p0 .LBB2_54-.Ltmp28, $4  }
0x4cb: {  	[sflag:s16] =	ssyncset.done $0x0  }
0x4cc: {  	[sflag:s16] =	ssyncadd.s32 $0xFFFFC000  }
0x4cd: {  	_ =	swait.ge [sflag:s18], $0x4000  }
0x4ce: {  	s23 =	sadd.s32 $0xFFFFFFFF, s23;
	[sflag:s18] =	ssyncset.done $0x0  }
.LBB2_53:
0x4cf: {  	[sflag:s18] =	ssyncadd.s32 $0xFFFFC000;
	s22 =	sadd.s32 $0x100, s22;
	s21 =	sadd.s32 $0x100, s21  }
0x4d0: {  	p0 =	sne.s32 s23, $0x1;
	s23 =	sadd.s32 $0xFFFFFFFF, s23;
	v7 =	vld [tilespmem:s21+$0xFFFFFF80];
	_ =	sdelay $0x4  }
0x4d1: {  	[tilespmem:$0x6800] =	vst v7  }
0x4d2: {  	v7 =	vld [tilespmem:s22+$0xFFFFFF80];
	_ =	sdelay $0x4  }
0x4d3: {  	[tilespmem:$0x6780] =	vst v7  }
0x4d4: {  	v7 =	vld [tilespmem:s21+$0x0];
	_ =	sdelay $0x4  }
0x4d5: {  	[tilespmem:$0x6900] =	vst v7  }
0x4d6: {  	v7 =	vld [tilespmem:s22+$0x0];
	_ =	sdelay $0x4  }
0x4d7: {  	[tilespmem:$0x6880] =	vst v7  }
0x4d8: {  	v7 =	vld [tilespmem:s21+$0xFFFFFF90];
	_ =	sdelay $0x4  }
0x4d9: {  	[tilespmem:$0x6810] =	vst v7  }
0x4da: {  	v7 =	vld [tilespmem:s22+$0xFFFFFF90];
	_ =	sdelay $0x4  }
0x4db: {  	[tilespmem:$0x6790] =	vst v7  }
0x4dc: {  	v7 =	vld [tilespmem:s21+$0x10];
	_ =	sdelay $0x4  }
0x4dd: {  	[tilespmem:$0x6910] =	vst v7  }
0x4de: {  	v7 =	vld [tilespmem:s22+$0x10];
	_ =	sdelay $0x4  }
0x4df: {  	[tilespmem:$0x6890] =	vst v7  }
0x4e0: {  	v7 =	vld [tilespmem:s21+$0xFFFFFFA0];
	_ =	sdelay $0x4  }
0x4e1: {  	[tilespmem:$0x6820] =	vst v7  }
0x4e2: {  	v7 =	vld [tilespmem:s22+$0xFFFFFFA0];
	_ =	sdelay $0x4  }
0x4e3: {  	[tilespmem:$0x67A0] =	vst v7  }
0x4e4: {  	v7 =	vld [tilespmem:s21+$0x20];
	_ =	sdelay $0x4  }
0x4e5: {  	[tilespmem:$0x6920] =	vst v7  }
0x4e6: {  	v7 =	vld [tilespmem:s22+$0x20];
	_ =	sdelay $0x4  }
0x4e7: {  	[tilespmem:$0x68A0] =	vst v7  }
0x4e8: {  	v7 =	vld [tilespmem:s21+$0xFFFFFFB0];
	_ =	sdelay $0x4  }
0x4e9: {  	[tilespmem:$0x6830] =	vst v7  }
0x4ea: {  	v7 =	vld [tilespmem:s22+$0xFFFFFFB0];
	_ =	sdelay $0x4  }
0x4eb: {  	[tilespmem:$0x67B0] =	vst v7  }
0x4ec: {  	v7 =	vld [tilespmem:s21+$0x30];
	_ =	sdelay $0x4  }
0x4ed: {  	[tilespmem:$0x6930] =	vst v7  }
0x4ee: {  	v7 =	vld [tilespmem:s22+$0x30];
	_ =	sdelay $0x4  }
0x4ef: {  	[tilespmem:$0x68B0] =	vst v7  }
0x4f0: {  	v7 =	vld [tilespmem:s21+$0xFFFFFFC0];
	_ =	sdelay $0x4  }
0x4f1: {  	[tilespmem:$0x6840] =	vst v7  }
0x4f2: {  	v7 =	vld [tilespmem:s22+$0xFFFFFFC0];
	_ =	sdelay $0x4  }
0x4f3: {  	[tilespmem:$0x67C0] =	vst v7  }
0x4f4: {  	v7 =	vld [tilespmem:s21+$0x40];
	_ =	sdelay $0x4  }
0x4f5: {  	[tilespmem:$0x6940] =	vst v7  }
0x4f6: {  	v7 =	vld [tilespmem:s22+$0x40];
	_ =	sdelay $0x4  }
0x4f7: {  	[tilespmem:$0x68C0] =	vst v7  }
0x4f8: {  	v7 =	vld [tilespmem:s21+$0xFFFFFFD0];
	_ =	sdelay $0x4  }
0x4f9: {  	[tilespmem:$0x6850] =	vst v7  }
0x4fa: {  	v7 =	vld [tilespmem:s22+$0xFFFFFFD0];
	_ =	sdelay $0x4  }
0x4fb: {  	[tilespmem:$0x67D0] =	vst v7  }
0x4fc: {  	v7 =	vld [tilespmem:s21+$0x50];
	_ =	sdelay $0x4  }
0x4fd: {  	[tilespmem:$0x6950] =	vst v7  }
0x4fe: {  	v7 =	vld [tilespmem:s22+$0x50];
	_ =	sdelay $0x4  }
0x4ff: {  	[tilespmem:$0x68D0] =	vst v7  }
0x500: {  	v7 =	vld [tilespmem:s21+$0xFFFFFFE0];
	_ =	sdelay $0x4  }
0x501: {  	[tilespmem:$0x6860] =	vst v7  }
0x502: {  	v7 =	vld [tilespmem:s22+$0xFFFFFFE0];
	_ =	sdelay $0x4  }
0x503: {  	[tilespmem:$0x67E0] =	vst v7  }
0x504: {  	v7 =	vld [tilespmem:s21+$0x60];
	_ =	sdelay $0x4  }
0x505: {  	[tilespmem:$0x6960] =	vst v7  }
0x506: {  	v7 =	vld [tilespmem:s22+$0x60];
	_ =	sdelay $0x4  }
0x507: {  	[tilespmem:$0x68E0] =	vst v7  }
0x508: {  	v7 =	vld [tilespmem:s21+$0xFFFFFFF0];
	_ =	sdelay $0x4  }
0x509: {  	[tilespmem:$0x6870] =	vst v7  }
0x50a: {  	v7 =	vld [tilespmem:s22+$0xFFFFFFF0];
	_ =	sdelay $0x4  }
0x50b: {  	[tilespmem:$0x67F0] =	vst v7  }
0x50c: {  	v7 =	vld [tilespmem:s21+$0x70];
	_ =	sdelay $0x4  }
0x50d: {  	[tilespmem:$0x6970] =	vst v7  }
0x50e: {  	v7 =	vld [tilespmem:s22+$0x70];
	_ =	sdelay $0x4  }
0x50f: {  	[tilespmem:$0x68F0] =	vst v7  }
0x510: {  	[tilespmem:s13], [sflag:$0x1] =	stream.indirect.gather [hbm4b:s5+s11], $0x80, s12, s11, $0xb8;
	[tilespmem:$0x1F980] =	vst v63  }
0x511: {  	_ = 	snop  }
0x512: {  	[tilespmem:s15], [sflag:$0x2] =	stream.indirect.gather [hbm4b:s5+s11], $0x80, s14, s11, $0xb8;
	[tilespmem:$0x1F980] =	vst v63  }
0x513: {  	_ =	swait.ge [sflag:s16], $0x4000  }
0x514: {  	[sflag:s16] =	ssyncset.done $0x0  }
0x515: {  	[sflag:s16] =	ssyncadd.s32 $0xFFFFC000  }
0x516: {  	[hbm4b:s3+s11] =	stream.indirect.scatter [tilespmem:s13], [sflag:$0x1], $0x80, s17, s11, $0xb8;
	[tilespmem:$0x1F980] =	vst v63  }
0x517: {  	_ =	swait.ge [sflag:s18], $0x4000  }
0x518: {  	[sflag:s18] =	ssyncset.done $0x0  }
0x519: {  	[sflag:s18] =	ssyncadd.s32 $0xFFFFC000  }
0x51a: {  	[hbm4b:s3+s11] =	stream.indirect.scatter [tilespmem:s15], [sflag:$0x2], $0x80, s19, s11, $0xb8;
	[tilespmem:$0x1F980] =	vst v63  }
.Ltmp29:
0x51b: {  	_ =	swait.ge [sflag:s16], $0x4000;
	(pc) =	sbr.rel @p0 .LBB2_53-.Ltmp29, $4  }
0x51c: {  	[sflag:s16] =	ssyncset.done $0x0  }
0x51d: {  	[sflag:s16] =	ssyncadd.s32 $0xFFFFC000  }
0x51e: {  	_ =	swait.ge [sflag:s18], $0x4000  }
0x51f: {  	[sflag:s18] =	ssyncset.done $0x0  }
.Ltmp30:
0x520: {  	_ = 	snop;
	(pc) =	sbr.rel .LBB2_54-.Ltmp30, $1  }
0x521: {  	_ =	sdelay $0x3  }
.LBB2_56:
0x522: {  	_ =	sfence.sel $0x180000  }
0x523: {  	[bflag:$0x0] =	sbarrier.arrive $0xFFFF  }
0x524: {  	_ =	strace $0x9000004A  }
0x525: {  	s0 =	stileid.u32;
	[bflag:$0x2] =	sbarrier.arrive $0xFFFF  }
0x526: {  	p0 =	sne.s32 s0, $0x0;
	s0 =	rddreg [dreg:$0x4]  }
0x527: {  	s0 =	sadd.s32 @!p0 $0x100000, s0  }
0x528: {  	[sflag:s0] =	ssyncadd.tile.s32 @!p0 $0x1;
	_ =	shalt  }
.Lfunc_end2:
_tile_overlayer_lowered:
.L_overlay_start_2:
0x529: {  	(tag) =	ssettag $0x2  }
0x52a: {  	s0 =	rddreg [dreg:$0x0];
	s2 =	stileid.u32  }
0x52b: {  	s1 =	rddreg [dreg:$0x1];
	p0 =	sne.s32 s2, $0x0  }
0x52c: {  	s3 =	rddreg [dreg:$0x2];
	[bflag:$0x3] =	sbarrier.arrive $0xFFFF;
	s2 =	simm.s32 @!p0 $0x1C0B  }
0x52d: {  	[timem:s3], [sflag:s2] =	dma.local @!p0 [hbm:s0], s1  }
0x52e: {  	s0 =	simm.s32 @!p0 $0xB  }
0x52f: {  	_ =	swait.ge @!p0 [sflag:s0], s1  }
0x530: {  	s1 =	ssub.s32 @!p0 $0x0, s1;
	[sflag:s0] =	ssyncset.done @!p0 $0x0  }
0x531: {  	[sflag:s0] =	ssyncadd.s32 @!p0 s1  }
0x532: {  	[bflag:$0x3] =	sbarrier.arrive $0xFFFF  }
0x533: {  	_ =	shalt  }

</sc_bundles>
